<compile_context>
chip_gen: v7x
topology: tpu7x:2x2x1
jax: 0.10.2.dev20260603
libtpu: 0.0.44.dev20260713+nightly
codegen_flags: <defaults>
</compile_context>

<pallas_src>
import functools

import jax
import jax.numpy as jnp
from jax import lax
from jax.experimental import pallas as pl
from jax.experimental.pallas import tpu as pltpu
from jax.experimental.pallas import tpu_sc as plsc

_HI = jax.lax.Precision.HIGHEST
_NT = (((1,), (1,)), ((), ()))
_NN = (((1,), (0,)), ((), ()))
_L = 16


def _b16(a):
    return a.astype(jnp.bfloat16).astype(jnp.float32)



def _score_body(p_ref, x_ref, y_ref):
    pb = p_ref[...]
    invn = jax.lax.rsqrt(jnp.maximum(jnp.sum(pb * pb), 1e-12))
    pnb = _b16(pb * invn)
    xb = _b16(x_ref[0])
    y_ref[0] = jnp.sum(xb * pnb, axis=0, keepdims=True)



def _sc_select_body(y_hbm, rank_hbm, sigy_hbm, y2_v, rank_v, sigy_v, *, nc, v):
    wid = lax.axis_index("s") * nc + lax.axis_index("c")
    pltpu.sync_copy(y_hbm.at[wid], y2_v.at[pl.ds(0, v)])
    pltpu.sync_copy(y_hbm.at[wid], y2_v.at[pl.ds(v, v)])

    ng = v // _L
    lane = lax.iota(jnp.int32, _L)
    one_i = jnp.ones((_L,), jnp.int32)
    zero_i = jnp.zeros((_L,), jnp.int32)
    unroll = 8

    def dbody(k, accs):
        out = list(accs)
        for s in range(unroll):
            d = k * unroll + s
            d_vec = jnp.full((_L,), d, jnp.int32)
            for i in range(ng):
                a = y2_v[pl.ds(i * _L, _L)]
                b = y2_v[pl.ds(i * _L + d, _L)]
                thr = jnp.full((_L,), v - _L * i, jnp.int32) - lane
                m = jnp.where(d_vec >= thr, b >= a, b > a)
                out[i] = out[i] + jnp.where(m, one_i, zero_i)
        return tuple(out)

    accs0 = tuple(jnp.zeros((_L,), jnp.int32) for _ in range(ng))
    accs = lax.fori_loop(0, v // unroll, dbody, accs0)
    one_f = jnp.ones((_L,), jnp.float32)
    for i in range(ng):
        rank_v[pl.ds(i * _L, _L)] = accs[i]
        a = y2_v[pl.ds(i * _L, _L)]
        sigy_v[pl.ds(i * _L, _L)] = one_f / (one_f + jnp.exp(jnp.zeros((_L,), jnp.float32) - a))

    pltpu.sync_copy(rank_v, rank_hbm.at[wid])
    pltpu.sync_copy(sigy_v, sigy_hbm.at[wid])



def _gather_body(rank_ref, sigy_ref, x_ref, a_ref, xo_ref, ao_ref, *, kk):
    v = rank_ref.shape[2]
    nk = a_ref.shape[1]
    rkrow = rank_ref[0]
    sgrow = sigy_ref[0]
    jj = jax.lax.broadcasted_iota(jnp.int32, (kk, v), 0)
    stf = (jj == rkrow).astype(jnp.float32)
    sgate = jax.lax.dot_general(sgrow, stf, _NT,
                                preferred_element_type=jnp.float32, precision=_HI)
    stb = stf.astype(jnp.bfloat16)

    xf = x_ref[0]
    xhi = xf.astype(jnp.bfloat16)
    xlo = (xf - xhi.astype(jnp.float32)).astype(jnp.bfloat16)
    acc = jax.lax.dot_general(xhi, stb, _NT, preferred_element_type=jnp.float32)
    acc += jax.lax.dot_general(xlo, stb, _NT, preferred_element_type=jnp.float32)
    xo_ref[0] = acc * sgate

    for k in range(nk):
        a = a_ref[0, k].astype(jnp.bfloat16)
        u = jax.lax.dot_general(stb, a, _NN,
                                preferred_element_type=jnp.float32)
        asel = jax.lax.dot_general(a, stb, _NT,
                                   preferred_element_type=jnp.float32)
        ao_ref[0, k] = jax.lax.dot_general(
            u.astype(jnp.bfloat16), asel.astype(jnp.bfloat16), _NN,
            preferred_element_type=jnp.float32)



@jax.jit
def kernel(x, A, p):
    n, c, t, v = x.shape
    ct = c * t
    kk = v // 2
    nk = A.shape[1]

    xr = x.reshape(n, ct, v)
    pc = p.reshape(ct, 1)

    y3 = pl.pallas_call(
        _score_body,
        grid=(n,),
        in_specs=[
            pl.BlockSpec((ct, 1), lambda i: (0, 0)),
            pl.BlockSpec((1, ct, v), lambda i: (i, 0, 0)),
        ],
        out_specs=pl.BlockSpec((1, 1, v), lambda i: (i, 0, 0)),
        out_shape=jax.ShapeDtypeStruct((n, 1, v), jnp.float32),
    )(pc, xr)

    info = plsc.get_sparse_core_info()
    nc = info.num_cores
    mesh = plsc.VectorSubcoreMesh(core_axis_name="c", subcore_axis_name="s")
    sc_select = pl.kernel(
        functools.partial(_sc_select_body, nc=nc, v=v),
        out_type=[
            jax.ShapeDtypeStruct((n, v), jnp.int32),
            jax.ShapeDtypeStruct((n, v), jnp.float32),
        ],
        mesh=mesh,
        scratch_types=[
            pltpu.VMEM((2 * v,), jnp.float32),
            pltpu.VMEM((v,), jnp.int32),
            pltpu.VMEM((v,), jnp.float32),
        ],
    )
    rank, sigy = sc_select(y3.reshape(n, v))
    rank3 = rank.reshape(n, 1, v)
    sigy3 = sigy.reshape(n, 1, v)

    xo, A_out = pl.pallas_call(
        functools.partial(_gather_body, kk=kk),
        grid=(n,),
        in_specs=[
            pl.BlockSpec((1, 1, v), lambda i: (i, 0, 0)),
            pl.BlockSpec((1, 1, v), lambda i: (i, 0, 0)),
            pl.BlockSpec((1, ct, v), lambda i: (i, 0, 0)),
            pl.BlockSpec((1, nk, v, v), lambda i: (i, 0, 0, 0)),
        ],
        out_specs=[
            pl.BlockSpec((1, ct, kk), lambda i: (i, 0, 0)),
            pl.BlockSpec((1, nk, kk, kk), lambda i: (i, 0, 0, 0)),
        ],
        out_shape=[
            jax.ShapeDtypeStruct((n, ct, kk), jnp.float32),
            jax.ShapeDtypeStruct((n, nk, kk, kk), jnp.float32),
        ],
    )(rank3, sigy3, xr, A)

    return xo.reshape(n, c, t, kk), A_out

# --- scband reference (transcript-rebuilt; emitter-appended) ---
"""Pipeline reference for scband-gpool-64192581206788 (READ-ONLY COPY).

The authoritative reference and input builder live on the scoring server;
editing this copy changes nothing except your own understanding.
"""

import jax, jax.numpy as jnp
import numpy as np

KEEPRATE = 0.5


def setup_inputs(seed: int = 0) -> dict:
    key = jax.random.key(seed)
    k1, k2, k3 = jax.random.split(key, 3)
    x = jax.random.normal(k1, (32, 128, 64, 256), dtype=jnp.float32)
    A = jax.random.uniform(k2, (32, 3, 256, 256), dtype=jnp.float32)
    p = jax.random.normal(k3, (128 * 64, 1), dtype=jnp.float32) * 0.02
    return {"x": x, "A": A, "p": p}


def reference(x, A, p):
    N, C, T, V = x.shape
    # reshape [N, C, T, V] -> [N, C*T, V] -> transpose -> [N, V, C*T]
    xr = jnp.transpose(jnp.reshape(x, (N, C * T, V)), (0, 2, 1))
    # tf.math.l2_normalize with axis=None: normalize over all elements
    pn = p * jax.lax.rsqrt(jnp.maximum(jnp.sum(p * p), 1e-12))
    y = jnp.matmul(xr, pn)  # [N, V, 1]
    # argsort descending along node axis (axis=-2 of [N, V, 1])
    order = jnp.argsort(-y, axis=1)  # [N, V, 1]
    kk = int(KEEPRATE * V)
    idx = order[:, :kk, 0]  # [N, kk]
    # gather projection scores of kept nodes and squash
    y_hat = jax.nn.sigmoid(jnp.take_along_axis(y[:, :, 0], idx, axis=1))[:, :, None]  # [N, kk, 1]
    # gather node features and gate them
    x_top = jnp.take_along_axis(xr, idx[:, :, None], axis=1) * y_hat  # [N, kk, C*T]
    # A <- A @ A, then gather rows and columns of kept nodes
    A2 = jnp.matmul(A, A)  # [N, K, V, V]
    A2 = jnp.transpose(A2, (0, 2, 3, 1))  # [N, V, V, K]
    A2 = jnp.take_along_axis(A2, idx[:, :, None, None], axis=1)  # [N, kk, V, K]
    A2 = jnp.take_along_axis(A2, idx[:, None, :, None], axis=2)  # [N, kk, kk, K]
    A_out = jnp.transpose(A2, (0, 3, 1, 2))  # [N, K, kk, kk]
    x_out = jnp.reshape(jnp.transpose(x_top, (0, 2, 1)), (N, C, T, kk))
    return x_out, A_out

if __name__ == "__main__":
    import jax
    _d = setup_inputs()
    print(jax.jit(kernel)(*tuple(_d.values())))

</pallas_src>

<mosaic_0001>
#map = affine_map<(d0, d1) -> (0, 0)>
module attributes {stable_mosaic.version = 14 : i64} {
  func.func @_sc_select_body(%arg0: i32, %arg1: i32, %arg2: memref<32x256xf32, #tpu.memory_space<hbm>>, %arg3: memref<32x256xi32, #tpu.memory_space<hbm>>, %arg4: memref<32x256xf32, #tpu.memory_space<hbm>>, %arg5: memref<512xf32, #tpu.memory_space<vmem>>, %arg6: memref<256xi32, #tpu.memory_space<vmem>>, %arg7: memref<256xf32, #tpu.memory_space<vmem>>) attributes {dimension_semantics = [#tpu.dimension_semantics<core_parallel>, #tpu.dimension_semantics<subcore_parallel>], iteration_bounds = array<i64: 2, 16>, scalar_prefetch = 0 : i64, scratch_operands = 3 : i64, tpu.core_type = #tpu.core_type<sc_vector_subcore>, window_params = [{transform_indices = #map}, {transform_indices = #map}, {transform_indices = #map}]} {
    %mul3A = arith.constant 2 : i32
    %mul3A_0 = arith.muli %arg1, %mul3A : i32
    %add3A = arith.addi %mul3A_0, %arg0 : i32
    "tpu.region"() ({
      %run_scoped3A = tpu.sem_alloc : memref<!tpu.dma_semaphore, #tpu.memory_space<semaphore_mem>>
      %dma_start3A = arith.constant 0 : i32
      %dma_start3A_310 = tpu.memref_slice %arg5[%dma_start3A] : memref<512xf32, #tpu.memory_space<vmem>> -> memref<256xf32, #tpu.memory_space<vmem>>
      %dma_start3A_311 = arith.constant 0 : i32
      %dma_start3A_312 = tpu.memref_slice %arg2[%add3A, %dma_start3A_311] : memref<32x256xf32, #tpu.memory_space<hbm>> -> memref<1x256xf32, #tpu.memory_space<hbm>>
      %dma_start3A_313 = tpu.memref_squeeze %dma_start3A_312 : memref<1x256xf32, #tpu.memory_space<hbm>> -> memref<256xf32, #tpu.memory_space<hbm>>
      %dma_start3A_314 = arith.constant 0 : i32
      %dma_start3A_315 = tpu.memref_slice %arg5[%dma_start3A_314] : memref<512xf32, #tpu.memory_space<vmem>> -> memref<256xf32, #tpu.memory_space<vmem>>
      %dma_start3A_316 = arith.constant 0 : i32
      %dma_start3A_317 = tpu.memref_slice %arg2[%add3A, %dma_start3A_316] : memref<32x256xf32, #tpu.memory_space<hbm>> -> memref<1x256xf32, #tpu.memory_space<hbm>>
      %dma_start3A_318 = tpu.memref_squeeze %dma_start3A_317 : memref<1x256xf32, #tpu.memory_space<hbm>> -> memref<256xf32, #tpu.memory_space<hbm>>
      tpu.enqueue_dma source(%dma_start3A_318 : memref<256xf32, #tpu.memory_space<hbm>>) target(%dma_start3A_315 : memref<256xf32, #tpu.memory_space<vmem>>) target_semaphore(%run_scoped3A : memref<!tpu.dma_semaphore, #tpu.memory_space<semaphore_mem>>)
      %dma_wait3A = arith.constant 0 : i32
      %dma_wait3A_319 = tpu.memref_slice %arg5[%dma_wait3A] : memref<512xf32, #tpu.memory_space<vmem>> -> memref<256xf32, #tpu.memory_space<vmem>>
      %dma_wait3A_320 = arith.constant 0 : i32
      %dma_wait3A_321 = tpu.memref_slice %arg2[%add3A, %dma_wait3A_320] : memref<32x256xf32, #tpu.memory_space<hbm>> -> memref<1x256xf32, #tpu.memory_space<hbm>>
      %dma_wait3A_322 = tpu.memref_squeeze %dma_wait3A_321 : memref<1x256xf32, #tpu.memory_space<hbm>> -> memref<256xf32, #tpu.memory_space<hbm>>
      %dma_wait3A_323 = arith.constant 0 : i32
      %dma_wait3A_324 = tpu.memref_slice %arg5[%dma_wait3A_323] : memref<512xf32, #tpu.memory_space<vmem>> -> memref<256xf32, #tpu.memory_space<vmem>>
      %dma_wait3A_325 = arith.constant 0 : i32
      %dma_wait3A_326 = tpu.memref_slice %arg2[%add3A, %dma_wait3A_325] : memref<32x256xf32, #tpu.memory_space<hbm>> -> memref<1x256xf32, #tpu.memory_space<hbm>>
      %dma_wait3A_327 = tpu.memref_squeeze %dma_wait3A_326 : memref<1x256xf32, #tpu.memory_space<hbm>> -> memref<256xf32, #tpu.memory_space<hbm>>
      tpu.wait_dma2 semaphore(%run_scoped3A : memref<!tpu.dma_semaphore, #tpu.memory_space<semaphore_mem>>) src(%dma_wait3A_327 : memref<256xf32, #tpu.memory_space<hbm>>) dst(%dma_wait3A_324 : memref<256xf32, #tpu.memory_space<vmem>>)
      tpu.yield
    }) : () -> ()
    "tpu.region"() ({
      %run_scoped3A = tpu.sem_alloc : memref<!tpu.dma_semaphore, #tpu.memory_space<semaphore_mem>>
      %dma_start3A = arith.constant 256 : i32
      %dma_start3A_310 = tpu.memref_slice %arg5[%dma_start3A] : memref<512xf32, #tpu.memory_space<vmem>> -> memref<256xf32, #tpu.memory_space<vmem>>
      %dma_start3A_311 = arith.constant 0 : i32
      %dma_start3A_312 = tpu.memref_slice %arg2[%add3A, %dma_start3A_311] : memref<32x256xf32, #tpu.memory_space<hbm>> -> memref<1x256xf32, #tpu.memory_space<hbm>>
      %dma_start3A_313 = tpu.memref_squeeze %dma_start3A_312 : memref<1x256xf32, #tpu.memory_space<hbm>> -> memref<256xf32, #tpu.memory_space<hbm>>
      %dma_start3A_314 = arith.constant 256 : i32
      %dma_start3A_315 = tpu.memref_slice %arg5[%dma_start3A_314] : memref<512xf32, #tpu.memory_space<vmem>> -> memref<256xf32, #tpu.memory_space<vmem>>
      %dma_start3A_316 = arith.constant 0 : i32
      %dma_start3A_317 = tpu.memref_slice %arg2[%add3A, %dma_start3A_316] : memref<32x256xf32, #tpu.memory_space<hbm>> -> memref<1x256xf32, #tpu.memory_space<hbm>>
      %dma_start3A_318 = tpu.memref_squeeze %dma_start3A_317 : memref<1x256xf32, #tpu.memory_space<hbm>> -> memref<256xf32, #tpu.memory_space<hbm>>
      tpu.enqueue_dma source(%dma_start3A_318 : memref<256xf32, #tpu.memory_space<hbm>>) target(%dma_start3A_315 : memref<256xf32, #tpu.memory_space<vmem>>) target_semaphore(%run_scoped3A : memref<!tpu.dma_semaphore, #tpu.memory_space<semaphore_mem>>)
      %dma_wait3A = arith.constant 256 : i32
      %dma_wait3A_319 = tpu.memref_slice %arg5[%dma_wait3A] : memref<512xf32, #tpu.memory_space<vmem>> -> memref<256xf32, #tpu.memory_space<vmem>>
      %dma_wait3A_320 = arith.constant 0 : i32
      %dma_wait3A_321 = tpu.memref_slice %arg2[%add3A, %dma_wait3A_320] : memref<32x256xf32, #tpu.memory_space<hbm>> -> memref<1x256xf32, #tpu.memory_space<hbm>>
      %dma_wait3A_322 = tpu.memref_squeeze %dma_wait3A_321 : memref<1x256xf32, #tpu.memory_space<hbm>> -> memref<256xf32, #tpu.memory_space<hbm>>
      %dma_wait3A_323 = arith.constant 256 : i32
      %dma_wait3A_324 = tpu.memref_slice %arg5[%dma_wait3A_323] : memref<512xf32, #tpu.memory_space<vmem>> -> memref<256xf32, #tpu.memory_space<vmem>>
      %dma_wait3A_325 = arith.constant 0 : i32
      %dma_wait3A_326 = tpu.memref_slice %arg2[%add3A, %dma_wait3A_325] : memref<32x256xf32, #tpu.memory_space<hbm>> -> memref<1x256xf32, #tpu.memory_space<hbm>>
      %dma_wait3A_327 = tpu.memref_squeeze %dma_wait3A_326 : memref<1x256xf32, #tpu.memory_space<hbm>> -> memref<256xf32, #tpu.memory_space<hbm>>
      tpu.wait_dma2 semaphore(%run_scoped3A : memref<!tpu.dma_semaphore, #tpu.memory_space<semaphore_mem>>) src(%dma_wait3A_327 : memref<256xf32, #tpu.memory_space<hbm>>) dst(%dma_wait3A_324 : memref<256xf32, #tpu.memory_space<vmem>>)
      tpu.yield
    }) : () -> ()
    %iota3A = tpu.iota {dimensions = array<i32: 0>} : vector<16xi32>
    %broadcast_in_dim3A = arith.constant 1 : i32
    %broadcast_in_dim3A_1 = vector.broadcast %broadcast_in_dim3A : i32 to vector<16xi32>
    %broadcast_in_dim3A_2 = arith.constant 0 : i32
    %broadcast_in_dim3A_3 = vector.broadcast %broadcast_in_dim3A_2 : i32 to vector<16xi32>
    %broadcast_in_dim3A_4 = arith.constant 0 : i32
    %broadcast_in_dim3A_5 = vector.broadcast %broadcast_in_dim3A_4 : i32 to vector<16xi32>
    %broadcast_in_dim3A_6 = arith.constant 0 : i32
    %broadcast_in_dim3A_7 = vector.broadcast %broadcast_in_dim3A_6 : i32 to vector<16xi32>
    %broadcast_in_dim3A_8 = arith.constant 0 : i32
    %broadcast_in_dim3A_9 = vector.broadcast %broadcast_in_dim3A_8 : i32 to vector<16xi32>
    %broadcast_in_dim3A_10 = arith.constant 0 : i32
    %broadcast_in_dim3A_11 = vector.broadcast %broadcast_in_dim3A_10 : i32 to vector<16xi32>
    %broadcast_in_dim3A_12 = arith.constant 0 : i32
    %broadcast_in_dim3A_13 = vector.broadcast %broadcast_in_dim3A_12 : i32 to vector<16xi32>
    %broadcast_in_dim3A_14 = arith.constant 0 : i32
    %broadcast_in_dim3A_15 = vector.broadcast %broadcast_in_dim3A_14 : i32 to vector<16xi32>
    %broadcast_in_dim3A_16 = arith.constant 0 : i32
    %broadcast_in_dim3A_17 = vector.broadcast %broadcast_in_dim3A_16 : i32 to vector<16xi32>
    %broadcast_in_dim3A_18 = arith.constant 0 : i32
    %broadcast_in_dim3A_19 = vector.broadcast %broadcast_in_dim3A_18 : i32 to vector<16xi32>
    %broadcast_in_dim3A_20 = arith.constant 0 : i32
    %broadcast_in_dim3A_21 = vector.broadcast %broadcast_in_dim3A_20 : i32 to vector<16xi32>
    %broadcast_in_dim3A_22 = arith.constant 0 : i32
    %broadcast_in_dim3A_23 = vector.broadcast %broadcast_in_dim3A_22 : i32 to vector<16xi32>
    %broadcast_in_dim3A_24 = arith.constant 0 : i32
    %broadcast_in_dim3A_25 = vector.broadcast %broadcast_in_dim3A_24 : i32 to vector<16xi32>
    %broadcast_in_dim3A_26 = arith.constant 0 : i32
    %broadcast_in_dim3A_27 = vector.broadcast %broadcast_in_dim3A_26 : i32 to vector<16xi32>
    %broadcast_in_dim3A_28 = arith.constant 0 : i32
    %broadcast_in_dim3A_29 = vector.broadcast %broadcast_in_dim3A_28 : i32 to vector<16xi32>
    %broadcast_in_dim3A_30 = arith.constant 0 : i32
    %broadcast_in_dim3A_31 = vector.broadcast %broadcast_in_dim3A_30 : i32 to vector<16xi32>
    %broadcast_in_dim3A_32 = arith.constant 0 : i32
    %broadcast_in_dim3A_33 = vector.broadcast %broadcast_in_dim3A_32 : i32 to vector<16xi32>
    %broadcast_in_dim3A_34 = arith.constant 0 : i32
    %broadcast_in_dim3A_35 = vector.broadcast %broadcast_in_dim3A_34 : i32 to vector<16xi32>
    %scan3A = arith.constant 0 : i32
    %scan3A_36 = arith.constant 32 : i32
    %scan3A_37 = arith.addi %scan3A, %scan3A_36 : i32
    %scan3A_38 = arith.constant 1 : i32
    %scan3A_39:16 = scf.for %scan3A_310 = %scan3A to %scan3A_37 step %scan3A_38 iter_args(%scan3A_311 = %broadcast_in_dim3A_5, %scan3A_312 = %broadcast_in_dim3A_7, %scan3A_313 = %broadcast_in_dim3A_9, %scan3A_314 = %broadcast_in_dim3A_11, %scan3A_315 = %broadcast_in_dim3A_13, %scan3A_316 = %broadcast_in_dim3A_15, %scan3A_317 = %broadcast_in_dim3A_17, %scan3A_318 = %broadcast_in_dim3A_19, %scan3A_319 = %broadcast_in_dim3A_21, %scan3A_320 = %broadcast_in_dim3A_23, %scan3A_321 = %broadcast_in_dim3A_25, %scan3A_322 = %broadcast_in_dim3A_27, %scan3A_323 = %broadcast_in_dim3A_29, %scan3A_324 = %broadcast_in_dim3A_31, %scan3A_325 = %broadcast_in_dim3A_33, %scan3A_326 = %broadcast_in_dim3A_35) -> (vector<16xi32>, vector<16xi32>, vector<16xi32>, vector<16xi32>, vector<16xi32>, vector<16xi32>, vector<16xi32>, vector<16xi32>, vector<16xi32>, vector<16xi32>, vector<16xi32>, vector<16xi32>, vector<16xi32>, vector<16xi32>, vector<16xi32>, vector<16xi32>)  : i32 {
      %mul3A_327 = arith.constant 8 : i32
      %mul3A_328 = arith.muli %scan3A_310, %mul3A_327 : i32
      %add3A_329 = arith.constant 0 : i32
      %add3A_330 = arith.addi %mul3A_328, %add3A_329 : i32
      %broadcast_in_dim3A_331 = vector.broadcast %add3A_330 : i32 to vector<16xi32>
      %get3A_332 = arith.constant 0 : index
      %get3A_333 = tpu.vector_load %arg5[%get3A_332] {strides = array<i32>} : memref<512xf32, #tpu.memory_space<vmem>>, vector<16xf32>,
      %get3A_334 = vector.shape_cast %get3A_333 : vector<16xf32> to vector<16xf32>
      %add3A_335 = arith.constant 0 : i32
      %add3A_336 = arith.addi %add3A_335, %add3A_330 : i32
      %get3A_337 = arith.index_cast %add3A_336 : i32 to index
      %get3A_338 = tpu.vector_load %arg5[%get3A_337] {strides = array<i32>} : memref<512xf32, #tpu.memory_space<vmem>>, vector<16xf32>,
      %get3A_339 = vector.shape_cast %get3A_338 : vector<16xf32> to vector<16xf32>
      %broadcast_in_dim3A_340 = arith.constant 256 : i32
      %broadcast_in_dim3A_341 = vector.broadcast %broadcast_in_dim3A_340 : i32 to vector<16xi32>
      %sub3A_342 = arith.subi %broadcast_in_dim3A_341, %iota3A : vector<16xi32>
      %ge3A = arith.cmpi sge, %broadcast_in_dim3A_331, %sub3A_342 : vector<16xi32>
      %ge3A_343 = arith.cmpf oge, %get3A_339, %get3A_334 : vector<16xf32>
      %gt3A = arith.cmpf ogt, %get3A_339, %get3A_334 : vector<16xf32>
      %select_n3A = arith.select %ge3A, %ge3A_343, %gt3A : vector<16xi1>, vector<16xi1>
      %select_n3A_344 = arith.select %select_n3A, %broadcast_in_dim3A_1, %broadcast_in_dim3A_3 : vector<16xi1>, vector<16xi32>
      %add3A_345 = arith.addi %scan3A_311, %select_n3A_344 : vector<16xi32>
      %get3A_346 = arith.constant 16 : index
      %get3A_347 = tpu.vector_load %arg5[%get3A_346] {strides = array<i32>} : memref<512xf32, #tpu.memory_space<vmem>>, vector<16xf32>,
      %get3A_348 = vector.shape_cast %get3A_347 : vector<16xf32> to vector<16xf32>
      %add3A_349 = arith.constant 16 : i32
      %add3A_350 = arith.addi %add3A_349, %add3A_330 : i32
      %get3A_351 = arith.index_cast %add3A_350 : i32 to index
      %get3A_352 = tpu.vector_load %arg5[%get3A_351] {strides = array<i32>} : memref<512xf32, #tpu.memory_space<vmem>>, vector<16xf32>,
      %get3A_353 = vector.shape_cast %get3A_352 : vector<16xf32> to vector<16xf32>
      %broadcast_in_dim3A_354 = arith.constant 240 : i32
      %broadcast_in_dim3A_355 = vector.broadcast %broadcast_in_dim3A_354 : i32 to vector<16xi32>
      %sub3A_356 = arith.subi %broadcast_in_dim3A_355, %iota3A : vector<16xi32>
      %ge3A_357 = arith.cmpi sge, %broadcast_in_dim3A_331, %sub3A_356 : vector<16xi32>
      %ge3A_358 = arith.cmpf oge, %get3A_353, %get3A_348 : vector<16xf32>
      %gt3A_359 = arith.cmpf ogt, %get3A_353, %get3A_348 : vector<16xf32>
      %select_n3A_360 = arith.select %ge3A_357, %ge3A_358, %gt3A_359 : vector<16xi1>, vector<16xi1>
      %select_n3A_361 = arith.select %select_n3A_360, %broadcast_in_dim3A_1, %broadcast_in_dim3A_3 : vector<16xi1>, vector<16xi32>
      %add3A_362 = arith.addi %scan3A_312, %select_n3A_361 : vector<16xi32>
      %get3A_363 = arith.constant 32 : index
      %get3A_364 = tpu.vector_load %arg5[%get3A_363] {strides = array<i32>} : memref<512xf32, #tpu.memory_space<vmem>>, vector<16xf32>,
      %get3A_365 = vector.shape_cast %get3A_364 : vector<16xf32> to vector<16xf32>
      %add3A_366 = arith.constant 32 : i32
      %add3A_367 = arith.addi %add3A_366, %add3A_330 : i32
      %get3A_368 = arith.index_cast %add3A_367 : i32 to index
      %get3A_369 = tpu.vector_load %arg5[%get3A_368] {strides = array<i32>} : memref<512xf32, #tpu.memory_space<vmem>>, vector<16xf32>,
      %get3A_370 = vector.shape_cast %get3A_369 : vector<16xf32> to vector<16xf32>
      %broadcast_in_dim3A_371 = arith.constant 224 : i32
      %broadcast_in_dim3A_372 = vector.broadcast %broadcast_in_dim3A_371 : i32 to vector<16xi32>
      %sub3A_373 = arith.subi %broadcast_in_dim3A_372, %iota3A : vector<16xi32>
      %ge3A_374 = arith.cmpi sge, %broadcast_in_dim3A_331, %sub3A_373 : vector<16xi32>
      %ge3A_375 = arith.cmpf oge, %get3A_370, %get3A_365 : vector<16xf32>
      %gt3A_376 = arith.cmpf ogt, %get3A_370, %get3A_365 : vector<16xf32>
      %select_n3A_377 = arith.select %ge3A_374, %ge3A_375, %gt3A_376 : vector<16xi1>, vector<16xi1>
      %select_n3A_378 = arith.select %select_n3A_377, %broadcast_in_dim3A_1, %broadcast_in_dim3A_3 : vector<16xi1>, vector<16xi32>
      %add3A_379 = arith.addi %scan3A_313, %select_n3A_378 : vector<16xi32>
      %get3A_380 = arith.constant 48 : index
      %get3A_381 = tpu.vector_load %arg5[%get3A_380] {strides = array<i32>} : memref<512xf32, #tpu.memory_space<vmem>>, vector<16xf32>,
      %get3A_382 = vector.shape_cast %get3A_381 : vector<16xf32> to vector<16xf32>
      %add3A_383 = arith.constant 48 : i32
      %add3A_384 = arith.addi %add3A_383, %add3A_330 : i32
      %get3A_385 = arith.index_cast %add3A_384 : i32 to index
      %get3A_386 = tpu.vector_load %arg5[%get3A_385] {strides = array<i32>} : memref<512xf32, #tpu.memory_space<vmem>>, vector<16xf32>,
      %get3A_387 = vector.shape_cast %get3A_386 : vector<16xf32> to vector<16xf32>
      %broadcast_in_dim3A_388 = arith.constant 208 : i32
      %broadcast_in_dim3A_389 = vector.broadcast %broadcast_in_dim3A_388 : i32 to vector<16xi32>
      %sub3A_390 = arith.subi %broadcast_in_dim3A_389, %iota3A : vector<16xi32>
      %ge3A_391 = arith.cmpi sge, %broadcast_in_dim3A_331, %sub3A_390 : vector<16xi32>
      %ge3A_392 = arith.cmpf oge, %get3A_387, %get3A_382 : vector<16xf32>
      %gt3A_393 = arith.cmpf ogt, %get3A_387, %get3A_382 : vector<16xf32>
      %select_n3A_394 = arith.select %ge3A_391, %ge3A_392, %gt3A_393 : vector<16xi1>, vector<16xi1>
      %select_n3A_395 = arith.select %select_n3A_394, %broadcast_in_dim3A_1, %broadcast_in_dim3A_3 : vector<16xi1>, vector<16xi32>
      %add3A_396 = arith.addi %scan3A_314, %select_n3A_395 : vector<16xi32>
      %get3A_397 = arith.constant 64 : index
      %get3A_398 = tpu.vector_load %arg5[%get3A_397] {strides = array<i32>} : memref<512xf32, #tpu.memory_space<vmem>>, vector<16xf32>,
      %get3A_399 = vector.shape_cast %get3A_398 : vector<16xf32> to vector<16xf32>
      %add3A_400 = arith.constant 64 : i32
      %add3A_401 = arith.addi %add3A_400, %add3A_330 : i32
      %get3A_402 = arith.index_cast %add3A_401 : i32 to index
      %get3A_403 = tpu.vector_load %arg5[%get3A_402] {strides = array<i32>} : memref<512xf32, #tpu.memory_space<vmem>>, vector<16xf32>,
      %get3A_404 = vector.shape_cast %get3A_403 : vector<16xf32> to vector<16xf32>
      %broadcast_in_dim3A_405 = arith.constant 192 : i32
      %broadcast_in_dim3A_406 = vector.broadcast %broadcast_in_dim3A_405 : i32 to vector<16xi32>
      %sub3A_407 = arith.subi %broadcast_in_dim3A_406, %iota3A : vector<16xi32>
      %ge3A_408 = arith.cmpi sge, %broadcast_in_dim3A_331, %sub3A_407 : vector<16xi32>
      %ge3A_409 = arith.cmpf oge, %get3A_404, %get3A_399 : vector<16xf32>
      %gt3A_410 = arith.cmpf ogt, %get3A_404, %get3A_399 : vector<16xf32>
      %select_n3A_411 = arith.select %ge3A_408, %ge3A_409, %gt3A_410 : vector<16xi1>, vector<16xi1>
      %select_n3A_412 = arith.select %select_n3A_411, %broadcast_in_dim3A_1, %broadcast_in_dim3A_3 : vector<16xi1>, vector<16xi32>
      %add3A_413 = arith.addi %scan3A_315, %select_n3A_412 : vector<16xi32>
      %get3A_414 = arith.constant 80 : index
      %get3A_415 = tpu.vector_load %arg5[%get3A_414] {strides = array<i32>} : memref<512xf32, #tpu.memory_space<vmem>>, vector<16xf32>,
      %get3A_416 = vector.shape_cast %get3A_415 : vector<16xf32> to vector<16xf32>
      %add3A_417 = arith.constant 80 : i32
      %add3A_418 = arith.addi %add3A_417, %add3A_330 : i32
      %get3A_419 = arith.index_cast %add3A_418 : i32 to index
      %get3A_420 = tpu.vector_load %arg5[%get3A_419] {strides = array<i32>} : memref<512xf32, #tpu.memory_space<vmem>>, vector<16xf32>,
      %get3A_421 = vector.shape_cast %get3A_420 : vector<16xf32> to vector<16xf32>
      %broadcast_in_dim3A_422 = arith.constant 176 : i32
      %broadcast_in_dim3A_423 = vector.broadcast %broadcast_in_dim3A_422 : i32 to vector<16xi32>
      %sub3A_424 = arith.subi %broadcast_in_dim3A_423, %iota3A : vector<16xi32>
      %ge3A_425 = arith.cmpi sge, %broadcast_in_dim3A_331, %sub3A_424 : vector<16xi32>
      %ge3A_426 = arith.cmpf oge, %get3A_421, %get3A_416 : vector<16xf32>
      %gt3A_427 = arith.cmpf ogt, %get3A_421, %get3A_416 : vector<16xf32>
      %select_n3A_428 = arith.select %ge3A_425, %ge3A_426, %gt3A_427 : vector<16xi1>, vector<16xi1>
      %select_n3A_429 = arith.select %select_n3A_428, %broadcast_in_dim3A_1, %broadcast_in_dim3A_3 : vector<16xi1>, vector<16xi32>
      %add3A_430 = arith.addi %scan3A_316, %select_n3A_429 : vector<16xi32>
      %get3A_431 = arith.constant 96 : index
      %get3A_432 = tpu.vector_load %arg5[%get3A_431] {strides = array<i32>} : memref<512xf32, #tpu.memory_space<vmem>>, vector<16xf32>,
      %get3A_433 = vector.shape_cast %get3A_432 : vector<16xf32> to vector<16xf32>
      %add3A_434 = arith.constant 96 : i32
      %add3A_435 = arith.addi %add3A_434, %add3A_330 : i32
      %get3A_436 = arith.index_cast %add3A_435 : i32 to index
      %get3A_437 = tpu.vector_load %arg5[%get3A_436] {strides = array<i32>} : memref<512xf32, #tpu.memory_space<vmem>>, vector<16xf32>,
      %get3A_438 = vector.shape_cast %get3A_437 : vector<16xf32> to vector<16xf32>
      %broadcast_in_dim3A_439 = arith.constant 160 : i32
      %broadcast_in_dim3A_440 = vector.broadcast %broadcast_in_dim3A_439 : i32 to vector<16xi32>
      %sub3A_441 = arith.subi %broadcast_in_dim3A_440, %iota3A : vector<16xi32>
      %ge3A_442 = arith.cmpi sge, %broadcast_in_dim3A_331, %sub3A_441 : vector<16xi32>
      %ge3A_443 = arith.cmpf oge, %get3A_438, %get3A_433 : vector<16xf32>
      %gt3A_444 = arith.cmpf ogt, %get3A_438, %get3A_433 : vector<16xf32>
      %select_n3A_445 = arith.select %ge3A_442, %ge3A_443, %gt3A_444 : vector<16xi1>, vector<16xi1>
      %select_n3A_446 = arith.select %select_n3A_445, %broadcast_in_dim3A_1, %broadcast_in_dim3A_3 : vector<16xi1>, vector<16xi32>
      %add3A_447 = arith.addi %scan3A_317, %select_n3A_446 : vector<16xi32>
      %get3A_448 = arith.constant 112 : index
      %get3A_449 = tpu.vector_load %arg5[%get3A_448] {strides = array<i32>} : memref<512xf32, #tpu.memory_space<vmem>>, vector<16xf32>,
      %get3A_450 = vector.shape_cast %get3A_449 : vector<16xf32> to vector<16xf32>
      %add3A_451 = arith.constant 112 : i32
      %add3A_452 = arith.addi %add3A_451, %add3A_330 : i32
      %get3A_453 = arith.index_cast %add3A_452 : i32 to index
      %get3A_454 = tpu.vector_load %arg5[%get3A_453] {strides = array<i32>} : memref<512xf32, #tpu.memory_space<vmem>>, vector<16xf32>,
      %get3A_455 = vector.shape_cast %get3A_454 : vector<16xf32> to vector<16xf32>
      %broadcast_in_dim3A_456 = arith.constant 144 : i32
      %broadcast_in_dim3A_457 = vector.broadcast %broadcast_in_dim3A_456 : i32 to vector<16xi32>
      %sub3A_458 = arith.subi %broadcast_in_dim3A_457, %iota3A : vector<16xi32>
      %ge3A_459 = arith.cmpi sge, %broadcast_in_dim3A_331, %sub3A_458 : vector<16xi32>
      %ge3A_460 = arith.cmpf oge, %get3A_455, %get3A_450 : vector<16xf32>
      %gt3A_461 = arith.cmpf ogt, %get3A_455, %get3A_450 : vector<16xf32>
      %select_n3A_462 = arith.select %ge3A_459, %ge3A_460, %gt3A_461 : vector<16xi1>, vector<16xi1>
      %select_n3A_463 = arith.select %select_n3A_462, %broadcast_in_dim3A_1, %broadcast_in_dim3A_3 : vector<16xi1>, vector<16xi32>
      %add3A_464 = arith.addi %scan3A_318, %select_n3A_463 : vector<16xi32>
      %get3A_465 = arith.constant 128 : index
      %get3A_466 = tpu.vector_load %arg5[%get3A_465] {strides = array<i32>} : memref<512xf32, #tpu.memory_space<vmem>>, vector<16xf32>,
      %get3A_467 = vector.shape_cast %get3A_466 : vector<16xf32> to vector<16xf32>
      %add3A_468 = arith.constant 128 : i32
      %add3A_469 = arith.addi %add3A_468, %add3A_330 : i32
      %get3A_470 = arith.index_cast %add3A_469 : i32 to index
      %get3A_471 = tpu.vector_load %arg5[%get3A_470] {strides = array<i32>} : memref<512xf32, #tpu.memory_space<vmem>>, vector<16xf32>,
      %get3A_472 = vector.shape_cast %get3A_471 : vector<16xf32> to vector<16xf32>
      %broadcast_in_dim3A_473 = arith.constant 128 : i32
      %broadcast_in_dim3A_474 = vector.broadcast %broadcast_in_dim3A_473 : i32 to vector<16xi32>
      %sub3A_475 = arith.subi %broadcast_in_dim3A_474, %iota3A : vector<16xi32>
      %ge3A_476 = arith.cmpi sge, %broadcast_in_dim3A_331, %sub3A_475 : vector<16xi32>
      %ge3A_477 = arith.cmpf oge, %get3A_472, %get3A_467 : vector<16xf32>
      %gt3A_478 = arith.cmpf ogt, %get3A_472, %get3A_467 : vector<16xf32>
      %select_n3A_479 = arith.select %ge3A_476, %ge3A_477, %gt3A_478 : vector<16xi1>, vector<16xi1>
      %select_n3A_480 = arith.select %select_n3A_479, %broadcast_in_dim3A_1, %broadcast_in_dim3A_3 : vector<16xi1>, vector<16xi32>
      %add3A_481 = arith.addi %scan3A_319, %select_n3A_480 : vector<16xi32>
      %get3A_482 = arith.constant 144 : index
      %get3A_483 = tpu.vector_load %arg5[%get3A_482] {strides = array<i32>} : memref<512xf32, #tpu.memory_space<vmem>>, vector<16xf32>,
      %get3A_484 = vector.shape_cast %get3A_483 : vector<16xf32> to vector<16xf32>
      %add3A_485 = arith.constant 144 : i32
      %add3A_486 = arith.addi %add3A_485, %add3A_330 : i32
      %get3A_487 = arith.index_cast %add3A_486 : i32 to index
      %get3A_488 = tpu.vector_load %arg5[%get3A_487] {strides = array<i32>} : memref<512xf32, #tpu.memory_space<vmem>>, vector<16xf32>,
      %get3A_489 = vector.shape_cast %get3A_488 : vector<16xf32> to vector<16xf32>
      %broadcast_in_dim3A_490 = arith.constant 112 : i32
      %broadcast_in_dim3A_491 = vector.broadcast %broadcast_in_dim3A_490 : i32 to vector<16xi32>
      %sub3A_492 = arith.subi %broadcast_in_dim3A_491, %iota3A : vector<16xi32>
      %ge3A_493 = arith.cmpi sge, %broadcast_in_dim3A_331, %sub3A_492 : vector<16xi32>
      %ge3A_494 = arith.cmpf oge, %get3A_489, %get3A_484 : vector<16xf32>
      %gt3A_495 = arith.cmpf ogt, %get3A_489, %get3A_484 : vector<16xf32>
      %select_n3A_496 = arith.select %ge3A_493, %ge3A_494, %gt3A_495 : vector<16xi1>, vector<16xi1>
      %select_n3A_497 = arith.select %select_n3A_496, %broadcast_in_dim3A_1, %broadcast_in_dim3A_3 : vector<16xi1>, vector<16xi32>
      %add3A_498 = arith.addi %scan3A_320, %select_n3A_497 : vector<16xi32>
      %get3A_499 = arith.constant 160 : index
      %get3A_500 = tpu.vector_load %arg5[%get3A_499] {strides = array<i32>} : memref<512xf32, #tpu.memory_space<vmem>>, vector<16xf32>,
      %get3A_501 = vector.shape_cast %get3A_500 : vector<16xf32> to vector<16xf32>
      %add3A_502 = arith.constant 160 : i32
      %add3A_503 = arith.addi %add3A_502, %add3A_330 : i32
      %get3A_504 = arith.index_cast %add3A_503 : i32 to index
      %get3A_505 = tpu.vector_load %arg5[%get3A_504] {strides = array<i32>} : memref<512xf32, #tpu.memory_space<vmem>>, vector<16xf32>,
      %get3A_506 = vector.shape_cast %get3A_505 : vector<16xf32> to vector<16xf32>
      %broadcast_in_dim3A_507 = arith.constant 96 : i32
      %broadcast_in_dim3A_508 = vector.broadcast %broadcast_in_dim3A_507 : i32 to vector<16xi32>
      %sub3A_509 = arith.subi %broadcast_in_dim3A_508, %iota3A : vector<16xi32>
      %ge3A_510 = arith.cmpi sge, %broadcast_in_dim3A_331, %sub3A_509 : vector<16xi32>
      %ge3A_511 = arith.cmpf oge, %get3A_506, %get3A_501 : vector<16xf32>
      %gt3A_512 = arith.cmpf ogt, %get3A_506, %get3A_501 : vector<16xf32>
      %select_n3A_513 = arith.select %ge3A_510, %ge3A_511, %gt3A_512 : vector<16xi1>, vector<16xi1>
      %select_n3A_514 = arith.select %select_n3A_513, %broadcast_in_dim3A_1, %broadcast_in_dim3A_3 : vector<16xi1>, vector<16xi32>
      %add3A_515 = arith.addi %scan3A_321, %select_n3A_514 : vector<16xi32>
      %get3A_516 = arith.constant 176 : index
      %get3A_517 = tpu.vector_load %arg5[%get3A_516] {strides = array<i32>} : memref<512xf32, #tpu.memory_space<vmem>>, vector<16xf32>,
      %get3A_518 = vector.shape_cast %get3A_517 : vector<16xf32> to vector<16xf32>
      %add3A_519 = arith.constant 176 : i32
      %add3A_520 = arith.addi %add3A_519, %add3A_330 : i32
      %get3A_521 = arith.index_cast %add3A_520 : i32 to index
      %get3A_522 = tpu.vector_load %arg5[%get3A_521] {strides = array<i32>} : memref<512xf32, #tpu.memory_space<vmem>>, vector<16xf32>,
      %get3A_523 = vector.shape_cast %get3A_522 : vector<16xf32> to vector<16xf32>
      %broadcast_in_dim3A_524 = arith.constant 80 : i32
      %broadcast_in_dim3A_525 = vector.broadcast %broadcast_in_dim3A_524 : i32 to vector<16xi32>
      %sub3A_526 = arith.subi %broadcast_in_dim3A_525, %iota3A : vector<16xi32>
      %ge3A_527 = arith.cmpi sge, %broadcast_in_dim3A_331, %sub3A_526 : vector<16xi32>
      %ge3A_528 = arith.cmpf oge, %get3A_523, %get3A_518 : vector<16xf32>
      %gt3A_529 = arith.cmpf ogt, %get3A_523, %get3A_518 : vector<16xf32>
      %select_n3A_530 = arith.select %ge3A_527, %ge3A_528, %gt3A_529 : vector<16xi1>, vector<16xi1>
      %select_n3A_531 = arith.select %select_n3A_530, %broadcast_in_dim3A_1, %broadcast_in_dim3A_3 : vector<16xi1>, vector<16xi32>
      %add3A_532 = arith.addi %scan3A_322, %select_n3A_531 : vector<16xi32>
      %get3A_533 = arith.constant 192 : index
      %get3A_534 = tpu.vector_load %arg5[%get3A_533] {strides = array<i32>} : memref<512xf32, #tpu.memory_space<vmem>>, vector<16xf32>,
      %get3A_535 = vector.shape_cast %get3A_534 : vector<16xf32> to vector<16xf32>
      %add3A_536 = arith.constant 192 : i32
      %add3A_537 = arith.addi %add3A_536, %add3A_330 : i32
      %get3A_538 = arith.index_cast %add3A_537 : i32 to index
      %get3A_539 = tpu.vector_load %arg5[%get3A_538] {strides = array<i32>} : memref<512xf32, #tpu.memory_space<vmem>>, vector<16xf32>,
      %get3A_540 = vector.shape_cast %get3A_539 : vector<16xf32> to vector<16xf32>
      %broadcast_in_dim3A_541 = arith.constant 64 : i32
      %broadcast_in_dim3A_542 = vector.broadcast %broadcast_in_dim3A_541 : i32 to vector<16xi32>
      %sub3A_543 = arith.subi %broadcast_in_dim3A_542, %iota3A : vector<16xi32>
      %ge3A_544 = arith.cmpi sge, %broadcast_in_dim3A_331, %sub3A_543 : vector<16xi32>
      %ge3A_545 = arith.cmpf oge, %get3A_540, %get3A_535 : vector<16xf32>
      %gt3A_546 = arith.cmpf ogt, %get3A_540, %get3A_535 : vector<16xf32>
      %select_n3A_547 = arith.select %ge3A_544, %ge3A_545, %gt3A_546 : vector<16xi1>, vector<16xi1>
      %select_n3A_548 = arith.select %select_n3A_547, %broadcast_in_dim3A_1, %broadcast_in_dim3A_3 : vector<16xi1>, vector<16xi32>
      %add3A_549 = arith.addi %scan3A_323, %select_n3A_548 : vector<16xi32>
      %get3A_550 = arith.constant 208 : index
      %get3A_551 = tpu.vector_load %arg5[%get3A_550] {strides = array<i32>} : memref<512xf32, #tpu.memory_space<vmem>>, vector<16xf32>,
      %get3A_552 = vector.shape_cast %get3A_551 : vector<16xf32> to vector<16xf32>
      %add3A_553 = arith.constant 208 : i32
      %add3A_554 = arith.addi %add3A_553, %add3A_330 : i32
      %get3A_555 = arith.index_cast %add3A_554 : i32 to index
      %get3A_556 = tpu.vector_load %arg5[%get3A_555] {strides = array<i32>} : memref<512xf32, #tpu.memory_space<vmem>>, vector<16xf32>,
      %get3A_557 = vector.shape_cast %get3A_556 : vector<16xf32> to vector<16xf32>
      %broadcast_in_dim3A_558 = arith.constant 48 : i32
      %broadcast_in_dim3A_559 = vector.broadcast %broadcast_in_dim3A_558 : i32 to vector<16xi32>
      %sub3A_560 = arith.subi %broadcast_in_dim3A_559, %iota3A : vector<16xi32>
      %ge3A_561 = arith.cmpi sge, %broadcast_in_dim3A_331, %sub3A_560 : vector<16xi32>
      %ge3A_562 = arith.cmpf oge, %get3A_557, %get3A_552 : vector<16xf32>
      %gt3A_563 = arith.cmpf ogt, %get3A_557, %get3A_552 : vector<16xf32>
      %select_n3A_564 = arith.select %ge3A_561, %ge3A_562, %gt3A_563 : vector<16xi1>, vector<16xi1>
      %select_n3A_565 = arith.select %select_n3A_564, %broadcast_in_dim3A_1, %broadcast_in_dim3A_3 : vector<16xi1>, vector<16xi32>
      %add3A_566 = arith.addi %scan3A_324, %select_n3A_565 : vector<16xi32>
      %get3A_567 = arith.constant 224 : index
      %get3A_568 = tpu.vector_load %arg5[%get3A_567] {strides = array<i32>} : memref<512xf32, #tpu.memory_space<vmem>>, vector<16xf32>,
      %get3A_569 = vector.shape_cast %get3A_568 : vector<16xf32> to vector<16xf32>
      %add3A_570 = arith.constant 224 : i32
      %add3A_571 = arith.addi %add3A_570, %add3A_330 : i32
      %get3A_572 = arith.index_cast %add3A_571 : i32 to index
      %get3A_573 = tpu.vector_load %arg5[%get3A_572] {strides = array<i32>} : memref<512xf32, #tpu.memory_space<vmem>>, vector<16xf32>,
      %get3A_574 = vector.shape_cast %get3A_573 : vector<16xf32> to vector<16xf32>
      %broadcast_in_dim3A_575 = arith.constant 32 : i32
      %broadcast_in_dim3A_576 = vector.broadcast %broadcast_in_dim3A_575 : i32 to vector<16xi32>
      %sub3A_577 = arith.subi %broadcast_in_dim3A_576, %iota3A : vector<16xi32>
      %ge3A_578 = arith.cmpi sge, %broadcast_in_dim3A_331, %sub3A_577 : vector<16xi32>
      %ge3A_579 = arith.cmpf oge, %get3A_574, %get3A_569 : vector<16xf32>
      %gt3A_580 = arith.cmpf ogt, %get3A_574, %get3A_569 : vector<16xf32>
      %select_n3A_581 = arith.select %ge3A_578, %ge3A_579, %gt3A_580 : vector<16xi1>, vector<16xi1>
      %select_n3A_582 = arith.select %select_n3A_581, %broadcast_in_dim3A_1, %broadcast_in_dim3A_3 : vector<16xi1>, vector<16xi32>
      %add3A_583 = arith.addi %scan3A_325, %select_n3A_582 : vector<16xi32>
      %get3A_584 = arith.constant 240 : index
      %get3A_585 = tpu.vector_load %arg5[%get3A_584] {strides = array<i32>} : memref<512xf32, #tpu.memory_space<vmem>>, vector<16xf32>,
      %get3A_586 = vector.shape_cast %get3A_585 : vector<16xf32> to vector<16xf32>
      %add3A_587 = arith.constant 240 : i32
      %add3A_588 = arith.addi %add3A_587, %add3A_330 : i32
      %get3A_589 = arith.index_cast %add3A_588 : i32 to index
      %get3A_590 = tpu.vector_load %arg5[%get3A_589] {strides = array<i32>} : memref<512xf32, #tpu.memory_space<vmem>>, vector<16xf32>,
      %get3A_591 = vector.shape_cast %get3A_590 : vector<16xf32> to vector<16xf32>
      %broadcast_in_dim3A_592 = arith.constant 16 : i32
      %broadcast_in_dim3A_593 = vector.broadcast %broadcast_in_dim3A_592 : i32 to vector<16xi32>
      %sub3A_594 = arith.subi %broadcast_in_dim3A_593, %iota3A : vector<16xi32>
      %ge3A_595 = arith.cmpi sge, %broadcast_in_dim3A_331, %sub3A_594 : vector<16xi32>
      %ge3A_596 = arith.cmpf oge, %get3A_591, %get3A_586 : vector<16xf32>
      %gt3A_597 = arith.cmpf ogt, %get3A_591, %get3A_586 : vector<16xf32>
      %select_n3A_598 = arith.select %ge3A_595, %ge3A_596, %gt3A_597 : vector<16xi1>, vector<16xi1>
      %select_n3A_599 = arith.select %select_n3A_598, %broadcast_in_dim3A_1, %broadcast_in_dim3A_3 : vector<16xi1>, vector<16xi32>
      %add3A_600 = arith.addi %scan3A_326, %select_n3A_599 : vector<16xi32>
      %mul3A_601 = arith.constant 8 : i32
      %mul3A_602 = arith.muli %scan3A_310, %mul3A_601 : i32
      %add3A_603 = arith.constant 1 : i32
      %add3A_604 = arith.addi %mul3A_602, %add3A_603 : i32
      %broadcast_in_dim3A_605 = vector.broadcast %add3A_604 : i32 to vector<16xi32>
      %get3A_606 = arith.constant 0 : index
      %get3A_607 = tpu.vector_load %arg5[%get3A_606] {strides = array<i32>} : memref<512xf32, #tpu.memory_space<vmem>>, vector<16xf32>,
      %get3A_608 = vector.shape_cast %get3A_607 : vector<16xf32> to vector<16xf32>
      %add3A_609 = arith.constant 0 : i32
      %add3A_610 = arith.addi %add3A_609, %add3A_604 : i32
      %get3A_611 = arith.index_cast %add3A_610 : i32 to index
      %get3A_612 = tpu.vector_load %arg5[%get3A_611] {strides = array<i32>} : memref<512xf32, #tpu.memory_space<vmem>>, vector<16xf32>,
      %get3A_613 = vector.shape_cast %get3A_612 : vector<16xf32> to vector<16xf32>
      %broadcast_in_dim3A_614 = arith.constant 256 : i32
      %broadcast_in_dim3A_615 = vector.broadcast %broadcast_in_dim3A_614 : i32 to vector<16xi32>
      %sub3A_616 = arith.subi %broadcast_in_dim3A_615, %iota3A : vector<16xi32>
      %ge3A_617 = arith.cmpi sge, %broadcast_in_dim3A_605, %sub3A_616 : vector<16xi32>
      %ge3A_618 = arith.cmpf oge, %get3A_613, %get3A_608 : vector<16xf32>
      %gt3A_619 = arith.cmpf ogt, %get3A_613, %get3A_608 : vector<16xf32>
      %select_n3A_620 = arith.select %ge3A_617, %ge3A_618, %gt3A_619 : vector<16xi1>, vector<16xi1>
      %select_n3A_621 = arith.select %select_n3A_620, %broadcast_in_dim3A_1, %broadcast_in_dim3A_3 : vector<16xi1>, vector<16xi32>
      %add3A_622 = arith.addi %add3A_345, %select_n3A_621 : vector<16xi32>
      %get3A_623 = arith.constant 16 : index
      %get3A_624 = tpu.vector_load %arg5[%get3A_623] {strides = array<i32>} : memref<512xf32, #tpu.memory_space<vmem>>, vector<16xf32>,
      %get3A_625 = vector.shape_cast %get3A_624 : vector<16xf32> to vector<16xf32>
      %add3A_626 = arith.constant 16 : i32
      %add3A_627 = arith.addi %add3A_626, %add3A_604 : i32
      %get3A_628 = arith.index_cast %add3A_627 : i32 to index
      %get3A_629 = tpu.vector_load %arg5[%get3A_628] {strides = array<i32>} : memref<512xf32, #tpu.memory_space<vmem>>, vector<16xf32>,
      %get3A_630 = vector.shape_cast %get3A_629 : vector<16xf32> to vector<16xf32>
      %broadcast_in_dim3A_631 = arith.constant 240 : i32
      %broadcast_in_dim3A_632 = vector.broadcast %broadcast_in_dim3A_631 : i32 to vector<16xi32>
      %sub3A_633 = arith.subi %broadcast_in_dim3A_632, %iota3A : vector<16xi32>
      %ge3A_634 = arith.cmpi sge, %broadcast_in_dim3A_605, %sub3A_633 : vector<16xi32>
      %ge3A_635 = arith.cmpf oge, %get3A_630, %get3A_625 : vector<16xf32>
      %gt3A_636 = arith.cmpf ogt, %get3A_630, %get3A_625 : vector<16xf32>
      %select_n3A_637 = arith.select %ge3A_634, %ge3A_635, %gt3A_636 : vector<16xi1>, vector<16xi1>
      %select_n3A_638 = arith.select %select_n3A_637, %broadcast_in_dim3A_1, %broadcast_in_dim3A_3 : vector<16xi1>, vector<16xi32>
      %add3A_639 = arith.addi %add3A_362, %select_n3A_638 : vector<16xi32>
      %get3A_640 = arith.constant 32 : index
      %get3A_641 = tpu.vector_load %arg5[%get3A_640] {strides = array<i32>} : memref<512xf32, #tpu.memory_space<vmem>>, vector<16xf32>,
      %get3A_642 = vector.shape_cast %get3A_641 : vector<16xf32> to vector<16xf32>
      %add3A_643 = arith.constant 32 : i32
      %add3A_644 = arith.addi %add3A_643, %add3A_604 : i32
      %get3A_645 = arith.index_cast %add3A_644 : i32 to index
      %get3A_646 = tpu.vector_load %arg5[%get3A_645] {strides = array<i32>} : memref<512xf32, #tpu.memory_space<vmem>>, vector<16xf32>,
      %get3A_647 = vector.shape_cast %get3A_646 : vector<16xf32> to vector<16xf32>
      %broadcast_in_dim3A_648 = arith.constant 224 : i32
      %broadcast_in_dim3A_649 = vector.broadcast %broadcast_in_dim3A_648 : i32 to vector<16xi32>
      %sub3A_650 = arith.subi %broadcast_in_dim3A_649, %iota3A : vector<16xi32>
      %ge3A_651 = arith.cmpi sge, %broadcast_in_dim3A_605, %sub3A_650 : vector<16xi32>
      %ge3A_652 = arith.cmpf oge, %get3A_647, %get3A_642 : vector<16xf32>
      %gt3A_653 = arith.cmpf ogt, %get3A_647, %get3A_642 : vector<16xf32>
      %select_n3A_654 = arith.select %ge3A_651, %ge3A_652, %gt3A_653 : vector<16xi1>, vector<16xi1>
      %select_n3A_655 = arith.select %select_n3A_654, %broadcast_in_dim3A_1, %broadcast_in_dim3A_3 : vector<16xi1>, vector<16xi32>
      %add3A_656 = arith.addi %add3A_379, %select_n3A_655 : vector<16xi32>
      %get3A_657 = arith.constant 48 : index
      %get3A_658 = tpu.vector_load %arg5[%get3A_657] {strides = array<i32>} : memref<512xf32, #tpu.memory_space<vmem>>, vector<16xf32>,
      %get3A_659 = vector.shape_cast %get3A_658 : vector<16xf32> to vector<16xf32>
      %add3A_660 = arith.constant 48 : i32
      %add3A_661 = arith.addi %add3A_660, %add3A_604 : i32
      %get3A_662 = arith.index_cast %add3A_661 : i32 to index
      %get3A_663 = tpu.vector_load %arg5[%get3A_662] {strides = array<i32>} : memref<512xf32, #tpu.memory_space<vmem>>, vector<16xf32>,
      %get3A_664 = vector.shape_cast %get3A_663 : vector<16xf32> to vector<16xf32>
      %broadcast_in_dim3A_665 = arith.constant 208 : i32
      %broadcast_in_dim3A_666 = vector.broadcast %broadcast_in_dim3A_665 : i32 to vector<16xi32>
      %sub3A_667 = arith.subi %broadcast_in_dim3A_666, %iota3A : vector<16xi32>
      %ge3A_668 = arith.cmpi sge, %broadcast_in_dim3A_605, %sub3A_667 : vector<16xi32>
      %ge3A_669 = arith.cmpf oge, %get3A_664, %get3A_659 : vector<16xf32>
      %gt3A_670 = arith.cmpf ogt, %get3A_664, %get3A_659 : vector<16xf32>
      %select_n3A_671 = arith.select %ge3A_668, %ge3A_669, %gt3A_670 : vector<16xi1>, vector<16xi1>
      %select_n3A_672 = arith.select %select_n3A_671, %broadcast_in_dim3A_1, %broadcast_in_dim3A_3 : vector<16xi1>, vector<16xi32>
      %add3A_673 = arith.addi %add3A_396, %select_n3A_672 : vector<16xi32>
      %get3A_674 = arith.constant 64 : index
      %get3A_675 = tpu.vector_load %arg5[%get3A_674] {strides = array<i32>} : memref<512xf32, #tpu.memory_space<vmem>>, vector<16xf32>,
      %get3A_676 = vector.shape_cast %get3A_675 : vector<16xf32> to vector<16xf32>
      %add3A_677 = arith.constant 64 : i32
      %add3A_678 = arith.addi %add3A_677, %add3A_604 : i32
      %get3A_679 = arith.index_cast %add3A_678 : i32 to index
      %get3A_680 = tpu.vector_load %arg5[%get3A_679] {strides = array<i32>} : memref<512xf32, #tpu.memory_space<vmem>>, vector<16xf32>,
      %get3A_681 = vector.shape_cast %get3A_680 : vector<16xf32> to vector<16xf32>
      %broadcast_in_dim3A_682 = arith.constant 192 : i32
      %broadcast_in_dim3A_683 = vector.broadcast %broadcast_in_dim3A_682 : i32 to vector<16xi32>
      %sub3A_684 = arith.subi %broadcast_in_dim3A_683, %iota3A : vector<16xi32>
      %ge3A_685 = arith.cmpi sge, %broadcast_in_dim3A_605, %sub3A_684 : vector<16xi32>
      %ge3A_686 = arith.cmpf oge, %get3A_681, %get3A_676 : vector<16xf32>
      %gt3A_687 = arith.cmpf ogt, %get3A_681, %get3A_676 : vector<16xf32>
      %select_n3A_688 = arith.select %ge3A_685, %ge3A_686, %gt3A_687 : vector<16xi1>, vector<16xi1>
      %select_n3A_689 = arith.select %select_n3A_688, %broadcast_in_dim3A_1, %broadcast_in_dim3A_3 : vector<16xi1>, vector<16xi32>
      %add3A_690 = arith.addi %add3A_413, %select_n3A_689 : vector<16xi32>
      %get3A_691 = arith.constant 80 : index
      %get3A_692 = tpu.vector_load %arg5[%get3A_691] {strides = array<i32>} : memref<512xf32, #tpu.memory_space<vmem>>, vector<16xf32>,
      %get3A_693 = vector.shape_cast %get3A_692 : vector<16xf32> to vector<16xf32>
      %add3A_694 = arith.constant 80 : i32
      %add3A_695 = arith.addi %add3A_694, %add3A_604 : i32
      %get3A_696 = arith.index_cast %add3A_695 : i32 to index
      %get3A_697 = tpu.vector_load %arg5[%get3A_696] {strides = array<i32>} : memref<512xf32, #tpu.memory_space<vmem>>, vector<16xf32>,
      %get3A_698 = vector.shape_cast %get3A_697 : vector<16xf32> to vector<16xf32>
      %broadcast_in_dim3A_699 = arith.constant 176 : i32
      %broadcast_in_dim3A_700 = vector.broadcast %broadcast_in_dim3A_699 : i32 to vector<16xi32>
      %sub3A_701 = arith.subi %broadcast_in_dim3A_700, %iota3A : vector<16xi32>
      %ge3A_702 = arith.cmpi sge, %broadcast_in_dim3A_605, %sub3A_701 : vector<16xi32>
      %ge3A_703 = arith.cmpf oge, %get3A_698, %get3A_693 : vector<16xf32>
      %gt3A_704 = arith.cmpf ogt, %get3A_698, %get3A_693 : vector<16xf32>
      %select_n3A_705 = arith.select %ge3A_702, %ge3A_703, %gt3A_704 : vector<16xi1>, vector<16xi1>
      %select_n3A_706 = arith.select %select_n3A_705, %broadcast_in_dim3A_1, %broadcast_in_dim3A_3 : vector<16xi1>, vector<16xi32>
      %add3A_707 = arith.addi %add3A_430, %select_n3A_706 : vector<16xi32>
      %get3A_708 = arith.constant 96 : index
      %get3A_709 = tpu.vector_load %arg5[%get3A_708] {strides = array<i32>} : memref<512xf32, #tpu.memory_space<vmem>>, vector<16xf32>,
      %get3A_710 = vector.shape_cast %get3A_709 : vector<16xf32> to vector<16xf32>
      %add3A_711 = arith.constant 96 : i32
      %add3A_712 = arith.addi %add3A_711, %add3A_604 : i32
      %get3A_713 = arith.index_cast %add3A_712 : i32 to index
      %get3A_714 = tpu.vector_load %arg5[%get3A_713] {strides = array<i32>} : memref<512xf32, #tpu.memory_space<vmem>>, vector<16xf32>,
      %get3A_715 = vector.shape_cast %get3A_714 : vector<16xf32> to vector<16xf32>
      %broadcast_in_dim3A_716 = arith.constant 160 : i32
      %broadcast_in_dim3A_717 = vector.broadcast %broadcast_in_dim3A_716 : i32 to vector<16xi32>
      %sub3A_718 = arith.subi %broadcast_in_dim3A_717, %iota3A : vector<16xi32>
      %ge3A_719 = arith.cmpi sge, %broadcast_in_dim3A_605, %sub3A_718 : vector<16xi32>
      %ge3A_720 = arith.cmpf oge, %get3A_715, %get3A_710 : vector<16xf32>
      %gt3A_721 = arith.cmpf ogt, %get3A_715, %get3A_710 : vector<16xf32>
      %select_n3A_722 = arith.select %ge3A_719, %ge3A_720, %gt3A_721 : vector<16xi1>, vector<16xi1>
      %select_n3A_723 = arith.select %select_n3A_722, %broadcast_in_dim3A_1, %broadcast_in_dim3A_3 : vector<16xi1>, vector<16xi32>
      %add3A_724 = arith.addi %add3A_447, %select_n3A_723 : vector<16xi32>
      %get3A_725 = arith.constant 112 : index
      %get3A_726 = tpu.vector_load %arg5[%get3A_725] {strides = array<i32>} : memref<512xf32, #tpu.memory_space<vmem>>, vector<16xf32>,
      %get3A_727 = vector.shape_cast %get3A_726 : vector<16xf32> to vector<16xf32>
      %add3A_728 = arith.constant 112 : i32
      %add3A_729 = arith.addi %add3A_728, %add3A_604 : i32
      %get3A_730 = arith.index_cast %add3A_729 : i32 to index
      %get3A_731 = tpu.vector_load %arg5[%get3A_730] {strides = array<i32>} : memref<512xf32, #tpu.memory_space<vmem>>, vector<16xf32>,
      %get3A_732 = vector.shape_cast %get3A_731 : vector<16xf32> to vector<16xf32>
      %broadcast_in_dim3A_733 = arith.constant 144 : i32
      %broadcast_in_dim3A_734 = vector.broadcast %broadcast_in_dim3A_733 : i32 to vector<16xi32>
      %sub3A_735 = arith.subi %broadcast_in_dim3A_734, %iota3A : vector<16xi32>
      %ge3A_736 = arith.cmpi sge, %broadcast_in_dim3A_605, %sub3A_735 : vector<16xi32>
      %ge3A_737 = arith.cmpf oge, %get3A_732, %get3A_727 : vector<16xf32>
      %gt3A_738 = arith.cmpf ogt, %get3A_732, %get3A_727 : vector<16xf32>
      %select_n3A_739 = arith.select %ge3A_736, %ge3A_737, %gt3A_738 : vector<16xi1>, vector<16xi1>
      %select_n3A_740 = arith.select %select_n3A_739, %broadcast_in_dim3A_1, %broadcast_in_dim3A_3 : vector<16xi1>, vector<16xi32>
      %add3A_741 = arith.addi %add3A_464, %select_n3A_740 : vector<16xi32>
      %get3A_742 = arith.constant 128 : index
      %get3A_743 = tpu.vector_load %arg5[%get3A_742] {strides = array<i32>} : memref<512xf32, #tpu.memory_space<vmem>>, vector<16xf32>,
      %get3A_744 = vector.shape_cast %get3A_743 : vector<16xf32> to vector<16xf32>
      %add3A_745 = arith.constant 128 : i32
      %add3A_746 = arith.addi %add3A_745, %add3A_604 : i32
      %get3A_747 = arith.index_cast %add3A_746 : i32 to index
      %get3A_748 = tpu.vector_load %arg5[%get3A_747] {strides = array<i32>} : memref<512xf32, #tpu.memory_space<vmem>>, vector<16xf32>,
      %get3A_749 = vector.shape_cast %get3A_748 : vector<16xf32> to vector<16xf32>
      %broadcast_in_dim3A_750 = arith.constant 128 : i32
      %broadcast_in_dim3A_751 = vector.broadcast %broadcast_in_dim3A_750 : i32 to vector<16xi32>
      %sub3A_752 = arith.subi %broadcast_in_dim3A_751, %iota3A : vector<16xi32>
      %ge3A_753 = arith.cmpi sge, %broadcast_in_dim3A_605, %sub3A_752 : vector<16xi32>
      %ge3A_754 = arith.cmpf oge, %get3A_749, %get3A_744 : vector<16xf32>
      %gt3A_755 = arith.cmpf ogt, %get3A_749, %get3A_744 : vector<16xf32>
      %select_n3A_756 = arith.select %ge3A_753, %ge3A_754, %gt3A_755 : vector<16xi1>, vector<16xi1>
      %select_n3A_757 = arith.select %select_n3A_756, %broadcast_in_dim3A_1, %broadcast_in_dim3A_3 : vector<16xi1>, vector<16xi32>
      %add3A_758 = arith.addi %add3A_481, %select_n3A_757 : vector<16xi32>
      %get3A_759 = arith.constant 144 : index
      %get3A_760 = tpu.vector_load %arg5[%get3A_759] {strides = array<i32>} : memref<512xf32, #tpu.memory_space<vmem>>, vector<16xf32>,
      %get3A_761 = vector.shape_cast %get3A_760 : vector<16xf32> to vector<16xf32>
      %add3A_762 = arith.constant 144 : i32
      %add3A_763 = arith.addi %add3A_762, %add3A_604 : i32
      %get3A_764 = arith.index_cast %add3A_763 : i32 to index
      %get3A_765 = tpu.vector_load %arg5[%get3A_764] {strides = array<i32>} : memref<512xf32, #tpu.memory_space<vmem>>, vector<16xf32>,
      %get3A_766 = vector.shape_cast %get3A_765 : vector<16xf32> to vector<16xf32>
      %broadcast_in_dim3A_767 = arith.constant 112 : i32
      %broadcast_in_dim3A_768 = vector.broadcast %broadcast_in_dim3A_767 : i32 to vector<16xi32>
      %sub3A_769 = arith.subi %broadcast_in_dim3A_768, %iota3A : vector<16xi32>
      %ge3A_770 = arith.cmpi sge, %broadcast_in_dim3A_605, %sub3A_769 : vector<16xi32>
      %ge3A_771 = arith.cmpf oge, %get3A_766, %get3A_761 : vector<16xf32>
      %gt3A_772 = arith.cmpf ogt, %get3A_766, %get3A_761 : vector<16xf32>
      %select_n3A_773 = arith.select %ge3A_770, %ge3A_771, %gt3A_772 : vector<16xi1>, vector<16xi1>
      %select_n3A_774 = arith.select %select_n3A_773, %broadcast_in_dim3A_1, %broadcast_in_dim3A_3 : vector<16xi1>, vector<16xi32>
      %add3A_775 = arith.addi %add3A_498, %select_n3A_774 : vector<16xi32>
      %get3A_776 = arith.constant 160 : index
      %get3A_777 = tpu.vector_load %arg5[%get3A_776] {strides = array<i32>} : memref<512xf32, #tpu.memory_space<vmem>>, vector<16xf32>,
      %get3A_778 = vector.shape_cast %get3A_777 : vector<16xf32> to vector<16xf32>
      %add3A_779 = arith.constant 160 : i32
      %add3A_780 = arith.addi %add3A_779, %add3A_604 : i32
      %get3A_781 = arith.index_cast %add3A_780 : i32 to index
      %get3A_782 = tpu.vector_load %arg5[%get3A_781] {strides = array<i32>} : memref<512xf32, #tpu.memory_space<vmem>>, vector<16xf32>,
      %get3A_783 = vector.shape_cast %get3A_782 : vector<16xf32> to vector<16xf32>
      %broadcast_in_dim3A_784 = arith.constant 96 : i32
      %broadcast_in_dim3A_785 = vector.broadcast %broadcast_in_dim3A_784 : i32 to vector<16xi32>
      %sub3A_786 = arith.subi %broadcast_in_dim3A_785, %iota3A : vector<16xi32>
      %ge3A_787 = arith.cmpi sge, %broadcast_in_dim3A_605, %sub3A_786 : vector<16xi32>
      %ge3A_788 = arith.cmpf oge, %get3A_783, %get3A_778 : vector<16xf32>
      %gt3A_789 = arith.cmpf ogt, %get3A_783, %get3A_778 : vector<16xf32>
      %select_n3A_790 = arith.select %ge3A_787, %ge3A_788, %gt3A_789 : vector<16xi1>, vector<16xi1>
      %select_n3A_791 = arith.select %select_n3A_790, %broadcast_in_dim3A_1, %broadcast_in_dim3A_3 : vector<16xi1>, vector<16xi32>
      %add3A_792 = arith.addi %add3A_515, %select_n3A_791 : vector<16xi32>
      %get3A_793 = arith.constant 176 : index
      %get3A_794 = tpu.vector_load %arg5[%get3A_793] {strides = array<i32>} : memref<512xf32, #tpu.memory_space<vmem>>, vector<16xf32>,
      %get3A_795 = vector.shape_cast %get3A_794 : vector<16xf32> to vector<16xf32>
      %add3A_796 = arith.constant 176 : i32
      %add3A_797 = arith.addi %add3A_796, %add3A_604 : i32
      %get3A_798 = arith.index_cast %add3A_797 : i32 to index
      %get3A_799 = tpu.vector_load %arg5[%get3A_798] {strides = array<i32>} : memref<512xf32, #tpu.memory_space<vmem>>, vector<16xf32>,
      %get3A_800 = vector.shape_cast %get3A_799 : vector<16xf32> to vector<16xf32>
      %broadcast_in_dim3A_801 = arith.constant 80 : i32
      %broadcast_in_dim3A_802 = vector.broadcast %broadcast_in_dim3A_801 : i32 to vector<16xi32>
      %sub3A_803 = arith.subi %broadcast_in_dim3A_802, %iota3A : vector<16xi32>
      %ge3A_804 = arith.cmpi sge, %broadcast_in_dim3A_605, %sub3A_803 : vector<16xi32>
      %ge3A_805 = arith.cmpf oge, %get3A_800, %get3A_795 : vector<16xf32>
      %gt3A_806 = arith.cmpf ogt, %get3A_800, %get3A_795 : vector<16xf32>
      %select_n3A_807 = arith.select %ge3A_804, %ge3A_805, %gt3A_806 : vector<16xi1>, vector<16xi1>
      %select_n3A_808 = arith.select %select_n3A_807, %broadcast_in_dim3A_1, %broadcast_in_dim3A_3 : vector<16xi1>, vector<16xi32>
      %add3A_809 = arith.addi %add3A_532, %select_n3A_808 : vector<16xi32>
      %get3A_810 = arith.constant 192 : index
      %get3A_811 = tpu.vector_load %arg5[%get3A_810] {strides = array<i32>} : memref<512xf32, #tpu.memory_space<vmem>>, vector<16xf32>,
      %get3A_812 = vector.shape_cast %get3A_811 : vector<16xf32> to vector<16xf32>
      %add3A_813 = arith.constant 192 : i32
      %add3A_814 = arith.addi %add3A_813, %add3A_604 : i32
      %get3A_815 = arith.index_cast %add3A_814 : i32 to index
      %get3A_816 = tpu.vector_load %arg5[%get3A_815] {strides = array<i32>} : memref<512xf32, #tpu.memory_space<vmem>>, vector<16xf32>,
      %get3A_817 = vector.shape_cast %get3A_816 : vector<16xf32> to vector<16xf32>
      %broadcast_in_dim3A_818 = arith.constant 64 : i32
      %broadcast_in_dim3A_819 = vector.broadcast %broadcast_in_dim3A_818 : i32 to vector<16xi32>
      %sub3A_820 = arith.subi %broadcast_in_dim3A_819, %iota3A : vector<16xi32>
      %ge3A_821 = arith.cmpi sge, %broadcast_in_dim3A_605, %sub3A_820 : vector<16xi32>
      %ge3A_822 = arith.cmpf oge, %get3A_817, %get3A_812 : vector<16xf32>
      %gt3A_823 = arith.cmpf ogt, %get3A_817, %get3A_812 : vector<16xf32>
      %select_n3A_824 = arith.select %ge3A_821, %ge3A_822, %gt3A_823 : vector<16xi1>, vector<16xi1>
      %select_n3A_825 = arith.select %select_n3A_824, %broadcast_in_dim3A_1, %broadcast_in_dim3A_3 : vector<16xi1>, vector<16xi32>
      %add3A_826 = arith.addi %add3A_549, %select_n3A_825 : vector<16xi32>
      %get3A_827 = arith.constant 208 : index
      %get3A_828 = tpu.vector_load %arg5[%get3A_827] {strides = array<i32>} : memref<512xf32, #tpu.memory_space<vmem>>, vector<16xf32>,
      %get3A_829 = vector.shape_cast %get3A_828 : vector<16xf32> to vector<16xf32>
      %add3A_830 = arith.constant 208 : i32
      %add3A_831 = arith.addi %add3A_830, %add3A_604 : i32
      %get3A_832 = arith.index_cast %add3A_831 : i32 to index
      %get3A_833 = tpu.vector_load %arg5[%get3A_832] {strides = array<i32>} : memref<512xf32, #tpu.memory_space<vmem>>, vector<16xf32>,
      %get3A_834 = vector.shape_cast %get3A_833 : vector<16xf32> to vector<16xf32>
      %broadcast_in_dim3A_835 = arith.constant 48 : i32
      %broadcast_in_dim3A_836 = vector.broadcast %broadcast_in_dim3A_835 : i32 to vector<16xi32>
      %sub3A_837 = arith.subi %broadcast_in_dim3A_836, %iota3A : vector<16xi32>
      %ge3A_838 = arith.cmpi sge, %broadcast_in_dim3A_605, %sub3A_837 : vector<16xi32>
      %ge3A_839 = arith.cmpf oge, %get3A_834, %get3A_829 : vector<16xf32>
      %gt3A_840 = arith.cmpf ogt, %get3A_834, %get3A_829 : vector<16xf32>
      %select_n3A_841 = arith.select %ge3A_838, %ge3A_839, %gt3A_840 : vector<16xi1>, vector<16xi1>
      %select_n3A_842 = arith.select %select_n3A_841, %broadcast_in_dim3A_1, %broadcast_in_dim3A_3 : vector<16xi1>, vector<16xi32>
      %add3A_843 = arith.addi %add3A_566, %select_n3A_842 : vector<16xi32>
      %get3A_844 = arith.constant 224 : index
      %get3A_845 = tpu.vector_load %arg5[%get3A_844] {strides = array<i32>} : memref<512xf32, #tpu.memory_space<vmem>>, vector<16xf32>,
      %get3A_846 = vector.shape_cast %get3A_845 : vector<16xf32> to vector<16xf32>
      %add3A_847 = arith.constant 224 : i32
      %add3A_848 = arith.addi %add3A_847, %add3A_604 : i32
      %get3A_849 = arith.index_cast %add3A_848 : i32 to index
      %get3A_850 = tpu.vector_load %arg5[%get3A_849] {strides = array<i32>} : memref<512xf32, #tpu.memory_space<vmem>>, vector<16xf32>,
      %get3A_851 = vector.shape_cast %get3A_850 : vector<16xf32> to vector<16xf32>
      %broadcast_in_dim3A_852 = arith.constant 32 : i32
      %broadcast_in_dim3A_853 = vector.broadcast %broadcast_in_dim3A_852 : i32 to vector<16xi32>
      %sub3A_854 = arith.subi %broadcast_in_dim3A_853, %iota3A : vector<16xi32>
      %ge3A_855 = arith.cmpi sge, %broadcast_in_dim3A_605, %sub3A_854 : vector<16xi32>
      %ge3A_856 = arith.cmpf oge, %get3A_851, %get3A_846 : vector<16xf32>
      %gt3A_857 = arith.cmpf ogt, %get3A_851, %get3A_846 : vector<16xf32>
      %select_n3A_858 = arith.select %ge3A_855, %ge3A_856, %gt3A_857 : vector<16xi1>, vector<16xi1>
      %select_n3A_859 = arith.select %select_n3A_858, %broadcast_in_dim3A_1, %broadcast_in_dim3A_3 : vector<16xi1>, vector<16xi32>
      %add3A_860 = arith.addi %add3A_583, %select_n3A_859 : vector<16xi32>
      %get3A_861 = arith.constant 240 : index
      %get3A_862 = tpu.vector_load %arg5[%get3A_861] {strides = array<i32>} : memref<512xf32, #tpu.memory_space<vmem>>, vector<16xf32>,
      %get3A_863 = vector.shape_cast %get3A_862 : vector<16xf32> to vector<16xf32>
      %add3A_864 = arith.constant 240 : i32
      %add3A_865 = arith.addi %add3A_864, %add3A_604 : i32
      %get3A_866 = arith.index_cast %add3A_865 : i32 to index
      %get3A_867 = tpu.vector_load %arg5[%get3A_866] {strides = array<i32>} : memref<512xf32, #tpu.memory_space<vmem>>, vector<16xf32>,
      %get3A_868 = vector.shape_cast %get3A_867 : vector<16xf32> to vector<16xf32>
      %broadcast_in_dim3A_869 = arith.constant 16 : i32
      %broadcast_in_dim3A_870 = vector.broadcast %broadcast_in_dim3A_869 : i32 to vector<16xi32>
      %sub3A_871 = arith.subi %broadcast_in_dim3A_870, %iota3A : vector<16xi32>
      %ge3A_872 = arith.cmpi sge, %broadcast_in_dim3A_605, %sub3A_871 : vector<16xi32>
      %ge3A_873 = arith.cmpf oge, %get3A_868, %get3A_863 : vector<16xf32>
      %gt3A_874 = arith.cmpf ogt, %get3A_868, %get3A_863 : vector<16xf32>
      %select_n3A_875 = arith.select %ge3A_872, %ge3A_873, %gt3A_874 : vector<16xi1>, vector<16xi1>
      %select_n3A_876 = arith.select %select_n3A_875, %broadcast_in_dim3A_1, %broadcast_in_dim3A_3 : vector<16xi1>, vector<16xi32>
      %add3A_877 = arith.addi %add3A_600, %select_n3A_876 : vector<16xi32>
      %mul3A_878 = arith.constant 8 : i32
      %mul3A_879 = arith.muli %scan3A_310, %mul3A_878 : i32
      %add3A_880 = arith.constant 2 : i32
      %add3A_881 = arith.addi %mul3A_879, %add3A_880 : i32
      %broadcast_in_dim3A_882 = vector.broadcast %add3A_881 : i32 to vector<16xi32>
      %get3A_883 = arith.constant 0 : index
      %get3A_884 = tpu.vector_load %arg5[%get3A_883] {strides = array<i32>} : memref<512xf32, #tpu.memory_space<vmem>>, vector<16xf32>,
      %get3A_885 = vector.shape_cast %get3A_884 : vector<16xf32> to vector<16xf32>
      %add3A_886 = arith.constant 0 : i32
      %add3A_887 = arith.addi %add3A_886, %add3A_881 : i32
      %get3A_888 = arith.index_cast %add3A_887 : i32 to index
      %get3A_889 = tpu.vector_load %arg5[%get3A_888] {strides = array<i32>} : memref<512xf32, #tpu.memory_space<vmem>>, vector<16xf32>,
      %get3A_890 = vector.shape_cast %get3A_889 : vector<16xf32> to vector<16xf32>
      %broadcast_in_dim3A_891 = arith.constant 256 : i32
      %broadcast_in_dim3A_892 = vector.broadcast %broadcast_in_dim3A_891 : i32 to vector<16xi32>
      %sub3A_893 = arith.subi %broadcast_in_dim3A_892, %iota3A : vector<16xi32>
      %ge3A_894 = arith.cmpi sge, %broadcast_in_dim3A_882, %sub3A_893 : vector<16xi32>
      %ge3A_895 = arith.cmpf oge, %get3A_890, %get3A_885 : vector<16xf32>
      %gt3A_896 = arith.cmpf ogt, %get3A_890, %get3A_885 : vector<16xf32>
      %select_n3A_897 = arith.select %ge3A_894, %ge3A_895, %gt3A_896 : vector<16xi1>, vector<16xi1>
      %select_n3A_898 = arith.select %select_n3A_897, %broadcast_in_dim3A_1, %broadcast_in_dim3A_3 : vector<16xi1>, vector<16xi32>
      %add3A_899 = arith.addi %add3A_622, %select_n3A_898 : vector<16xi32>
      %get3A_900 = arith.constant 16 : index
      %get3A_901 = tpu.vector_load %arg5[%get3A_900] {strides = array<i32>} : memref<512xf32, #tpu.memory_space<vmem>>, vector<16xf32>,
      %get3A_902 = vector.shape_cast %get3A_901 : vector<16xf32> to vector<16xf32>
      %add3A_903 = arith.constant 16 : i32
      %add3A_904 = arith.addi %add3A_903, %add3A_881 : i32
      %get3A_905 = arith.index_cast %add3A_904 : i32 to index
      %get3A_906 = tpu.vector_load %arg5[%get3A_905] {strides = array<i32>} : memref<512xf32, #tpu.memory_space<vmem>>, vector<16xf32>,
      %get3A_907 = vector.shape_cast %get3A_906 : vector<16xf32> to vector<16xf32>
      %broadcast_in_dim3A_908 = arith.constant 240 : i32
      %broadcast_in_dim3A_909 = vector.broadcast %broadcast_in_dim3A_908 : i32 to vector<16xi32>
      %sub3A_910 = arith.subi %broadcast_in_dim3A_909, %iota3A : vector<16xi32>
      %ge3A_911 = arith.cmpi sge, %broadcast_in_dim3A_882, %sub3A_910 : vector<16xi32>
      %ge3A_912 = arith.cmpf oge, %get3A_907, %get3A_902 : vector<16xf32>
      %gt3A_913 = arith.cmpf ogt, %get3A_907, %get3A_902 : vector<16xf32>
      %select_n3A_914 = arith.select %ge3A_911, %ge3A_912, %gt3A_913 : vector<16xi1>, vector<16xi1>
      %select_n3A_915 = arith.select %select_n3A_914, %broadcast_in_dim3A_1, %broadcast_in_dim3A_3 : vector<16xi1>, vector<16xi32>
      %add3A_916 = arith.addi %add3A_639, %select_n3A_915 : vector<16xi32>
      %get3A_917 = arith.constant 32 : index
      %get3A_918 = tpu.vector_load %arg5[%get3A_917] {strides = array<i32>} : memref<512xf32, #tpu.memory_space<vmem>>, vector<16xf32>,
      %get3A_919 = vector.shape_cast %get3A_918 : vector<16xf32> to vector<16xf32>
      %add3A_920 = arith.constant 32 : i32
      %add3A_921 = arith.addi %add3A_920, %add3A_881 : i32
      %get3A_922 = arith.index_cast %add3A_921 : i32 to index
      %get3A_923 = tpu.vector_load %arg5[%get3A_922] {strides = array<i32>} : memref<512xf32, #tpu.memory_space<vmem>>, vector<16xf32>,
      %get3A_924 = vector.shape_cast %get3A_923 : vector<16xf32> to vector<16xf32>
      %broadcast_in_dim3A_925 = arith.constant 224 : i32
      %broadcast_in_dim3A_926 = vector.broadcast %broadcast_in_dim3A_925 : i32 to vector<16xi32>
      %sub3A_927 = arith.subi %broadcast_in_dim3A_926, %iota3A : vector<16xi32>
      %ge3A_928 = arith.cmpi sge, %broadcast_in_dim3A_882, %sub3A_927 : vector<16xi32>
      %ge3A_929 = arith.cmpf oge, %get3A_924, %get3A_919 : vector<16xf32>
      %gt3A_930 = arith.cmpf ogt, %get3A_924, %get3A_919 : vector<16xf32>
      %select_n3A_931 = arith.select %ge3A_928, %ge3A_929, %gt3A_930 : vector<16xi1>, vector<16xi1>
      %select_n3A_932 = arith.select %select_n3A_931, %broadcast_in_dim3A_1, %broadcast_in_dim3A_3 : vector<16xi1>, vector<16xi32>
      %add3A_933 = arith.addi %add3A_656, %select_n3A_932 : vector<16xi32>
      %get3A_934 = arith.constant 48 : index
      %get3A_935 = tpu.vector_load %arg5[%get3A_934] {strides = array<i32>} : memref<512xf32, #tpu.memory_space<vmem>>, vector<16xf32>,
      %get3A_936 = vector.shape_cast %get3A_935 : vector<16xf32> to vector<16xf32>
      %add3A_937 = arith.constant 48 : i32
      %add3A_938 = arith.addi %add3A_937, %add3A_881 : i32
      %get3A_939 = arith.index_cast %add3A_938 : i32 to index
      %get3A_940 = tpu.vector_load %arg5[%get3A_939] {strides = array<i32>} : memref<512xf32, #tpu.memory_space<vmem>>, vector<16xf32>,
      %get3A_941 = vector.shape_cast %get3A_940 : vector<16xf32> to vector<16xf32>
      %broadcast_in_dim3A_942 = arith.constant 208 : i32
      %broadcast_in_dim3A_943 = vector.broadcast %broadcast_in_dim3A_942 : i32 to vector<16xi32>
      %sub3A_944 = arith.subi %broadcast_in_dim3A_943, %iota3A : vector<16xi32>
      %ge3A_945 = arith.cmpi sge, %broadcast_in_dim3A_882, %sub3A_944 : vector<16xi32>
      %ge3A_946 = arith.cmpf oge, %get3A_941, %get3A_936 : vector<16xf32>
      %gt3A_947 = arith.cmpf ogt, %get3A_941, %get3A_936 : vector<16xf32>
      %select_n3A_948 = arith.select %ge3A_945, %ge3A_946, %gt3A_947 : vector<16xi1>, vector<16xi1>
      %select_n3A_949 = arith.select %select_n3A_948, %broadcast_in_dim3A_1, %broadcast_in_dim3A_3 : vector<16xi1>, vector<16xi32>
      %add3A_950 = arith.addi %add3A_673, %select_n3A_949 : vector<16xi32>
      %get3A_951 = arith.constant 64 : index
      %get3A_952 = tpu.vector_load %arg5[%get3A_951] {strides = array<i32>} : memref<512xf32, #tpu.memory_space<vmem>>, vector<16xf32>,
      %get3A_953 = vector.shape_cast %get3A_952 : vector<16xf32> to vector<16xf32>
      %add3A_954 = arith.constant 64 : i32
      %add3A_955 = arith.addi %add3A_954, %add3A_881 : i32
      %get3A_956 = arith.index_cast %add3A_955 : i32 to index
      %get3A_957 = tpu.vector_load %arg5[%get3A_956] {strides = array<i32>} : memref<512xf32, #tpu.memory_space<vmem>>, vector<16xf32>,
      %get3A_958 = vector.shape_cast %get3A_957 : vector<16xf32> to vector<16xf32>
      %broadcast_in_dim3A_959 = arith.constant 192 : i32
      %broadcast_in_dim3A_960 = vector.broadcast %broadcast_in_dim3A_959 : i32 to vector<16xi32>
      %sub3A_961 = arith.subi %broadcast_in_dim3A_960, %iota3A : vector<16xi32>
      %ge3A_962 = arith.cmpi sge, %broadcast_in_dim3A_882, %sub3A_961 : vector<16xi32>
      %ge3A_963 = arith.cmpf oge, %get3A_958, %get3A_953 : vector<16xf32>
      %gt3A_964 = arith.cmpf ogt, %get3A_958, %get3A_953 : vector<16xf32>
      %select_n3A_965 = arith.select %ge3A_962, %ge3A_963, %gt3A_964 : vector<16xi1>, vector<16xi1>
      %select_n3A_966 = arith.select %select_n3A_965, %broadcast_in_dim3A_1, %broadcast_in_dim3A_3 : vector<16xi1>, vector<16xi32>
      %add3A_967 = arith.addi %add3A_690, %select_n3A_966 : vector<16xi32>
      %get3A_968 = arith.constant 80 : index
      %get3A_969 = tpu.vector_load %arg5[%get3A_968] {strides = array<i32>} : memref<512xf32, #tpu.memory_space<vmem>>, vector<16xf32>,
      %get3A_970 = vector.shape_cast %get3A_969 : vector<16xf32> to vector<16xf32>
      %add3A_971 = arith.constant 80 : i32
      %add3A_972 = arith.addi %add3A_971, %add3A_881 : i32
      %get3A_973 = arith.index_cast %add3A_972 : i32 to index
      %get3A_974 = tpu.vector_load %arg5[%get3A_973] {strides = array<i32>} : memref<512xf32, #tpu.memory_space<vmem>>, vector<16xf32>,
      %get3A_975 = vector.shape_cast %get3A_974 : vector<16xf32> to vector<16xf32>
      %broadcast_in_dim3A_976 = arith.constant 176 : i32
      %broadcast_in_dim3A_977 = vector.broadcast %broadcast_in_dim3A_976 : i32 to vector<16xi32>
      %sub3A_978 = arith.subi %broadcast_in_dim3A_977, %iota3A : vector<16xi32>
      %ge3A_979 = arith.cmpi sge, %broadcast_in_dim3A_882, %sub3A_978 : vector<16xi32>
      %ge3A_980 = arith.cmpf oge, %get3A_975, %get3A_970 : vector<16xf32>
      %gt3A_981 = arith.cmpf ogt, %get3A_975, %get3A_970 : vector<16xf32>
      %select_n3A_982 = arith.select %ge3A_979, %ge3A_980, %gt3A_981 : vector<16xi1>, vector<16xi1>
      %select_n3A_983 = arith.select %select_n3A_982, %broadcast_in_dim3A_1, %broadcast_in_dim3A_3 : vector<16xi1>, vector<16xi32>
      %add3A_984 = arith.addi %add3A_707, %select_n3A_983 : vector<16xi32>
      %get3A_985 = arith.constant 96 : index
      %get3A_986 = tpu.vector_load %arg5[%get3A_985] {strides = array<i32>} : memref<512xf32, #tpu.memory_space<vmem>>, vector<16xf32>,
      %get3A_987 = vector.shape_cast %get3A_986 : vector<16xf32> to vector<16xf32>
      %add3A_988 = arith.constant 96 : i32
      %add3A_989 = arith.addi %add3A_988, %add3A_881 : i32
      %get3A_990 = arith.index_cast %add3A_989 : i32 to index
      %get3A_991 = tpu.vector_load %arg5[%get3A_990] {strides = array<i32>} : memref<512xf32, #tpu.memory_space<vmem>>, vector<16xf32>,
      %get3A_992 = vector.shape_cast %get3A_991 : vector<16xf32> to vector<16xf32>
      %broadcast_in_dim3A_993 = arith.constant 160 : i32
      %broadcast_in_dim3A_994 = vector.broadcast %broadcast_in_dim3A_993 : i32 to vector<16xi32>
      %sub3A_995 = arith.subi %broadcast_in_dim3A_994, %iota3A : vector<16xi32>
      %ge3A_996 = arith.cmpi sge, %broadcast_in_dim3A_882, %sub3A_995 : vector<16xi32>
      %ge3A_997 = arith.cmpf oge, %get3A_992, %get3A_987 : vector<16xf32>
      %gt3A_998 = arith.cmpf ogt, %get3A_992, %get3A_987 : vector<16xf32>
      %select_n3A_999 = arith.select %ge3A_996, %ge3A_997, %gt3A_998 : vector<16xi1>, vector<16xi1>
      %select_n3A_1000 = arith.select %select_n3A_999, %broadcast_in_dim3A_1, %broadcast_in_dim3A_3 : vector<16xi1>, vector<16xi32>
      %add3A_1001 = arith.addi %add3A_724, %select_n3A_1000 : vector<16xi32>
      %get3A_1002 = arith.constant 112 : index
      %get3A_1003 = tpu.vector_load %arg5[%get3A_1002] {strides = array<i32>} : memref<512xf32, #tpu.memory_space<vmem>>, vector<16xf32>,
      %get3A_1004 = vector.shape_cast %get3A_1003 : vector<16xf32> to vector<16xf32>
      %add3A_1005 = arith.constant 112 : i32
      %add3A_1006 = arith.addi %add3A_1005, %add3A_881 : i32
      %get3A_1007 = arith.index_cast %add3A_1006 : i32 to index
      %get3A_1008 = tpu.vector_load %arg5[%get3A_1007] {strides = array<i32>} : memref<512xf32, #tpu.memory_space<vmem>>, vector<16xf32>,
      %get3A_1009 = vector.shape_cast %get3A_1008 : vector<16xf32> to vector<16xf32>
      %broadcast_in_dim3A_1010 = arith.constant 144 : i32
      %broadcast_in_dim3A_1011 = vector.broadcast %broadcast_in_dim3A_1010 : i32 to vector<16xi32>
      %sub3A_1012 = arith.subi %broadcast_in_dim3A_1011, %iota3A : vector<16xi32>
      %ge3A_1013 = arith.cmpi sge, %broadcast_in_dim3A_882, %sub3A_1012 : vector<16xi32>
      %ge3A_1014 = arith.cmpf oge, %get3A_1009, %get3A_1004 : vector<16xf32>
      %gt3A_1015 = arith.cmpf ogt, %get3A_1009, %get3A_1004 : vector<16xf32>
      %select_n3A_1016 = arith.select %ge3A_1013, %ge3A_1014, %gt3A_1015 : vector<16xi1>, vector<16xi1>
      %select_n3A_1017 = arith.select %select_n3A_1016, %broadcast_in_dim3A_1, %broadcast_in_dim3A_3 : vector<16xi1>, vector<16xi32>
      %add3A_1018 = arith.addi %add3A_741, %select_n3A_1017 : vector<16xi32>
      %get3A_1019 = arith.constant 128 : index
      %get3A_1020 = tpu.vector_load %arg5[%get3A_1019] {strides = array<i32>} : memref<512xf32, #tpu.memory_space<vmem>>, vector<16xf32>,
      %get3A_1021 = vector.shape_cast %get3A_1020 : vector<16xf32> to vector<16xf32>
      %add3A_1022 = arith.constant 128 : i32
      %add3A_1023 = arith.addi %add3A_1022, %add3A_881 : i32
      %get3A_1024 = arith.index_cast %add3A_1023 : i32 to index
      %get3A_1025 = tpu.vector_load %arg5[%get3A_1024] {strides = array<i32>} : memref<512xf32, #tpu.memory_space<vmem>>, vector<16xf32>,
      %get3A_1026 = vector.shape_cast %get3A_1025 : vector<16xf32> to vector<16xf32>
      %broadcast_in_dim3A_1027 = arith.constant 128 : i32
      %broadcast_in_dim3A_1028 = vector.broadcast %broadcast_in_dim3A_1027 : i32 to vector<16xi32>
      %sub3A_1029 = arith.subi %broadcast_in_dim3A_1028, %iota3A : vector<16xi32>
      %ge3A_1030 = arith.cmpi sge, %broadcast_in_dim3A_882, %sub3A_1029 : vector<16xi32>
      %ge3A_1031 = arith.cmpf oge, %get3A_1026, %get3A_1021 : vector<16xf32>
      %gt3A_1032 = arith.cmpf ogt, %get3A_1026, %get3A_1021 : vector<16xf32>
      %select_n3A_1033 = arith.select %ge3A_1030, %ge3A_1031, %gt3A_1032 : vector<16xi1>, vector<16xi1>
      %select_n3A_1034 = arith.select %select_n3A_1033, %broadcast_in_dim3A_1, %broadcast_in_dim3A_3 : vector<16xi1>, vector<16xi32>
      %add3A_1035 = arith.addi %add3A_758, %select_n3A_1034 : vector<16xi32>
      %get3A_1036 = arith.constant 144 : index
      %get3A_1037 = tpu.vector_load %arg5[%get3A_1036] {strides = array<i32>} : memref<512xf32, #tpu.memory_space<vmem>>, vector<16xf32>,
      %get3A_1038 = vector.shape_cast %get3A_1037 : vector<16xf32> to vector<16xf32>
      %add3A_1039 = arith.constant 144 : i32
      %add3A_1040 = arith.addi %add3A_1039, %add3A_881 : i32
      %get3A_1041 = arith.index_cast %add3A_1040 : i32 to index
      %get3A_1042 = tpu.vector_load %arg5[%get3A_1041] {strides = array<i32>} : memref<512xf32, #tpu.memory_space<vmem>>, vector<16xf32>,
      %get3A_1043 = vector.shape_cast %get3A_1042 : vector<16xf32> to vector<16xf32>
      %broadcast_in_dim3A_1044 = arith.constant 112 : i32
      %broadcast_in_dim3A_1045 = vector.broadcast %broadcast_in_dim3A_1044 : i32 to vector<16xi32>
      %sub3A_1046 = arith.subi %broadcast_in_dim3A_1045, %iota3A : vector<16xi32>
      %ge3A_1047 = arith.cmpi sge, %broadcast_in_dim3A_882, %sub3A_1046 : vector<16xi32>
      %ge3A_1048 = arith.cmpf oge, %get3A_1043, %get3A_1038 : vector<16xf32>
      %gt3A_1049 = arith.cmpf ogt, %get3A_1043, %get3A_1038 : vector<16xf32>
      %select_n3A_1050 = arith.select %ge3A_1047, %ge3A_1048, %gt3A_1049 : vector<16xi1>, vector<16xi1>
      %select_n3A_1051 = arith.select %select_n3A_1050, %broadcast_in_dim3A_1, %broadcast_in_dim3A_3 : vector<16xi1>, vector<16xi32>
      %add3A_1052 = arith.addi %add3A_775, %select_n3A_1051 : vector<16xi32>
      %get3A_1053 = arith.constant 160 : index
      %get3A_1054 = tpu.vector_load %arg5[%get3A_1053] {strides = array<i32>} : memref<512xf32, #tpu.memory_space<vmem>>, vector<16xf32>,
      %get3A_1055 = vector.shape_cast %get3A_1054 : vector<16xf32> to vector<16xf32>
      %add3A_1056 = arith.constant 160 : i32
      %add3A_1057 = arith.addi %add3A_1056, %add3A_881 : i32
      %get3A_1058 = arith.index_cast %add3A_1057 : i32 to index
      %get3A_1059 = tpu.vector_load %arg5[%get3A_1058] {strides = array<i32>} : memref<512xf32, #tpu.memory_space<vmem>>, vector<16xf32>,
      %get3A_1060 = vector.shape_cast %get3A_1059 : vector<16xf32> to vector<16xf32>
      %broadcast_in_dim3A_1061 = arith.constant 96 : i32
      %broadcast_in_dim3A_1062 = vector.broadcast %broadcast_in_dim3A_1061 : i32 to vector<16xi32>
      %sub3A_1063 = arith.subi %broadcast_in_dim3A_1062, %iota3A : vector<16xi32>
      %ge3A_1064 = arith.cmpi sge, %broadcast_in_dim3A_882, %sub3A_1063 : vector<16xi32>
      %ge3A_1065 = arith.cmpf oge, %get3A_1060, %get3A_1055 : vector<16xf32>
      %gt3A_1066 = arith.cmpf ogt, %get3A_1060, %get3A_1055 : vector<16xf32>
      %select_n3A_1067 = arith.select %ge3A_1064, %ge3A_1065, %gt3A_1066 : vector<16xi1>, vector<16xi1>
      %select_n3A_1068 = arith.select %select_n3A_1067, %broadcast_in_dim3A_1, %broadcast_in_dim3A_3 : vector<16xi1>, vector<16xi32>
      %add3A_1069 = arith.addi %add3A_792, %select_n3A_1068 : vector<16xi32>
      %get3A_1070 = arith.constant 176 : index
      %get3A_1071 = tpu.vector_load %arg5[%get3A_1070] {strides = array<i32>} : memref<512xf32, #tpu.memory_space<vmem>>, vector<16xf32>,
      %get3A_1072 = vector.shape_cast %get3A_1071 : vector<16xf32> to vector<16xf32>
      %add3A_1073 = arith.constant 176 : i32
      %add3A_1074 = arith.addi %add3A_1073, %add3A_881 : i32
      %get3A_1075 = arith.index_cast %add3A_1074 : i32 to index
      %get3A_1076 = tpu.vector_load %arg5[%get3A_1075] {strides = array<i32>} : memref<512xf32, #tpu.memory_space<vmem>>, vector<16xf32>,
      %get3A_1077 = vector.shape_cast %get3A_1076 : vector<16xf32> to vector<16xf32>
      %broadcast_in_dim3A_1078 = arith.constant 80 : i32
      %broadcast_in_dim3A_1079 = vector.broadcast %broadcast_in_dim3A_1078 : i32 to vector<16xi32>
      %sub3A_1080 = arith.subi %broadcast_in_dim3A_1079, %iota3A : vector<16xi32>
      %ge3A_1081 = arith.cmpi sge, %broadcast_in_dim3A_882, %sub3A_1080 : vector<16xi32>
      %ge3A_1082 = arith.cmpf oge, %get3A_1077, %get3A_1072 : vector<16xf32>
      %gt3A_1083 = arith.cmpf ogt, %get3A_1077, %get3A_1072 : vector<16xf32>
      %select_n3A_1084 = arith.select %ge3A_1081, %ge3A_1082, %gt3A_1083 : vector<16xi1>, vector<16xi1>
      %select_n3A_1085 = arith.select %select_n3A_1084, %broadcast_in_dim3A_1, %broadcast_in_dim3A_3 : vector<16xi1>, vector<16xi32>
      %add3A_1086 = arith.addi %add3A_809, %select_n3A_1085 : vector<16xi32>
      %get3A_1087 = arith.constant 192 : index
      %get3A_1088 = tpu.vector_load %arg5[%get3A_1087] {strides = array<i32>} : memref<512xf32, #tpu.memory_space<vmem>>, vector<16xf32>,
      %get3A_1089 = vector.shape_cast %get3A_1088 : vector<16xf32> to vector<16xf32>
      %add3A_1090 = arith.constant 192 : i32
      %add3A_1091 = arith.addi %add3A_1090, %add3A_881 : i32
      %get3A_1092 = arith.index_cast %add3A_1091 : i32 to index
      %get3A_1093 = tpu.vector_load %arg5[%get3A_1092] {strides = array<i32>} : memref<512xf32, #tpu.memory_space<vmem>>, vector<16xf32>,
      %get3A_1094 = vector.shape_cast %get3A_1093 : vector<16xf32> to vector<16xf32>
      %broadcast_in_dim3A_1095 = arith.constant 64 : i32
      %broadcast_in_dim3A_1096 = vector.broadcast %broadcast_in_dim3A_1095 : i32 to vector<16xi32>
      %sub3A_1097 = arith.subi %broadcast_in_dim3A_1096, %iota3A : vector<16xi32>
      %ge3A_1098 = arith.cmpi sge, %broadcast_in_dim3A_882, %sub3A_1097 : vector<16xi32>
      %ge3A_1099 = arith.cmpf oge, %get3A_1094, %get3A_1089 : vector<16xf32>
      %gt3A_1100 = arith.cmpf ogt, %get3A_1094, %get3A_1089 : vector<16xf32>
      %select_n3A_1101 = arith.select %ge3A_1098, %ge3A_1099, %gt3A_1100 : vector<16xi1>, vector<16xi1>
      %select_n3A_1102 = arith.select %select_n3A_1101, %broadcast_in_dim3A_1, %broadcast_in_dim3A_3 : vector<16xi1>, vector<16xi32>
      %add3A_1103 = arith.addi %add3A_826, %select_n3A_1102 : vector<16xi32>
      %get3A_1104 = arith.constant 208 : index
      %get3A_1105 = tpu.vector_load %arg5[%get3A_1104] {strides = array<i32>} : memref<512xf32, #tpu.memory_space<vmem>>, vector<16xf32>,
      %get3A_1106 = vector.shape_cast %get3A_1105 : vector<16xf32> to vector<16xf32>
      %add3A_1107 = arith.constant 208 : i32
      %add3A_1108 = arith.addi %add3A_1107, %add3A_881 : i32
      %get3A_1109 = arith.index_cast %add3A_1108 : i32 to index
      %get3A_1110 = tpu.vector_load %arg5[%get3A_1109] {strides = array<i32>} : memref<512xf32, #tpu.memory_space<vmem>>, vector<16xf32>,
      %get3A_1111 = vector.shape_cast %get3A_1110 : vector<16xf32> to vector<16xf32>
      %broadcast_in_dim3A_1112 = arith.constant 48 : i32
      %broadcast_in_dim3A_1113 = vector.broadcast %broadcast_in_dim3A_1112 : i32 to vector<16xi32>
      %sub3A_1114 = arith.subi %broadcast_in_dim3A_1113, %iota3A : vector<16xi32>
      %ge3A_1115 = arith.cmpi sge, %broadcast_in_dim3A_882, %sub3A_1114 : vector<16xi32>
      %ge3A_1116 = arith.cmpf oge, %get3A_1111, %get3A_1106 : vector<16xf32>
      %gt3A_1117 = arith.cmpf ogt, %get3A_1111, %get3A_1106 : vector<16xf32>
      %select_n3A_1118 = arith.select %ge3A_1115, %ge3A_1116, %gt3A_1117 : vector<16xi1>, vector<16xi1>
      %select_n3A_1119 = arith.select %select_n3A_1118, %broadcast_in_dim3A_1, %broadcast_in_dim3A_3 : vector<16xi1>, vector<16xi32>
      %add3A_1120 = arith.addi %add3A_843, %select_n3A_1119 : vector<16xi32>
      %get3A_1121 = arith.constant 224 : index
      %get3A_1122 = tpu.vector_load %arg5[%get3A_1121] {strides = array<i32>} : memref<512xf32, #tpu.memory_space<vmem>>, vector<16xf32>,
      %get3A_1123 = vector.shape_cast %get3A_1122 : vector<16xf32> to vector<16xf32>
      %add3A_1124 = arith.constant 224 : i32
      %add3A_1125 = arith.addi %add3A_1124, %add3A_881 : i32
      %get3A_1126 = arith.index_cast %add3A_1125 : i32 to index
      %get3A_1127 = tpu.vector_load %arg5[%get3A_1126] {strides = array<i32>} : memref<512xf32, #tpu.memory_space<vmem>>, vector<16xf32>,
      %get3A_1128 = vector.shape_cast %get3A_1127 : vector<16xf32> to vector<16xf32>
      %broadcast_in_dim3A_1129 = arith.constant 32 : i32
      %broadcast_in_dim3A_1130 = vector.broadcast %broadcast_in_dim3A_1129 : i32 to vector<16xi32>
      %sub3A_1131 = arith.subi %broadcast_in_dim3A_1130, %iota3A : vector<16xi32>
      %ge3A_1132 = arith.cmpi sge, %broadcast_in_dim3A_882, %sub3A_1131 : vector<16xi32>
      %ge3A_1133 = arith.cmpf oge, %get3A_1128, %get3A_1123 : vector<16xf32>
      %gt3A_1134 = arith.cmpf ogt, %get3A_1128, %get3A_1123 : vector<16xf32>
      %select_n3A_1135 = arith.select %ge3A_1132, %ge3A_1133, %gt3A_1134 : vector<16xi1>, vector<16xi1>
      %select_n3A_1136 = arith.select %select_n3A_1135, %broadcast_in_dim3A_1, %broadcast_in_dim3A_3 : vector<16xi1>, vector<16xi32>
      %add3A_1137 = arith.addi %add3A_860, %select_n3A_1136 : vector<16xi32>
      %get3A_1138 = arith.constant 240 : index
      %get3A_1139 = tpu.vector_load %arg5[%get3A_1138] {strides = array<i32>} : memref<512xf32, #tpu.memory_space<vmem>>, vector<16xf32>,
      %get3A_1140 = vector.shape_cast %get3A_1139 : vector<16xf32> to vector<16xf32>
      %add3A_1141 = arith.constant 240 : i32
      %add3A_1142 = arith.addi %add3A_1141, %add3A_881 : i32
      %get3A_1143 = arith.index_cast %add3A_1142 : i32 to index
      %get3A_1144 = tpu.vector_load %arg5[%get3A_1143] {strides = array<i32>} : memref<512xf32, #tpu.memory_space<vmem>>, vector<16xf32>,
      %get3A_1145 = vector.shape_cast %get3A_1144 : vector<16xf32> to vector<16xf32>
      %broadcast_in_dim3A_1146 = arith.constant 16 : i32
      %broadcast_in_dim3A_1147 = vector.broadcast %broadcast_in_dim3A_1146 : i32 to vector<16xi32>
      %sub3A_1148 = arith.subi %broadcast_in_dim3A_1147, %iota3A : vector<16xi32>
      %ge3A_1149 = arith.cmpi sge, %broadcast_in_dim3A_882, %sub3A_1148 : vector<16xi32>
      %ge3A_1150 = arith.cmpf oge, %get3A_1145, %get3A_1140 : vector<16xf32>
      %gt3A_1151 = arith.cmpf ogt, %get3A_1145, %get3A_1140 : vector<16xf32>
      %select_n3A_1152 = arith.select %ge3A_1149, %ge3A_1150, %gt3A_1151 : vector<16xi1>, vector<16xi1>
      %select_n3A_1153 = arith.select %select_n3A_1152, %broadcast_in_dim3A_1, %broadcast_in_dim3A_3 : vector<16xi1>, vector<16xi32>
      %add3A_1154 = arith.addi %add3A_877, %select_n3A_1153 : vector<16xi32>
      %mul3A_1155 = arith.constant 8 : i32
      %mul3A_1156 = arith.muli %scan3A_310, %mul3A_1155 : i32
      %add3A_1157 = arith.constant 3 : i32
      %add3A_1158 = arith.addi %mul3A_1156, %add3A_1157 : i32
      %broadcast_in_dim3A_1159 = vector.broadcast %add3A_1158 : i32 to vector<16xi32>
      %get3A_1160 = arith.constant 0 : index
      %get3A_1161 = tpu.vector_load %arg5[%get3A_1160] {strides = array<i32>} : memref<512xf32, #tpu.memory_space<vmem>>, vector<16xf32>,
      %get3A_1162 = vector.shape_cast %get3A_1161 : vector<16xf32> to vector<16xf32>
      %add3A_1163 = arith.constant 0 : i32
      %add3A_1164 = arith.addi %add3A_1163, %add3A_1158 : i32
      %get3A_1165 = arith.index_cast %add3A_1164 : i32 to index
      %get3A_1166 = tpu.vector_load %arg5[%get3A_1165] {strides = array<i32>} : memref<512xf32, #tpu.memory_space<vmem>>, vector<16xf32>,
      %get3A_1167 = vector.shape_cast %get3A_1166 : vector<16xf32> to vector<16xf32>
      %broadcast_in_dim3A_1168 = arith.constant 256 : i32
      %broadcast_in_dim3A_1169 = vector.broadcast %broadcast_in_dim3A_1168 : i32 to vector<16xi32>
      %sub3A_1170 = arith.subi %broadcast_in_dim3A_1169, %iota3A : vector<16xi32>
      %ge3A_1171 = arith.cmpi sge, %broadcast_in_dim3A_1159, %sub3A_1170 : vector<16xi32>
      %ge3A_1172 = arith.cmpf oge, %get3A_1167, %get3A_1162 : vector<16xf32>
      %gt3A_1173 = arith.cmpf ogt, %get3A_1167, %get3A_1162 : vector<16xf32>
      %select_n3A_1174 = arith.select %ge3A_1171, %ge3A_1172, %gt3A_1173 : vector<16xi1>, vector<16xi1>
      %select_n3A_1175 = arith.select %select_n3A_1174, %broadcast_in_dim3A_1, %broadcast_in_dim3A_3 : vector<16xi1>, vector<16xi32>
      %add3A_1176 = arith.addi %add3A_899, %select_n3A_1175 : vector<16xi32>
      %get3A_1177 = arith.constant 16 : index
      %get3A_1178 = tpu.vector_load %arg5[%get3A_1177] {strides = array<i32>} : memref<512xf32, #tpu.memory_space<vmem>>, vector<16xf32>,
      %get3A_1179 = vector.shape_cast %get3A_1178 : vector<16xf32> to vector<16xf32>
      %add3A_1180 = arith.constant 16 : i32
      %add3A_1181 = arith.addi %add3A_1180, %add3A_1158 : i32
      %get3A_1182 = arith.index_cast %add3A_1181 : i32 to index
      %get3A_1183 = tpu.vector_load %arg5[%get3A_1182] {strides = array<i32>} : memref<512xf32, #tpu.memory_space<vmem>>, vector<16xf32>,
      %get3A_1184 = vector.shape_cast %get3A_1183 : vector<16xf32> to vector<16xf32>
      %broadcast_in_dim3A_1185 = arith.constant 240 : i32
      %broadcast_in_dim3A_1186 = vector.broadcast %broadcast_in_dim3A_1185 : i32 to vector<16xi32>
      %sub3A_1187 = arith.subi %broadcast_in_dim3A_1186, %iota3A : vector<16xi32>
      %ge3A_1188 = arith.cmpi sge, %broadcast_in_dim3A_1159, %sub3A_1187 : vector<16xi32>
      %ge3A_1189 = arith.cmpf oge, %get3A_1184, %get3A_1179 : vector<16xf32>
      %gt3A_1190 = arith.cmpf ogt, %get3A_1184, %get3A_1179 : vector<16xf32>
      %select_n3A_1191 = arith.select %ge3A_1188, %ge3A_1189, %gt3A_1190 : vector<16xi1>, vector<16xi1>
      %select_n3A_1192 = arith.select %select_n3A_1191, %broadcast_in_dim3A_1, %broadcast_in_dim3A_3 : vector<16xi1>, vector<16xi32>
      %add3A_1193 = arith.addi %add3A_916, %select_n3A_1192 : vector<16xi32>
      %get3A_1194 = arith.constant 32 : index
      %get3A_1195 = tpu.vector_load %arg5[%get3A_1194] {strides = array<i32>} : memref<512xf32, #tpu.memory_space<vmem>>, vector<16xf32>,
      %get3A_1196 = vector.shape_cast %get3A_1195 : vector<16xf32> to vector<16xf32>
      %add3A_1197 = arith.constant 32 : i32
      %add3A_1198 = arith.addi %add3A_1197, %add3A_1158 : i32
      %get3A_1199 = arith.index_cast %add3A_1198 : i32 to index
      %get3A_1200 = tpu.vector_load %arg5[%get3A_1199] {strides = array<i32>} : memref<512xf32, #tpu.memory_space<vmem>>, vector<16xf32>,
      %get3A_1201 = vector.shape_cast %get3A_1200 : vector<16xf32> to vector<16xf32>
      %broadcast_in_dim3A_1202 = arith.constant 224 : i32
      %broadcast_in_dim3A_1203 = vector.broadcast %broadcast_in_dim3A_1202 : i32 to vector<16xi32>
      %sub3A_1204 = arith.subi %broadcast_in_dim3A_1203, %iota3A : vector<16xi32>
      %ge3A_1205 = arith.cmpi sge, %broadcast_in_dim3A_1159, %sub3A_1204 : vector<16xi32>
      %ge3A_1206 = arith.cmpf oge, %get3A_1201, %get3A_1196 : vector<16xf32>
      %gt3A_1207 = arith.cmpf ogt, %get3A_1201, %get3A_1196 : vector<16xf32>
      %select_n3A_1208 = arith.select %ge3A_1205, %ge3A_1206, %gt3A_1207 : vector<16xi1>, vector<16xi1>
      %select_n3A_1209 = arith.select %select_n3A_1208, %broadcast_in_dim3A_1, %broadcast_in_dim3A_3 : vector<16xi1>, vector<16xi32>
      %add3A_1210 = arith.addi %add3A_933, %select_n3A_1209 : vector<16xi32>
      %get3A_1211 = arith.constant 48 : index
      %get3A_1212 = tpu.vector_load %arg5[%get3A_1211] {strides = array<i32>} : memref<512xf32, #tpu.memory_space<vmem>>, vector<16xf32>,
      %get3A_1213 = vector.shape_cast %get3A_1212 : vector<16xf32> to vector<16xf32>
      %add3A_1214 = arith.constant 48 : i32
      %add3A_1215 = arith.addi %add3A_1214, %add3A_1158 : i32
      %get3A_1216 = arith.index_cast %add3A_1215 : i32 to index
      %get3A_1217 = tpu.vector_load %arg5[%get3A_1216] {strides = array<i32>} : memref<512xf32, #tpu.memory_space<vmem>>, vector<16xf32>,
      %get3A_1218 = vector.shape_cast %get3A_1217 : vector<16xf32> to vector<16xf32>
      %broadcast_in_dim3A_1219 = arith.constant 208 : i32
      %broadcast_in_dim3A_1220 = vector.broadcast %broadcast_in_dim3A_1219 : i32 to vector<16xi32>
      %sub3A_1221 = arith.subi %broadcast_in_dim3A_1220, %iota3A : vector<16xi32>
      %ge3A_1222 = arith.cmpi sge, %broadcast_in_dim3A_1159, %sub3A_1221 : vector<16xi32>
      %ge3A_1223 = arith.cmpf oge, %get3A_1218, %get3A_1213 : vector<16xf32>
      %gt3A_1224 = arith.cmpf ogt, %get3A_1218, %get3A_1213 : vector<16xf32>
      %select_n3A_1225 = arith.select %ge3A_1222, %ge3A_1223, %gt3A_1224 : vector<16xi1>, vector<16xi1>
      %select_n3A_1226 = arith.select %select_n3A_1225, %broadcast_in_dim3A_1, %broadcast_in_dim3A_3 : vector<16xi1>, vector<16xi32>
      %add3A_1227 = arith.addi %add3A_950, %select_n3A_1226 : vector<16xi32>
      %get3A_1228 = arith.constant 64 : index
      %get3A_1229 = tpu.vector_load %arg5[%get3A_1228] {strides = array<i32>} : memref<512xf32, #tpu.memory_space<vmem>>, vector<16xf32>,
      %get3A_1230 = vector.shape_cast %get3A_1229 : vector<16xf32> to vector<16xf32>
      %add3A_1231 = arith.constant 64 : i32
      %add3A_1232 = arith.addi %add3A_1231, %add3A_1158 : i32
      %get3A_1233 = arith.index_cast %add3A_1232 : i32 to index
      %get3A_1234 = tpu.vector_load %arg5[%get3A_1233] {strides = array<i32>} : memref<512xf32, #tpu.memory_space<vmem>>, vector<16xf32>,
      %get3A_1235 = vector.shape_cast %get3A_1234 : vector<16xf32> to vector<16xf32>
      %broadcast_in_dim3A_1236 = arith.constant 192 : i32
      %broadcast_in_dim3A_1237 = vector.broadcast %broadcast_in_dim3A_1236 : i32 to vector<16xi32>
      %sub3A_1238 = arith.subi %broadcast_in_dim3A_1237, %iota3A : vector<16xi32>
      %ge3A_1239 = arith.cmpi sge, %broadcast_in_dim3A_1159, %sub3A_1238 : vector<16xi32>
      %ge3A_1240 = arith.cmpf oge, %get3A_1235, %get3A_1230 : vector<16xf32>
      %gt3A_1241 = arith.cmpf ogt, %get3A_1235, %get3A_1230 : vector<16xf32>
      %select_n3A_1242 = arith.select %ge3A_1239, %ge3A_1240, %gt3A_1241 : vector<16xi1>, vector<16xi1>
      %select_n3A_1243 = arith.select %select_n3A_1242, %broadcast_in_dim3A_1, %broadcast_in_dim3A_3 : vector<16xi1>, vector<16xi32>
      %add3A_1244 = arith.addi %add3A_967, %select_n3A_1243 : vector<16xi32>
      %get3A_1245 = arith.constant 80 : index
      %get3A_1246 = tpu.vector_load %arg5[%get3A_1245] {strides = array<i32>} : memref<512xf32, #tpu.memory_space<vmem>>, vector<16xf32>,
      %get3A_1247 = vector.shape_cast %get3A_1246 : vector<16xf32> to vector<16xf32>
      %add3A_1248 = arith.constant 80 : i32
      %add3A_1249 = arith.addi %add3A_1248, %add3A_1158 : i32
      %get3A_1250 = arith.index_cast %add3A_1249 : i32 to index
      %get3A_1251 = tpu.vector_load %arg5[%get3A_1250] {strides = array<i32>} : memref<512xf32, #tpu.memory_space<vmem>>, vector<16xf32>,
      %get3A_1252 = vector.shape_cast %get3A_1251 : vector<16xf32> to vector<16xf32>
      %broadcast_in_dim3A_1253 = arith.constant 176 : i32
      %broadcast_in_dim3A_1254 = vector.broadcast %broadcast_in_dim3A_1253 : i32 to vector<16xi32>
      %sub3A_1255 = arith.subi %broadcast_in_dim3A_1254, %iota3A : vector<16xi32>
      %ge3A_1256 = arith.cmpi sge, %broadcast_in_dim3A_1159, %sub3A_1255 : vector<16xi32>
      %ge3A_1257 = arith.cmpf oge, %get3A_1252, %get3A_1247 : vector<16xf32>
      %gt3A_1258 = arith.cmpf ogt, %get3A_1252, %get3A_1247 : vector<16xf32>
      %select_n3A_1259 = arith.select %ge3A_1256, %ge3A_1257, %gt3A_1258 : vector<16xi1>, vector<16xi1>
      %select_n3A_1260 = arith.select %select_n3A_1259, %broadcast_in_dim3A_1, %broadcast_in_dim3A_3 : vector<16xi1>, vector<16xi32>
      %add3A_1261 = arith.addi %add3A_984, %select_n3A_1260 : vector<16xi32>
      %get3A_1262 = arith.constant 96 : index
      %get3A_1263 = tpu.vector_load %arg5[%get3A_1262] {strides = array<i32>} : memref<512xf32, #tpu.memory_space<vmem>>, vector<16xf32>,
      %get3A_1264 = vector.shape_cast %get3A_1263 : vector<16xf32> to vector<16xf32>
      %add3A_1265 = arith.constant 96 : i32
      %add3A_1266 = arith.addi %add3A_1265, %add3A_1158 : i32
      %get3A_1267 = arith.index_cast %add3A_1266 : i32 to index
      %get3A_1268 = tpu.vector_load %arg5[%get3A_1267] {strides = array<i32>} : memref<512xf32, #tpu.memory_space<vmem>>, vector<16xf32>,
      %get3A_1269 = vector.shape_cast %get3A_1268 : vector<16xf32> to vector<16xf32>
      %broadcast_in_dim3A_1270 = arith.constant 160 : i32
      %broadcast_in_dim3A_1271 = vector.broadcast %broadcast_in_dim3A_1270 : i32 to vector<16xi32>
      %sub3A_1272 = arith.subi %broadcast_in_dim3A_1271, %iota3A : vector<16xi32>
      %ge3A_1273 = arith.cmpi sge, %broadcast_in_dim3A_1159, %sub3A_1272 : vector<16xi32>
      %ge3A_1274 = arith.cmpf oge, %get3A_1269, %get3A_1264 : vector<16xf32>
      %gt3A_1275 = arith.cmpf ogt, %get3A_1269, %get3A_1264 : vector<16xf32>
      %select_n3A_1276 = arith.select %ge3A_1273, %ge3A_1274, %gt3A_1275 : vector<16xi1>, vector<16xi1>
      %select_n3A_1277 = arith.select %select_n3A_1276, %broadcast_in_dim3A_1, %broadcast_in_dim3A_3 : vector<16xi1>, vector<16xi32>
      %add3A_1278 = arith.addi %add3A_1001, %select_n3A_1277 : vector<16xi32>
      %get3A_1279 = arith.constant 112 : index
      %get3A_1280 = tpu.vector_load %arg5[%get3A_1279] {strides = array<i32>} : memref<512xf32, #tpu.memory_space<vmem>>, vector<16xf32>,
      %get3A_1281 = vector.shape_cast %get3A_1280 : vector<16xf32> to vector<16xf32>
      %add3A_1282 = arith.constant 112 : i32
      %add3A_1283 = arith.addi %add3A_1282, %add3A_1158 : i32
      %get3A_1284 = arith.index_cast %add3A_1283 : i32 to index
      %get3A_1285 = tpu.vector_load %arg5[%get3A_1284] {strides = array<i32>} : memref<512xf32, #tpu.memory_space<vmem>>, vector<16xf32>,
      %get3A_1286 = vector.shape_cast %get3A_1285 : vector<16xf32> to vector<16xf32>
      %broadcast_in_dim3A_1287 = arith.constant 144 : i32
      %broadcast_in_dim3A_1288 = vector.broadcast %broadcast_in_dim3A_1287 : i32 to vector<16xi32>
      %sub3A_1289 = arith.subi %broadcast_in_dim3A_1288, %iota3A : vector<16xi32>
      %ge3A_1290 = arith.cmpi sge, %broadcast_in_dim3A_1159, %sub3A_1289 : vector<16xi32>
      %ge3A_1291 = arith.cmpf oge, %get3A_1286, %get3A_1281 : vector<16xf32>
      %gt3A_1292 = arith.cmpf ogt, %get3A_1286, %get3A_1281 : vector<16xf32>
      %select_n3A_1293 = arith.select %ge3A_1290, %ge3A_1291, %gt3A_1292 : vector<16xi1>, vector<16xi1>
      %select_n3A_1294 = arith.select %select_n3A_1293, %broadcast_in_dim3A_1, %broadcast_in_dim3A_3 : vector<16xi1>, vector<16xi32>
      %add3A_1295 = arith.addi %add3A_1018, %select_n3A_1294 : vector<16xi32>
      %get3A_1296 = arith.constant 128 : index
      %get3A_1297 = tpu.vector_load %arg5[%get3A_1296] {strides = array<i32>} : memref<512xf32, #tpu.memory_space<vmem>>, vector<16xf32>,
      %get3A_1298 = vector.shape_cast %get3A_1297 : vector<16xf32> to vector<16xf32>
      %add3A_1299 = arith.constant 128 : i32
      %add3A_1300 = arith.addi %add3A_1299, %add3A_1158 : i32
      %get3A_1301 = arith.index_cast %add3A_1300 : i32 to index
      %get3A_1302 = tpu.vector_load %arg5[%get3A_1301] {strides = array<i32>} : memref<512xf32, #tpu.memory_space<vmem>>, vector<16xf32>,
      %get3A_1303 = vector.shape_cast %get3A_1302 : vector<16xf32> to vector<16xf32>
      %broadcast_in_dim3A_1304 = arith.constant 128 : i32
      %broadcast_in_dim3A_1305 = vector.broadcast %broadcast_in_dim3A_1304 : i32 to vector<16xi32>
      %sub3A_1306 = arith.subi %broadcast_in_dim3A_1305, %iota3A : vector<16xi32>
      %ge3A_1307 = arith.cmpi sge, %broadcast_in_dim3A_1159, %sub3A_1306 : vector<16xi32>
      %ge3A_1308 = arith.cmpf oge, %get3A_1303, %get3A_1298 : vector<16xf32>
      %gt3A_1309 = arith.cmpf ogt, %get3A_1303, %get3A_1298 : vector<16xf32>
      %select_n3A_1310 = arith.select %ge3A_1307, %ge3A_1308, %gt3A_1309 : vector<16xi1>, vector<16xi1>
      %select_n3A_1311 = arith.select %select_n3A_1310, %broadcast_in_dim3A_1, %broadcast_in_dim3A_3 : vector<16xi1>, vector<16xi32>
      %add3A_1312 = arith.addi %add3A_1035, %select_n3A_1311 : vector<16xi32>
      %get3A_1313 = arith.constant 144 : index
      %get3A_1314 = tpu.vector_load %arg5[%get3A_1313] {strides = array<i32>} : memref<512xf32, #tpu.memory_space<vmem>>, vector<16xf32>,
      %get3A_1315 = vector.shape_cast %get3A_1314 : vector<16xf32> to vector<16xf32>
      %add3A_1316 = arith.constant 144 : i32
      %add3A_1317 = arith.addi %add3A_1316, %add3A_1158 : i32
      %get3A_1318 = arith.index_cast %add3A_1317 : i32 to index
      %get3A_1319 = tpu.vector_load %arg5[%get3A_1318] {strides = array<i32>} : memref<512xf32, #tpu.memory_space<vmem>>, vector<16xf32>,
      %get3A_1320 = vector.shape_cast %get3A_1319 : vector<16xf32> to vector<16xf32>
      %broadcast_in_dim3A_1321 = arith.constant 112 : i32
      %broadcast_in_dim3A_1322 = vector.broadcast %broadcast_in_dim3A_1321 : i32 to vector<16xi32>
      %sub3A_1323 = arith.subi %broadcast_in_dim3A_1322, %iota3A : vector<16xi32>
      %ge3A_1324 = arith.cmpi sge, %broadcast_in_dim3A_1159, %sub3A_1323 : vector<16xi32>
      %ge3A_1325 = arith.cmpf oge, %get3A_1320, %get3A_1315 : vector<16xf32>
      %gt3A_1326 = arith.cmpf ogt, %get3A_1320, %get3A_1315 : vector<16xf32>
      %select_n3A_1327 = arith.select %ge3A_1324, %ge3A_1325, %gt3A_1326 : vector<16xi1>, vector<16xi1>
      %select_n3A_1328 = arith.select %select_n3A_1327, %broadcast_in_dim3A_1, %broadcast_in_dim3A_3 : vector<16xi1>, vector<16xi32>
      %add3A_1329 = arith.addi %add3A_1052, %select_n3A_1328 : vector<16xi32>
      %get3A_1330 = arith.constant 160 : index
      %get3A_1331 = tpu.vector_load %arg5[%get3A_1330] {strides = array<i32>} : memref<512xf32, #tpu.memory_space<vmem>>, vector<16xf32>,
      %get3A_1332 = vector.shape_cast %get3A_1331 : vector<16xf32> to vector<16xf32>
      %add3A_1333 = arith.constant 160 : i32
      %add3A_1334 = arith.addi %add3A_1333, %add3A_1158 : i32
      %get3A_1335 = arith.index_cast %add3A_1334 : i32 to index
      %get3A_1336 = tpu.vector_load %arg5[%get3A_1335] {strides = array<i32>} : memref<512xf32, #tpu.memory_space<vmem>>, vector<16xf32>,
      %get3A_1337 = vector.shape_cast %get3A_1336 : vector<16xf32> to vector<16xf32>
      %broadcast_in_dim3A_1338 = arith.constant 96 : i32
      %broadcast_in_dim3A_1339 = vector.broadcast %broadcast_in_dim3A_1338 : i32 to vector<16xi32>
      %sub3A_1340 = arith.subi %broadcast_in_dim3A_1339, %iota3A : vector<16xi32>
      %ge3A_1341 = arith.cmpi sge, %broadcast_in_dim3A_1159, %sub3A_1340 : vector<16xi32>
      %ge3A_1342 = arith.cmpf oge, %get3A_1337, %get3A_1332 : vector<16xf32>
      %gt3A_1343 = arith.cmpf ogt, %get3A_1337, %get3A_1332 : vector<16xf32>
      %select_n3A_1344 = arith.select %ge3A_1341, %ge3A_1342, %gt3A_1343 : vector<16xi1>, vector<16xi1>
      %select_n3A_1345 = arith.select %select_n3A_1344, %broadcast_in_dim3A_1, %broadcast_in_dim3A_3 : vector<16xi1>, vector<16xi32>
      %add3A_1346 = arith.addi %add3A_1069, %select_n3A_1345 : vector<16xi32>
      %get3A_1347 = arith.constant 176 : index
      %get3A_1348 = tpu.vector_load %arg5[%get3A_1347] {strides = array<i32>} : memref<512xf32, #tpu.memory_space<vmem>>, vector<16xf32>,
      %get3A_1349 = vector.shape_cast %get3A_1348 : vector<16xf32> to vector<16xf32>
      %add3A_1350 = arith.constant 176 : i32
      %add3A_1351 = arith.addi %add3A_1350, %add3A_1158 : i32
      %get3A_1352 = arith.index_cast %add3A_1351 : i32 to index
      %get3A_1353 = tpu.vector_load %arg5[%get3A_1352] {strides = array<i32>} : memref<512xf32, #tpu.memory_space<vmem>>, vector<16xf32>,
      %get3A_1354 = vector.shape_cast %get3A_1353 : vector<16xf32> to vector<16xf32>
      %broadcast_in_dim3A_1355 = arith.constant 80 : i32
      %broadcast_in_dim3A_1356 = vector.broadcast %broadcast_in_dim3A_1355 : i32 to vector<16xi32>
      %sub3A_1357 = arith.subi %broadcast_in_dim3A_1356, %iota3A : vector<16xi32>
      %ge3A_1358 = arith.cmpi sge, %broadcast_in_dim3A_1159, %sub3A_1357 : vector<16xi32>
      %ge3A_1359 = arith.cmpf oge, %get3A_1354, %get3A_1349 : vector<16xf32>
      %gt3A_1360 = arith.cmpf ogt, %get3A_1354, %get3A_1349 : vector<16xf32>
      %select_n3A_1361 = arith.select %ge3A_1358, %ge3A_1359, %gt3A_1360 : vector<16xi1>, vector<16xi1>
      %select_n3A_1362 = arith.select %select_n3A_1361, %broadcast_in_dim3A_1, %broadcast_in_dim3A_3 : vector<16xi1>, vector<16xi32>
      %add3A_1363 = arith.addi %add3A_1086, %select_n3A_1362 : vector<16xi32>
      %get3A_1364 = arith.constant 192 : index
      %get3A_1365 = tpu.vector_load %arg5[%get3A_1364] {strides = array<i32>} : memref<512xf32, #tpu.memory_space<vmem>>, vector<16xf32>,
      %get3A_1366 = vector.shape_cast %get3A_1365 : vector<16xf32> to vector<16xf32>
      %add3A_1367 = arith.constant 192 : i32
      %add3A_1368 = arith.addi %add3A_1367, %add3A_1158 : i32
      %get3A_1369 = arith.index_cast %add3A_1368 : i32 to index
      %get3A_1370 = tpu.vector_load %arg5[%get3A_1369] {strides = array<i32>} : memref<512xf32, #tpu.memory_space<vmem>>, vector<16xf32>,
      %get3A_1371 = vector.shape_cast %get3A_1370 : vector<16xf32> to vector<16xf32>
      %broadcast_in_dim3A_1372 = arith.constant 64 : i32
      %broadcast_in_dim3A_1373 = vector.broadcast %broadcast_in_dim3A_1372 : i32 to vector<16xi32>
      %sub3A_1374 = arith.subi %broadcast_in_dim3A_1373, %iota3A : vector<16xi32>
      %ge3A_1375 = arith.cmpi sge, %broadcast_in_dim3A_1159, %sub3A_1374 : vector<16xi32>
      %ge3A_1376 = arith.cmpf oge, %get3A_1371, %get3A_1366 : vector<16xf32>
      %gt3A_1377 = arith.cmpf ogt, %get3A_1371, %get3A_1366 : vector<16xf32>
      %select_n3A_1378 = arith.select %ge3A_1375, %ge3A_1376, %gt3A_1377 : vector<16xi1>, vector<16xi1>
      %select_n3A_1379 = arith.select %select_n3A_1378, %broadcast_in_dim3A_1, %broadcast_in_dim3A_3 : vector<16xi1>, vector<16xi32>
      %add3A_1380 = arith.addi %add3A_1103, %select_n3A_1379 : vector<16xi32>
      %get3A_1381 = arith.constant 208 : index
      %get3A_1382 = tpu.vector_load %arg5[%get3A_1381] {strides = array<i32>} : memref<512xf32, #tpu.memory_space<vmem>>, vector<16xf32>,
      %get3A_1383 = vector.shape_cast %get3A_1382 : vector<16xf32> to vector<16xf32>
      %add3A_1384 = arith.constant 208 : i32
      %add3A_1385 = arith.addi %add3A_1384, %add3A_1158 : i32
      %get3A_1386 = arith.index_cast %add3A_1385 : i32 to index
      %get3A_1387 = tpu.vector_load %arg5[%get3A_1386] {strides = array<i32>} : memref<512xf32, #tpu.memory_space<vmem>>, vector<16xf32>,
      %get3A_1388 = vector.shape_cast %get3A_1387 : vector<16xf32> to vector<16xf32>
      %broadcast_in_dim3A_1389 = arith.constant 48 : i32
      %broadcast_in_dim3A_1390 = vector.broadcast %broadcast_in_dim3A_1389 : i32 to vector<16xi32>
      %sub3A_1391 = arith.subi %broadcast_in_dim3A_1390, %iota3A : vector<16xi32>
      %ge3A_1392 = arith.cmpi sge, %broadcast_in_dim3A_1159, %sub3A_1391 : vector<16xi32>
      %ge3A_1393 = arith.cmpf oge, %get3A_1388, %get3A_1383 : vector<16xf32>
      %gt3A_1394 = arith.cmpf ogt, %get3A_1388, %get3A_1383 : vector<16xf32>
      %select_n3A_1395 = arith.select %ge3A_1392, %ge3A_1393, %gt3A_1394 : vector<16xi1>, vector<16xi1>
      %select_n3A_1396 = arith.select %select_n3A_1395, %broadcast_in_dim3A_1, %broadcast_in_dim3A_3 : vector<16xi1>, vector<16xi32>
      %add3A_1397 = arith.addi %add3A_1120, %select_n3A_1396 : vector<16xi32>
      %get3A_1398 = arith.constant 224 : index
      %get3A_1399 = tpu.vector_load %arg5[%get3A_1398] {strides = array<i32>} : memref<512xf32, #tpu.memory_space<vmem>>, vector<16xf32>,
      %get3A_1400 = vector.shape_cast %get3A_1399 : vector<16xf32> to vector<16xf32>
      %add3A_1401 = arith.constant 224 : i32
      %add3A_1402 = arith.addi %add3A_1401, %add3A_1158 : i32
      %get3A_1403 = arith.index_cast %add3A_1402 : i32 to index
      %get3A_1404 = tpu.vector_load %arg5[%get3A_1403] {strides = array<i32>} : memref<512xf32, #tpu.memory_space<vmem>>, vector<16xf32>,
      %get3A_1405 = vector.shape_cast %get3A_1404 : vector<16xf32> to vector<16xf32>
      %broadcast_in_dim3A_1406 = arith.constant 32 : i32
      %broadcast_in_dim3A_1407 = vector.broadcast %broadcast_in_dim3A_1406 : i32 to vector<16xi32>
      %sub3A_1408 = arith.subi %broadcast_in_dim3A_1407, %iota3A : vector<16xi32>
      %ge3A_1409 = arith.cmpi sge, %broadcast_in_dim3A_1159, %sub3A_1408 : vector<16xi32>
      %ge3A_1410 = arith.cmpf oge, %get3A_1405, %get3A_1400 : vector<16xf32>
      %gt3A_1411 = arith.cmpf ogt, %get3A_1405, %get3A_1400 : vector<16xf32>
      %select_n3A_1412 = arith.select %ge3A_1409, %ge3A_1410, %gt3A_1411 : vector<16xi1>, vector<16xi1>
      %select_n3A_1413 = arith.select %select_n3A_1412, %broadcast_in_dim3A_1, %broadcast_in_dim3A_3 : vector<16xi1>, vector<16xi32>
      %add3A_1414 = arith.addi %add3A_1137, %select_n3A_1413 : vector<16xi32>
      %get3A_1415 = arith.constant 240 : index
      %get3A_1416 = tpu.vector_load %arg5[%get3A_1415] {strides = array<i32>} : memref<512xf32, #tpu.memory_space<vmem>>, vector<16xf32>,
      %get3A_1417 = vector.shape_cast %get3A_1416 : vector<16xf32> to vector<16xf32>
      %add3A_1418 = arith.constant 240 : i32
      %add3A_1419 = arith.addi %add3A_1418, %add3A_1158 : i32
      %get3A_1420 = arith.index_cast %add3A_1419 : i32 to index
      %get3A_1421 = tpu.vector_load %arg5[%get3A_1420] {strides = array<i32>} : memref<512xf32, #tpu.memory_space<vmem>>, vector<16xf32>,
      %get3A_1422 = vector.shape_cast %get3A_1421 : vector<16xf32> to vector<16xf32>
      %broadcast_in_dim3A_1423 = arith.constant 16 : i32
      %broadcast_in_dim3A_1424 = vector.broadcast %broadcast_in_dim3A_1423 : i32 to vector<16xi32>
      %sub3A_1425 = arith.subi %broadcast_in_dim3A_1424, %iota3A : vector<16xi32>
      %ge3A_1426 = arith.cmpi sge, %broadcast_in_dim3A_1159, %sub3A_1425 : vector<16xi32>
      %ge3A_1427 = arith.cmpf oge, %get3A_1422, %get3A_1417 : vector<16xf32>
      %gt3A_1428 = arith.cmpf ogt, %get3A_1422, %get3A_1417 : vector<16xf32>
      %select_n3A_1429 = arith.select %ge3A_1426, %ge3A_1427, %gt3A_1428 : vector<16xi1>, vector<16xi1>
      %select_n3A_1430 = arith.select %select_n3A_1429, %broadcast_in_dim3A_1, %broadcast_in_dim3A_3 : vector<16xi1>, vector<16xi32>
      %add3A_1431 = arith.addi %add3A_1154, %select_n3A_1430 : vector<16xi32>
      %mul3A_1432 = arith.constant 8 : i32
      %mul3A_1433 = arith.muli %scan3A_310, %mul3A_1432 : i32
      %add3A_1434 = arith.constant 4 : i32
      %add3A_1435 = arith.addi %mul3A_1433, %add3A_1434 : i32
      %broadcast_in_dim3A_1436 = vector.broadcast %add3A_1435 : i32 to vector<16xi32>
      %get3A_1437 = arith.constant 0 : index
      %get3A_1438 = tpu.vector_load %arg5[%get3A_1437] {strides = array<i32>} : memref<512xf32, #tpu.memory_space<vmem>>, vector<16xf32>,
      %get3A_1439 = vector.shape_cast %get3A_1438 : vector<16xf32> to vector<16xf32>
      %add3A_1440 = arith.constant 0 : i32
      %add3A_1441 = arith.addi %add3A_1440, %add3A_1435 : i32
      %get3A_1442 = arith.index_cast %add3A_1441 : i32 to index
      %get3A_1443 = tpu.vector_load %arg5[%get3A_1442] {strides = array<i32>} : memref<512xf32, #tpu.memory_space<vmem>>, vector<16xf32>,
      %get3A_1444 = vector.shape_cast %get3A_1443 : vector<16xf32> to vector<16xf32>
      %broadcast_in_dim3A_1445 = arith.constant 256 : i32
      %broadcast_in_dim3A_1446 = vector.broadcast %broadcast_in_dim3A_1445 : i32 to vector<16xi32>
      %sub3A_1447 = arith.subi %broadcast_in_dim3A_1446, %iota3A : vector<16xi32>
      %ge3A_1448 = arith.cmpi sge, %broadcast_in_dim3A_1436, %sub3A_1447 : vector<16xi32>
      %ge3A_1449 = arith.cmpf oge, %get3A_1444, %get3A_1439 : vector<16xf32>
      %gt3A_1450 = arith.cmpf ogt, %get3A_1444, %get3A_1439 : vector<16xf32>
      %select_n3A_1451 = arith.select %ge3A_1448, %ge3A_1449, %gt3A_1450 : vector<16xi1>, vector<16xi1>
      %select_n3A_1452 = arith.select %select_n3A_1451, %broadcast_in_dim3A_1, %broadcast_in_dim3A_3 : vector<16xi1>, vector<16xi32>
      %add3A_1453 = arith.addi %add3A_1176, %select_n3A_1452 : vector<16xi32>
      %get3A_1454 = arith.constant 16 : index
      %get3A_1455 = tpu.vector_load %arg5[%get3A_1454] {strides = array<i32>} : memref<512xf32, #tpu.memory_space<vmem>>, vector<16xf32>,
      %get3A_1456 = vector.shape_cast %get3A_1455 : vector<16xf32> to vector<16xf32>
      %add3A_1457 = arith.constant 16 : i32
      %add3A_1458 = arith.addi %add3A_1457, %add3A_1435 : i32
      %get3A_1459 = arith.index_cast %add3A_1458 : i32 to index
      %get3A_1460 = tpu.vector_load %arg5[%get3A_1459] {strides = array<i32>} : memref<512xf32, #tpu.memory_space<vmem>>, vector<16xf32>,
      %get3A_1461 = vector.shape_cast %get3A_1460 : vector<16xf32> to vector<16xf32>
      %broadcast_in_dim3A_1462 = arith.constant 240 : i32
      %broadcast_in_dim3A_1463 = vector.broadcast %broadcast_in_dim3A_1462 : i32 to vector<16xi32>
      %sub3A_1464 = arith.subi %broadcast_in_dim3A_1463, %iota3A : vector<16xi32>
      %ge3A_1465 = arith.cmpi sge, %broadcast_in_dim3A_1436, %sub3A_1464 : vector<16xi32>
      %ge3A_1466 = arith.cmpf oge, %get3A_1461, %get3A_1456 : vector<16xf32>
      %gt3A_1467 = arith.cmpf ogt, %get3A_1461, %get3A_1456 : vector<16xf32>
      %select_n3A_1468 = arith.select %ge3A_1465, %ge3A_1466, %gt3A_1467 : vector<16xi1>, vector<16xi1>
      %select_n3A_1469 = arith.select %select_n3A_1468, %broadcast_in_dim3A_1, %broadcast_in_dim3A_3 : vector<16xi1>, vector<16xi32>
      %add3A_1470 = arith.addi %add3A_1193, %select_n3A_1469 : vector<16xi32>
      %get3A_1471 = arith.constant 32 : index
      %get3A_1472 = tpu.vector_load %arg5[%get3A_1471] {strides = array<i32>} : memref<512xf32, #tpu.memory_space<vmem>>, vector<16xf32>,
      %get3A_1473 = vector.shape_cast %get3A_1472 : vector<16xf32> to vector<16xf32>
      %add3A_1474 = arith.constant 32 : i32
      %add3A_1475 = arith.addi %add3A_1474, %add3A_1435 : i32
      %get3A_1476 = arith.index_cast %add3A_1475 : i32 to index
      %get3A_1477 = tpu.vector_load %arg5[%get3A_1476] {strides = array<i32>} : memref<512xf32, #tpu.memory_space<vmem>>, vector<16xf32>,
      %get3A_1478 = vector.shape_cast %get3A_1477 : vector<16xf32> to vector<16xf32>
      %broadcast_in_dim3A_1479 = arith.constant 224 : i32
      %broadcast_in_dim3A_1480 = vector.broadcast %broadcast_in_dim3A_1479 : i32 to vector<16xi32>
      %sub3A_1481 = arith.subi %broadcast_in_dim3A_1480, %iota3A : vector<16xi32>
      %ge3A_1482 = arith.cmpi sge, %broadcast_in_dim3A_1436, %sub3A_1481 : vector<16xi32>
      %ge3A_1483 = arith.cmpf oge, %get3A_1478, %get3A_1473 : vector<16xf32>
      %gt3A_1484 = arith.cmpf ogt, %get3A_1478, %get3A_1473 : vector<16xf32>
      %select_n3A_1485 = arith.select %ge3A_1482, %ge3A_1483, %gt3A_1484 : vector<16xi1>, vector<16xi1>
      %select_n3A_1486 = arith.select %select_n3A_1485, %broadcast_in_dim3A_1, %broadcast_in_dim3A_3 : vector<16xi1>, vector<16xi32>
      %add3A_1487 = arith.addi %add3A_1210, %select_n3A_1486 : vector<16xi32>
      %get3A_1488 = arith.constant 48 : index
      %get3A_1489 = tpu.vector_load %arg5[%get3A_1488] {strides = array<i32>} : memref<512xf32, #tpu.memory_space<vmem>>, vector<16xf32>,
      %get3A_1490 = vector.shape_cast %get3A_1489 : vector<16xf32> to vector<16xf32>
      %add3A_1491 = arith.constant 48 : i32
      %add3A_1492 = arith.addi %add3A_1491, %add3A_1435 : i32
      %get3A_1493 = arith.index_cast %add3A_1492 : i32 to index
      %get3A_1494 = tpu.vector_load %arg5[%get3A_1493] {strides = array<i32>} : memref<512xf32, #tpu.memory_space<vmem>>, vector<16xf32>,
      %get3A_1495 = vector.shape_cast %get3A_1494 : vector<16xf32> to vector<16xf32>
      %broadcast_in_dim3A_1496 = arith.constant 208 : i32
      %broadcast_in_dim3A_1497 = vector.broadcast %broadcast_in_dim3A_1496 : i32 to vector<16xi32>
      %sub3A_1498 = arith.subi %broadcast_in_dim3A_1497, %iota3A : vector<16xi32>
      %ge3A_1499 = arith.cmpi sge, %broadcast_in_dim3A_1436, %sub3A_1498 : vector<16xi32>
      %ge3A_1500 = arith.cmpf oge, %get3A_1495, %get3A_1490 : vector<16xf32>
      %gt3A_1501 = arith.cmpf ogt, %get3A_1495, %get3A_1490 : vector<16xf32>
      %select_n3A_1502 = arith.select %ge3A_1499, %ge3A_1500, %gt3A_1501 : vector<16xi1>, vector<16xi1>
      %select_n3A_1503 = arith.select %select_n3A_1502, %broadcast_in_dim3A_1, %broadcast_in_dim3A_3 : vector<16xi1>, vector<16xi32>
      %add3A_1504 = arith.addi %add3A_1227, %select_n3A_1503 : vector<16xi32>
      %get3A_1505 = arith.constant 64 : index
      %get3A_1506 = tpu.vector_load %arg5[%get3A_1505] {strides = array<i32>} : memref<512xf32, #tpu.memory_space<vmem>>, vector<16xf32>,
      %get3A_1507 = vector.shape_cast %get3A_1506 : vector<16xf32> to vector<16xf32>
      %add3A_1508 = arith.constant 64 : i32
      %add3A_1509 = arith.addi %add3A_1508, %add3A_1435 : i32
      %get3A_1510 = arith.index_cast %add3A_1509 : i32 to index
      %get3A_1511 = tpu.vector_load %arg5[%get3A_1510] {strides = array<i32>} : memref<512xf32, #tpu.memory_space<vmem>>, vector<16xf32>,
      %get3A_1512 = vector.shape_cast %get3A_1511 : vector<16xf32> to vector<16xf32>
      %broadcast_in_dim3A_1513 = arith.constant 192 : i32
      %broadcast_in_dim3A_1514 = vector.broadcast %broadcast_in_dim3A_1513 : i32 to vector<16xi32>
      %sub3A_1515 = arith.subi %broadcast_in_dim3A_1514, %iota3A : vector<16xi32>
      %ge3A_1516 = arith.cmpi sge, %broadcast_in_dim3A_1436, %sub3A_1515 : vector<16xi32>
      %ge3A_1517 = arith.cmpf oge, %get3A_1512, %get3A_1507 : vector<16xf32>
      %gt3A_1518 = arith.cmpf ogt, %get3A_1512, %get3A_1507 : vector<16xf32>
      %select_n3A_1519 = arith.select %ge3A_1516, %ge3A_1517, %gt3A_1518 : vector<16xi1>, vector<16xi1>
      %select_n3A_1520 = arith.select %select_n3A_1519, %broadcast_in_dim3A_1, %broadcast_in_dim3A_3 : vector<16xi1>, vector<16xi32>
      %add3A_1521 = arith.addi %add3A_1244, %select_n3A_1520 : vector<16xi32>
      %get3A_1522 = arith.constant 80 : index
      %get3A_1523 = tpu.vector_load %arg5[%get3A_1522] {strides = array<i32>} : memref<512xf32, #tpu.memory_space<vmem>>, vector<16xf32>,
      %get3A_1524 = vector.shape_cast %get3A_1523 : vector<16xf32> to vector<16xf32>
      %add3A_1525 = arith.constant 80 : i32
      %add3A_1526 = arith.addi %add3A_1525, %add3A_1435 : i32
      %get3A_1527 = arith.index_cast %add3A_1526 : i32 to index
      %get3A_1528 = tpu.vector_load %arg5[%get3A_1527] {strides = array<i32>} : memref<512xf32, #tpu.memory_space<vmem>>, vector<16xf32>,
      %get3A_1529 = vector.shape_cast %get3A_1528 : vector<16xf32> to vector<16xf32>
      %broadcast_in_dim3A_1530 = arith.constant 176 : i32
      %broadcast_in_dim3A_1531 = vector.broadcast %broadcast_in_dim3A_1530 : i32 to vector<16xi32>
      %sub3A_1532 = arith.subi %broadcast_in_dim3A_1531, %iota3A : vector<16xi32>
      %ge3A_1533 = arith.cmpi sge, %broadcast_in_dim3A_1436, %sub3A_1532 : vector<16xi32>
      %ge3A_1534 = arith.cmpf oge, %get3A_1529, %get3A_1524 : vector<16xf32>
      %gt3A_1535 = arith.cmpf ogt, %get3A_1529, %get3A_1524 : vector<16xf32>
      %select_n3A_1536 = arith.select %ge3A_1533, %ge3A_1534, %gt3A_1535 : vector<16xi1>, vector<16xi1>
      %select_n3A_1537 = arith.select %select_n3A_1536, %broadcast_in_dim3A_1, %broadcast_in_dim3A_3 : vector<16xi1>, vector<16xi32>
      %add3A_1538 = arith.addi %add3A_1261, %select_n3A_1537 : vector<16xi32>
      %get3A_1539 = arith.constant 96 : index
      %get3A_1540 = tpu.vector_load %arg5[%get3A_1539] {strides = array<i32>} : memref<512xf32, #tpu.memory_space<vmem>>, vector<16xf32>,
      %get3A_1541 = vector.shape_cast %get3A_1540 : vector<16xf32> to vector<16xf32>
      %add3A_1542 = arith.constant 96 : i32
      %add3A_1543 = arith.addi %add3A_1542, %add3A_1435 : i32
      %get3A_1544 = arith.index_cast %add3A_1543 : i32 to index
      %get3A_1545 = tpu.vector_load %arg5[%get3A_1544] {strides = array<i32>} : memref<512xf32, #tpu.memory_space<vmem>>, vector<16xf32>,
      %get3A_1546 = vector.shape_cast %get3A_1545 : vector<16xf32> to vector<16xf32>
      %broadcast_in_dim3A_1547 = arith.constant 160 : i32
      %broadcast_in_dim3A_1548 = vector.broadcast %broadcast_in_dim3A_1547 : i32 to vector<16xi32>
      %sub3A_1549 = arith.subi %broadcast_in_dim3A_1548, %iota3A : vector<16xi32>
      %ge3A_1550 = arith.cmpi sge, %broadcast_in_dim3A_1436, %sub3A_1549 : vector<16xi32>
      %ge3A_1551 = arith.cmpf oge, %get3A_1546, %get3A_1541 : vector<16xf32>
      %gt3A_1552 = arith.cmpf ogt, %get3A_1546, %get3A_1541 : vector<16xf32>
      %select_n3A_1553 = arith.select %ge3A_1550, %ge3A_1551, %gt3A_1552 : vector<16xi1>, vector<16xi1>
      %select_n3A_1554 = arith.select %select_n3A_1553, %broadcast_in_dim3A_1, %broadcast_in_dim3A_3 : vector<16xi1>, vector<16xi32>
      %add3A_1555 = arith.addi %add3A_1278, %select_n3A_1554 : vector<16xi32>
      %get3A_1556 = arith.constant 112 : index
      %get3A_1557 = tpu.vector_load %arg5[%get3A_1556] {strides = array<i32>} : memref<512xf32, #tpu.memory_space<vmem>>, vector<16xf32>,
      %get3A_1558 = vector.shape_cast %get3A_1557 : vector<16xf32> to vector<16xf32>
      %add3A_1559 = arith.constant 112 : i32
      %add3A_1560 = arith.addi %add3A_1559, %add3A_1435 : i32
      %get3A_1561 = arith.index_cast %add3A_1560 : i32 to index
      %get3A_1562 = tpu.vector_load %arg5[%get3A_1561] {strides = array<i32>} : memref<512xf32, #tpu.memory_space<vmem>>, vector<16xf32>,
      %get3A_1563 = vector.shape_cast %get3A_1562 : vector<16xf32> to vector<16xf32>
      %broadcast_in_dim3A_1564 = arith.constant 144 : i32
      %broadcast_in_dim3A_1565 = vector.broadcast %broadcast_in_dim3A_1564 : i32 to vector<16xi32>
      %sub3A_1566 = arith.subi %broadcast_in_dim3A_1565, %iota3A : vector<16xi32>
      %ge3A_1567 = arith.cmpi sge, %broadcast_in_dim3A_1436, %sub3A_1566 : vector<16xi32>
      %ge3A_1568 = arith.cmpf oge, %get3A_1563, %get3A_1558 : vector<16xf32>
      %gt3A_1569 = arith.cmpf ogt, %get3A_1563, %get3A_1558 : vector<16xf32>
      %select_n3A_1570 = arith.select %ge3A_1567, %ge3A_1568, %gt3A_1569 : vector<16xi1>, vector<16xi1>
      %select_n3A_1571 = arith.select %select_n3A_1570, %broadcast_in_dim3A_1, %broadcast_in_dim3A_3 : vector<16xi1>, vector<16xi32>
      %add3A_1572 = arith.addi %add3A_1295, %select_n3A_1571 : vector<16xi32>
      %get3A_1573 = arith.constant 128 : index
      %get3A_1574 = tpu.vector_load %arg5[%get3A_1573] {strides = array<i32>} : memref<512xf32, #tpu.memory_space<vmem>>, vector<16xf32>,
      %get3A_1575 = vector.shape_cast %get3A_1574 : vector<16xf32> to vector<16xf32>
      %add3A_1576 = arith.constant 128 : i32
      %add3A_1577 = arith.addi %add3A_1576, %add3A_1435 : i32
      %get3A_1578 = arith.index_cast %add3A_1577 : i32 to index
      %get3A_1579 = tpu.vector_load %arg5[%get3A_1578] {strides = array<i32>} : memref<512xf32, #tpu.memory_space<vmem>>, vector<16xf32>,
      %get3A_1580 = vector.shape_cast %get3A_1579 : vector<16xf32> to vector<16xf32>
      %broadcast_in_dim3A_1581 = arith.constant 128 : i32
      %broadcast_in_dim3A_1582 = vector.broadcast %broadcast_in_dim3A_1581 : i32 to vector<16xi32>
      %sub3A_1583 = arith.subi %broadcast_in_dim3A_1582, %iota3A : vector<16xi32>
      %ge3A_1584 = arith.cmpi sge, %broadcast_in_dim3A_1436, %sub3A_1583 : vector<16xi32>
      %ge3A_1585 = arith.cmpf oge, %get3A_1580, %get3A_1575 : vector<16xf32>
      %gt3A_1586 = arith.cmpf ogt, %get3A_1580, %get3A_1575 : vector<16xf32>
      %select_n3A_1587 = arith.select %ge3A_1584, %ge3A_1585, %gt3A_1586 : vector<16xi1>, vector<16xi1>
      %select_n3A_1588 = arith.select %select_n3A_1587, %broadcast_in_dim3A_1, %broadcast_in_dim3A_3 : vector<16xi1>, vector<16xi32>
      %add3A_1589 = arith.addi %add3A_1312, %select_n3A_1588 : vector<16xi32>
      %get3A_1590 = arith.constant 144 : index
      %get3A_1591 = tpu.vector_load %arg5[%get3A_1590] {strides = array<i32>} : memref<512xf32, #tpu.memory_space<vmem>>, vector<16xf32>,
      %get3A_1592 = vector.shape_cast %get3A_1591 : vector<16xf32> to vector<16xf32>
      %add3A_1593 = arith.constant 144 : i32
      %add3A_1594 = arith.addi %add3A_1593, %add3A_1435 : i32
      %get3A_1595 = arith.index_cast %add3A_1594 : i32 to index
      %get3A_1596 = tpu.vector_load %arg5[%get3A_1595] {strides = array<i32>} : memref<512xf32, #tpu.memory_space<vmem>>, vector<16xf32>,
      %get3A_1597 = vector.shape_cast %get3A_1596 : vector<16xf32> to vector<16xf32>
      %broadcast_in_dim3A_1598 = arith.constant 112 : i32
      %broadcast_in_dim3A_1599 = vector.broadcast %broadcast_in_dim3A_1598 : i32 to vector<16xi32>
      %sub3A_1600 = arith.subi %broadcast_in_dim3A_1599, %iota3A : vector<16xi32>
      %ge3A_1601 = arith.cmpi sge, %broadcast_in_dim3A_1436, %sub3A_1600 : vector<16xi32>
      %ge3A_1602 = arith.cmpf oge, %get3A_1597, %get3A_1592 : vector<16xf32>
      %gt3A_1603 = arith.cmpf ogt, %get3A_1597, %get3A_1592 : vector<16xf32>
      %select_n3A_1604 = arith.select %ge3A_1601, %ge3A_1602, %gt3A_1603 : vector<16xi1>, vector<16xi1>
      %select_n3A_1605 = arith.select %select_n3A_1604, %broadcast_in_dim3A_1, %broadcast_in_dim3A_3 : vector<16xi1>, vector<16xi32>
      %add3A_1606 = arith.addi %add3A_1329, %select_n3A_1605 : vector<16xi32>
      %get3A_1607 = arith.constant 160 : index
      %get3A_1608 = tpu.vector_load %arg5[%get3A_1607] {strides = array<i32>} : memref<512xf32, #tpu.memory_space<vmem>>, vector<16xf32>,
      %get3A_1609 = vector.shape_cast %get3A_1608 : vector<16xf32> to vector<16xf32>
      %add3A_1610 = arith.constant 160 : i32
      %add3A_1611 = arith.addi %add3A_1610, %add3A_1435 : i32
      %get3A_1612 = arith.index_cast %add3A_1611 : i32 to index
      %get3A_1613 = tpu.vector_load %arg5[%get3A_1612] {strides = array<i32>} : memref<512xf32, #tpu.memory_space<vmem>>, vector<16xf32>,
      %get3A_1614 = vector.shape_cast %get3A_1613 : vector<16xf32> to vector<16xf32>
      %broadcast_in_dim3A_1615 = arith.constant 96 : i32
      %broadcast_in_dim3A_1616 = vector.broadcast %broadcast_in_dim3A_1615 : i32 to vector<16xi32>
      %sub3A_1617 = arith.subi %broadcast_in_dim3A_1616, %iota3A : vector<16xi32>
      %ge3A_1618 = arith.cmpi sge, %broadcast_in_dim3A_1436, %sub3A_1617 : vector<16xi32>
      %ge3A_1619 = arith.cmpf oge, %get3A_1614, %get3A_1609 : vector<16xf32>
      %gt3A_1620 = arith.cmpf ogt, %get3A_1614, %get3A_1609 : vector<16xf32>
      %select_n3A_1621 = arith.select %ge3A_1618, %ge3A_1619, %gt3A_1620 : vector<16xi1>, vector<16xi1>
      %select_n3A_1622 = arith.select %select_n3A_1621, %broadcast_in_dim3A_1, %broadcast_in_dim3A_3 : vector<16xi1>, vector<16xi32>
      %add3A_1623 = arith.addi %add3A_1346, %select_n3A_1622 : vector<16xi32>
      %get3A_1624 = arith.constant 176 : index
      %get3A_1625 = tpu.vector_load %arg5[%get3A_1624] {strides = array<i32>} : memref<512xf32, #tpu.memory_space<vmem>>, vector<16xf32>,
      %get3A_1626 = vector.shape_cast %get3A_1625 : vector<16xf32> to vector<16xf32>
      %add3A_1627 = arith.constant 176 : i32
      %add3A_1628 = arith.addi %add3A_1627, %add3A_1435 : i32
      %get3A_1629 = arith.index_cast %add3A_1628 : i32 to index
      %get3A_1630 = tpu.vector_load %arg5[%get3A_1629] {strides = array<i32>} : memref<512xf32, #tpu.memory_space<vmem>>, vector<16xf32>,
      %get3A_1631 = vector.shape_cast %get3A_1630 : vector<16xf32> to vector<16xf32>
      %broadcast_in_dim3A_1632 = arith.constant 80 : i32
      %broadcast_in_dim3A_1633 = vector.broadcast %broadcast_in_dim3A_1632 : i32 to vector<16xi32>
      %sub3A_1634 = arith.subi %broadcast_in_dim3A_1633, %iota3A : vector<16xi32>
      %ge3A_1635 = arith.cmpi sge, %broadcast_in_dim3A_1436, %sub3A_1634 : vector<16xi32>
      %ge3A_1636 = arith.cmpf oge, %get3A_1631, %get3A_1626 : vector<16xf32>
      %gt3A_1637 = arith.cmpf ogt, %get3A_1631, %get3A_1626 : vector<16xf32>
      %select_n3A_1638 = arith.select %ge3A_1635, %ge3A_1636, %gt3A_1637 : vector<16xi1>, vector<16xi1>
      %select_n3A_1639 = arith.select %select_n3A_1638, %broadcast_in_dim3A_1, %broadcast_in_dim3A_3 : vector<16xi1>, vector<16xi32>
      %add3A_1640 = arith.addi %add3A_1363, %select_n3A_1639 : vector<16xi32>
      %get3A_1641 = arith.constant 192 : index
      %get3A_1642 = tpu.vector_load %arg5[%get3A_1641] {strides = array<i32>} : memref<512xf32, #tpu.memory_space<vmem>>, vector<16xf32>,
      %get3A_1643 = vector.shape_cast %get3A_1642 : vector<16xf32> to vector<16xf32>
      %add3A_1644 = arith.constant 192 : i32
      %add3A_1645 = arith.addi %add3A_1644, %add3A_1435 : i32
      %get3A_1646 = arith.index_cast %add3A_1645 : i32 to index
      %get3A_1647 = tpu.vector_load %arg5[%get3A_1646] {strides = array<i32>} : memref<512xf32, #tpu.memory_space<vmem>>, vector<16xf32>,
      %get3A_1648 = vector.shape_cast %get3A_1647 : vector<16xf32> to vector<16xf32>
      %broadcast_in_dim3A_1649 = arith.constant 64 : i32
      %broadcast_in_dim3A_1650 = vector.broadcast %broadcast_in_dim3A_1649 : i32 to vector<16xi32>
      %sub3A_1651 = arith.subi %broadcast_in_dim3A_1650, %iota3A : vector<16xi32>
      %ge3A_1652 = arith.cmpi sge, %broadcast_in_dim3A_1436, %sub3A_1651 : vector<16xi32>
      %ge3A_1653 = arith.cmpf oge, %get3A_1648, %get3A_1643 : vector<16xf32>
      %gt3A_1654 = arith.cmpf ogt, %get3A_1648, %get3A_1643 : vector<16xf32>
      %select_n3A_1655 = arith.select %ge3A_1652, %ge3A_1653, %gt3A_1654 : vector<16xi1>, vector<16xi1>
      %select_n3A_1656 = arith.select %select_n3A_1655, %broadcast_in_dim3A_1, %broadcast_in_dim3A_3 : vector<16xi1>, vector<16xi32>
      %add3A_1657 = arith.addi %add3A_1380, %select_n3A_1656 : vector<16xi32>
      %get3A_1658 = arith.constant 208 : index
      %get3A_1659 = tpu.vector_load %arg5[%get3A_1658] {strides = array<i32>} : memref<512xf32, #tpu.memory_space<vmem>>, vector<16xf32>,
      %get3A_1660 = vector.shape_cast %get3A_1659 : vector<16xf32> to vector<16xf32>
      %add3A_1661 = arith.constant 208 : i32
      %add3A_1662 = arith.addi %add3A_1661, %add3A_1435 : i32
      %get3A_1663 = arith.index_cast %add3A_1662 : i32 to index
      %get3A_1664 = tpu.vector_load %arg5[%get3A_1663] {strides = array<i32>} : memref<512xf32, #tpu.memory_space<vmem>>, vector<16xf32>,
      %get3A_1665 = vector.shape_cast %get3A_1664 : vector<16xf32> to vector<16xf32>
      %broadcast_in_dim3A_1666 = arith.constant 48 : i32
      %broadcast_in_dim3A_1667 = vector.broadcast %broadcast_in_dim3A_1666 : i32 to vector<16xi32>
      %sub3A_1668 = arith.subi %broadcast_in_dim3A_1667, %iota3A : vector<16xi32>
      %ge3A_1669 = arith.cmpi sge, %broadcast_in_dim3A_1436, %sub3A_1668 : vector<16xi32>
      %ge3A_1670 = arith.cmpf oge, %get3A_1665, %get3A_1660 : vector<16xf32>
      %gt3A_1671 = arith.cmpf ogt, %get3A_1665, %get3A_1660 : vector<16xf32>
      %select_n3A_1672 = arith.select %ge3A_1669, %ge3A_1670, %gt3A_1671 : vector<16xi1>, vector<16xi1>
      %select_n3A_1673 = arith.select %select_n3A_1672, %broadcast_in_dim3A_1, %broadcast_in_dim3A_3 : vector<16xi1>, vector<16xi32>
      %add3A_1674 = arith.addi %add3A_1397, %select_n3A_1673 : vector<16xi32>
      %get3A_1675 = arith.constant 224 : index
      %get3A_1676 = tpu.vector_load %arg5[%get3A_1675] {strides = array<i32>} : memref<512xf32, #tpu.memory_space<vmem>>, vector<16xf32>,
      %get3A_1677 = vector.shape_cast %get3A_1676 : vector<16xf32> to vector<16xf32>
      %add3A_1678 = arith.constant 224 : i32
      %add3A_1679 = arith.addi %add3A_1678, %add3A_1435 : i32
      %get3A_1680 = arith.index_cast %add3A_1679 : i32 to index
      %get3A_1681 = tpu.vector_load %arg5[%get3A_1680] {strides = array<i32>} : memref<512xf32, #tpu.memory_space<vmem>>, vector<16xf32>,
      %get3A_1682 = vector.shape_cast %get3A_1681 : vector<16xf32> to vector<16xf32>
      %broadcast_in_dim3A_1683 = arith.constant 32 : i32
      %broadcast_in_dim3A_1684 = vector.broadcast %broadcast_in_dim3A_1683 : i32 to vector<16xi32>
      %sub3A_1685 = arith.subi %broadcast_in_dim3A_1684, %iota3A : vector<16xi32>
      %ge3A_1686 = arith.cmpi sge, %broadcast_in_dim3A_1436, %sub3A_1685 : vector<16xi32>
      %ge3A_1687 = arith.cmpf oge, %get3A_1682, %get3A_1677 : vector<16xf32>
      %gt3A_1688 = arith.cmpf ogt, %get3A_1682, %get3A_1677 : vector<16xf32>
      %select_n3A_1689 = arith.select %ge3A_1686, %ge3A_1687, %gt3A_1688 : vector<16xi1>, vector<16xi1>
      %select_n3A_1690 = arith.select %select_n3A_1689, %broadcast_in_dim3A_1, %broadcast_in_dim3A_3 : vector<16xi1>, vector<16xi32>
      %add3A_1691 = arith.addi %add3A_1414, %select_n3A_1690 : vector<16xi32>
      %get3A_1692 = arith.constant 240 : index
      %get3A_1693 = tpu.vector_load %arg5[%get3A_1692] {strides = array<i32>} : memref<512xf32, #tpu.memory_space<vmem>>, vector<16xf32>,
      %get3A_1694 = vector.shape_cast %get3A_1693 : vector<16xf32> to vector<16xf32>
      %add3A_1695 = arith.constant 240 : i32
      %add3A_1696 = arith.addi %add3A_1695, %add3A_1435 : i32
      %get3A_1697 = arith.index_cast %add3A_1696 : i32 to index
      %get3A_1698 = tpu.vector_load %arg5[%get3A_1697] {strides = array<i32>} : memref<512xf32, #tpu.memory_space<vmem>>, vector<16xf32>,
      %get3A_1699 = vector.shape_cast %get3A_1698 : vector<16xf32> to vector<16xf32>
      %broadcast_in_dim3A_1700 = arith.constant 16 : i32
      %broadcast_in_dim3A_1701 = vector.broadcast %broadcast_in_dim3A_1700 : i32 to vector<16xi32>
      %sub3A_1702 = arith.subi %broadcast_in_dim3A_1701, %iota3A : vector<16xi32>
      %ge3A_1703 = arith.cmpi sge, %broadcast_in_dim3A_1436, %sub3A_1702 : vector<16xi32>
      %ge3A_1704 = arith.cmpf oge, %get3A_1699, %get3A_1694 : vector<16xf32>
      %gt3A_1705 = arith.cmpf ogt, %get3A_1699, %get3A_1694 : vector<16xf32>
      %select_n3A_1706 = arith.select %ge3A_1703, %ge3A_1704, %gt3A_1705 : vector<16xi1>, vector<16xi1>
      %select_n3A_1707 = arith.select %select_n3A_1706, %broadcast_in_dim3A_1, %broadcast_in_dim3A_3 : vector<16xi1>, vector<16xi32>
      %add3A_1708 = arith.addi %add3A_1431, %select_n3A_1707 : vector<16xi32>
      %mul3A_1709 = arith.constant 8 : i32
      %mul3A_1710 = arith.muli %scan3A_310, %mul3A_1709 : i32
      %add3A_1711 = arith.constant 5 : i32
      %add3A_1712 = arith.addi %mul3A_1710, %add3A_1711 : i32
      %broadcast_in_dim3A_1713 = vector.broadcast %add3A_1712 : i32 to vector<16xi32>
      %get3A_1714 = arith.constant 0 : index
      %get3A_1715 = tpu.vector_load %arg5[%get3A_1714] {strides = array<i32>} : memref<512xf32, #tpu.memory_space<vmem>>, vector<16xf32>,
      %get3A_1716 = vector.shape_cast %get3A_1715 : vector<16xf32> to vector<16xf32>
      %add3A_1717 = arith.constant 0 : i32
      %add3A_1718 = arith.addi %add3A_1717, %add3A_1712 : i32
      %get3A_1719 = arith.index_cast %add3A_1718 : i32 to index
      %get3A_1720 = tpu.vector_load %arg5[%get3A_1719] {strides = array<i32>} : memref<512xf32, #tpu.memory_space<vmem>>, vector<16xf32>,
      %get3A_1721 = vector.shape_cast %get3A_1720 : vector<16xf32> to vector<16xf32>
      %broadcast_in_dim3A_1722 = arith.constant 256 : i32
      %broadcast_in_dim3A_1723 = vector.broadcast %broadcast_in_dim3A_1722 : i32 to vector<16xi32>
      %sub3A_1724 = arith.subi %broadcast_in_dim3A_1723, %iota3A : vector<16xi32>
      %ge3A_1725 = arith.cmpi sge, %broadcast_in_dim3A_1713, %sub3A_1724 : vector<16xi32>
      %ge3A_1726 = arith.cmpf oge, %get3A_1721, %get3A_1716 : vector<16xf32>
      %gt3A_1727 = arith.cmpf ogt, %get3A_1721, %get3A_1716 : vector<16xf32>
      %select_n3A_1728 = arith.select %ge3A_1725, %ge3A_1726, %gt3A_1727 : vector<16xi1>, vector<16xi1>
      %select_n3A_1729 = arith.select %select_n3A_1728, %broadcast_in_dim3A_1, %broadcast_in_dim3A_3 : vector<16xi1>, vector<16xi32>
      %add3A_1730 = arith.addi %add3A_1453, %select_n3A_1729 : vector<16xi32>
      %get3A_1731 = arith.constant 16 : index
      %get3A_1732 = tpu.vector_load %arg5[%get3A_1731] {strides = array<i32>} : memref<512xf32, #tpu.memory_space<vmem>>, vector<16xf32>,
      %get3A_1733 = vector.shape_cast %get3A_1732 : vector<16xf32> to vector<16xf32>
      %add3A_1734 = arith.constant 16 : i32
      %add3A_1735 = arith.addi %add3A_1734, %add3A_1712 : i32
      %get3A_1736 = arith.index_cast %add3A_1735 : i32 to index
      %get3A_1737 = tpu.vector_load %arg5[%get3A_1736] {strides = array<i32>} : memref<512xf32, #tpu.memory_space<vmem>>, vector<16xf32>,
      %get3A_1738 = vector.shape_cast %get3A_1737 : vector<16xf32> to vector<16xf32>
      %broadcast_in_dim3A_1739 = arith.constant 240 : i32
      %broadcast_in_dim3A_1740 = vector.broadcast %broadcast_in_dim3A_1739 : i32 to vector<16xi32>
      %sub3A_1741 = arith.subi %broadcast_in_dim3A_1740, %iota3A : vector<16xi32>
      %ge3A_1742 = arith.cmpi sge, %broadcast_in_dim3A_1713, %sub3A_1741 : vector<16xi32>
      %ge3A_1743 = arith.cmpf oge, %get3A_1738, %get3A_1733 : vector<16xf32>
      %gt3A_1744 = arith.cmpf ogt, %get3A_1738, %get3A_1733 : vector<16xf32>
      %select_n3A_1745 = arith.select %ge3A_1742, %ge3A_1743, %gt3A_1744 : vector<16xi1>, vector<16xi1>
      %select_n3A_1746 = arith.select %select_n3A_1745, %broadcast_in_dim3A_1, %broadcast_in_dim3A_3 : vector<16xi1>, vector<16xi32>
      %add3A_1747 = arith.addi %add3A_1470, %select_n3A_1746 : vector<16xi32>
      %get3A_1748 = arith.constant 32 : index
      %get3A_1749 = tpu.vector_load %arg5[%get3A_1748] {strides = array<i32>} : memref<512xf32, #tpu.memory_space<vmem>>, vector<16xf32>,
      %get3A_1750 = vector.shape_cast %get3A_1749 : vector<16xf32> to vector<16xf32>
      %add3A_1751 = arith.constant 32 : i32
      %add3A_1752 = arith.addi %add3A_1751, %add3A_1712 : i32
      %get3A_1753 = arith.index_cast %add3A_1752 : i32 to index
      %get3A_1754 = tpu.vector_load %arg5[%get3A_1753] {strides = array<i32>} : memref<512xf32, #tpu.memory_space<vmem>>, vector<16xf32>,
      %get3A_1755 = vector.shape_cast %get3A_1754 : vector<16xf32> to vector<16xf32>
      %broadcast_in_dim3A_1756 = arith.constant 224 : i32
      %broadcast_in_dim3A_1757 = vector.broadcast %broadcast_in_dim3A_1756 : i32 to vector<16xi32>
      %sub3A_1758 = arith.subi %broadcast_in_dim3A_1757, %iota3A : vector<16xi32>
      %ge3A_1759 = arith.cmpi sge, %broadcast_in_dim3A_1713, %sub3A_1758 : vector<16xi32>
      %ge3A_1760 = arith.cmpf oge, %get3A_1755, %get3A_1750 : vector<16xf32>
      %gt3A_1761 = arith.cmpf ogt, %get3A_1755, %get3A_1750 : vector<16xf32>
      %select_n3A_1762 = arith.select %ge3A_1759, %ge3A_1760, %gt3A_1761 : vector<16xi1>, vector<16xi1>
      %select_n3A_1763 = arith.select %select_n3A_1762, %broadcast_in_dim3A_1, %broadcast_in_dim3A_3 : vector<16xi1>, vector<16xi32>
      %add3A_1764 = arith.addi %add3A_1487, %select_n3A_1763 : vector<16xi32>
      %get3A_1765 = arith.constant 48 : index
      %get3A_1766 = tpu.vector_load %arg5[%get3A_1765] {strides = array<i32>} : memref<512xf32, #tpu.memory_space<vmem>>, vector<16xf32>,
      %get3A_1767 = vector.shape_cast %get3A_1766 : vector<16xf32> to vector<16xf32>
      %add3A_1768 = arith.constant 48 : i32
      %add3A_1769 = arith.addi %add3A_1768, %add3A_1712 : i32
      %get3A_1770 = arith.index_cast %add3A_1769 : i32 to index
      %get3A_1771 = tpu.vector_load %arg5[%get3A_1770] {strides = array<i32>} : memref<512xf32, #tpu.memory_space<vmem>>, vector<16xf32>,
      %get3A_1772 = vector.shape_cast %get3A_1771 : vector<16xf32> to vector<16xf32>
      %broadcast_in_dim3A_1773 = arith.constant 208 : i32
      %broadcast_in_dim3A_1774 = vector.broadcast %broadcast_in_dim3A_1773 : i32 to vector<16xi32>
      %sub3A_1775 = arith.subi %broadcast_in_dim3A_1774, %iota3A : vector<16xi32>
      %ge3A_1776 = arith.cmpi sge, %broadcast_in_dim3A_1713, %sub3A_1775 : vector<16xi32>
      %ge3A_1777 = arith.cmpf oge, %get3A_1772, %get3A_1767 : vector<16xf32>
      %gt3A_1778 = arith.cmpf ogt, %get3A_1772, %get3A_1767 : vector<16xf32>
      %select_n3A_1779 = arith.select %ge3A_1776, %ge3A_1777, %gt3A_1778 : vector<16xi1>, vector<16xi1>
      %select_n3A_1780 = arith.select %select_n3A_1779, %broadcast_in_dim3A_1, %broadcast_in_dim3A_3 : vector<16xi1>, vector<16xi32>
      %add3A_1781 = arith.addi %add3A_1504, %select_n3A_1780 : vector<16xi32>
      %get3A_1782 = arith.constant 64 : index
      %get3A_1783 = tpu.vector_load %arg5[%get3A_1782] {strides = array<i32>} : memref<512xf32, #tpu.memory_space<vmem>>, vector<16xf32>,
      %get3A_1784 = vector.shape_cast %get3A_1783 : vector<16xf32> to vector<16xf32>
      %add3A_1785 = arith.constant 64 : i32
      %add3A_1786 = arith.addi %add3A_1785, %add3A_1712 : i32
      %get3A_1787 = arith.index_cast %add3A_1786 : i32 to index
      %get3A_1788 = tpu.vector_load %arg5[%get3A_1787] {strides = array<i32>} : memref<512xf32, #tpu.memory_space<vmem>>, vector<16xf32>,
      %get3A_1789 = vector.shape_cast %get3A_1788 : vector<16xf32> to vector<16xf32>
      %broadcast_in_dim3A_1790 = arith.constant 192 : i32
      %broadcast_in_dim3A_1791 = vector.broadcast %broadcast_in_dim3A_1790 : i32 to vector<16xi32>
      %sub3A_1792 = arith.subi %broadcast_in_dim3A_1791, %iota3A : vector<16xi32>
      %ge3A_1793 = arith.cmpi sge, %broadcast_in_dim3A_1713, %sub3A_1792 : vector<16xi32>
      %ge3A_1794 = arith.cmpf oge, %get3A_1789, %get3A_1784 : vector<16xf32>
      %gt3A_1795 = arith.cmpf ogt, %get3A_1789, %get3A_1784 : vector<16xf32>
      %select_n3A_1796 = arith.select %ge3A_1793, %ge3A_1794, %gt3A_1795 : vector<16xi1>, vector<16xi1>
      %select_n3A_1797 = arith.select %select_n3A_1796, %broadcast_in_dim3A_1, %broadcast_in_dim3A_3 : vector<16xi1>, vector<16xi32>
      %add3A_1798 = arith.addi %add3A_1521, %select_n3A_1797 : vector<16xi32>
      %get3A_1799 = arith.constant 80 : index
      %get3A_1800 = tpu.vector_load %arg5[%get3A_1799] {strides = array<i32>} : memref<512xf32, #tpu.memory_space<vmem>>, vector<16xf32>,
      %get3A_1801 = vector.shape_cast %get3A_1800 : vector<16xf32> to vector<16xf32>
      %add3A_1802 = arith.constant 80 : i32
      %add3A_1803 = arith.addi %add3A_1802, %add3A_1712 : i32
      %get3A_1804 = arith.index_cast %add3A_1803 : i32 to index
      %get3A_1805 = tpu.vector_load %arg5[%get3A_1804] {strides = array<i32>} : memref<512xf32, #tpu.memory_space<vmem>>, vector<16xf32>,
      %get3A_1806 = vector.shape_cast %get3A_1805 : vector<16xf32> to vector<16xf32>
      %broadcast_in_dim3A_1807 = arith.constant 176 : i32
      %broadcast_in_dim3A_1808 = vector.broadcast %broadcast_in_dim3A_1807 : i32 to vector<16xi32>
      %sub3A_1809 = arith.subi %broadcast_in_dim3A_1808, %iota3A : vector<16xi32>
      %ge3A_1810 = arith.cmpi sge, %broadcast_in_dim3A_1713, %sub3A_1809 : vector<16xi32>
      %ge3A_1811 = arith.cmpf oge, %get3A_1806, %get3A_1801 : vector<16xf32>
      %gt3A_1812 = arith.cmpf ogt, %get3A_1806, %get3A_1801 : vector<16xf32>
      %select_n3A_1813 = arith.select %ge3A_1810, %ge3A_1811, %gt3A_1812 : vector<16xi1>, vector<16xi1>
      %select_n3A_1814 = arith.select %select_n3A_1813, %broadcast_in_dim3A_1, %broadcast_in_dim3A_3 : vector<16xi1>, vector<16xi32>
      %add3A_1815 = arith.addi %add3A_1538, %select_n3A_1814 : vector<16xi32>
      %get3A_1816 = arith.constant 96 : index
      %get3A_1817 = tpu.vector_load %arg5[%get3A_1816] {strides = array<i32>} : memref<512xf32, #tpu.memory_space<vmem>>, vector<16xf32>,
      %get3A_1818 = vector.shape_cast %get3A_1817 : vector<16xf32> to vector<16xf32>
      %add3A_1819 = arith.constant 96 : i32
      %add3A_1820 = arith.addi %add3A_1819, %add3A_1712 : i32
      %get3A_1821 = arith.index_cast %add3A_1820 : i32 to index
      %get3A_1822 = tpu.vector_load %arg5[%get3A_1821] {strides = array<i32>} : memref<512xf32, #tpu.memory_space<vmem>>, vector<16xf32>,
      %get3A_1823 = vector.shape_cast %get3A_1822 : vector<16xf32> to vector<16xf32>
      %broadcast_in_dim3A_1824 = arith.constant 160 : i32
      %broadcast_in_dim3A_1825 = vector.broadcast %broadcast_in_dim3A_1824 : i32 to vector<16xi32>
      %sub3A_1826 = arith.subi %broadcast_in_dim3A_1825, %iota3A : vector<16xi32>
      %ge3A_1827 = arith.cmpi sge, %broadcast_in_dim3A_1713, %sub3A_1826 : vector<16xi32>
      %ge3A_1828 = arith.cmpf oge, %get3A_1823, %get3A_1818 : vector<16xf32>
      %gt3A_1829 = arith.cmpf ogt, %get3A_1823, %get3A_1818 : vector<16xf32>
      %select_n3A_1830 = arith.select %ge3A_1827, %ge3A_1828, %gt3A_1829 : vector<16xi1>, vector<16xi1>
      %select_n3A_1831 = arith.select %select_n3A_1830, %broadcast_in_dim3A_1, %broadcast_in_dim3A_3 : vector<16xi1>, vector<16xi32>
      %add3A_1832 = arith.addi %add3A_1555, %select_n3A_1831 : vector<16xi32>
      %get3A_1833 = arith.constant 112 : index
      %get3A_1834 = tpu.vector_load %arg5[%get3A_1833] {strides = array<i32>} : memref<512xf32, #tpu.memory_space<vmem>>, vector<16xf32>,
      %get3A_1835 = vector.shape_cast %get3A_1834 : vector<16xf32> to vector<16xf32>
      %add3A_1836 = arith.constant 112 : i32
      %add3A_1837 = arith.addi %add3A_1836, %add3A_1712 : i32
      %get3A_1838 = arith.index_cast %add3A_1837 : i32 to index
      %get3A_1839 = tpu.vector_load %arg5[%get3A_1838] {strides = array<i32>} : memref<512xf32, #tpu.memory_space<vmem>>, vector<16xf32>,
      %get3A_1840 = vector.shape_cast %get3A_1839 : vector<16xf32> to vector<16xf32>
      %broadcast_in_dim3A_1841 = arith.constant 144 : i32
      %broadcast_in_dim3A_1842 = vector.broadcast %broadcast_in_dim3A_1841 : i32 to vector<16xi32>
      %sub3A_1843 = arith.subi %broadcast_in_dim3A_1842, %iota3A : vector<16xi32>
      %ge3A_1844 = arith.cmpi sge, %broadcast_in_dim3A_1713, %sub3A_1843 : vector<16xi32>
      %ge3A_1845 = arith.cmpf oge, %get3A_1840, %get3A_1835 : vector<16xf32>
      %gt3A_1846 = arith.cmpf ogt, %get3A_1840, %get3A_1835 : vector<16xf32>
      %select_n3A_1847 = arith.select %ge3A_1844, %ge3A_1845, %gt3A_1846 : vector<16xi1>, vector<16xi1>
      %select_n3A_1848 = arith.select %select_n3A_1847, %broadcast_in_dim3A_1, %broadcast_in_dim3A_3 : vector<16xi1>, vector<16xi32>
      %add3A_1849 = arith.addi %add3A_1572, %select_n3A_1848 : vector<16xi32>
      %get3A_1850 = arith.constant 128 : index
      %get3A_1851 = tpu.vector_load %arg5[%get3A_1850] {strides = array<i32>} : memref<512xf32, #tpu.memory_space<vmem>>, vector<16xf32>,
      %get3A_1852 = vector.shape_cast %get3A_1851 : vector<16xf32> to vector<16xf32>
      %add3A_1853 = arith.constant 128 : i32
      %add3A_1854 = arith.addi %add3A_1853, %add3A_1712 : i32
      %get3A_1855 = arith.index_cast %add3A_1854 : i32 to index
      %get3A_1856 = tpu.vector_load %arg5[%get3A_1855] {strides = array<i32>} : memref<512xf32, #tpu.memory_space<vmem>>, vector<16xf32>,
      %get3A_1857 = vector.shape_cast %get3A_1856 : vector<16xf32> to vector<16xf32>
      %broadcast_in_dim3A_1858 = arith.constant 128 : i32
      %broadcast_in_dim3A_1859 = vector.broadcast %broadcast_in_dim3A_1858 : i32 to vector<16xi32>
      %sub3A_1860 = arith.subi %broadcast_in_dim3A_1859, %iota3A : vector<16xi32>
      %ge3A_1861 = arith.cmpi sge, %broadcast_in_dim3A_1713, %sub3A_1860 : vector<16xi32>
      %ge3A_1862 = arith.cmpf oge, %get3A_1857, %get3A_1852 : vector<16xf32>
      %gt3A_1863 = arith.cmpf ogt, %get3A_1857, %get3A_1852 : vector<16xf32>
      %select_n3A_1864 = arith.select %ge3A_1861, %ge3A_1862, %gt3A_1863 : vector<16xi1>, vector<16xi1>
      %select_n3A_1865 = arith.select %select_n3A_1864, %broadcast_in_dim3A_1, %broadcast_in_dim3A_3 : vector<16xi1>, vector<16xi32>
      %add3A_1866 = arith.addi %add3A_1589, %select_n3A_1865 : vector<16xi32>
      %get3A_1867 = arith.constant 144 : index
      %get3A_1868 = tpu.vector_load %arg5[%get3A_1867] {strides = array<i32>} : memref<512xf32, #tpu.memory_space<vmem>>, vector<16xf32>,
      %get3A_1869 = vector.shape_cast %get3A_1868 : vector<16xf32> to vector<16xf32>
      %add3A_1870 = arith.constant 144 : i32
      %add3A_1871 = arith.addi %add3A_1870, %add3A_1712 : i32
      %get3A_1872 = arith.index_cast %add3A_1871 : i32 to index
      %get3A_1873 = tpu.vector_load %arg5[%get3A_1872] {strides = array<i32>} : memref<512xf32, #tpu.memory_space<vmem>>, vector<16xf32>,
      %get3A_1874 = vector.shape_cast %get3A_1873 : vector<16xf32> to vector<16xf32>
      %broadcast_in_dim3A_1875 = arith.constant 112 : i32
      %broadcast_in_dim3A_1876 = vector.broadcast %broadcast_in_dim3A_1875 : i32 to vector<16xi32>
      %sub3A_1877 = arith.subi %broadcast_in_dim3A_1876, %iota3A : vector<16xi32>
      %ge3A_1878 = arith.cmpi sge, %broadcast_in_dim3A_1713, %sub3A_1877 : vector<16xi32>
      %ge3A_1879 = arith.cmpf oge, %get3A_1874, %get3A_1869 : vector<16xf32>
      %gt3A_1880 = arith.cmpf ogt, %get3A_1874, %get3A_1869 : vector<16xf32>
      %select_n3A_1881 = arith.select %ge3A_1878, %ge3A_1879, %gt3A_1880 : vector<16xi1>, vector<16xi1>
      %select_n3A_1882 = arith.select %select_n3A_1881, %broadcast_in_dim3A_1, %broadcast_in_dim3A_3 : vector<16xi1>, vector<16xi32>
      %add3A_1883 = arith.addi %add3A_1606, %select_n3A_1882 : vector<16xi32>
      %get3A_1884 = arith.constant 160 : index
      %get3A_1885 = tpu.vector_load %arg5[%get3A_1884] {strides = array<i32>} : memref<512xf32, #tpu.memory_space<vmem>>, vector<16xf32>,
      %get3A_1886 = vector.shape_cast %get3A_1885 : vector<16xf32> to vector<16xf32>
      %add3A_1887 = arith.constant 160 : i32
      %add3A_1888 = arith.addi %add3A_1887, %add3A_1712 : i32
      %get3A_1889 = arith.index_cast %add3A_1888 : i32 to index
      %get3A_1890 = tpu.vector_load %arg5[%get3A_1889] {strides = array<i32>} : memref<512xf32, #tpu.memory_space<vmem>>, vector<16xf32>,
      %get3A_1891 = vector.shape_cast %get3A_1890 : vector<16xf32> to vector<16xf32>
      %broadcast_in_dim3A_1892 = arith.constant 96 : i32
      %broadcast_in_dim3A_1893 = vector.broadcast %broadcast_in_dim3A_1892 : i32 to vector<16xi32>
      %sub3A_1894 = arith.subi %broadcast_in_dim3A_1893, %iota3A : vector<16xi32>
      %ge3A_1895 = arith.cmpi sge, %broadcast_in_dim3A_1713, %sub3A_1894 : vector<16xi32>
      %ge3A_1896 = arith.cmpf oge, %get3A_1891, %get3A_1886 : vector<16xf32>
      %gt3A_1897 = arith.cmpf ogt, %get3A_1891, %get3A_1886 : vector<16xf32>
      %select_n3A_1898 = arith.select %ge3A_1895, %ge3A_1896, %gt3A_1897 : vector<16xi1>, vector<16xi1>
      %select_n3A_1899 = arith.select %select_n3A_1898, %broadcast_in_dim3A_1, %broadcast_in_dim3A_3 : vector<16xi1>, vector<16xi32>
      %add3A_1900 = arith.addi %add3A_1623, %select_n3A_1899 : vector<16xi32>
      %get3A_1901 = arith.constant 176 : index
      %get3A_1902 = tpu.vector_load %arg5[%get3A_1901] {strides = array<i32>} : memref<512xf32, #tpu.memory_space<vmem>>, vector<16xf32>,
      %get3A_1903 = vector.shape_cast %get3A_1902 : vector<16xf32> to vector<16xf32>
      %add3A_1904 = arith.constant 176 : i32
      %add3A_1905 = arith.addi %add3A_1904, %add3A_1712 : i32
      %get3A_1906 = arith.index_cast %add3A_1905 : i32 to index
      %get3A_1907 = tpu.vector_load %arg5[%get3A_1906] {strides = array<i32>} : memref<512xf32, #tpu.memory_space<vmem>>, vector<16xf32>,
      %get3A_1908 = vector.shape_cast %get3A_1907 : vector<16xf32> to vector<16xf32>
      %broadcast_in_dim3A_1909 = arith.constant 80 : i32
      %broadcast_in_dim3A_1910 = vector.broadcast %broadcast_in_dim3A_1909 : i32 to vector<16xi32>
      %sub3A_1911 = arith.subi %broadcast_in_dim3A_1910, %iota3A : vector<16xi32>
      %ge3A_1912 = arith.cmpi sge, %broadcast_in_dim3A_1713, %sub3A_1911 : vector<16xi32>
      %ge3A_1913 = arith.cmpf oge, %get3A_1908, %get3A_1903 : vector<16xf32>
      %gt3A_1914 = arith.cmpf ogt, %get3A_1908, %get3A_1903 : vector<16xf32>
      %select_n3A_1915 = arith.select %ge3A_1912, %ge3A_1913, %gt3A_1914 : vector<16xi1>, vector<16xi1>
      %select_n3A_1916 = arith.select %select_n3A_1915, %broadcast_in_dim3A_1, %broadcast_in_dim3A_3 : vector<16xi1>, vector<16xi32>
      %add3A_1917 = arith.addi %add3A_1640, %select_n3A_1916 : vector<16xi32>
      %get3A_1918 = arith.constant 192 : index
      %get3A_1919 = tpu.vector_load %arg5[%get3A_1918] {strides = array<i32>} : memref<512xf32, #tpu.memory_space<vmem>>, vector<16xf32>,
      %get3A_1920 = vector.shape_cast %get3A_1919 : vector<16xf32> to vector<16xf32>
      %add3A_1921 = arith.constant 192 : i32
      %add3A_1922 = arith.addi %add3A_1921, %add3A_1712 : i32
      %get3A_1923 = arith.index_cast %add3A_1922 : i32 to index
      %get3A_1924 = tpu.vector_load %arg5[%get3A_1923] {strides = array<i32>} : memref<512xf32, #tpu.memory_space<vmem>>, vector<16xf32>,
      %get3A_1925 = vector.shape_cast %get3A_1924 : vector<16xf32> to vector<16xf32>
      %broadcast_in_dim3A_1926 = arith.constant 64 : i32
      %broadcast_in_dim3A_1927 = vector.broadcast %broadcast_in_dim3A_1926 : i32 to vector<16xi32>
      %sub3A_1928 = arith.subi %broadcast_in_dim3A_1927, %iota3A : vector<16xi32>
      %ge3A_1929 = arith.cmpi sge, %broadcast_in_dim3A_1713, %sub3A_1928 : vector<16xi32>
      %ge3A_1930 = arith.cmpf oge, %get3A_1925, %get3A_1920 : vector<16xf32>
      %gt3A_1931 = arith.cmpf ogt, %get3A_1925, %get3A_1920 : vector<16xf32>
      %select_n3A_1932 = arith.select %ge3A_1929, %ge3A_1930, %gt3A_1931 : vector<16xi1>, vector<16xi1>
      %select_n3A_1933 = arith.select %select_n3A_1932, %broadcast_in_dim3A_1, %broadcast_in_dim3A_3 : vector<16xi1>, vector<16xi32>
      %add3A_1934 = arith.addi %add3A_1657, %select_n3A_1933 : vector<16xi32>
      %get3A_1935 = arith.constant 208 : index
      %get3A_1936 = tpu.vector_load %arg5[%get3A_1935] {strides = array<i32>} : memref<512xf32, #tpu.memory_space<vmem>>, vector<16xf32>,
      %get3A_1937 = vector.shape_cast %get3A_1936 : vector<16xf32> to vector<16xf32>
      %add3A_1938 = arith.constant 208 : i32
      %add3A_1939 = arith.addi %add3A_1938, %add3A_1712 : i32
      %get3A_1940 = arith.index_cast %add3A_1939 : i32 to index
      %get3A_1941 = tpu.vector_load %arg5[%get3A_1940] {strides = array<i32>} : memref<512xf32, #tpu.memory_space<vmem>>, vector<16xf32>,
      %get3A_1942 = vector.shape_cast %get3A_1941 : vector<16xf32> to vector<16xf32>
      %broadcast_in_dim3A_1943 = arith.constant 48 : i32
      %broadcast_in_dim3A_1944 = vector.broadcast %broadcast_in_dim3A_1943 : i32 to vector<16xi32>
      %sub3A_1945 = arith.subi %broadcast_in_dim3A_1944, %iota3A : vector<16xi32>
      %ge3A_1946 = arith.cmpi sge, %broadcast_in_dim3A_1713, %sub3A_1945 : vector<16xi32>
      %ge3A_1947 = arith.cmpf oge, %get3A_1942, %get3A_1937 : vector<16xf32>
      %gt3A_1948 = arith.cmpf ogt, %get3A_1942, %get3A_1937 : vector<16xf32>
      %select_n3A_1949 = arith.select %ge3A_1946, %ge3A_1947, %gt3A_1948 : vector<16xi1>, vector<16xi1>
      %select_n3A_1950 = arith.select %select_n3A_1949, %broadcast_in_dim3A_1, %broadcast_in_dim3A_3 : vector<16xi1>, vector<16xi32>
      %add3A_1951 = arith.addi %add3A_1674, %select_n3A_1950 : vector<16xi32>
      %get3A_1952 = arith.constant 224 : index
      %get3A_1953 = tpu.vector_load %arg5[%get3A_1952] {strides = array<i32>} : memref<512xf32, #tpu.memory_space<vmem>>, vector<16xf32>,
      %get3A_1954 = vector.shape_cast %get3A_1953 : vector<16xf32> to vector<16xf32>
      %add3A_1955 = arith.constant 224 : i32
      %add3A_1956 = arith.addi %add3A_1955, %add3A_1712 : i32
      %get3A_1957 = arith.index_cast %add3A_1956 : i32 to index
      %get3A_1958 = tpu.vector_load %arg5[%get3A_1957] {strides = array<i32>} : memref<512xf32, #tpu.memory_space<vmem>>, vector<16xf32>,
      %get3A_1959 = vector.shape_cast %get3A_1958 : vector<16xf32> to vector<16xf32>
      %broadcast_in_dim3A_1960 = arith.constant 32 : i32
      %broadcast_in_dim3A_1961 = vector.broadcast %broadcast_in_dim3A_1960 : i32 to vector<16xi32>
      %sub3A_1962 = arith.subi %broadcast_in_dim3A_1961, %iota3A : vector<16xi32>
      %ge3A_1963 = arith.cmpi sge, %broadcast_in_dim3A_1713, %sub3A_1962 : vector<16xi32>
      %ge3A_1964 = arith.cmpf oge, %get3A_1959, %get3A_1954 : vector<16xf32>
      %gt3A_1965 = arith.cmpf ogt, %get3A_1959, %get3A_1954 : vector<16xf32>
      %select_n3A_1966 = arith.select %ge3A_1963, %ge3A_1964, %gt3A_1965 : vector<16xi1>, vector<16xi1>
      %select_n3A_1967 = arith.select %select_n3A_1966, %broadcast_in_dim3A_1, %broadcast_in_dim3A_3 : vector<16xi1>, vector<16xi32>
      %add3A_1968 = arith.addi %add3A_1691, %select_n3A_1967 : vector<16xi32>
      %get3A_1969 = arith.constant 240 : index
      %get3A_1970 = tpu.vector_load %arg5[%get3A_1969] {strides = array<i32>} : memref<512xf32, #tpu.memory_space<vmem>>, vector<16xf32>,
      %get3A_1971 = vector.shape_cast %get3A_1970 : vector<16xf32> to vector<16xf32>
      %add3A_1972 = arith.constant 240 : i32
      %add3A_1973 = arith.addi %add3A_1972, %add3A_1712 : i32
      %get3A_1974 = arith.index_cast %add3A_1973 : i32 to index
      %get3A_1975 = tpu.vector_load %arg5[%get3A_1974] {strides = array<i32>} : memref<512xf32, #tpu.memory_space<vmem>>, vector<16xf32>,
      %get3A_1976 = vector.shape_cast %get3A_1975 : vector<16xf32> to vector<16xf32>
      %broadcast_in_dim3A_1977 = arith.constant 16 : i32
      %broadcast_in_dim3A_1978 = vector.broadcast %broadcast_in_dim3A_1977 : i32 to vector<16xi32>
      %sub3A_1979 = arith.subi %broadcast_in_dim3A_1978, %iota3A : vector<16xi32>
      %ge3A_1980 = arith.cmpi sge, %broadcast_in_dim3A_1713, %sub3A_1979 : vector<16xi32>
      %ge3A_1981 = arith.cmpf oge, %get3A_1976, %get3A_1971 : vector<16xf32>
      %gt3A_1982 = arith.cmpf ogt, %get3A_1976, %get3A_1971 : vector<16xf32>
      %select_n3A_1983 = arith.select %ge3A_1980, %ge3A_1981, %gt3A_1982 : vector<16xi1>, vector<16xi1>
      %select_n3A_1984 = arith.select %select_n3A_1983, %broadcast_in_dim3A_1, %broadcast_in_dim3A_3 : vector<16xi1>, vector<16xi32>
      %add3A_1985 = arith.addi %add3A_1708, %select_n3A_1984 : vector<16xi32>
      %mul3A_1986 = arith.constant 8 : i32
      %mul3A_1987 = arith.muli %scan3A_310, %mul3A_1986 : i32
      %add3A_1988 = arith.constant 6 : i32
      %add3A_1989 = arith.addi %mul3A_1987, %add3A_1988 : i32
      %broadcast_in_dim3A_1990 = vector.broadcast %add3A_1989 : i32 to vector<16xi32>
      %get3A_1991 = arith.constant 0 : index
      %get3A_1992 = tpu.vector_load %arg5[%get3A_1991] {strides = array<i32>} : memref<512xf32, #tpu.memory_space<vmem>>, vector<16xf32>,
      %get3A_1993 = vector.shape_cast %get3A_1992 : vector<16xf32> to vector<16xf32>
      %add3A_1994 = arith.constant 0 : i32
      %add3A_1995 = arith.addi %add3A_1994, %add3A_1989 : i32
      %get3A_1996 = arith.index_cast %add3A_1995 : i32 to index
      %get3A_1997 = tpu.vector_load %arg5[%get3A_1996] {strides = array<i32>} : memref<512xf32, #tpu.memory_space<vmem>>, vector<16xf32>,
      %get3A_1998 = vector.shape_cast %get3A_1997 : vector<16xf32> to vector<16xf32>
      %broadcast_in_dim3A_1999 = arith.constant 256 : i32
      %broadcast_in_dim3A_2000 = vector.broadcast %broadcast_in_dim3A_1999 : i32 to vector<16xi32>
      %sub3A_2001 = arith.subi %broadcast_in_dim3A_2000, %iota3A : vector<16xi32>
      %ge3A_2002 = arith.cmpi sge, %broadcast_in_dim3A_1990, %sub3A_2001 : vector<16xi32>
      %ge3A_2003 = arith.cmpf oge, %get3A_1998, %get3A_1993 : vector<16xf32>
      %gt3A_2004 = arith.cmpf ogt, %get3A_1998, %get3A_1993 : vector<16xf32>
      %select_n3A_2005 = arith.select %ge3A_2002, %ge3A_2003, %gt3A_2004 : vector<16xi1>, vector<16xi1>
      %select_n3A_2006 = arith.select %select_n3A_2005, %broadcast_in_dim3A_1, %broadcast_in_dim3A_3 : vector<16xi1>, vector<16xi32>
      %add3A_2007 = arith.addi %add3A_1730, %select_n3A_2006 : vector<16xi32>
      %get3A_2008 = arith.constant 16 : index
      %get3A_2009 = tpu.vector_load %arg5[%get3A_2008] {strides = array<i32>} : memref<512xf32, #tpu.memory_space<vmem>>, vector<16xf32>,
      %get3A_2010 = vector.shape_cast %get3A_2009 : vector<16xf32> to vector<16xf32>
      %add3A_2011 = arith.constant 16 : i32
      %add3A_2012 = arith.addi %add3A_2011, %add3A_1989 : i32
      %get3A_2013 = arith.index_cast %add3A_2012 : i32 to index
      %get3A_2014 = tpu.vector_load %arg5[%get3A_2013] {strides = array<i32>} : memref<512xf32, #tpu.memory_space<vmem>>, vector<16xf32>,
      %get3A_2015 = vector.shape_cast %get3A_2014 : vector<16xf32> to vector<16xf32>
      %broadcast_in_dim3A_2016 = arith.constant 240 : i32
      %broadcast_in_dim3A_2017 = vector.broadcast %broadcast_in_dim3A_2016 : i32 to vector<16xi32>
      %sub3A_2018 = arith.subi %broadcast_in_dim3A_2017, %iota3A : vector<16xi32>
      %ge3A_2019 = arith.cmpi sge, %broadcast_in_dim3A_1990, %sub3A_2018 : vector<16xi32>
      %ge3A_2020 = arith.cmpf oge, %get3A_2015, %get3A_2010 : vector<16xf32>
      %gt3A_2021 = arith.cmpf ogt, %get3A_2015, %get3A_2010 : vector<16xf32>
      %select_n3A_2022 = arith.select %ge3A_2019, %ge3A_2020, %gt3A_2021 : vector<16xi1>, vector<16xi1>
      %select_n3A_2023 = arith.select %select_n3A_2022, %broadcast_in_dim3A_1, %broadcast_in_dim3A_3 : vector<16xi1>, vector<16xi32>
      %add3A_2024 = arith.addi %add3A_1747, %select_n3A_2023 : vector<16xi32>
      %get3A_2025 = arith.constant 32 : index
      %get3A_2026 = tpu.vector_load %arg5[%get3A_2025] {strides = array<i32>} : memref<512xf32, #tpu.memory_space<vmem>>, vector<16xf32>,
      %get3A_2027 = vector.shape_cast %get3A_2026 : vector<16xf32> to vector<16xf32>
      %add3A_2028 = arith.constant 32 : i32
      %add3A_2029 = arith.addi %add3A_2028, %add3A_1989 : i32
      %get3A_2030 = arith.index_cast %add3A_2029 : i32 to index
      %get3A_2031 = tpu.vector_load %arg5[%get3A_2030] {strides = array<i32>} : memref<512xf32, #tpu.memory_space<vmem>>, vector<16xf32>,
      %get3A_2032 = vector.shape_cast %get3A_2031 : vector<16xf32> to vector<16xf32>
      %broadcast_in_dim3A_2033 = arith.constant 224 : i32
      %broadcast_in_dim3A_2034 = vector.broadcast %broadcast_in_dim3A_2033 : i32 to vector<16xi32>
      %sub3A_2035 = arith.subi %broadcast_in_dim3A_2034, %iota3A : vector<16xi32>
      %ge3A_2036 = arith.cmpi sge, %broadcast_in_dim3A_1990, %sub3A_2035 : vector<16xi32>
      %ge3A_2037 = arith.cmpf oge, %get3A_2032, %get3A_2027 : vector<16xf32>
      %gt3A_2038 = arith.cmpf ogt, %get3A_2032, %get3A_2027 : vector<16xf32>
      %select_n3A_2039 = arith.select %ge3A_2036, %ge3A_2037, %gt3A_2038 : vector<16xi1>, vector<16xi1>
      %select_n3A_2040 = arith.select %select_n3A_2039, %broadcast_in_dim3A_1, %broadcast_in_dim3A_3 : vector<16xi1>, vector<16xi32>
      %add3A_2041 = arith.addi %add3A_1764, %select_n3A_2040 : vector<16xi32>
      %get3A_2042 = arith.constant 48 : index
      %get3A_2043 = tpu.vector_load %arg5[%get3A_2042] {strides = array<i32>} : memref<512xf32, #tpu.memory_space<vmem>>, vector<16xf32>,
      %get3A_2044 = vector.shape_cast %get3A_2043 : vector<16xf32> to vector<16xf32>
      %add3A_2045 = arith.constant 48 : i32
      %add3A_2046 = arith.addi %add3A_2045, %add3A_1989 : i32
      %get3A_2047 = arith.index_cast %add3A_2046 : i32 to index
      %get3A_2048 = tpu.vector_load %arg5[%get3A_2047] {strides = array<i32>} : memref<512xf32, #tpu.memory_space<vmem>>, vector<16xf32>,
      %get3A_2049 = vector.shape_cast %get3A_2048 : vector<16xf32> to vector<16xf32>
      %broadcast_in_dim3A_2050 = arith.constant 208 : i32
      %broadcast_in_dim3A_2051 = vector.broadcast %broadcast_in_dim3A_2050 : i32 to vector<16xi32>
      %sub3A_2052 = arith.subi %broadcast_in_dim3A_2051, %iota3A : vector<16xi32>
      %ge3A_2053 = arith.cmpi sge, %broadcast_in_dim3A_1990, %sub3A_2052 : vector<16xi32>
      %ge3A_2054 = arith.cmpf oge, %get3A_2049, %get3A_2044 : vector<16xf32>
      %gt3A_2055 = arith.cmpf ogt, %get3A_2049, %get3A_2044 : vector<16xf32>
      %select_n3A_2056 = arith.select %ge3A_2053, %ge3A_2054, %gt3A_2055 : vector<16xi1>, vector<16xi1>
      %select_n3A_2057 = arith.select %select_n3A_2056, %broadcast_in_dim3A_1, %broadcast_in_dim3A_3 : vector<16xi1>, vector<16xi32>
      %add3A_2058 = arith.addi %add3A_1781, %select_n3A_2057 : vector<16xi32>
      %get3A_2059 = arith.constant 64 : index
      %get3A_2060 = tpu.vector_load %arg5[%get3A_2059] {strides = array<i32>} : memref<512xf32, #tpu.memory_space<vmem>>, vector<16xf32>,
      %get3A_2061 = vector.shape_cast %get3A_2060 : vector<16xf32> to vector<16xf32>
      %add3A_2062 = arith.constant 64 : i32
      %add3A_2063 = arith.addi %add3A_2062, %add3A_1989 : i32
      %get3A_2064 = arith.index_cast %add3A_2063 : i32 to index
      %get3A_2065 = tpu.vector_load %arg5[%get3A_2064] {strides = array<i32>} : memref<512xf32, #tpu.memory_space<vmem>>, vector<16xf32>,
      %get3A_2066 = vector.shape_cast %get3A_2065 : vector<16xf32> to vector<16xf32>
      %broadcast_in_dim3A_2067 = arith.constant 192 : i32
      %broadcast_in_dim3A_2068 = vector.broadcast %broadcast_in_dim3A_2067 : i32 to vector<16xi32>
      %sub3A_2069 = arith.subi %broadcast_in_dim3A_2068, %iota3A : vector<16xi32>
      %ge3A_2070 = arith.cmpi sge, %broadcast_in_dim3A_1990, %sub3A_2069 : vector<16xi32>
      %ge3A_2071 = arith.cmpf oge, %get3A_2066, %get3A_2061 : vector<16xf32>
      %gt3A_2072 = arith.cmpf ogt, %get3A_2066, %get3A_2061 : vector<16xf32>
      %select_n3A_2073 = arith.select %ge3A_2070, %ge3A_2071, %gt3A_2072 : vector<16xi1>, vector<16xi1>
      %select_n3A_2074 = arith.select %select_n3A_2073, %broadcast_in_dim3A_1, %broadcast_in_dim3A_3 : vector<16xi1>, vector<16xi32>
      %add3A_2075 = arith.addi %add3A_1798, %select_n3A_2074 : vector<16xi32>
      %get3A_2076 = arith.constant 80 : index
      %get3A_2077 = tpu.vector_load %arg5[%get3A_2076] {strides = array<i32>} : memref<512xf32, #tpu.memory_space<vmem>>, vector<16xf32>,
      %get3A_2078 = vector.shape_cast %get3A_2077 : vector<16xf32> to vector<16xf32>
      %add3A_2079 = arith.constant 80 : i32
      %add3A_2080 = arith.addi %add3A_2079, %add3A_1989 : i32
      %get3A_2081 = arith.index_cast %add3A_2080 : i32 to index
      %get3A_2082 = tpu.vector_load %arg5[%get3A_2081] {strides = array<i32>} : memref<512xf32, #tpu.memory_space<vmem>>, vector<16xf32>,
      %get3A_2083 = vector.shape_cast %get3A_2082 : vector<16xf32> to vector<16xf32>
      %broadcast_in_dim3A_2084 = arith.constant 176 : i32
      %broadcast_in_dim3A_2085 = vector.broadcast %broadcast_in_dim3A_2084 : i32 to vector<16xi32>
      %sub3A_2086 = arith.subi %broadcast_in_dim3A_2085, %iota3A : vector<16xi32>
      %ge3A_2087 = arith.cmpi sge, %broadcast_in_dim3A_1990, %sub3A_2086 : vector<16xi32>
      %ge3A_2088 = arith.cmpf oge, %get3A_2083, %get3A_2078 : vector<16xf32>
      %gt3A_2089 = arith.cmpf ogt, %get3A_2083, %get3A_2078 : vector<16xf32>
      %select_n3A_2090 = arith.select %ge3A_2087, %ge3A_2088, %gt3A_2089 : vector<16xi1>, vector<16xi1>
      %select_n3A_2091 = arith.select %select_n3A_2090, %broadcast_in_dim3A_1, %broadcast_in_dim3A_3 : vector<16xi1>, vector<16xi32>
      %add3A_2092 = arith.addi %add3A_1815, %select_n3A_2091 : vector<16xi32>
      %get3A_2093 = arith.constant 96 : index
      %get3A_2094 = tpu.vector_load %arg5[%get3A_2093] {strides = array<i32>} : memref<512xf32, #tpu.memory_space<vmem>>, vector<16xf32>,
      %get3A_2095 = vector.shape_cast %get3A_2094 : vector<16xf32> to vector<16xf32>
      %add3A_2096 = arith.constant 96 : i32
      %add3A_2097 = arith.addi %add3A_2096, %add3A_1989 : i32
      %get3A_2098 = arith.index_cast %add3A_2097 : i32 to index
      %get3A_2099 = tpu.vector_load %arg5[%get3A_2098] {strides = array<i32>} : memref<512xf32, #tpu.memory_space<vmem>>, vector<16xf32>,
      %get3A_2100 = vector.shape_cast %get3A_2099 : vector<16xf32> to vector<16xf32>
      %broadcast_in_dim3A_2101 = arith.constant 160 : i32
      %broadcast_in_dim3A_2102 = vector.broadcast %broadcast_in_dim3A_2101 : i32 to vector<16xi32>
      %sub3A_2103 = arith.subi %broadcast_in_dim3A_2102, %iota3A : vector<16xi32>
      %ge3A_2104 = arith.cmpi sge, %broadcast_in_dim3A_1990, %sub3A_2103 : vector<16xi32>
      %ge3A_2105 = arith.cmpf oge, %get3A_2100, %get3A_2095 : vector<16xf32>
      %gt3A_2106 = arith.cmpf ogt, %get3A_2100, %get3A_2095 : vector<16xf32>
      %select_n3A_2107 = arith.select %ge3A_2104, %ge3A_2105, %gt3A_2106 : vector<16xi1>, vector<16xi1>
      %select_n3A_2108 = arith.select %select_n3A_2107, %broadcast_in_dim3A_1, %broadcast_in_dim3A_3 : vector<16xi1>, vector<16xi32>
      %add3A_2109 = arith.addi %add3A_1832, %select_n3A_2108 : vector<16xi32>
      %get3A_2110 = arith.constant 112 : index
      %get3A_2111 = tpu.vector_load %arg5[%get3A_2110] {strides = array<i32>} : memref<512xf32, #tpu.memory_space<vmem>>, vector<16xf32>,
      %get3A_2112 = vector.shape_cast %get3A_2111 : vector<16xf32> to vector<16xf32>
      %add3A_2113 = arith.constant 112 : i32
      %add3A_2114 = arith.addi %add3A_2113, %add3A_1989 : i32
      %get3A_2115 = arith.index_cast %add3A_2114 : i32 to index
      %get3A_2116 = tpu.vector_load %arg5[%get3A_2115] {strides = array<i32>} : memref<512xf32, #tpu.memory_space<vmem>>, vector<16xf32>,
      %get3A_2117 = vector.shape_cast %get3A_2116 : vector<16xf32> to vector<16xf32>
      %broadcast_in_dim3A_2118 = arith.constant 144 : i32
      %broadcast_in_dim3A_2119 = vector.broadcast %broadcast_in_dim3A_2118 : i32 to vector<16xi32>
      %sub3A_2120 = arith.subi %broadcast_in_dim3A_2119, %iota3A : vector<16xi32>
      %ge3A_2121 = arith.cmpi sge, %broadcast_in_dim3A_1990, %sub3A_2120 : vector<16xi32>
      %ge3A_2122 = arith.cmpf oge, %get3A_2117, %get3A_2112 : vector<16xf32>
      %gt3A_2123 = arith.cmpf ogt, %get3A_2117, %get3A_2112 : vector<16xf32>
      %select_n3A_2124 = arith.select %ge3A_2121, %ge3A_2122, %gt3A_2123 : vector<16xi1>, vector<16xi1>
      %select_n3A_2125 = arith.select %select_n3A_2124, %broadcast_in_dim3A_1, %broadcast_in_dim3A_3 : vector<16xi1>, vector<16xi32>
      %add3A_2126 = arith.addi %add3A_1849, %select_n3A_2125 : vector<16xi32>
      %get3A_2127 = arith.constant 128 : index
      %get3A_2128 = tpu.vector_load %arg5[%get3A_2127] {strides = array<i32>} : memref<512xf32, #tpu.memory_space<vmem>>, vector<16xf32>,
      %get3A_2129 = vector.shape_cast %get3A_2128 : vector<16xf32> to vector<16xf32>
      %add3A_2130 = arith.constant 128 : i32
      %add3A_2131 = arith.addi %add3A_2130, %add3A_1989 : i32
      %get3A_2132 = arith.index_cast %add3A_2131 : i32 to index
      %get3A_2133 = tpu.vector_load %arg5[%get3A_2132] {strides = array<i32>} : memref<512xf32, #tpu.memory_space<vmem>>, vector<16xf32>,
      %get3A_2134 = vector.shape_cast %get3A_2133 : vector<16xf32> to vector<16xf32>
      %broadcast_in_dim3A_2135 = arith.constant 128 : i32
      %broadcast_in_dim3A_2136 = vector.broadcast %broadcast_in_dim3A_2135 : i32 to vector<16xi32>
      %sub3A_2137 = arith.subi %broadcast_in_dim3A_2136, %iota3A : vector<16xi32>
      %ge3A_2138 = arith.cmpi sge, %broadcast_in_dim3A_1990, %sub3A_2137 : vector<16xi32>
      %ge3A_2139 = arith.cmpf oge, %get3A_2134, %get3A_2129 : vector<16xf32>
      %gt3A_2140 = arith.cmpf ogt, %get3A_2134, %get3A_2129 : vector<16xf32>
      %select_n3A_2141 = arith.select %ge3A_2138, %ge3A_2139, %gt3A_2140 : vector<16xi1>, vector<16xi1>
      %select_n3A_2142 = arith.select %select_n3A_2141, %broadcast_in_dim3A_1, %broadcast_in_dim3A_3 : vector<16xi1>, vector<16xi32>
      %add3A_2143 = arith.addi %add3A_1866, %select_n3A_2142 : vector<16xi32>
      %get3A_2144 = arith.constant 144 : index
      %get3A_2145 = tpu.vector_load %arg5[%get3A_2144] {strides = array<i32>} : memref<512xf32, #tpu.memory_space<vmem>>, vector<16xf32>,
      %get3A_2146 = vector.shape_cast %get3A_2145 : vector<16xf32> to vector<16xf32>
      %add3A_2147 = arith.constant 144 : i32
      %add3A_2148 = arith.addi %add3A_2147, %add3A_1989 : i32
      %get3A_2149 = arith.index_cast %add3A_2148 : i32 to index
      %get3A_2150 = tpu.vector_load %arg5[%get3A_2149] {strides = array<i32>} : memref<512xf32, #tpu.memory_space<vmem>>, vector<16xf32>,
      %get3A_2151 = vector.shape_cast %get3A_2150 : vector<16xf32> to vector<16xf32>
      %broadcast_in_dim3A_2152 = arith.constant 112 : i32
      %broadcast_in_dim3A_2153 = vector.broadcast %broadcast_in_dim3A_2152 : i32 to vector<16xi32>
      %sub3A_2154 = arith.subi %broadcast_in_dim3A_2153, %iota3A : vector<16xi32>
      %ge3A_2155 = arith.cmpi sge, %broadcast_in_dim3A_1990, %sub3A_2154 : vector<16xi32>
      %ge3A_2156 = arith.cmpf oge, %get3A_2151, %get3A_2146 : vector<16xf32>
      %gt3A_2157 = arith.cmpf ogt, %get3A_2151, %get3A_2146 : vector<16xf32>
      %select_n3A_2158 = arith.select %ge3A_2155, %ge3A_2156, %gt3A_2157 : vector<16xi1>, vector<16xi1>
      %select_n3A_2159 = arith.select %select_n3A_2158, %broadcast_in_dim3A_1, %broadcast_in_dim3A_3 : vector<16xi1>, vector<16xi32>
      %add3A_2160 = arith.addi %add3A_1883, %select_n3A_2159 : vector<16xi32>
      %get3A_2161 = arith.constant 160 : index
      %get3A_2162 = tpu.vector_load %arg5[%get3A_2161] {strides = array<i32>} : memref<512xf32, #tpu.memory_space<vmem>>, vector<16xf32>,
      %get3A_2163 = vector.shape_cast %get3A_2162 : vector<16xf32> to vector<16xf32>
      %add3A_2164 = arith.constant 160 : i32
      %add3A_2165 = arith.addi %add3A_2164, %add3A_1989 : i32
      %get3A_2166 = arith.index_cast %add3A_2165 : i32 to index
      %get3A_2167 = tpu.vector_load %arg5[%get3A_2166] {strides = array<i32>} : memref<512xf32, #tpu.memory_space<vmem>>, vector<16xf32>,
      %get3A_2168 = vector.shape_cast %get3A_2167 : vector<16xf32> to vector<16xf32>
      %broadcast_in_dim3A_2169 = arith.constant 96 : i32
      %broadcast_in_dim3A_2170 = vector.broadcast %broadcast_in_dim3A_2169 : i32 to vector<16xi32>
      %sub3A_2171 = arith.subi %broadcast_in_dim3A_2170, %iota3A : vector<16xi32>
      %ge3A_2172 = arith.cmpi sge, %broadcast_in_dim3A_1990, %sub3A_2171 : vector<16xi32>
      %ge3A_2173 = arith.cmpf oge, %get3A_2168, %get3A_2163 : vector<16xf32>
      %gt3A_2174 = arith.cmpf ogt, %get3A_2168, %get3A_2163 : vector<16xf32>
      %select_n3A_2175 = arith.select %ge3A_2172, %ge3A_2173, %gt3A_2174 : vector<16xi1>, vector<16xi1>
      %select_n3A_2176 = arith.select %select_n3A_2175, %broadcast_in_dim3A_1, %broadcast_in_dim3A_3 : vector<16xi1>, vector<16xi32>
      %add3A_2177 = arith.addi %add3A_1900, %select_n3A_2176 : vector<16xi32>
      %get3A_2178 = arith.constant 176 : index
      %get3A_2179 = tpu.vector_load %arg5[%get3A_2178] {strides = array<i32>} : memref<512xf32, #tpu.memory_space<vmem>>, vector<16xf32>,
      %get3A_2180 = vector.shape_cast %get3A_2179 : vector<16xf32> to vector<16xf32>
      %add3A_2181 = arith.constant 176 : i32
      %add3A_2182 = arith.addi %add3A_2181, %add3A_1989 : i32
      %get3A_2183 = arith.index_cast %add3A_2182 : i32 to index
      %get3A_2184 = tpu.vector_load %arg5[%get3A_2183] {strides = array<i32>} : memref<512xf32, #tpu.memory_space<vmem>>, vector<16xf32>,
      %get3A_2185 = vector.shape_cast %get3A_2184 : vector<16xf32> to vector<16xf32>
      %broadcast_in_dim3A_2186 = arith.constant 80 : i32
      %broadcast_in_dim3A_2187 = vector.broadcast %broadcast_in_dim3A_2186 : i32 to vector<16xi32>
      %sub3A_2188 = arith.subi %broadcast_in_dim3A_2187, %iota3A : vector<16xi32>
      %ge3A_2189 = arith.cmpi sge, %broadcast_in_dim3A_1990, %sub3A_2188 : vector<16xi32>
      %ge3A_2190 = arith.cmpf oge, %get3A_2185, %get3A_2180 : vector<16xf32>
      %gt3A_2191 = arith.cmpf ogt, %get3A_2185, %get3A_2180 : vector<16xf32>
      %select_n3A_2192 = arith.select %ge3A_2189, %ge3A_2190, %gt3A_2191 : vector<16xi1>, vector<16xi1>
      %select_n3A_2193 = arith.select %select_n3A_2192, %broadcast_in_dim3A_1, %broadcast_in_dim3A_3 : vector<16xi1>, vector<16xi32>
      %add3A_2194 = arith.addi %add3A_1917, %select_n3A_2193 : vector<16xi32>
      %get3A_2195 = arith.constant 192 : index
      %get3A_2196 = tpu.vector_load %arg5[%get3A_2195] {strides = array<i32>} : memref<512xf32, #tpu.memory_space<vmem>>, vector<16xf32>,
      %get3A_2197 = vector.shape_cast %get3A_2196 : vector<16xf32> to vector<16xf32>
      %add3A_2198 = arith.constant 192 : i32
      %add3A_2199 = arith.addi %add3A_2198, %add3A_1989 : i32
      %get3A_2200 = arith.index_cast %add3A_2199 : i32 to index
      %get3A_2201 = tpu.vector_load %arg5[%get3A_2200] {strides = array<i32>} : memref<512xf32, #tpu.memory_space<vmem>>, vector<16xf32>,
      %get3A_2202 = vector.shape_cast %get3A_2201 : vector<16xf32> to vector<16xf32>
      %broadcast_in_dim3A_2203 = arith.constant 64 : i32
      %broadcast_in_dim3A_2204 = vector.broadcast %broadcast_in_dim3A_2203 : i32 to vector<16xi32>
      %sub3A_2205 = arith.subi %broadcast_in_dim3A_2204, %iota3A : vector<16xi32>
      %ge3A_2206 = arith.cmpi sge, %broadcast_in_dim3A_1990, %sub3A_2205 : vector<16xi32>
      %ge3A_2207 = arith.cmpf oge, %get3A_2202, %get3A_2197 : vector<16xf32>
      %gt3A_2208 = arith.cmpf ogt, %get3A_2202, %get3A_2197 : vector<16xf32>
      %select_n3A_2209 = arith.select %ge3A_2206, %ge3A_2207, %gt3A_2208 : vector<16xi1>, vector<16xi1>
      %select_n3A_2210 = arith.select %select_n3A_2209, %broadcast_in_dim3A_1, %broadcast_in_dim3A_3 : vector<16xi1>, vector<16xi32>
      %add3A_2211 = arith.addi %add3A_1934, %select_n3A_2210 : vector<16xi32>
      %get3A_2212 = arith.constant 208 : index
      %get3A_2213 = tpu.vector_load %arg5[%get3A_2212] {strides = array<i32>} : memref<512xf32, #tpu.memory_space<vmem>>, vector<16xf32>,
      %get3A_2214 = vector.shape_cast %get3A_2213 : vector<16xf32> to vector<16xf32>
      %add3A_2215 = arith.constant 208 : i32
      %add3A_2216 = arith.addi %add3A_2215, %add3A_1989 : i32
      %get3A_2217 = arith.index_cast %add3A_2216 : i32 to index
      %get3A_2218 = tpu.vector_load %arg5[%get3A_2217] {strides = array<i32>} : memref<512xf32, #tpu.memory_space<vmem>>, vector<16xf32>,
      %get3A_2219 = vector.shape_cast %get3A_2218 : vector<16xf32> to vector<16xf32>
      %broadcast_in_dim3A_2220 = arith.constant 48 : i32
      %broadcast_in_dim3A_2221 = vector.broadcast %broadcast_in_dim3A_2220 : i32 to vector<16xi32>
      %sub3A_2222 = arith.subi %broadcast_in_dim3A_2221, %iota3A : vector<16xi32>
      %ge3A_2223 = arith.cmpi sge, %broadcast_in_dim3A_1990, %sub3A_2222 : vector<16xi32>
      %ge3A_2224 = arith.cmpf oge, %get3A_2219, %get3A_2214 : vector<16xf32>
      %gt3A_2225 = arith.cmpf ogt, %get3A_2219, %get3A_2214 : vector<16xf32>
      %select_n3A_2226 = arith.select %ge3A_2223, %ge3A_2224, %gt3A_2225 : vector<16xi1>, vector<16xi1>
      %select_n3A_2227 = arith.select %select_n3A_2226, %broadcast_in_dim3A_1, %broadcast_in_dim3A_3 : vector<16xi1>, vector<16xi32>
      %add3A_2228 = arith.addi %add3A_1951, %select_n3A_2227 : vector<16xi32>
      %get3A_2229 = arith.constant 224 : index
      %get3A_2230 = tpu.vector_load %arg5[%get3A_2229] {strides = array<i32>} : memref<512xf32, #tpu.memory_space<vmem>>, vector<16xf32>,
      %get3A_2231 = vector.shape_cast %get3A_2230 : vector<16xf32> to vector<16xf32>
      %add3A_2232 = arith.constant 224 : i32
      %add3A_2233 = arith.addi %add3A_2232, %add3A_1989 : i32
      %get3A_2234 = arith.index_cast %add3A_2233 : i32 to index
      %get3A_2235 = tpu.vector_load %arg5[%get3A_2234] {strides = array<i32>} : memref<512xf32, #tpu.memory_space<vmem>>, vector<16xf32>,
      %get3A_2236 = vector.shape_cast %get3A_2235 : vector<16xf32> to vector<16xf32>
      %broadcast_in_dim3A_2237 = arith.constant 32 : i32
      %broadcast_in_dim3A_2238 = vector.broadcast %broadcast_in_dim3A_2237 : i32 to vector<16xi32>
      %sub3A_2239 = arith.subi %broadcast_in_dim3A_2238, %iota3A : vector<16xi32>
      %ge3A_2240 = arith.cmpi sge, %broadcast_in_dim3A_1990, %sub3A_2239 : vector<16xi32>
      %ge3A_2241 = arith.cmpf oge, %get3A_2236, %get3A_2231 : vector<16xf32>
      %gt3A_2242 = arith.cmpf ogt, %get3A_2236, %get3A_2231 : vector<16xf32>
      %select_n3A_2243 = arith.select %ge3A_2240, %ge3A_2241, %gt3A_2242 : vector<16xi1>, vector<16xi1>
      %select_n3A_2244 = arith.select %select_n3A_2243, %broadcast_in_dim3A_1, %broadcast_in_dim3A_3 : vector<16xi1>, vector<16xi32>
      %add3A_2245 = arith.addi %add3A_1968, %select_n3A_2244 : vector<16xi32>
      %get3A_2246 = arith.constant 240 : index
      %get3A_2247 = tpu.vector_load %arg5[%get3A_2246] {strides = array<i32>} : memref<512xf32, #tpu.memory_space<vmem>>, vector<16xf32>,
      %get3A_2248 = vector.shape_cast %get3A_2247 : vector<16xf32> to vector<16xf32>
      %add3A_2249 = arith.constant 240 : i32
      %add3A_2250 = arith.addi %add3A_2249, %add3A_1989 : i32
      %get3A_2251 = arith.index_cast %add3A_2250 : i32 to index
      %get3A_2252 = tpu.vector_load %arg5[%get3A_2251] {strides = array<i32>} : memref<512xf32, #tpu.memory_space<vmem>>, vector<16xf32>,
      %get3A_2253 = vector.shape_cast %get3A_2252 : vector<16xf32> to vector<16xf32>
      %broadcast_in_dim3A_2254 = arith.constant 16 : i32
      %broadcast_in_dim3A_2255 = vector.broadcast %broadcast_in_dim3A_2254 : i32 to vector<16xi32>
      %sub3A_2256 = arith.subi %broadcast_in_dim3A_2255, %iota3A : vector<16xi32>
      %ge3A_2257 = arith.cmpi sge, %broadcast_in_dim3A_1990, %sub3A_2256 : vector<16xi32>
      %ge3A_2258 = arith.cmpf oge, %get3A_2253, %get3A_2248 : vector<16xf32>
      %gt3A_2259 = arith.cmpf ogt, %get3A_2253, %get3A_2248 : vector<16xf32>
      %select_n3A_2260 = arith.select %ge3A_2257, %ge3A_2258, %gt3A_2259 : vector<16xi1>, vector<16xi1>
      %select_n3A_2261 = arith.select %select_n3A_2260, %broadcast_in_dim3A_1, %broadcast_in_dim3A_3 : vector<16xi1>, vector<16xi32>
      %add3A_2262 = arith.addi %add3A_1985, %select_n3A_2261 : vector<16xi32>
      %mul3A_2263 = arith.constant 8 : i32
      %mul3A_2264 = arith.muli %scan3A_310, %mul3A_2263 : i32
      %add3A_2265 = arith.constant 7 : i32
      %add3A_2266 = arith.addi %mul3A_2264, %add3A_2265 : i32
      %broadcast_in_dim3A_2267 = vector.broadcast %add3A_2266 : i32 to vector<16xi32>
      %get3A_2268 = arith.constant 0 : index
      %get3A_2269 = tpu.vector_load %arg5[%get3A_2268] {strides = array<i32>} : memref<512xf32, #tpu.memory_space<vmem>>, vector<16xf32>,
      %get3A_2270 = vector.shape_cast %get3A_2269 : vector<16xf32> to vector<16xf32>
      %add3A_2271 = arith.constant 0 : i32
      %add3A_2272 = arith.addi %add3A_2271, %add3A_2266 : i32
      %get3A_2273 = arith.index_cast %add3A_2272 : i32 to index
      %get3A_2274 = tpu.vector_load %arg5[%get3A_2273] {strides = array<i32>} : memref<512xf32, #tpu.memory_space<vmem>>, vector<16xf32>,
      %get3A_2275 = vector.shape_cast %get3A_2274 : vector<16xf32> to vector<16xf32>
      %broadcast_in_dim3A_2276 = arith.constant 256 : i32
      %broadcast_in_dim3A_2277 = vector.broadcast %broadcast_in_dim3A_2276 : i32 to vector<16xi32>
      %sub3A_2278 = arith.subi %broadcast_in_dim3A_2277, %iota3A : vector<16xi32>
      %ge3A_2279 = arith.cmpi sge, %broadcast_in_dim3A_2267, %sub3A_2278 : vector<16xi32>
      %ge3A_2280 = arith.cmpf oge, %get3A_2275, %get3A_2270 : vector<16xf32>
      %gt3A_2281 = arith.cmpf ogt, %get3A_2275, %get3A_2270 : vector<16xf32>
      %select_n3A_2282 = arith.select %ge3A_2279, %ge3A_2280, %gt3A_2281 : vector<16xi1>, vector<16xi1>
      %select_n3A_2283 = arith.select %select_n3A_2282, %broadcast_in_dim3A_1, %broadcast_in_dim3A_3 : vector<16xi1>, vector<16xi32>
      %add3A_2284 = arith.addi %add3A_2007, %select_n3A_2283 : vector<16xi32>
      %get3A_2285 = arith.constant 16 : index
      %get3A_2286 = tpu.vector_load %arg5[%get3A_2285] {strides = array<i32>} : memref<512xf32, #tpu.memory_space<vmem>>, vector<16xf32>,
      %get3A_2287 = vector.shape_cast %get3A_2286 : vector<16xf32> to vector<16xf32>
      %add3A_2288 = arith.constant 16 : i32
      %add3A_2289 = arith.addi %add3A_2288, %add3A_2266 : i32
      %get3A_2290 = arith.index_cast %add3A_2289 : i32 to index
      %get3A_2291 = tpu.vector_load %arg5[%get3A_2290] {strides = array<i32>} : memref<512xf32, #tpu.memory_space<vmem>>, vector<16xf32>,
      %get3A_2292 = vector.shape_cast %get3A_2291 : vector<16xf32> to vector<16xf32>
      %broadcast_in_dim3A_2293 = arith.constant 240 : i32
      %broadcast_in_dim3A_2294 = vector.broadcast %broadcast_in_dim3A_2293 : i32 to vector<16xi32>
      %sub3A_2295 = arith.subi %broadcast_in_dim3A_2294, %iota3A : vector<16xi32>
      %ge3A_2296 = arith.cmpi sge, %broadcast_in_dim3A_2267, %sub3A_2295 : vector<16xi32>
      %ge3A_2297 = arith.cmpf oge, %get3A_2292, %get3A_2287 : vector<16xf32>
      %gt3A_2298 = arith.cmpf ogt, %get3A_2292, %get3A_2287 : vector<16xf32>
      %select_n3A_2299 = arith.select %ge3A_2296, %ge3A_2297, %gt3A_2298 : vector<16xi1>, vector<16xi1>
      %select_n3A_2300 = arith.select %select_n3A_2299, %broadcast_in_dim3A_1, %broadcast_in_dim3A_3 : vector<16xi1>, vector<16xi32>
      %add3A_2301 = arith.addi %add3A_2024, %select_n3A_2300 : vector<16xi32>
      %get3A_2302 = arith.constant 32 : index
      %get3A_2303 = tpu.vector_load %arg5[%get3A_2302] {strides = array<i32>} : memref<512xf32, #tpu.memory_space<vmem>>, vector<16xf32>,
      %get3A_2304 = vector.shape_cast %get3A_2303 : vector<16xf32> to vector<16xf32>
      %add3A_2305 = arith.constant 32 : i32
      %add3A_2306 = arith.addi %add3A_2305, %add3A_2266 : i32
      %get3A_2307 = arith.index_cast %add3A_2306 : i32 to index
      %get3A_2308 = tpu.vector_load %arg5[%get3A_2307] {strides = array<i32>} : memref<512xf32, #tpu.memory_space<vmem>>, vector<16xf32>,
      %get3A_2309 = vector.shape_cast %get3A_2308 : vector<16xf32> to vector<16xf32>
      %broadcast_in_dim3A_2310 = arith.constant 224 : i32
      %broadcast_in_dim3A_2311 = vector.broadcast %broadcast_in_dim3A_2310 : i32 to vector<16xi32>
      %sub3A_2312 = arith.subi %broadcast_in_dim3A_2311, %iota3A : vector<16xi32>
      %ge3A_2313 = arith.cmpi sge, %broadcast_in_dim3A_2267, %sub3A_2312 : vector<16xi32>
      %ge3A_2314 = arith.cmpf oge, %get3A_2309, %get3A_2304 : vector<16xf32>
      %gt3A_2315 = arith.cmpf ogt, %get3A_2309, %get3A_2304 : vector<16xf32>
      %select_n3A_2316 = arith.select %ge3A_2313, %ge3A_2314, %gt3A_2315 : vector<16xi1>, vector<16xi1>
      %select_n3A_2317 = arith.select %select_n3A_2316, %broadcast_in_dim3A_1, %broadcast_in_dim3A_3 : vector<16xi1>, vector<16xi32>
      %add3A_2318 = arith.addi %add3A_2041, %select_n3A_2317 : vector<16xi32>
      %get3A_2319 = arith.constant 48 : index
      %get3A_2320 = tpu.vector_load %arg5[%get3A_2319] {strides = array<i32>} : memref<512xf32, #tpu.memory_space<vmem>>, vector<16xf32>,
      %get3A_2321 = vector.shape_cast %get3A_2320 : vector<16xf32> to vector<16xf32>
      %add3A_2322 = arith.constant 48 : i32
      %add3A_2323 = arith.addi %add3A_2322, %add3A_2266 : i32
      %get3A_2324 = arith.index_cast %add3A_2323 : i32 to index
      %get3A_2325 = tpu.vector_load %arg5[%get3A_2324] {strides = array<i32>} : memref<512xf32, #tpu.memory_space<vmem>>, vector<16xf32>,
      %get3A_2326 = vector.shape_cast %get3A_2325 : vector<16xf32> to vector<16xf32>
      %broadcast_in_dim3A_2327 = arith.constant 208 : i32
      %broadcast_in_dim3A_2328 = vector.broadcast %broadcast_in_dim3A_2327 : i32 to vector<16xi32>
      %sub3A_2329 = arith.subi %broadcast_in_dim3A_2328, %iota3A : vector<16xi32>
      %ge3A_2330 = arith.cmpi sge, %broadcast_in_dim3A_2267, %sub3A_2329 : vector<16xi32>
      %ge3A_2331 = arith.cmpf oge, %get3A_2326, %get3A_2321 : vector<16xf32>
      %gt3A_2332 = arith.cmpf ogt, %get3A_2326, %get3A_2321 : vector<16xf32>
      %select_n3A_2333 = arith.select %ge3A_2330, %ge3A_2331, %gt3A_2332 : vector<16xi1>, vector<16xi1>
      %select_n3A_2334 = arith.select %select_n3A_2333, %broadcast_in_dim3A_1, %broadcast_in_dim3A_3 : vector<16xi1>, vector<16xi32>
      %add3A_2335 = arith.addi %add3A_2058, %select_n3A_2334 : vector<16xi32>
      %get3A_2336 = arith.constant 64 : index
      %get3A_2337 = tpu.vector_load %arg5[%get3A_2336] {strides = array<i32>} : memref<512xf32, #tpu.memory_space<vmem>>, vector<16xf32>,
      %get3A_2338 = vector.shape_cast %get3A_2337 : vector<16xf32> to vector<16xf32>
      %add3A_2339 = arith.constant 64 : i32
      %add3A_2340 = arith.addi %add3A_2339, %add3A_2266 : i32
      %get3A_2341 = arith.index_cast %add3A_2340 : i32 to index
      %get3A_2342 = tpu.vector_load %arg5[%get3A_2341] {strides = array<i32>} : memref<512xf32, #tpu.memory_space<vmem>>, vector<16xf32>,
      %get3A_2343 = vector.shape_cast %get3A_2342 : vector<16xf32> to vector<16xf32>
      %broadcast_in_dim3A_2344 = arith.constant 192 : i32
      %broadcast_in_dim3A_2345 = vector.broadcast %broadcast_in_dim3A_2344 : i32 to vector<16xi32>
      %sub3A_2346 = arith.subi %broadcast_in_dim3A_2345, %iota3A : vector<16xi32>
      %ge3A_2347 = arith.cmpi sge, %broadcast_in_dim3A_2267, %sub3A_2346 : vector<16xi32>
      %ge3A_2348 = arith.cmpf oge, %get3A_2343, %get3A_2338 : vector<16xf32>
      %gt3A_2349 = arith.cmpf ogt, %get3A_2343, %get3A_2338 : vector<16xf32>
      %select_n3A_2350 = arith.select %ge3A_2347, %ge3A_2348, %gt3A_2349 : vector<16xi1>, vector<16xi1>
      %select_n3A_2351 = arith.select %select_n3A_2350, %broadcast_in_dim3A_1, %broadcast_in_dim3A_3 : vector<16xi1>, vector<16xi32>
      %add3A_2352 = arith.addi %add3A_2075, %select_n3A_2351 : vector<16xi32>
      %get3A_2353 = arith.constant 80 : index
      %get3A_2354 = tpu.vector_load %arg5[%get3A_2353] {strides = array<i32>} : memref<512xf32, #tpu.memory_space<vmem>>, vector<16xf32>,
      %get3A_2355 = vector.shape_cast %get3A_2354 : vector<16xf32> to vector<16xf32>
      %add3A_2356 = arith.constant 80 : i32
      %add3A_2357 = arith.addi %add3A_2356, %add3A_2266 : i32
      %get3A_2358 = arith.index_cast %add3A_2357 : i32 to index
      %get3A_2359 = tpu.vector_load %arg5[%get3A_2358] {strides = array<i32>} : memref<512xf32, #tpu.memory_space<vmem>>, vector<16xf32>,
      %get3A_2360 = vector.shape_cast %get3A_2359 : vector<16xf32> to vector<16xf32>
      %broadcast_in_dim3A_2361 = arith.constant 176 : i32
      %broadcast_in_dim3A_2362 = vector.broadcast %broadcast_in_dim3A_2361 : i32 to vector<16xi32>
      %sub3A_2363 = arith.subi %broadcast_in_dim3A_2362, %iota3A : vector<16xi32>
      %ge3A_2364 = arith.cmpi sge, %broadcast_in_dim3A_2267, %sub3A_2363 : vector<16xi32>
      %ge3A_2365 = arith.cmpf oge, %get3A_2360, %get3A_2355 : vector<16xf32>
      %gt3A_2366 = arith.cmpf ogt, %get3A_2360, %get3A_2355 : vector<16xf32>
      %select_n3A_2367 = arith.select %ge3A_2364, %ge3A_2365, %gt3A_2366 : vector<16xi1>, vector<16xi1>
      %select_n3A_2368 = arith.select %select_n3A_2367, %broadcast_in_dim3A_1, %broadcast_in_dim3A_3 : vector<16xi1>, vector<16xi32>
      %add3A_2369 = arith.addi %add3A_2092, %select_n3A_2368 : vector<16xi32>
      %get3A_2370 = arith.constant 96 : index
      %get3A_2371 = tpu.vector_load %arg5[%get3A_2370] {strides = array<i32>} : memref<512xf32, #tpu.memory_space<vmem>>, vector<16xf32>,
      %get3A_2372 = vector.shape_cast %get3A_2371 : vector<16xf32> to vector<16xf32>
      %add3A_2373 = arith.constant 96 : i32
      %add3A_2374 = arith.addi %add3A_2373, %add3A_2266 : i32
      %get3A_2375 = arith.index_cast %add3A_2374 : i32 to index
      %get3A_2376 = tpu.vector_load %arg5[%get3A_2375] {strides = array<i32>} : memref<512xf32, #tpu.memory_space<vmem>>, vector<16xf32>,
      %get3A_2377 = vector.shape_cast %get3A_2376 : vector<16xf32> to vector<16xf32>
      %broadcast_in_dim3A_2378 = arith.constant 160 : i32
      %broadcast_in_dim3A_2379 = vector.broadcast %broadcast_in_dim3A_2378 : i32 to vector<16xi32>
      %sub3A_2380 = arith.subi %broadcast_in_dim3A_2379, %iota3A : vector<16xi32>
      %ge3A_2381 = arith.cmpi sge, %broadcast_in_dim3A_2267, %sub3A_2380 : vector<16xi32>
      %ge3A_2382 = arith.cmpf oge, %get3A_2377, %get3A_2372 : vector<16xf32>
      %gt3A_2383 = arith.cmpf ogt, %get3A_2377, %get3A_2372 : vector<16xf32>
      %select_n3A_2384 = arith.select %ge3A_2381, %ge3A_2382, %gt3A_2383 : vector<16xi1>, vector<16xi1>
      %select_n3A_2385 = arith.select %select_n3A_2384, %broadcast_in_dim3A_1, %broadcast_in_dim3A_3 : vector<16xi1>, vector<16xi32>
      %add3A_2386 = arith.addi %add3A_2109, %select_n3A_2385 : vector<16xi32>
      %get3A_2387 = arith.constant 112 : index
      %get3A_2388 = tpu.vector_load %arg5[%get3A_2387] {strides = array<i32>} : memref<512xf32, #tpu.memory_space<vmem>>, vector<16xf32>,
      %get3A_2389 = vector.shape_cast %get3A_2388 : vector<16xf32> to vector<16xf32>
      %add3A_2390 = arith.constant 112 : i32
      %add3A_2391 = arith.addi %add3A_2390, %add3A_2266 : i32
      %get3A_2392 = arith.index_cast %add3A_2391 : i32 to index
      %get3A_2393 = tpu.vector_load %arg5[%get3A_2392] {strides = array<i32>} : memref<512xf32, #tpu.memory_space<vmem>>, vector<16xf32>,
      %get3A_2394 = vector.shape_cast %get3A_2393 : vector<16xf32> to vector<16xf32>
      %broadcast_in_dim3A_2395 = arith.constant 144 : i32
      %broadcast_in_dim3A_2396 = vector.broadcast %broadcast_in_dim3A_2395 : i32 to vector<16xi32>
      %sub3A_2397 = arith.subi %broadcast_in_dim3A_2396, %iota3A : vector<16xi32>
      %ge3A_2398 = arith.cmpi sge, %broadcast_in_dim3A_2267, %sub3A_2397 : vector<16xi32>
      %ge3A_2399 = arith.cmpf oge, %get3A_2394, %get3A_2389 : vector<16xf32>
      %gt3A_2400 = arith.cmpf ogt, %get3A_2394, %get3A_2389 : vector<16xf32>
      %select_n3A_2401 = arith.select %ge3A_2398, %ge3A_2399, %gt3A_2400 : vector<16xi1>, vector<16xi1>
      %select_n3A_2402 = arith.select %select_n3A_2401, %broadcast_in_dim3A_1, %broadcast_in_dim3A_3 : vector<16xi1>, vector<16xi32>
      %add3A_2403 = arith.addi %add3A_2126, %select_n3A_2402 : vector<16xi32>
      %get3A_2404 = arith.constant 128 : index
      %get3A_2405 = tpu.vector_load %arg5[%get3A_2404] {strides = array<i32>} : memref<512xf32, #tpu.memory_space<vmem>>, vector<16xf32>,
      %get3A_2406 = vector.shape_cast %get3A_2405 : vector<16xf32> to vector<16xf32>
      %add3A_2407 = arith.constant 128 : i32
      %add3A_2408 = arith.addi %add3A_2407, %add3A_2266 : i32
      %get3A_2409 = arith.index_cast %add3A_2408 : i32 to index
      %get3A_2410 = tpu.vector_load %arg5[%get3A_2409] {strides = array<i32>} : memref<512xf32, #tpu.memory_space<vmem>>, vector<16xf32>,
      %get3A_2411 = vector.shape_cast %get3A_2410 : vector<16xf32> to vector<16xf32>
      %broadcast_in_dim3A_2412 = arith.constant 128 : i32
      %broadcast_in_dim3A_2413 = vector.broadcast %broadcast_in_dim3A_2412 : i32 to vector<16xi32>
      %sub3A_2414 = arith.subi %broadcast_in_dim3A_2413, %iota3A : vector<16xi32>
      %ge3A_2415 = arith.cmpi sge, %broadcast_in_dim3A_2267, %sub3A_2414 : vector<16xi32>
      %ge3A_2416 = arith.cmpf oge, %get3A_2411, %get3A_2406 : vector<16xf32>
      %gt3A_2417 = arith.cmpf ogt, %get3A_2411, %get3A_2406 : vector<16xf32>
      %select_n3A_2418 = arith.select %ge3A_2415, %ge3A_2416, %gt3A_2417 : vector<16xi1>, vector<16xi1>
      %select_n3A_2419 = arith.select %select_n3A_2418, %broadcast_in_dim3A_1, %broadcast_in_dim3A_3 : vector<16xi1>, vector<16xi32>
      %add3A_2420 = arith.addi %add3A_2143, %select_n3A_2419 : vector<16xi32>
      %get3A_2421 = arith.constant 144 : index
      %get3A_2422 = tpu.vector_load %arg5[%get3A_2421] {strides = array<i32>} : memref<512xf32, #tpu.memory_space<vmem>>, vector<16xf32>,
      %get3A_2423 = vector.shape_cast %get3A_2422 : vector<16xf32> to vector<16xf32>
      %add3A_2424 = arith.constant 144 : i32
      %add3A_2425 = arith.addi %add3A_2424, %add3A_2266 : i32
      %get3A_2426 = arith.index_cast %add3A_2425 : i32 to index
      %get3A_2427 = tpu.vector_load %arg5[%get3A_2426] {strides = array<i32>} : memref<512xf32, #tpu.memory_space<vmem>>, vector<16xf32>,
      %get3A_2428 = vector.shape_cast %get3A_2427 : vector<16xf32> to vector<16xf32>
      %broadcast_in_dim3A_2429 = arith.constant 112 : i32
      %broadcast_in_dim3A_2430 = vector.broadcast %broadcast_in_dim3A_2429 : i32 to vector<16xi32>
      %sub3A_2431 = arith.subi %broadcast_in_dim3A_2430, %iota3A : vector<16xi32>
      %ge3A_2432 = arith.cmpi sge, %broadcast_in_dim3A_2267, %sub3A_2431 : vector<16xi32>
      %ge3A_2433 = arith.cmpf oge, %get3A_2428, %get3A_2423 : vector<16xf32>
      %gt3A_2434 = arith.cmpf ogt, %get3A_2428, %get3A_2423 : vector<16xf32>
      %select_n3A_2435 = arith.select %ge3A_2432, %ge3A_2433, %gt3A_2434 : vector<16xi1>, vector<16xi1>
      %select_n3A_2436 = arith.select %select_n3A_2435, %broadcast_in_dim3A_1, %broadcast_in_dim3A_3 : vector<16xi1>, vector<16xi32>
      %add3A_2437 = arith.addi %add3A_2160, %select_n3A_2436 : vector<16xi32>
      %get3A_2438 = arith.constant 160 : index
      %get3A_2439 = tpu.vector_load %arg5[%get3A_2438] {strides = array<i32>} : memref<512xf32, #tpu.memory_space<vmem>>, vector<16xf32>,
      %get3A_2440 = vector.shape_cast %get3A_2439 : vector<16xf32> to vector<16xf32>
      %add3A_2441 = arith.constant 160 : i32
      %add3A_2442 = arith.addi %add3A_2441, %add3A_2266 : i32
      %get3A_2443 = arith.index_cast %add3A_2442 : i32 to index
      %get3A_2444 = tpu.vector_load %arg5[%get3A_2443] {strides = array<i32>} : memref<512xf32, #tpu.memory_space<vmem>>, vector<16xf32>,
      %get3A_2445 = vector.shape_cast %get3A_2444 : vector<16xf32> to vector<16xf32>
      %broadcast_in_dim3A_2446 = arith.constant 96 : i32
      %broadcast_in_dim3A_2447 = vector.broadcast %broadcast_in_dim3A_2446 : i32 to vector<16xi32>
      %sub3A_2448 = arith.subi %broadcast_in_dim3A_2447, %iota3A : vector<16xi32>
      %ge3A_2449 = arith.cmpi sge, %broadcast_in_dim3A_2267, %sub3A_2448 : vector<16xi32>
      %ge3A_2450 = arith.cmpf oge, %get3A_2445, %get3A_2440 : vector<16xf32>
      %gt3A_2451 = arith.cmpf ogt, %get3A_2445, %get3A_2440 : vector<16xf32>
      %select_n3A_2452 = arith.select %ge3A_2449, %ge3A_2450, %gt3A_2451 : vector<16xi1>, vector<16xi1>
      %select_n3A_2453 = arith.select %select_n3A_2452, %broadcast_in_dim3A_1, %broadcast_in_dim3A_3 : vector<16xi1>, vector<16xi32>
      %add3A_2454 = arith.addi %add3A_2177, %select_n3A_2453 : vector<16xi32>
      %get3A_2455 = arith.constant 176 : index
      %get3A_2456 = tpu.vector_load %arg5[%get3A_2455] {strides = array<i32>} : memref<512xf32, #tpu.memory_space<vmem>>, vector<16xf32>,
      %get3A_2457 = vector.shape_cast %get3A_2456 : vector<16xf32> to vector<16xf32>
      %add3A_2458 = arith.constant 176 : i32
      %add3A_2459 = arith.addi %add3A_2458, %add3A_2266 : i32
      %get3A_2460 = arith.index_cast %add3A_2459 : i32 to index
      %get3A_2461 = tpu.vector_load %arg5[%get3A_2460] {strides = array<i32>} : memref<512xf32, #tpu.memory_space<vmem>>, vector<16xf32>,
      %get3A_2462 = vector.shape_cast %get3A_2461 : vector<16xf32> to vector<16xf32>
      %broadcast_in_dim3A_2463 = arith.constant 80 : i32
      %broadcast_in_dim3A_2464 = vector.broadcast %broadcast_in_dim3A_2463 : i32 to vector<16xi32>
      %sub3A_2465 = arith.subi %broadcast_in_dim3A_2464, %iota3A : vector<16xi32>
      %ge3A_2466 = arith.cmpi sge, %broadcast_in_dim3A_2267, %sub3A_2465 : vector<16xi32>
      %ge3A_2467 = arith.cmpf oge, %get3A_2462, %get3A_2457 : vector<16xf32>
      %gt3A_2468 = arith.cmpf ogt, %get3A_2462, %get3A_2457 : vector<16xf32>
      %select_n3A_2469 = arith.select %ge3A_2466, %ge3A_2467, %gt3A_2468 : vector<16xi1>, vector<16xi1>
      %select_n3A_2470 = arith.select %select_n3A_2469, %broadcast_in_dim3A_1, %broadcast_in_dim3A_3 : vector<16xi1>, vector<16xi32>
      %add3A_2471 = arith.addi %add3A_2194, %select_n3A_2470 : vector<16xi32>
      %get3A_2472 = arith.constant 192 : index
      %get3A_2473 = tpu.vector_load %arg5[%get3A_2472] {strides = array<i32>} : memref<512xf32, #tpu.memory_space<vmem>>, vector<16xf32>,
      %get3A_2474 = vector.shape_cast %get3A_2473 : vector<16xf32> to vector<16xf32>
      %add3A_2475 = arith.constant 192 : i32
      %add3A_2476 = arith.addi %add3A_2475, %add3A_2266 : i32
      %get3A_2477 = arith.index_cast %add3A_2476 : i32 to index
      %get3A_2478 = tpu.vector_load %arg5[%get3A_2477] {strides = array<i32>} : memref<512xf32, #tpu.memory_space<vmem>>, vector<16xf32>,
      %get3A_2479 = vector.shape_cast %get3A_2478 : vector<16xf32> to vector<16xf32>
      %broadcast_in_dim3A_2480 = arith.constant 64 : i32
      %broadcast_in_dim3A_2481 = vector.broadcast %broadcast_in_dim3A_2480 : i32 to vector<16xi32>
      %sub3A_2482 = arith.subi %broadcast_in_dim3A_2481, %iota3A : vector<16xi32>
      %ge3A_2483 = arith.cmpi sge, %broadcast_in_dim3A_2267, %sub3A_2482 : vector<16xi32>
      %ge3A_2484 = arith.cmpf oge, %get3A_2479, %get3A_2474 : vector<16xf32>
      %gt3A_2485 = arith.cmpf ogt, %get3A_2479, %get3A_2474 : vector<16xf32>
      %select_n3A_2486 = arith.select %ge3A_2483, %ge3A_2484, %gt3A_2485 : vector<16xi1>, vector<16xi1>
      %select_n3A_2487 = arith.select %select_n3A_2486, %broadcast_in_dim3A_1, %broadcast_in_dim3A_3 : vector<16xi1>, vector<16xi32>
      %add3A_2488 = arith.addi %add3A_2211, %select_n3A_2487 : vector<16xi32>
      %get3A_2489 = arith.constant 208 : index
      %get3A_2490 = tpu.vector_load %arg5[%get3A_2489] {strides = array<i32>} : memref<512xf32, #tpu.memory_space<vmem>>, vector<16xf32>,
      %get3A_2491 = vector.shape_cast %get3A_2490 : vector<16xf32> to vector<16xf32>
      %add3A_2492 = arith.constant 208 : i32
      %add3A_2493 = arith.addi %add3A_2492, %add3A_2266 : i32
      %get3A_2494 = arith.index_cast %add3A_2493 : i32 to index
      %get3A_2495 = tpu.vector_load %arg5[%get3A_2494] {strides = array<i32>} : memref<512xf32, #tpu.memory_space<vmem>>, vector<16xf32>,
      %get3A_2496 = vector.shape_cast %get3A_2495 : vector<16xf32> to vector<16xf32>
      %broadcast_in_dim3A_2497 = arith.constant 48 : i32
      %broadcast_in_dim3A_2498 = vector.broadcast %broadcast_in_dim3A_2497 : i32 to vector<16xi32>
      %sub3A_2499 = arith.subi %broadcast_in_dim3A_2498, %iota3A : vector<16xi32>
      %ge3A_2500 = arith.cmpi sge, %broadcast_in_dim3A_2267, %sub3A_2499 : vector<16xi32>
      %ge3A_2501 = arith.cmpf oge, %get3A_2496, %get3A_2491 : vector<16xf32>
      %gt3A_2502 = arith.cmpf ogt, %get3A_2496, %get3A_2491 : vector<16xf32>
      %select_n3A_2503 = arith.select %ge3A_2500, %ge3A_2501, %gt3A_2502 : vector<16xi1>, vector<16xi1>
      %select_n3A_2504 = arith.select %select_n3A_2503, %broadcast_in_dim3A_1, %broadcast_in_dim3A_3 : vector<16xi1>, vector<16xi32>
      %add3A_2505 = arith.addi %add3A_2228, %select_n3A_2504 : vector<16xi32>
      %get3A_2506 = arith.constant 224 : index
      %get3A_2507 = tpu.vector_load %arg5[%get3A_2506] {strides = array<i32>} : memref<512xf32, #tpu.memory_space<vmem>>, vector<16xf32>,
      %get3A_2508 = vector.shape_cast %get3A_2507 : vector<16xf32> to vector<16xf32>
      %add3A_2509 = arith.constant 224 : i32
      %add3A_2510 = arith.addi %add3A_2509, %add3A_2266 : i32
      %get3A_2511 = arith.index_cast %add3A_2510 : i32 to index
      %get3A_2512 = tpu.vector_load %arg5[%get3A_2511] {strides = array<i32>} : memref<512xf32, #tpu.memory_space<vmem>>, vector<16xf32>,
      %get3A_2513 = vector.shape_cast %get3A_2512 : vector<16xf32> to vector<16xf32>
      %broadcast_in_dim3A_2514 = arith.constant 32 : i32
      %broadcast_in_dim3A_2515 = vector.broadcast %broadcast_in_dim3A_2514 : i32 to vector<16xi32>
      %sub3A_2516 = arith.subi %broadcast_in_dim3A_2515, %iota3A : vector<16xi32>
      %ge3A_2517 = arith.cmpi sge, %broadcast_in_dim3A_2267, %sub3A_2516 : vector<16xi32>
      %ge3A_2518 = arith.cmpf oge, %get3A_2513, %get3A_2508 : vector<16xf32>
      %gt3A_2519 = arith.cmpf ogt, %get3A_2513, %get3A_2508 : vector<16xf32>
      %select_n3A_2520 = arith.select %ge3A_2517, %ge3A_2518, %gt3A_2519 : vector<16xi1>, vector<16xi1>
      %select_n3A_2521 = arith.select %select_n3A_2520, %broadcast_in_dim3A_1, %broadcast_in_dim3A_3 : vector<16xi1>, vector<16xi32>
      %add3A_2522 = arith.addi %add3A_2245, %select_n3A_2521 : vector<16xi32>
      %get3A_2523 = arith.constant 240 : index
      %get3A_2524 = tpu.vector_load %arg5[%get3A_2523] {strides = array<i32>} : memref<512xf32, #tpu.memory_space<vmem>>, vector<16xf32>,
      %get3A_2525 = vector.shape_cast %get3A_2524 : vector<16xf32> to vector<16xf32>
      %add3A_2526 = arith.constant 240 : i32
      %add3A_2527 = arith.addi %add3A_2526, %add3A_2266 : i32
      %get3A_2528 = arith.index_cast %add3A_2527 : i32 to index
      %get3A_2529 = tpu.vector_load %arg5[%get3A_2528] {strides = array<i32>} : memref<512xf32, #tpu.memory_space<vmem>>, vector<16xf32>,
      %get3A_2530 = vector.shape_cast %get3A_2529 : vector<16xf32> to vector<16xf32>
      %broadcast_in_dim3A_2531 = arith.constant 16 : i32
      %broadcast_in_dim3A_2532 = vector.broadcast %broadcast_in_dim3A_2531 : i32 to vector<16xi32>
      %sub3A_2533 = arith.subi %broadcast_in_dim3A_2532, %iota3A : vector<16xi32>
      %ge3A_2534 = arith.cmpi sge, %broadcast_in_dim3A_2267, %sub3A_2533 : vector<16xi32>
      %ge3A_2535 = arith.cmpf oge, %get3A_2530, %get3A_2525 : vector<16xf32>
      %gt3A_2536 = arith.cmpf ogt, %get3A_2530, %get3A_2525 : vector<16xf32>
      %select_n3A_2537 = arith.select %ge3A_2534, %ge3A_2535, %gt3A_2536 : vector<16xi1>, vector<16xi1>
      %select_n3A_2538 = arith.select %select_n3A_2537, %broadcast_in_dim3A_1, %broadcast_in_dim3A_3 : vector<16xi1>, vector<16xi32>
      %add3A_2539 = arith.addi %add3A_2262, %select_n3A_2538 : vector<16xi32>
      scf.yield %add3A_2284, %add3A_2301, %add3A_2318, %add3A_2335, %add3A_2352, %add3A_2369, %add3A_2386, %add3A_2403, %add3A_2420, %add3A_2437, %add3A_2454, %add3A_2471, %add3A_2488, %add3A_2505, %add3A_2522, %add3A_2539 : vector<16xi32>, vector<16xi32>, vector<16xi32>, vector<16xi32>, vector<16xi32>, vector<16xi32>, vector<16xi32>, vector<16xi32>, vector<16xi32>, vector<16xi32>, vector<16xi32>, vector<16xi32>, vector<16xi32>, vector<16xi32>, vector<16xi32>, vector<16xi32>
    }
    %scan3A_40 = arith.constant 32 : i32
    %broadcast_in_dim3A_41 = arith.constant 1.000000e+00 : f32
    %broadcast_in_dim3A_42 = vector.broadcast %broadcast_in_dim3A_41 : f32 to vector<16xf32>
    %swap3A = arith.constant 0 : index
    %swap3A_43 = tpu.vector_load %arg6[%swap3A] {strides = array<i32>} : memref<256xi32, #tpu.memory_space<vmem>>, vector<16xi32>,
    %swap3A_44 = vector.shape_cast %swap3A_43 : vector<16xi32> to vector<16xi32>
    %swap3A_45 = vector.shape_cast %scan3A_39#0 : vector<16xi32> to vector<16xi32>
    tpu.vector_store %arg6[%swap3A], %swap3A_45 {strides = array<i32>} : memref<256xi32, #tpu.memory_space<vmem>>, vector<16xi32>,
    %get3A = arith.constant 0 : index
    %get3A_46 = tpu.vector_load %arg5[%get3A] {strides = array<i32>} : memref<512xf32, #tpu.memory_space<vmem>>, vector<16xf32>,
    %get3A_47 = vector.shape_cast %get3A_46 : vector<16xf32> to vector<16xf32>
    %broadcast_in_dim3A_48 = arith.constant 0.000000e+00 : f32
    %broadcast_in_dim3A_49 = vector.broadcast %broadcast_in_dim3A_48 : f32 to vector<16xf32>
    %sub3A = arith.subf %broadcast_in_dim3A_49, %get3A_47 : vector<16xf32>
    %exp3A = math.exp %sub3A : vector<16xf32>
    %add3A_50 = arith.addf %broadcast_in_dim3A_42, %exp3A : vector<16xf32>
    %div3A = arith.divf %broadcast_in_dim3A_42, %add3A_50 : vector<16xf32>
    %swap3A_51 = arith.constant 0 : index
    %swap3A_52 = tpu.vector_load %arg7[%swap3A_51] {strides = array<i32>} : memref<256xf32, #tpu.memory_space<vmem>>, vector<16xf32>,
    %swap3A_53 = vector.shape_cast %swap3A_52 : vector<16xf32> to vector<16xf32>
    %swap3A_54 = vector.shape_cast %div3A : vector<16xf32> to vector<16xf32>
    tpu.vector_store %arg7[%swap3A_51], %swap3A_54 {strides = array<i32>} : memref<256xf32, #tpu.memory_space<vmem>>, vector<16xf32>,
    %swap3A_55 = arith.constant 16 : index
    %swap3A_56 = tpu.vector_load %arg6[%swap3A_55] {strides = array<i32>} : memref<256xi32, #tpu.memory_space<vmem>>, vector<16xi32>,
    %swap3A_57 = vector.shape_cast %swap3A_56 : vector<16xi32> to vector<16xi32>
    %swap3A_58 = vector.shape_cast %scan3A_39#1 : vector<16xi32> to vector<16xi32>
    tpu.vector_store %arg6[%swap3A_55], %swap3A_58 {strides = array<i32>} : memref<256xi32, #tpu.memory_space<vmem>>, vector<16xi32>,
    %get3A_59 = arith.constant 16 : index
    %get3A_60 = tpu.vector_load %arg5[%get3A_59] {strides = array<i32>} : memref<512xf32, #tpu.memory_space<vmem>>, vector<16xf32>,
    %get3A_61 = vector.shape_cast %get3A_60 : vector<16xf32> to vector<16xf32>
    %broadcast_in_dim3A_62 = arith.constant 0.000000e+00 : f32
    %broadcast_in_dim3A_63 = vector.broadcast %broadcast_in_dim3A_62 : f32 to vector<16xf32>
    %sub3A_64 = arith.subf %broadcast_in_dim3A_63, %get3A_61 : vector<16xf32>
    %exp3A_65 = math.exp %sub3A_64 : vector<16xf32>
    %add3A_66 = arith.addf %broadcast_in_dim3A_42, %exp3A_65 : vector<16xf32>
    %div3A_67 = arith.divf %broadcast_in_dim3A_42, %add3A_66 : vector<16xf32>
    %swap3A_68 = arith.constant 16 : index
    %swap3A_69 = tpu.vector_load %arg7[%swap3A_68] {strides = array<i32>} : memref<256xf32, #tpu.memory_space<vmem>>, vector<16xf32>,
    %swap3A_70 = vector.shape_cast %swap3A_69 : vector<16xf32> to vector<16xf32>
    %swap3A_71 = vector.shape_cast %div3A_67 : vector<16xf32> to vector<16xf32>
    tpu.vector_store %arg7[%swap3A_68], %swap3A_71 {strides = array<i32>} : memref<256xf32, #tpu.memory_space<vmem>>, vector<16xf32>,
    %swap3A_72 = arith.constant 32 : index
    %swap3A_73 = tpu.vector_load %arg6[%swap3A_72] {strides = array<i32>} : memref<256xi32, #tpu.memory_space<vmem>>, vector<16xi32>,
    %swap3A_74 = vector.shape_cast %swap3A_73 : vector<16xi32> to vector<16xi32>
    %swap3A_75 = vector.shape_cast %scan3A_39#2 : vector<16xi32> to vector<16xi32>
    tpu.vector_store %arg6[%swap3A_72], %swap3A_75 {strides = array<i32>} : memref<256xi32, #tpu.memory_space<vmem>>, vector<16xi32>,
    %get3A_76 = arith.constant 32 : index
    %get3A_77 = tpu.vector_load %arg5[%get3A_76] {strides = array<i32>} : memref<512xf32, #tpu.memory_space<vmem>>, vector<16xf32>,
    %get3A_78 = vector.shape_cast %get3A_77 : vector<16xf32> to vector<16xf32>
    %broadcast_in_dim3A_79 = arith.constant 0.000000e+00 : f32
    %broadcast_in_dim3A_80 = vector.broadcast %broadcast_in_dim3A_79 : f32 to vector<16xf32>
    %sub3A_81 = arith.subf %broadcast_in_dim3A_80, %get3A_78 : vector<16xf32>
    %exp3A_82 = math.exp %sub3A_81 : vector<16xf32>
    %add3A_83 = arith.addf %broadcast_in_dim3A_42, %exp3A_82 : vector<16xf32>
    %div3A_84 = arith.divf %broadcast_in_dim3A_42, %add3A_83 : vector<16xf32>
    %swap3A_85 = arith.constant 32 : index
    %swap3A_86 = tpu.vector_load %arg7[%swap3A_85] {strides = array<i32>} : memref<256xf32, #tpu.memory_space<vmem>>, vector<16xf32>,
    %swap3A_87 = vector.shape_cast %swap3A_86 : vector<16xf32> to vector<16xf32>
    %swap3A_88 = vector.shape_cast %div3A_84 : vector<16xf32> to vector<16xf32>
    tpu.vector_store %arg7[%swap3A_85], %swap3A_88 {strides = array<i32>} : memref<256xf32, #tpu.memory_space<vmem>>, vector<16xf32>,
    %swap3A_89 = arith.constant 48 : index
    %swap3A_90 = tpu.vector_load %arg6[%swap3A_89] {strides = array<i32>} : memref<256xi32, #tpu.memory_space<vmem>>, vector<16xi32>,
    %swap3A_91 = vector.shape_cast %swap3A_90 : vector<16xi32> to vector<16xi32>
    %swap3A_92 = vector.shape_cast %scan3A_39#3 : vector<16xi32> to vector<16xi32>
    tpu.vector_store %arg6[%swap3A_89], %swap3A_92 {strides = array<i32>} : memref<256xi32, #tpu.memory_space<vmem>>, vector<16xi32>,
    %get3A_93 = arith.constant 48 : index
    %get3A_94 = tpu.vector_load %arg5[%get3A_93] {strides = array<i32>} : memref<512xf32, #tpu.memory_space<vmem>>, vector<16xf32>,
    %get3A_95 = vector.shape_cast %get3A_94 : vector<16xf32> to vector<16xf32>
    %broadcast_in_dim3A_96 = arith.constant 0.000000e+00 : f32
    %broadcast_in_dim3A_97 = vector.broadcast %broadcast_in_dim3A_96 : f32 to vector<16xf32>
    %sub3A_98 = arith.subf %broadcast_in_dim3A_97, %get3A_95 : vector<16xf32>
    %exp3A_99 = math.exp %sub3A_98 : vector<16xf32>
    %add3A_100 = arith.addf %broadcast_in_dim3A_42, %exp3A_99 : vector<16xf32>
    %div3A_101 = arith.divf %broadcast_in_dim3A_42, %add3A_100 : vector<16xf32>
    %swap3A_102 = arith.constant 48 : index
    %swap3A_103 = tpu.vector_load %arg7[%swap3A_102] {strides = array<i32>} : memref<256xf32, #tpu.memory_space<vmem>>, vector<16xf32>,
    %swap3A_104 = vector.shape_cast %swap3A_103 : vector<16xf32> to vector<16xf32>
    %swap3A_105 = vector.shape_cast %div3A_101 : vector<16xf32> to vector<16xf32>
    tpu.vector_store %arg7[%swap3A_102], %swap3A_105 {strides = array<i32>} : memref<256xf32, #tpu.memory_space<vmem>>, vector<16xf32>,
    %swap3A_106 = arith.constant 64 : index
    %swap3A_107 = tpu.vector_load %arg6[%swap3A_106] {strides = array<i32>} : memref<256xi32, #tpu.memory_space<vmem>>, vector<16xi32>,
    %swap3A_108 = vector.shape_cast %swap3A_107 : vector<16xi32> to vector<16xi32>
    %swap3A_109 = vector.shape_cast %scan3A_39#4 : vector<16xi32> to vector<16xi32>
    tpu.vector_store %arg6[%swap3A_106], %swap3A_109 {strides = array<i32>} : memref<256xi32, #tpu.memory_space<vmem>>, vector<16xi32>,
    %get3A_110 = arith.constant 64 : index
    %get3A_111 = tpu.vector_load %arg5[%get3A_110] {strides = array<i32>} : memref<512xf32, #tpu.memory_space<vmem>>, vector<16xf32>,
    %get3A_112 = vector.shape_cast %get3A_111 : vector<16xf32> to vector<16xf32>
    %broadcast_in_dim3A_113 = arith.constant 0.000000e+00 : f32
    %broadcast_in_dim3A_114 = vector.broadcast %broadcast_in_dim3A_113 : f32 to vector<16xf32>
    %sub3A_115 = arith.subf %broadcast_in_dim3A_114, %get3A_112 : vector<16xf32>
    %exp3A_116 = math.exp %sub3A_115 : vector<16xf32>
    %add3A_117 = arith.addf %broadcast_in_dim3A_42, %exp3A_116 : vector<16xf32>
    %div3A_118 = arith.divf %broadcast_in_dim3A_42, %add3A_117 : vector<16xf32>
    %swap3A_119 = arith.constant 64 : index
    %swap3A_120 = tpu.vector_load %arg7[%swap3A_119] {strides = array<i32>} : memref<256xf32, #tpu.memory_space<vmem>>, vector<16xf32>,
    %swap3A_121 = vector.shape_cast %swap3A_120 : vector<16xf32> to vector<16xf32>
    %swap3A_122 = vector.shape_cast %div3A_118 : vector<16xf32> to vector<16xf32>
    tpu.vector_store %arg7[%swap3A_119], %swap3A_122 {strides = array<i32>} : memref<256xf32, #tpu.memory_space<vmem>>, vector<16xf32>,
    %swap3A_123 = arith.constant 80 : index
    %swap3A_124 = tpu.vector_load %arg6[%swap3A_123] {strides = array<i32>} : memref<256xi32, #tpu.memory_space<vmem>>, vector<16xi32>,
    %swap3A_125 = vector.shape_cast %swap3A_124 : vector<16xi32> to vector<16xi32>
    %swap3A_126 = vector.shape_cast %scan3A_39#5 : vector<16xi32> to vector<16xi32>
    tpu.vector_store %arg6[%swap3A_123], %swap3A_126 {strides = array<i32>} : memref<256xi32, #tpu.memory_space<vmem>>, vector<16xi32>,
    %get3A_127 = arith.constant 80 : index
    %get3A_128 = tpu.vector_load %arg5[%get3A_127] {strides = array<i32>} : memref<512xf32, #tpu.memory_space<vmem>>, vector<16xf32>,
    %get3A_129 = vector.shape_cast %get3A_128 : vector<16xf32> to vector<16xf32>
    %broadcast_in_dim3A_130 = arith.constant 0.000000e+00 : f32
    %broadcast_in_dim3A_131 = vector.broadcast %broadcast_in_dim3A_130 : f32 to vector<16xf32>
    %sub3A_132 = arith.subf %broadcast_in_dim3A_131, %get3A_129 : vector<16xf32>
    %exp3A_133 = math.exp %sub3A_132 : vector<16xf32>
    %add3A_134 = arith.addf %broadcast_in_dim3A_42, %exp3A_133 : vector<16xf32>
    %div3A_135 = arith.divf %broadcast_in_dim3A_42, %add3A_134 : vector<16xf32>
    %swap3A_136 = arith.constant 80 : index
    %swap3A_137 = tpu.vector_load %arg7[%swap3A_136] {strides = array<i32>} : memref<256xf32, #tpu.memory_space<vmem>>, vector<16xf32>,
    %swap3A_138 = vector.shape_cast %swap3A_137 : vector<16xf32> to vector<16xf32>
    %swap3A_139 = vector.shape_cast %div3A_135 : vector<16xf32> to vector<16xf32>
    tpu.vector_store %arg7[%swap3A_136], %swap3A_139 {strides = array<i32>} : memref<256xf32, #tpu.memory_space<vmem>>, vector<16xf32>,
    %swap3A_140 = arith.constant 96 : index
    %swap3A_141 = tpu.vector_load %arg6[%swap3A_140] {strides = array<i32>} : memref<256xi32, #tpu.memory_space<vmem>>, vector<16xi32>,
    %swap3A_142 = vector.shape_cast %swap3A_141 : vector<16xi32> to vector<16xi32>
    %swap3A_143 = vector.shape_cast %scan3A_39#6 : vector<16xi32> to vector<16xi32>
    tpu.vector_store %arg6[%swap3A_140], %swap3A_143 {strides = array<i32>} : memref<256xi32, #tpu.memory_space<vmem>>, vector<16xi32>,
    %get3A_144 = arith.constant 96 : index
    %get3A_145 = tpu.vector_load %arg5[%get3A_144] {strides = array<i32>} : memref<512xf32, #tpu.memory_space<vmem>>, vector<16xf32>,
    %get3A_146 = vector.shape_cast %get3A_145 : vector<16xf32> to vector<16xf32>
    %broadcast_in_dim3A_147 = arith.constant 0.000000e+00 : f32
    %broadcast_in_dim3A_148 = vector.broadcast %broadcast_in_dim3A_147 : f32 to vector<16xf32>
    %sub3A_149 = arith.subf %broadcast_in_dim3A_148, %get3A_146 : vector<16xf32>
    %exp3A_150 = math.exp %sub3A_149 : vector<16xf32>
    %add3A_151 = arith.addf %broadcast_in_dim3A_42, %exp3A_150 : vector<16xf32>
    %div3A_152 = arith.divf %broadcast_in_dim3A_42, %add3A_151 : vector<16xf32>
    %swap3A_153 = arith.constant 96 : index
    %swap3A_154 = tpu.vector_load %arg7[%swap3A_153] {strides = array<i32>} : memref<256xf32, #tpu.memory_space<vmem>>, vector<16xf32>,
    %swap3A_155 = vector.shape_cast %swap3A_154 : vector<16xf32> to vector<16xf32>
    %swap3A_156 = vector.shape_cast %div3A_152 : vector<16xf32> to vector<16xf32>
    tpu.vector_store %arg7[%swap3A_153], %swap3A_156 {strides = array<i32>} : memref<256xf32, #tpu.memory_space<vmem>>, vector<16xf32>,
    %swap3A_157 = arith.constant 112 : index
    %swap3A_158 = tpu.vector_load %arg6[%swap3A_157] {strides = array<i32>} : memref<256xi32, #tpu.memory_space<vmem>>, vector<16xi32>,
    %swap3A_159 = vector.shape_cast %swap3A_158 : vector<16xi32> to vector<16xi32>
    %swap3A_160 = vector.shape_cast %scan3A_39#7 : vector<16xi32> to vector<16xi32>
    tpu.vector_store %arg6[%swap3A_157], %swap3A_160 {strides = array<i32>} : memref<256xi32, #tpu.memory_space<vmem>>, vector<16xi32>,
    %get3A_161 = arith.constant 112 : index
    %get3A_162 = tpu.vector_load %arg5[%get3A_161] {strides = array<i32>} : memref<512xf32, #tpu.memory_space<vmem>>, vector<16xf32>,
    %get3A_163 = vector.shape_cast %get3A_162 : vector<16xf32> to vector<16xf32>
    %broadcast_in_dim3A_164 = arith.constant 0.000000e+00 : f32
    %broadcast_in_dim3A_165 = vector.broadcast %broadcast_in_dim3A_164 : f32 to vector<16xf32>
    %sub3A_166 = arith.subf %broadcast_in_dim3A_165, %get3A_163 : vector<16xf32>
    %exp3A_167 = math.exp %sub3A_166 : vector<16xf32>
    %add3A_168 = arith.addf %broadcast_in_dim3A_42, %exp3A_167 : vector<16xf32>
    %div3A_169 = arith.divf %broadcast_in_dim3A_42, %add3A_168 : vector<16xf32>
    %swap3A_170 = arith.constant 112 : index
    %swap3A_171 = tpu.vector_load %arg7[%swap3A_170] {strides = array<i32>} : memref<256xf32, #tpu.memory_space<vmem>>, vector<16xf32>,
    %swap3A_172 = vector.shape_cast %swap3A_171 : vector<16xf32> to vector<16xf32>
    %swap3A_173 = vector.shape_cast %div3A_169 : vector<16xf32> to vector<16xf32>
    tpu.vector_store %arg7[%swap3A_170], %swap3A_173 {strides = array<i32>} : memref<256xf32, #tpu.memory_space<vmem>>, vector<16xf32>,
    %swap3A_174 = arith.constant 128 : index
    %swap3A_175 = tpu.vector_load %arg6[%swap3A_174] {strides = array<i32>} : memref<256xi32, #tpu.memory_space<vmem>>, vector<16xi32>,
    %swap3A_176 = vector.shape_cast %swap3A_175 : vector<16xi32> to vector<16xi32>
    %swap3A_177 = vector.shape_cast %scan3A_39#8 : vector<16xi32> to vector<16xi32>
    tpu.vector_store %arg6[%swap3A_174], %swap3A_177 {strides = array<i32>} : memref<256xi32, #tpu.memory_space<vmem>>, vector<16xi32>,
    %get3A_178 = arith.constant 128 : index
    %get3A_179 = tpu.vector_load %arg5[%get3A_178] {strides = array<i32>} : memref<512xf32, #tpu.memory_space<vmem>>, vector<16xf32>,
    %get3A_180 = vector.shape_cast %get3A_179 : vector<16xf32> to vector<16xf32>
    %broadcast_in_dim3A_181 = arith.constant 0.000000e+00 : f32
    %broadcast_in_dim3A_182 = vector.broadcast %broadcast_in_dim3A_181 : f32 to vector<16xf32>
    %sub3A_183 = arith.subf %broadcast_in_dim3A_182, %get3A_180 : vector<16xf32>
    %exp3A_184 = math.exp %sub3A_183 : vector<16xf32>
    %add3A_185 = arith.addf %broadcast_in_dim3A_42, %exp3A_184 : vector<16xf32>
    %div3A_186 = arith.divf %broadcast_in_dim3A_42, %add3A_185 : vector<16xf32>
    %swap3A_187 = arith.constant 128 : index
    %swap3A_188 = tpu.vector_load %arg7[%swap3A_187] {strides = array<i32>} : memref<256xf32, #tpu.memory_space<vmem>>, vector<16xf32>,
    %swap3A_189 = vector.shape_cast %swap3A_188 : vector<16xf32> to vector<16xf32>
    %swap3A_190 = vector.shape_cast %div3A_186 : vector<16xf32> to vector<16xf32>
    tpu.vector_store %arg7[%swap3A_187], %swap3A_190 {strides = array<i32>} : memref<256xf32, #tpu.memory_space<vmem>>, vector<16xf32>,
    %swap3A_191 = arith.constant 144 : index
    %swap3A_192 = tpu.vector_load %arg6[%swap3A_191] {strides = array<i32>} : memref<256xi32, #tpu.memory_space<vmem>>, vector<16xi32>,
    %swap3A_193 = vector.shape_cast %swap3A_192 : vector<16xi32> to vector<16xi32>
    %swap3A_194 = vector.shape_cast %scan3A_39#9 : vector<16xi32> to vector<16xi32>
    tpu.vector_store %arg6[%swap3A_191], %swap3A_194 {strides = array<i32>} : memref<256xi32, #tpu.memory_space<vmem>>, vector<16xi32>,
    %get3A_195 = arith.constant 144 : index
    %get3A_196 = tpu.vector_load %arg5[%get3A_195] {strides = array<i32>} : memref<512xf32, #tpu.memory_space<vmem>>, vector<16xf32>,
    %get3A_197 = vector.shape_cast %get3A_196 : vector<16xf32> to vector<16xf32>
    %broadcast_in_dim3A_198 = arith.constant 0.000000e+00 : f32
    %broadcast_in_dim3A_199 = vector.broadcast %broadcast_in_dim3A_198 : f32 to vector<16xf32>
    %sub3A_200 = arith.subf %broadcast_in_dim3A_199, %get3A_197 : vector<16xf32>
    %exp3A_201 = math.exp %sub3A_200 : vector<16xf32>
    %add3A_202 = arith.addf %broadcast_in_dim3A_42, %exp3A_201 : vector<16xf32>
    %div3A_203 = arith.divf %broadcast_in_dim3A_42, %add3A_202 : vector<16xf32>
    %swap3A_204 = arith.constant 144 : index
    %swap3A_205 = tpu.vector_load %arg7[%swap3A_204] {strides = array<i32>} : memref<256xf32, #tpu.memory_space<vmem>>, vector<16xf32>,
    %swap3A_206 = vector.shape_cast %swap3A_205 : vector<16xf32> to vector<16xf32>
    %swap3A_207 = vector.shape_cast %div3A_203 : vector<16xf32> to vector<16xf32>
    tpu.vector_store %arg7[%swap3A_204], %swap3A_207 {strides = array<i32>} : memref<256xf32, #tpu.memory_space<vmem>>, vector<16xf32>,
    %swap3A_208 = arith.constant 160 : index
    %swap3A_209 = tpu.vector_load %arg6[%swap3A_208] {strides = array<i32>} : memref<256xi32, #tpu.memory_space<vmem>>, vector<16xi32>,
    %swap3A_210 = vector.shape_cast %swap3A_209 : vector<16xi32> to vector<16xi32>
    %swap3A_211 = vector.shape_cast %scan3A_39#10 : vector<16xi32> to vector<16xi32>
    tpu.vector_store %arg6[%swap3A_208], %swap3A_211 {strides = array<i32>} : memref<256xi32, #tpu.memory_space<vmem>>, vector<16xi32>,
    %get3A_212 = arith.constant 160 : index
    %get3A_213 = tpu.vector_load %arg5[%get3A_212] {strides = array<i32>} : memref<512xf32, #tpu.memory_space<vmem>>, vector<16xf32>,
    %get3A_214 = vector.shape_cast %get3A_213 : vector<16xf32> to vector<16xf32>
    %broadcast_in_dim3A_215 = arith.constant 0.000000e+00 : f32
    %broadcast_in_dim3A_216 = vector.broadcast %broadcast_in_dim3A_215 : f32 to vector<16xf32>
    %sub3A_217 = arith.subf %broadcast_in_dim3A_216, %get3A_214 : vector<16xf32>
    %exp3A_218 = math.exp %sub3A_217 : vector<16xf32>
    %add3A_219 = arith.addf %broadcast_in_dim3A_42, %exp3A_218 : vector<16xf32>
    %div3A_220 = arith.divf %broadcast_in_dim3A_42, %add3A_219 : vector<16xf32>
    %swap3A_221 = arith.constant 160 : index
    %swap3A_222 = tpu.vector_load %arg7[%swap3A_221] {strides = array<i32>} : memref<256xf32, #tpu.memory_space<vmem>>, vector<16xf32>,
    %swap3A_223 = vector.shape_cast %swap3A_222 : vector<16xf32> to vector<16xf32>
    %swap3A_224 = vector.shape_cast %div3A_220 : vector<16xf32> to vector<16xf32>
    tpu.vector_store %arg7[%swap3A_221], %swap3A_224 {strides = array<i32>} : memref<256xf32, #tpu.memory_space<vmem>>, vector<16xf32>,
    %swap3A_225 = arith.constant 176 : index
    %swap3A_226 = tpu.vector_load %arg6[%swap3A_225] {strides = array<i32>} : memref<256xi32, #tpu.memory_space<vmem>>, vector<16xi32>,
    %swap3A_227 = vector.shape_cast %swap3A_226 : vector<16xi32> to vector<16xi32>
    %swap3A_228 = vector.shape_cast %scan3A_39#11 : vector<16xi32> to vector<16xi32>
    tpu.vector_store %arg6[%swap3A_225], %swap3A_228 {strides = array<i32>} : memref<256xi32, #tpu.memory_space<vmem>>, vector<16xi32>,
    %get3A_229 = arith.constant 176 : index
    %get3A_230 = tpu.vector_load %arg5[%get3A_229] {strides = array<i32>} : memref<512xf32, #tpu.memory_space<vmem>>, vector<16xf32>,
    %get3A_231 = vector.shape_cast %get3A_230 : vector<16xf32> to vector<16xf32>
    %broadcast_in_dim3A_232 = arith.constant 0.000000e+00 : f32
    %broadcast_in_dim3A_233 = vector.broadcast %broadcast_in_dim3A_232 : f32 to vector<16xf32>
    %sub3A_234 = arith.subf %broadcast_in_dim3A_233, %get3A_231 : vector<16xf32>
    %exp3A_235 = math.exp %sub3A_234 : vector<16xf32>
    %add3A_236 = arith.addf %broadcast_in_dim3A_42, %exp3A_235 : vector<16xf32>
    %div3A_237 = arith.divf %broadcast_in_dim3A_42, %add3A_236 : vector<16xf32>
    %swap3A_238 = arith.constant 176 : index
    %swap3A_239 = tpu.vector_load %arg7[%swap3A_238] {strides = array<i32>} : memref<256xf32, #tpu.memory_space<vmem>>, vector<16xf32>,
    %swap3A_240 = vector.shape_cast %swap3A_239 : vector<16xf32> to vector<16xf32>
    %swap3A_241 = vector.shape_cast %div3A_237 : vector<16xf32> to vector<16xf32>
    tpu.vector_store %arg7[%swap3A_238], %swap3A_241 {strides = array<i32>} : memref<256xf32, #tpu.memory_space<vmem>>, vector<16xf32>,
    %swap3A_242 = arith.constant 192 : index
    %swap3A_243 = tpu.vector_load %arg6[%swap3A_242] {strides = array<i32>} : memref<256xi32, #tpu.memory_space<vmem>>, vector<16xi32>,
    %swap3A_244 = vector.shape_cast %swap3A_243 : vector<16xi32> to vector<16xi32>
    %swap3A_245 = vector.shape_cast %scan3A_39#12 : vector<16xi32> to vector<16xi32>
    tpu.vector_store %arg6[%swap3A_242], %swap3A_245 {strides = array<i32>} : memref<256xi32, #tpu.memory_space<vmem>>, vector<16xi32>,
    %get3A_246 = arith.constant 192 : index
    %get3A_247 = tpu.vector_load %arg5[%get3A_246] {strides = array<i32>} : memref<512xf32, #tpu.memory_space<vmem>>, vector<16xf32>,
    %get3A_248 = vector.shape_cast %get3A_247 : vector<16xf32> to vector<16xf32>
    %broadcast_in_dim3A_249 = arith.constant 0.000000e+00 : f32
    %broadcast_in_dim3A_250 = vector.broadcast %broadcast_in_dim3A_249 : f32 to vector<16xf32>
    %sub3A_251 = arith.subf %broadcast_in_dim3A_250, %get3A_248 : vector<16xf32>
    %exp3A_252 = math.exp %sub3A_251 : vector<16xf32>
    %add3A_253 = arith.addf %broadcast_in_dim3A_42, %exp3A_252 : vector<16xf32>
    %div3A_254 = arith.divf %broadcast_in_dim3A_42, %add3A_253 : vector<16xf32>
    %swap3A_255 = arith.constant 192 : index
    %swap3A_256 = tpu.vector_load %arg7[%swap3A_255] {strides = array<i32>} : memref<256xf32, #tpu.memory_space<vmem>>, vector<16xf32>,
    %swap3A_257 = vector.shape_cast %swap3A_256 : vector<16xf32> to vector<16xf32>
    %swap3A_258 = vector.shape_cast %div3A_254 : vector<16xf32> to vector<16xf32>
    tpu.vector_store %arg7[%swap3A_255], %swap3A_258 {strides = array<i32>} : memref<256xf32, #tpu.memory_space<vmem>>, vector<16xf32>,
    %swap3A_259 = arith.constant 208 : index
    %swap3A_260 = tpu.vector_load %arg6[%swap3A_259] {strides = array<i32>} : memref<256xi32, #tpu.memory_space<vmem>>, vector<16xi32>,
    %swap3A_261 = vector.shape_cast %swap3A_260 : vector<16xi32> to vector<16xi32>
    %swap3A_262 = vector.shape_cast %scan3A_39#13 : vector<16xi32> to vector<16xi32>
    tpu.vector_store %arg6[%swap3A_259], %swap3A_262 {strides = array<i32>} : memref<256xi32, #tpu.memory_space<vmem>>, vector<16xi32>,
    %get3A_263 = arith.constant 208 : index
    %get3A_264 = tpu.vector_load %arg5[%get3A_263] {strides = array<i32>} : memref<512xf32, #tpu.memory_space<vmem>>, vector<16xf32>,
    %get3A_265 = vector.shape_cast %get3A_264 : vector<16xf32> to vector<16xf32>
    %broadcast_in_dim3A_266 = arith.constant 0.000000e+00 : f32
    %broadcast_in_dim3A_267 = vector.broadcast %broadcast_in_dim3A_266 : f32 to vector<16xf32>
    %sub3A_268 = arith.subf %broadcast_in_dim3A_267, %get3A_265 : vector<16xf32>
    %exp3A_269 = math.exp %sub3A_268 : vector<16xf32>
    %add3A_270 = arith.addf %broadcast_in_dim3A_42, %exp3A_269 : vector<16xf32>
    %div3A_271 = arith.divf %broadcast_in_dim3A_42, %add3A_270 : vector<16xf32>
    %swap3A_272 = arith.constant 208 : index
    %swap3A_273 = tpu.vector_load %arg7[%swap3A_272] {strides = array<i32>} : memref<256xf32, #tpu.memory_space<vmem>>, vector<16xf32>,
    %swap3A_274 = vector.shape_cast %swap3A_273 : vector<16xf32> to vector<16xf32>
    %swap3A_275 = vector.shape_cast %div3A_271 : vector<16xf32> to vector<16xf32>
    tpu.vector_store %arg7[%swap3A_272], %swap3A_275 {strides = array<i32>} : memref<256xf32, #tpu.memory_space<vmem>>, vector<16xf32>,
    %swap3A_276 = arith.constant 224 : index
    %swap3A_277 = tpu.vector_load %arg6[%swap3A_276] {strides = array<i32>} : memref<256xi32, #tpu.memory_space<vmem>>, vector<16xi32>,
    %swap3A_278 = vector.shape_cast %swap3A_277 : vector<16xi32> to vector<16xi32>
    %swap3A_279 = vector.shape_cast %scan3A_39#14 : vector<16xi32> to vector<16xi32>
    tpu.vector_store %arg6[%swap3A_276], %swap3A_279 {strides = array<i32>} : memref<256xi32, #tpu.memory_space<vmem>>, vector<16xi32>,
    %get3A_280 = arith.constant 224 : index
    %get3A_281 = tpu.vector_load %arg5[%get3A_280] {strides = array<i32>} : memref<512xf32, #tpu.memory_space<vmem>>, vector<16xf32>,
    %get3A_282 = vector.shape_cast %get3A_281 : vector<16xf32> to vector<16xf32>
    %broadcast_in_dim3A_283 = arith.constant 0.000000e+00 : f32
    %broadcast_in_dim3A_284 = vector.broadcast %broadcast_in_dim3A_283 : f32 to vector<16xf32>
    %sub3A_285 = arith.subf %broadcast_in_dim3A_284, %get3A_282 : vector<16xf32>
    %exp3A_286 = math.exp %sub3A_285 : vector<16xf32>
    %add3A_287 = arith.addf %broadcast_in_dim3A_42, %exp3A_286 : vector<16xf32>
    %div3A_288 = arith.divf %broadcast_in_dim3A_42, %add3A_287 : vector<16xf32>
    %swap3A_289 = arith.constant 224 : index
    %swap3A_290 = tpu.vector_load %arg7[%swap3A_289] {strides = array<i32>} : memref<256xf32, #tpu.memory_space<vmem>>, vector<16xf32>,
    %swap3A_291 = vector.shape_cast %swap3A_290 : vector<16xf32> to vector<16xf32>
    %swap3A_292 = vector.shape_cast %div3A_288 : vector<16xf32> to vector<16xf32>
    tpu.vector_store %arg7[%swap3A_289], %swap3A_292 {strides = array<i32>} : memref<256xf32, #tpu.memory_space<vmem>>, vector<16xf32>,
    %swap3A_293 = arith.constant 240 : index
    %swap3A_294 = tpu.vector_load %arg6[%swap3A_293] {strides = array<i32>} : memref<256xi32, #tpu.memory_space<vmem>>, vector<16xi32>,
    %swap3A_295 = vector.shape_cast %swap3A_294 : vector<16xi32> to vector<16xi32>
    %swap3A_296 = vector.shape_cast %scan3A_39#15 : vector<16xi32> to vector<16xi32>
    tpu.vector_store %arg6[%swap3A_293], %swap3A_296 {strides = array<i32>} : memref<256xi32, #tpu.memory_space<vmem>>, vector<16xi32>,
    %get3A_297 = arith.constant 240 : index
    %get3A_298 = tpu.vector_load %arg5[%get3A_297] {strides = array<i32>} : memref<512xf32, #tpu.memory_space<vmem>>, vector<16xf32>,
    %get3A_299 = vector.shape_cast %get3A_298 : vector<16xf32> to vector<16xf32>
    %broadcast_in_dim3A_300 = arith.constant 0.000000e+00 : f32
    %broadcast_in_dim3A_301 = vector.broadcast %broadcast_in_dim3A_300 : f32 to vector<16xf32>
    %sub3A_302 = arith.subf %broadcast_in_dim3A_301, %get3A_299 : vector<16xf32>
    %exp3A_303 = math.exp %sub3A_302 : vector<16xf32>
    %add3A_304 = arith.addf %broadcast_in_dim3A_42, %exp3A_303 : vector<16xf32>
    %div3A_305 = arith.divf %broadcast_in_dim3A_42, %add3A_304 : vector<16xf32>
    %swap3A_306 = arith.constant 240 : index
    %swap3A_307 = tpu.vector_load %arg7[%swap3A_306] {strides = array<i32>} : memref<256xf32, #tpu.memory_space<vmem>>, vector<16xf32>,
    %swap3A_308 = vector.shape_cast %swap3A_307 : vector<16xf32> to vector<16xf32>
    %swap3A_309 = vector.shape_cast %div3A_305 : vector<16xf32> to vector<16xf32>
    tpu.vector_store %arg7[%swap3A_306], %swap3A_309 {strides = array<i32>} : memref<256xf32, #tpu.memory_space<vmem>>, vector<16xf32>,
    "tpu.region"() ({
      %run_scoped3A = tpu.sem_alloc : memref<!tpu.dma_semaphore, #tpu.memory_space<semaphore_mem>>
      %dma_start3A = arith.constant 0 : i32
      %dma_start3A_310 = tpu.memref_slice %arg3[%add3A, %dma_start3A] : memref<32x256xi32, #tpu.memory_space<hbm>> -> memref<1x256xi32, #tpu.memory_space<hbm>>
      %dma_start3A_311 = tpu.memref_squeeze %dma_start3A_310 : memref<1x256xi32, #tpu.memory_space<hbm>> -> memref<256xi32, #tpu.memory_space<hbm>>
      %dma_start3A_312 = arith.constant 0 : i32
      %dma_start3A_313 = tpu.memref_slice %arg3[%add3A, %dma_start3A_312] : memref<32x256xi32, #tpu.memory_space<hbm>> -> memref<1x256xi32, #tpu.memory_space<hbm>>
      %dma_start3A_314 = tpu.memref_squeeze %dma_start3A_313 : memref<1x256xi32, #tpu.memory_space<hbm>> -> memref<256xi32, #tpu.memory_space<hbm>>
      tpu.enqueue_dma source(%arg6 : memref<256xi32, #tpu.memory_space<vmem>>) target(%dma_start3A_314 : memref<256xi32, #tpu.memory_space<hbm>>) target_semaphore(%run_scoped3A : memref<!tpu.dma_semaphore, #tpu.memory_space<semaphore_mem>>)
      %dma_wait3A = arith.constant 0 : i32
      %dma_wait3A_315 = tpu.memref_slice %arg3[%add3A, %dma_wait3A] : memref<32x256xi32, #tpu.memory_space<hbm>> -> memref<1x256xi32, #tpu.memory_space<hbm>>
      %dma_wait3A_316 = tpu.memref_squeeze %dma_wait3A_315 : memref<1x256xi32, #tpu.memory_space<hbm>> -> memref<256xi32, #tpu.memory_space<hbm>>
      %dma_wait3A_317 = arith.constant 0 : i32
      %dma_wait3A_318 = tpu.memref_slice %arg3[%add3A, %dma_wait3A_317] : memref<32x256xi32, #tpu.memory_space<hbm>> -> memref<1x256xi32, #tpu.memory_space<hbm>>
      %dma_wait3A_319 = tpu.memref_squeeze %dma_wait3A_318 : memref<1x256xi32, #tpu.memory_space<hbm>> -> memref<256xi32, #tpu.memory_space<hbm>>
      tpu.wait_dma2 semaphore(%run_scoped3A : memref<!tpu.dma_semaphore, #tpu.memory_space<semaphore_mem>>) src(%arg6 : memref<256xi32, #tpu.memory_space<vmem>>) dst(%dma_wait3A_319 : memref<256xi32, #tpu.memory_space<hbm>>)
      tpu.yield
    }) : () -> ()
    "tpu.region"() ({
      %run_scoped3A = tpu.sem_alloc : memref<!tpu.dma_semaphore, #tpu.memory_space<semaphore_mem>>
      %dma_start3A = arith.constant 0 : i32
      %dma_start3A_310 = tpu.memref_slice %arg4[%add3A, %dma_start3A] : memref<32x256xf32, #tpu.memory_space<hbm>> -> memref<1x256xf32, #tpu.memory_space<hbm>>
      %dma_start3A_311 = tpu.memref_squeeze %dma_start3A_310 : memref<1x256xf32, #tpu.memory_space<hbm>> -> memref<256xf32, #tpu.memory_space<hbm>>
      %dma_start3A_312 = arith.constant 0 : i32
      %dma_start3A_313 = tpu.memref_slice %arg4[%add3A, %dma_start3A_312] : memref<32x256xf32, #tpu.memory_space<hbm>> -> memref<1x256xf32, #tpu.memory_space<hbm>>
      %dma_start3A_314 = tpu.memref_squeeze %dma_start3A_313 : memref<1x256xf32, #tpu.memory_space<hbm>> -> memref<256xf32, #tpu.memory_space<hbm>>
      tpu.enqueue_dma source(%arg7 : memref<256xf32, #tpu.memory_space<vmem>>) target(%dma_start3A_314 : memref<256xf32, #tpu.memory_space<hbm>>) target_semaphore(%run_scoped3A : memref<!tpu.dma_semaphore, #tpu.memory_space<semaphore_mem>>)
      %dma_wait3A = arith.constant 0 : i32
      %dma_wait3A_315 = tpu.memref_slice %arg4[%add3A, %dma_wait3A] : memref<32x256xf32, #tpu.memory_space<hbm>> -> memref<1x256xf32, #tpu.memory_space<hbm>>
      %dma_wait3A_316 = tpu.memref_squeeze %dma_wait3A_315 : memref<1x256xf32, #tpu.memory_space<hbm>> -> memref<256xf32, #tpu.memory_space<hbm>>
      %dma_wait3A_317 = arith.constant 0 : i32
      %dma_wait3A_318 = tpu.memref_slice %arg4[%add3A, %dma_wait3A_317] : memref<32x256xf32, #tpu.memory_space<hbm>> -> memref<1x256xf32, #tpu.memory_space<hbm>>
      %dma_wait3A_319 = tpu.memref_squeeze %dma_wait3A_318 : memref<1x256xf32, #tpu.memory_space<hbm>> -> memref<256xf32, #tpu.memory_space<hbm>>
      tpu.wait_dma2 semaphore(%run_scoped3A : memref<!tpu.dma_semaphore, #tpu.memory_space<semaphore_mem>>) src(%arg7 : memref<256xf32, #tpu.memory_space<vmem>>) dst(%dma_wait3A_319 : memref<256xf32, #tpu.memory_space<hbm>>)
      tpu.yield
    }) : () -> ()
    return
  }
}

module attributes {stable_mosaic.version = 14 : i64} {
  func.func @_score_body(%arg0: i32, %arg1: memref<8192x1xf32, #tpu.memory_space<vmem>>, %arg2: memref<1x8192x256xf32, #tpu.memory_space<vmem>>, %arg3: memref<1x1x256xf32, #tpu.memory_space<vmem>>) attributes {dimension_semantics = [#tpu.dimension_semantics<arbitrary>], iteration_bounds = array<i64: 32>, scalar_prefetch = 0 : i64, scratch_operands = 0 : i64, tpu.core_type = #tpu.core_type<tc>, window_params = [{pipeline_mode = #tpu.pipeline_mode<synchronous>, transform_indices = @transform_0, window_bounds = array<i64: 8192, 1>}, {transform_indices = @transform_1, window_bounds = array<i64: 1, 8192, 256>}, {transform_indices = @transform_2, window_bounds = array<i64: 1, 1, 256>}]} {
    %get3A = arith.constant 0 : index
    %get3A_0 = arith.constant 0 : index
    %get3A_1 = vector.load %arg1[%get3A, %get3A_0] : memref<8192x1xf32, #tpu.memory_space<vmem>>, vector<8192x1xf32>
    %mul3A = arith.mulf %get3A_1, %get3A_1 : vector<8192x1xf32>
    %reduce_sum3A = vector.shape_cast %mul3A : vector<8192x1xf32> to vector<1x8192x1xf32>
    %reduce_sum3A_2 = arith.constant dense<0.000000e+00> : vector<1xf32>
    %reduce_sum3A_3 = vector.multi_reduction <add>, %reduce_sum3A, %reduce_sum3A_2 [1, 2] : vector<1x8192x1xf32> to vector<1xf32>
    %reduce_sum3A_4 = vector.shape_cast %reduce_sum3A_3 : vector<1xf32> to vector<1x1x1xf32>
    %reduce_sum3A_5 = vector.extract %reduce_sum3A_4[0, 0, 0] : f32 from vector<1x1x1xf32>
    %max3A = arith.constant 9.99999996E-13 : f32
    %max3A_6 = arith.maximumf %reduce_sum3A_5, %max3A : f32
    %rsqrt3A = math.rsqrt %max3A_6 : f32
    %mul3A_7 = vector.broadcast %rsqrt3A : f32 to vector<8192x1xf32>
    %mul3A_8 = arith.mulf %get3A_1, %mul3A_7 : vector<8192x1xf32>
    %convert_element_type3A = arith.truncf %mul3A_8 : vector<8192x1xf32> to vector<8192x1xbf16>
    %convert_element_type3A_9 = arith.extf %convert_element_type3A : vector<8192x1xbf16> to vector<8192x1xf32>
    %get3A_10 = arith.constant 0 : index
    %get3A_11 = arith.constant 0 : index
    %get3A_12 = arith.constant 0 : index
    %get3A_13 = vector.load %arg2[%get3A_10, %get3A_11, %get3A_12] : memref<1x8192x256xf32, #tpu.memory_space<vmem>>, vector<1x8192x256xf32>
    %get3A_14 = vector.shape_cast %get3A_13 : vector<1x8192x256xf32> to vector<8192x256xf32>
    %convert_element_type3A_15 = arith.truncf %get3A_14 : vector<8192x256xf32> to vector<8192x256xbf16>
    %convert_element_type3A_16 = arith.extf %convert_element_type3A_15 : vector<8192x256xbf16> to vector<8192x256xf32>
    %mul3A_17 = vector.broadcast %convert_element_type3A_9 : vector<8192x1xf32> to vector<8192x256xf32>
    %mul3A_18 = arith.mulf %convert_element_type3A_16, %mul3A_17 : vector<8192x256xf32>
    %reduce_sum3A_19 = arith.constant dense<0.000000e+00> : vector<256xf32>
    %reduce_sum3A_20 = vector.multi_reduction <add>, %mul3A_18, %reduce_sum3A_19 [0] : vector<8192x256xf32> to vector<256xf32>
    %broadcast_in_dim3A = vector.shape_cast %reduce_sum3A_20 : vector<256xf32> to vector<1x256xf32>
    %swap3A = arith.constant 0 : index
    %swap3A_21 = arith.constant 0 : index
    %swap3A_22 = arith.constant 0 : index
    %swap3A_23 = vector.load %arg3[%swap3A, %swap3A_21, %swap3A_22] : memref<1x1x256xf32, #tpu.memory_space<vmem>>, vector<1x1x256xf32>
    %swap3A_24 = vector.shape_cast %swap3A_23 : vector<1x1x256xf32> to vector<1x256xf32>
    %swap3A_25 = vector.shape_cast %broadcast_in_dim3A : vector<1x256xf32> to vector<1x1x256xf32>
    tpu.vector_store %arg3[%swap3A, %swap3A_21, %swap3A_22], %swap3A_25 {strides = array<i32>} : memref<1x1x256xf32, #tpu.memory_space<vmem>>, vector<1x1x256xf32>,
    return
  }
  func.func @transform_0(%arg0: i32) -> (i32, i32) {
    %c0_i32 = arith.constant 0 : i32
    %c0_i32_0 = arith.constant 0 : i32
    %c0_i32_1 = arith.constant 0 : i32
    return %c0_i32, %c0_i32_0 : i32, i32
  }
  func.func @transform_1(%arg0: i32) -> (i32, i32, i32) {
    %c0_i32 = arith.constant 0 : i32
    %c0_i32_0 = arith.constant 0 : i32
    %c0_i32_1 = arith.constant 0 : i32
    return %arg0, %c0_i32, %c0_i32_0 : i32, i32, i32
  }
  func.func @transform_2(%arg0: i32) -> (i32, i32, i32) {
    %c0_i32 = arith.constant 0 : i32
    %c0_i32_0 = arith.constant 0 : i32
    %c0_i32_1 = arith.constant 0 : i32
    return %arg0, %c0_i32, %c0_i32_0 : i32, i32, i32
  }
}

module attributes {stable_mosaic.version = 14 : i64} {
  func.func @_gather_body(%arg0: i32, %arg1: memref<1x1x256xi32, #tpu.memory_space<vmem>>, %arg2: memref<1x1x256xf32, #tpu.memory_space<vmem>>, %arg3: memref<1x8192x256xf32, #tpu.memory_space<vmem>>, %arg4: memref<1x3x256x256xf32, #tpu.memory_space<vmem>>, %arg5: memref<1x8192x128xf32, #tpu.memory_space<vmem>>, %arg6: memref<1x3x128x128xf32, #tpu.memory_space<vmem>>) attributes {dimension_semantics = [#tpu.dimension_semantics<arbitrary>], iteration_bounds = array<i64: 32>, scalar_prefetch = 0 : i64, scratch_operands = 0 : i64, tpu.core_type = #tpu.core_type<tc>, window_params = [{transform_indices = @transform_0, window_bounds = array<i64: 1, 1, 256>}, {transform_indices = @transform_1, window_bounds = array<i64: 1, 1, 256>}, {transform_indices = @transform_2, window_bounds = array<i64: 1, 8192, 256>}, {transform_indices = @transform_3, window_bounds = array<i64: 1, 3, 256, 256>}, {transform_indices = @transform_4, window_bounds = array<i64: 1, 8192, 128>}, {transform_indices = @transform_5, window_bounds = array<i64: 1, 3, 128, 128>}]} {
    %get3A = arith.constant 0 : index
    %get3A_0 = arith.constant 0 : index
    %get3A_1 = arith.constant 0 : index
    %get3A_2 = vector.load %arg1[%get3A, %get3A_0, %get3A_1] : memref<1x1x256xi32, #tpu.memory_space<vmem>>, vector<1x1x256xi32>
    %get3A_3 = vector.shape_cast %get3A_2 : vector<1x1x256xi32> to vector<1x256xi32>
    %get3A_4 = arith.constant 0 : index
    %get3A_5 = arith.constant 0 : index
    %get3A_6 = arith.constant 0 : index
    %get3A_7 = vector.load %arg2[%get3A_4, %get3A_5, %get3A_6] : memref<1x1x256xf32, #tpu.memory_space<vmem>>, vector<1x1x256xf32>
    %get3A_8 = vector.shape_cast %get3A_7 : vector<1x1x256xf32> to vector<1x256xf32>
    %iota3A = tpu.iota {dimensions = array<i32: 0>} : vector<128x256xi32>
    %eq3A = vector.broadcast %get3A_3 : vector<1x256xi32> to vector<128x256xi32>
    %eq3A_9 = arith.cmpi eq, %iota3A, %eq3A : vector<128x256xi32>
    %convert_element_type3A = arith.extui %eq3A_9 : vector<128x256xi1> to vector<128x256xi32>
    %convert_element_type3A_10 = arith.sitofp %convert_element_type3A : vector<128x256xi32> to vector<128x256xf32>
    %dot_general3A = arith.constant dense<0.000000e+00> : vector<1x128xf32>
    %dot_general3A_11 = tpu.matmul %get3A_8, %convert_element_type3A_10, %dot_general3A {dimension_numbers = #tpu.dot_dimension_numbers<[1], [1], [0], [0], [0, 0, 1, 0], [], []>, precision = #tpu.contract_precision<fp32>, transpose_lhs_hint = false} : vector<1x256xf32>, vector<128x256xf32>, vector<1x128xf32> -> vector<1x128xf32>
    %convert_element_type3A_12 = arith.truncf %convert_element_type3A_10 : vector<128x256xf32> to vector<128x256xbf16>
    %get3A_13 = arith.constant 0 : index
    %get3A_14 = arith.constant 0 : index
    %get3A_15 = arith.constant 0 : index
    %get3A_16 = vector.load %arg3[%get3A_13, %get3A_14, %get3A_15] : memref<1x8192x256xf32, #tpu.memory_space<vmem>>, vector<1x8192x256xf32>
    %get3A_17 = vector.shape_cast %get3A_16 : vector<1x8192x256xf32> to vector<8192x256xf32>
    %convert_element_type3A_18 = arith.truncf %get3A_17 : vector<8192x256xf32> to vector<8192x256xbf16>
    %convert_element_type3A_19 = arith.extf %convert_element_type3A_18 : vector<8192x256xbf16> to vector<8192x256xf32>
    %sub3A = arith.subf %get3A_17, %convert_element_type3A_19 : vector<8192x256xf32>
    %convert_element_type3A_20 = arith.truncf %sub3A : vector<8192x256xf32> to vector<8192x256xbf16>
    %dot_general3A_21 = arith.constant dense<0.000000e+00> : vector<8192x128xf32>
    %dot_general3A_22 = tpu.matmul %convert_element_type3A_18, %convert_element_type3A_12, %dot_general3A_21 {dimension_numbers = #tpu.dot_dimension_numbers<[1], [1], [0], [0], [0, 0, 1, 0], [], []>, transpose_lhs_hint = false} : vector<8192x256xbf16>, vector<128x256xbf16>, vector<8192x128xf32> -> vector<8192x128xf32>
    %dot_general3A_23 = arith.constant dense<0.000000e+00> : vector<8192x128xf32>
    %dot_general3A_24 = tpu.matmul %convert_element_type3A_20, %convert_element_type3A_12, %dot_general3A_23 {dimension_numbers = #tpu.dot_dimension_numbers<[1], [1], [0], [0], [0, 0, 1, 0], [], []>, transpose_lhs_hint = false} : vector<8192x256xbf16>, vector<128x256xbf16>, vector<8192x128xf32> -> vector<8192x128xf32>
    %add3A = arith.addf %dot_general3A_22, %dot_general3A_24 : vector<8192x128xf32>
    %mul3A = vector.broadcast %dot_general3A_11 : vector<1x128xf32> to vector<8192x128xf32>
    %mul3A_25 = arith.mulf %add3A, %mul3A : vector<8192x128xf32>
    %swap3A = arith.constant 0 : index
    %swap3A_26 = arith.constant 0 : index
    %swap3A_27 = arith.constant 0 : index
    %swap3A_28 = vector.load %arg5[%swap3A, %swap3A_26, %swap3A_27] : memref<1x8192x128xf32, #tpu.memory_space<vmem>>, vector<1x8192x128xf32>
    %swap3A_29 = vector.shape_cast %swap3A_28 : vector<1x8192x128xf32> to vector<8192x128xf32>
    %swap3A_30 = vector.shape_cast %mul3A_25 : vector<8192x128xf32> to vector<1x8192x128xf32>
    tpu.vector_store %arg5[%swap3A, %swap3A_26, %swap3A_27], %swap3A_30 {strides = array<i32>} : memref<1x8192x128xf32, #tpu.memory_space<vmem>>, vector<1x8192x128xf32>,
    %get3A_31 = arith.constant 0 : index
    %get3A_32 = arith.constant 0 : index
    %get3A_33 = arith.constant 0 : index
    %get3A_34 = arith.constant 0 : index
    %get3A_35 = vector.load %arg4[%get3A_31, %get3A_32, %get3A_33, %get3A_34] : memref<1x3x256x256xf32, #tpu.memory_space<vmem>>, vector<1x1x256x256xf32>
    %get3A_36 = vector.shape_cast %get3A_35 : vector<1x1x256x256xf32> to vector<256x256xf32>
    %convert_element_type3A_37 = arith.truncf %get3A_36 : vector<256x256xf32> to vector<256x256xbf16>
    %dot_general3A_38 = arith.constant dense<0.000000e+00> : vector<128x256xf32>
    %dot_general3A_39 = tpu.matmul %convert_element_type3A_12, %convert_element_type3A_37, %dot_general3A_38 {dimension_numbers = #tpu.dot_dimension_numbers<[1], [0], [0], [1], [0, 0, 1, 1], [], []>, transpose_lhs_hint = false} : vector<128x256xbf16>, vector<256x256xbf16>, vector<128x256xf32> -> vector<128x256xf32>
    %dot_general3A_40 = arith.constant dense<0.000000e+00> : vector<256x128xf32>
    %dot_general3A_41 = tpu.matmul %convert_element_type3A_37, %convert_element_type3A_12, %dot_general3A_40 {dimension_numbers = #tpu.dot_dimension_numbers<[1], [1], [0], [0], [0, 0, 1, 0], [], []>, transpose_lhs_hint = false} : vector<256x256xbf16>, vector<128x256xbf16>, vector<256x128xf32> -> vector<256x128xf32>
    %convert_element_type3A_42 = arith.truncf %dot_general3A_39 : vector<128x256xf32> to vector<128x256xbf16>
    %convert_element_type3A_43 = arith.truncf %dot_general3A_41 : vector<256x128xf32> to vector<256x128xbf16>
    %dot_general3A_44 = arith.constant dense<0.000000e+00> : vector<128x128xf32>
    %dot_general3A_45 = tpu.matmul %convert_element_type3A_42, %convert_element_type3A_43, %dot_general3A_44 {dimension_numbers = #tpu.dot_dimension_numbers<[1], [0], [0], [1], [0, 0, 1, 1], [], []>, transpose_lhs_hint = false} : vector<128x256xbf16>, vector<256x128xbf16>, vector<128x128xf32> -> vector<128x128xf32>
    %swap3A_46 = arith.constant 0 : index
    %swap3A_47 = arith.constant 0 : index
    %swap3A_48 = arith.constant 0 : index
    %swap3A_49 = arith.constant 0 : index
    %swap3A_50 = vector.load %arg6[%swap3A_46, %swap3A_47, %swap3A_48, %swap3A_49] : memref<1x3x128x128xf32, #tpu.memory_space<vmem>>, vector<1x1x128x128xf32>
    %swap3A_51 = vector.shape_cast %swap3A_50 : vector<1x1x128x128xf32> to vector<128x128xf32>
    %swap3A_52 = vector.shape_cast %dot_general3A_45 : vector<128x128xf32> to vector<1x1x128x128xf32>
    tpu.vector_store %arg6[%swap3A_46, %swap3A_47, %swap3A_48, %swap3A_49], %swap3A_52 {strides = array<i32>} : memref<1x3x128x128xf32, #tpu.memory_space<vmem>>, vector<1x1x128x128xf32>,
    %get3A_53 = arith.constant 0 : index
    %get3A_54 = arith.constant 1 : index
    %get3A_55 = arith.constant 0 : index
    %get3A_56 = arith.constant 0 : index
    %get3A_57 = vector.load %arg4[%get3A_53, %get3A_54, %get3A_55, %get3A_56] : memref<1x3x256x256xf32, #tpu.memory_space<vmem>>, vector<1x1x256x256xf32>
    %get3A_58 = vector.shape_cast %get3A_57 : vector<1x1x256x256xf32> to vector<256x256xf32>
    %convert_element_type3A_59 = arith.truncf %get3A_58 : vector<256x256xf32> to vector<256x256xbf16>
    %dot_general3A_60 = arith.constant dense<0.000000e+00> : vector<128x256xf32>
    %dot_general3A_61 = tpu.matmul %convert_element_type3A_12, %convert_element_type3A_59, %dot_general3A_60 {dimension_numbers = #tpu.dot_dimension_numbers<[1], [0], [0], [1], [0, 0, 1, 1], [], []>, transpose_lhs_hint = false} : vector<128x256xbf16>, vector<256x256xbf16>, vector<128x256xf32> -> vector<128x256xf32>
    %dot_general3A_62 = arith.constant dense<0.000000e+00> : vector<256x128xf32>
    %dot_general3A_63 = tpu.matmul %convert_element_type3A_59, %convert_element_type3A_12, %dot_general3A_62 {dimension_numbers = #tpu.dot_dimension_numbers<[1], [1], [0], [0], [0, 0, 1, 0], [], []>, transpose_lhs_hint = false} : vector<256x256xbf16>, vector<128x256xbf16>, vector<256x128xf32> -> vector<256x128xf32>
    %convert_element_type3A_64 = arith.truncf %dot_general3A_61 : vector<128x256xf32> to vector<128x256xbf16>
    %convert_element_type3A_65 = arith.truncf %dot_general3A_63 : vector<256x128xf32> to vector<256x128xbf16>
    %dot_general3A_66 = arith.constant dense<0.000000e+00> : vector<128x128xf32>
    %dot_general3A_67 = tpu.matmul %convert_element_type3A_64, %convert_element_type3A_65, %dot_general3A_66 {dimension_numbers = #tpu.dot_dimension_numbers<[1], [0], [0], [1], [0, 0, 1, 1], [], []>, transpose_lhs_hint = false} : vector<128x256xbf16>, vector<256x128xbf16>, vector<128x128xf32> -> vector<128x128xf32>
    %swap3A_68 = arith.constant 0 : index
    %swap3A_69 = arith.constant 1 : index
    %swap3A_70 = arith.constant 0 : index
    %swap3A_71 = arith.constant 0 : index
    %swap3A_72 = vector.load %arg6[%swap3A_68, %swap3A_69, %swap3A_70, %swap3A_71] : memref<1x3x128x128xf32, #tpu.memory_space<vmem>>, vector<1x1x128x128xf32>
    %swap3A_73 = vector.shape_cast %swap3A_72 : vector<1x1x128x128xf32> to vector<128x128xf32>
    %swap3A_74 = vector.shape_cast %dot_general3A_67 : vector<128x128xf32> to vector<1x1x128x128xf32>
    tpu.vector_store %arg6[%swap3A_68, %swap3A_69, %swap3A_70, %swap3A_71], %swap3A_74 {strides = array<i32>} : memref<1x3x128x128xf32, #tpu.memory_space<vmem>>, vector<1x1x128x128xf32>,
    %get3A_75 = arith.constant 0 : index
    %get3A_76 = arith.constant 2 : index
    %get3A_77 = arith.constant 0 : index
    %get3A_78 = arith.constant 0 : index
    %get3A_79 = vector.load %arg4[%get3A_75, %get3A_76, %get3A_77, %get3A_78] : memref<1x3x256x256xf32, #tpu.memory_space<vmem>>, vector<1x1x256x256xf32>
    %get3A_80 = vector.shape_cast %get3A_79 : vector<1x1x256x256xf32> to vector<256x256xf32>
    %convert_element_type3A_81 = arith.truncf %get3A_80 : vector<256x256xf32> to vector<256x256xbf16>
    %dot_general3A_82 = arith.constant dense<0.000000e+00> : vector<128x256xf32>
    %dot_general3A_83 = tpu.matmul %convert_element_type3A_12, %convert_element_type3A_81, %dot_general3A_82 {dimension_numbers = #tpu.dot_dimension_numbers<[1], [0], [0], [1], [0, 0, 1, 1], [], []>, transpose_lhs_hint = false} : vector<128x256xbf16>, vector<256x256xbf16>, vector<128x256xf32> -> vector<128x256xf32>
    %dot_general3A_84 = arith.constant dense<0.000000e+00> : vector<256x128xf32>
    %dot_general3A_85 = tpu.matmul %convert_element_type3A_81, %convert_element_type3A_12, %dot_general3A_84 {dimension_numbers = #tpu.dot_dimension_numbers<[1], [1], [0], [0], [0, 0, 1, 0], [], []>, transpose_lhs_hint = false} : vector<256x256xbf16>, vector<128x256xbf16>, vector<256x128xf32> -> vector<256x128xf32>
    %convert_element_type3A_86 = arith.truncf %dot_general3A_83 : vector<128x256xf32> to vector<128x256xbf16>
    %convert_element_type3A_87 = arith.truncf %dot_general3A_85 : vector<256x128xf32> to vector<256x128xbf16>
    %dot_general3A_88 = arith.constant dense<0.000000e+00> : vector<128x128xf32>
    %dot_general3A_89 = tpu.matmul %convert_element_type3A_86, %convert_element_type3A_87, %dot_general3A_88 {dimension_numbers = #tpu.dot_dimension_numbers<[1], [0], [0], [1], [0, 0, 1, 1], [], []>, transpose_lhs_hint = false} : vector<128x256xbf16>, vector<256x128xbf16>, vector<128x128xf32> -> vector<128x128xf32>
    %swap3A_90 = arith.constant 0 : index
    %swap3A_91 = arith.constant 2 : index
    %swap3A_92 = arith.constant 0 : index
    %swap3A_93 = arith.constant 0 : index
    %swap3A_94 = vector.load %arg6[%swap3A_90, %swap3A_91, %swap3A_92, %swap3A_93] : memref<1x3x128x128xf32, #tpu.memory_space<vmem>>, vector<1x1x128x128xf32>
    %swap3A_95 = vector.shape_cast %swap3A_94 : vector<1x1x128x128xf32> to vector<128x128xf32>
    %swap3A_96 = vector.shape_cast %dot_general3A_89 : vector<128x128xf32> to vector<1x1x128x128xf32>
    tpu.vector_store %arg6[%swap3A_90, %swap3A_91, %swap3A_92, %swap3A_93], %swap3A_96 {strides = array<i32>} : memref<1x3x128x128xf32, #tpu.memory_space<vmem>>, vector<1x1x128x128xf32>,
    return
  }
  func.func @transform_0(%arg0: i32) -> (i32, i32, i32) {
    %c0_i32 = arith.constant 0 : i32
    %c0_i32_0 = arith.constant 0 : i32
    %c0_i32_1 = arith.constant 0 : i32
    return %arg0, %c0_i32, %c0_i32_0 : i32, i32, i32
  }
  func.func @transform_1(%arg0: i32) -> (i32, i32, i32) {
    %c0_i32 = arith.constant 0 : i32
    %c0_i32_0 = arith.constant 0 : i32
    %c0_i32_1 = arith.constant 0 : i32
    return %arg0, %c0_i32, %c0_i32_0 : i32, i32, i32
  }
  func.func @transform_2(%arg0: i32) -> (i32, i32, i32) {
    %c0_i32 = arith.constant 0 : i32
    %c0_i32_0 = arith.constant 0 : i32
    %c0_i32_1 = arith.constant 0 : i32
    return %arg0, %c0_i32, %c0_i32_0 : i32, i32, i32
  }
  func.func @transform_3(%arg0: i32) -> (i32, i32, i32, i32) {
    %c0_i32 = arith.constant 0 : i32
    %c0_i32_0 = arith.constant 0 : i32
    %c0_i32_1 = arith.constant 0 : i32
    %c0_i32_2 = arith.constant 0 : i32
    return %arg0, %c0_i32, %c0_i32_0, %c0_i32_1 : i32, i32, i32, i32
  }
  func.func @transform_4(%arg0: i32) -> (i32, i32, i32) {
    %c0_i32 = arith.constant 0 : i32
    %c0_i32_0 = arith.constant 0 : i32
    %c0_i32_1 = arith.constant 0 : i32
    return %arg0, %c0_i32, %c0_i32_0 : i32, i32, i32
  }
  func.func @transform_5(%arg0: i32) -> (i32, i32, i32, i32) {
    %c0_i32 = arith.constant 0 : i32
    %c0_i32_0 = arith.constant 0 : i32
    %c0_i32_1 = arith.constant 0 : i32
    %c0_i32_2 = arith.constant 0 : i32
    return %arg0, %c0_i32, %c0_i32_0, %c0_i32_1 : i32, i32, i32, i32
  }
}

</mosaic_0001>

<sc_bundles>
// kernel: kernel.5.cloned.1.call-start
scs
__scs_entry_jumppad:
0x0: {  	(pc) =	sbr.rel $0x88, $3  }
0x1: {  	(tag) =	ssettag $0x0;
	lr =	simm.s32 $0x1  }
0x2: {  	[smem:$0x3F9E] =	sst lr;
	_ =	strace $0xD0000000  }
0x3: {  	_ = 	snop  }
0x4: {  	_ = 	snop  }
0x5: {  	_ = 	snop  }
0x6: {  	_ = 	snop  }
0x7: {  	_ = 	snop  }
__scs_overlays_trampoline_lowered:
0x8: {  	[smem:$0x3FAD] =	sst s0  }
0x9: {  	[smem:$0x3FAE] =	sst s1  }
0xa: {  	[smem:$0x3FAF] =	sst s2  }
0xb: {  	[smem:$0x3FB0] =	sst s3  }
0xc: {  	[smem:$0x3FB1] =	sst s4  }
0xd: {  	[smem:$0x3FB2] =	sst s5  }
0xe: {  	[smem:$0x3FB3] =	sst s6  }
0xf: {  	[smem:$0x3FB4] =	sst s7  }
0x10: {  	[smem:$0x3FB5] =	sst s8  }
0x11: {  	[smem:$0x3FB6] =	sst s9;
	s0 =	simm.s32 @!p0 $0x0  }
0x12: {  	s1 =	sld [smem:$0x3F9C];
	s0 =	simm.s32 @p0 $0x1  }
0x13: {  	[smem:$0x3FB7] =	sst s0;
	s0 =	simm.s32 @!p1 $0x0  }
0x14: {  	s2 =	sld [smem:$0x3F9B];
	s0 =	simm.s32 @p1 $0x1  }
0x15: {  	[smem:$0x3FB8] =	sst s0;
	s0 =	simm.s32 @!p2 $0x0  }
0x16: {  	s3 =	sld [smem:$0x3FDB];
	s0 =	simm.s32 @p2 $0x1  }
0x17: {  	s4 =	simm.s32 $0x1BF5;
	[smem:$0x3FBA] =	sst s0  }
0x18: {  	s0 =	sld [smem:$0x3F9D];
	_ =	swait.ge [sflag:s4], $0x0  }
0x19: {  	s7 =	sld [smem:$0x3F9E]  }
0x1a: {  	s8 =	sadd.s32 $0xFFFFE003, lr  }
0x1b: {  	s9 =	sadd.s32 $0xFFFFFEF7, lr;
	s5 =	simm.s32 $0xFFFFFFFF;
	p2 =	slt.u32 s8, $0xFFFFF086  }
0x1c: {  	p1 =	slt.u32 s9, $0xF7A;
	s5 =	simm.s32 @!p2 $0x0  }
0x1d: {  	s5 =	simm.s32 @p1 $0x1;
	p0 =	seq.s32 s7, s2  }
0x1e: {  	s7 =	smul.u32 @!p0 $0xF7A, s2;
	p2 =	seq.s32 @!p0 s5, $0x0  }
0x1f: {  	s9 =	smul.u32 $0xF7A, s1;
	s8 =	simm.s32 @!p0 $0x1BF5;
	p2 =	por !p2, p0  }
0x20: {  	[sflag:s8] =	ssyncset.s32 @!p0 $0xFFFFF086;
	s6 =	sadd.s32 @!p0 s3, s7;
	s7 =	simm.s32 @!p0 $0x108  }
0x21: {  	s3 =	sadd.s32 s3, s9;
	s6 =	sadd.s32 @!p0 $0x88, s6;
	s7 =	simm.s32 @p2 $0x1082  }
0x22: {  	[simem:s7], [sflag:s8] =	dma.local @!p0 [hbm:s6], $0xF7A  }
0x23: {  	s9 =	sor.u32 $0xD0000000, s2;
	s6 =	simm.s32 $0x108;
	_ =	swait.ge @!p0 [sflag:s8], $0x0  }
0x24: {  	s3 =	sadd.s32 $0x88, s3;
	s6 =	simm.s32 @!p1 $0x1082;
	[sflag:s4] =	ssyncset.s32 $0xFFFFF086  }
0x25: {  	[simem:s6], [sflag:s4] =	dma.local [hbm:s3], $0xF7A  }
0x26: {  	[smem:$0x3F9E] =	sst s1;
	(tag) =	ssettag s2;
	_ =	strace s9  }
0x27: {  	s1 =	sld [smem:$0x3FAE]  }
0x28: {  	s2 =	sld [smem:$0x3FAF]  }
0x29: {  	s4 =	sld [smem:$0x3FB1]  }
0x2a: {  	p0 =	seq.s32 s5, $0x0;
	s5 =	sld [smem:$0x3FB2]  }
0x2b: {  	s6 =	sld [smem:$0x3FB3]  }
0x2c: {  	s7 =	sld [smem:$0x3FB4]  }
0x2d: {  	s3 =	simm.s32 $0x108;
	s8 =	sld [smem:$0x3FB5]  }
0x2e: {  	s3 =	simm.s32 @!p0 $0x1082;
	s9 =	sld [smem:$0x3FB6]  }
0x2f: {  	lr =	sadd.s32 s0, s3;
	s0 =	sld [smem:$0x3FAD]  }
0x30: {  	s3 =	sld [smem:$0x3FB0]  }
0x31: {  	[smem:$0x3FB9] =	sst s10  }
0x32: {  	s10 =	sld [smem:$0x3FB7];
	_ =	sdelay $0x3  }
0x33: {  	p0 =	seq.s32 s10, $0x1;
	s10 =	sld [smem:$0x3FB9];
	_ =	sdelay $0x3  }
0x34: {  	[smem:$0x3FB9] =	sst s10  }
0x35: {  	s10 =	sld [smem:$0x3FB8];
	_ =	sdelay $0x3  }
0x36: {  	p1 =	seq.s32 s10, $0x1;
	s10 =	sld [smem:$0x3FB9];
	_ =	sdelay $0x3  }
0x37: {  	[smem:$0x3FB9] =	sst s10  }
0x38: {  	s10 =	sld [smem:$0x3FBA]  }
0x39: {  	_ = 	snop;
	(pc) =	sbr.ind lr, $3  }
0x3a: {  	_ = 	snop  }
0x3b: {  	_ = 	snop  }
0x3c: {  	p2 =	seq.s32 s10, $0x1;
	s10 =	sld [smem:$0x3FB9]  }
0x3d: {  	_ =	shalt  }
0x3e: {  	_ =	shalt  }
0x3f: {  	_ =	shalt  }
0x40: {  	_ =	shalt  }
0x41: {  	_ =	shalt  }
0x42: {  	_ =	shalt  }
0x43: {  	_ =	shalt  }
0x44: {  	_ =	shalt  }
0x45: {  	_ =	shalt  }
0x46: {  	_ =	shalt  }
0x47: {  	_ =	shalt  }
0x48: {  	_ =	shalt  }
0x49: {  	_ =	shalt  }
0x4a: {  	_ =	shalt  }
0x4b: {  	_ =	shalt  }
0x4c: {  	_ =	shalt  }
0x4d: {  	_ =	shalt  }
0x4e: {  	_ =	shalt  }
0x4f: {  	_ =	shalt  }
0x50: {  	_ =	shalt  }
0x51: {  	_ =	shalt  }
0x52: {  	_ =	shalt  }
0x53: {  	_ =	shalt  }
0x54: {  	_ =	shalt  }
0x55: {  	_ =	shalt  }
0x56: {  	_ =	shalt  }
0x57: {  	_ =	shalt  }
0x58: {  	_ =	shalt  }
0x59: {  	_ =	shalt  }
0x5a: {  	_ =	shalt  }
0x5b: {  	_ =	shalt  }
0x5c: {  	_ =	shalt  }
0x5d: {  	_ =	shalt  }
0x5e: {  	_ =	shalt  }
0x5f: {  	_ =	shalt  }
0x60: {  	_ =	shalt  }
0x61: {  	_ =	shalt  }
0x62: {  	_ =	shalt  }
0x63: {  	_ =	shalt  }
0x64: {  	_ =	shalt  }
0x65: {  	_ =	shalt  }
0x66: {  	_ =	shalt  }
0x67: {  	_ =	shalt  }
0x68: {  	_ =	shalt  }
0x69: {  	_ =	shalt  }
0x6a: {  	_ =	shalt  }
0x6b: {  	_ =	shalt  }
0x6c: {  	_ =	shalt  }
0x6d: {  	_ =	shalt  }
0x6e: {  	_ =	shalt  }
0x6f: {  	_ =	shalt  }
0x70: {  	_ =	shalt  }
0x71: {  	_ =	shalt  }
0x72: {  	_ =	shalt  }
0x73: {  	_ =	shalt  }
0x74: {  	_ =	shalt  }
0x75: {  	_ =	shalt  }
0x76: {  	_ =	shalt  }
0x77: {  	_ =	shalt  }
0x78: {  	_ =	shalt  }
0x79: {  	_ =	shalt  }
0x7a: {  	_ =	shalt  }
0x7b: {  	_ =	shalt  }
0x7c: {  	_ =	shalt  }
0x7d: {  	_ =	shalt  }
0x7e: {  	_ =	shalt  }
0x7f: {  	_ =	shalt  }
0x80: {  	_ =	shalt  }
0x81: {  	_ =	shalt  }
0x82: {  	_ =	shalt  }
0x83: {  	_ =	shalt  }
0x84: {  	_ =	shalt  }
0x85: {  	_ =	shalt  }
0x86: {  	_ =	shalt  }
0x87: {  	_ =	shalt  }
.Lfunc_end0:
.L_simem_size_0:
called_computation_lowered:
.L_overlay_start_0:
0x88: {  	s2 =	sld [smem:$0x3FD9]  }
0x89: {  	s3 =	sld [smem:$0x3FFE];
	_ =	sdelay $0x1  }
0x8a: {  	s1 =	srdreg.scid  }
0x8b: {  	s0 =	sand.u32 $0x1, s1  }
0x8c: {  	s14 =	sshll.u32 s0, $0xA;
	s2 =	sadd.s32 s3, s2  }
0x8d: {  	s2 =	sadd.s32 s2, s14  }
0x8e: {  	[smem:$0x3FC5] =	sst s2  }
0x8f: {  	_ = 	snop  }
0x90: {  	s2 =	sld [smem:$0x3FD0];
	_ =	sdelay $0x2  }
0x91: {  	s15 =	simm.s32 $0xA;
	s4 =	simm.s32 $0x10  }
0x92: {  	[smem:s4], [sflag:s15] =	dma.local [hbm:s2], $0x1  }
0x93: {  	_ =	swait.eq [sflag:s15], $0x1  }
0x94: {  	[sflag:s15] =	ssyncset.done $0x0  }
0x95: {  	s16 =	sld [smem:$0x10];
	[sflag:s15] =	ssyncadd.s32 $0xFFFFFFFF  }
0x96: {  	s17 =	sld [smem:$0x11];
	(tm) =	ssettm $0x1  }
0x97: {  	s18 =	sld [smem:$0x3FFB];
	_ =	sdelay $0x3  }
0x98: {  	_ =	strace s18  }
0x99: {  	s4 =	sld [smem:$0x3FFC];
	_ =	sdelay $0x3  }
0x9a: {  	_ =	strace s4  }
0x9b: {  	s4 =	sld [smem:$0x3FFD];
	_ =	sdelay $0x3  }
0x9c: {  	_ =	strace s4  }
0x9d: {  	_ =	strace $0x8FFFFFFF  }
0x9e: {  	s19 =	sld [smem:$0x3FDB];
	_ =	sdelay $0x1  }
0x9f: {  	s5 =	simm.s32 $_scs_section_size  }
0xa0: {  	s6 =	simm.s32 $_size__tile_overlayer_lowered;
	s7 =	simm.s32 $_tile_overlayer_lowered  }
0xa1: {  	s22 =	simm.s32 $0x1BFF;
	s21 =	sshll.u32 s7, $0x1;
	s4 =	sadd.s32 s5, s19  }
0xa2: {  	s8 =	simm.s32 $0x0;
	s20 =	sshll.u32 s6, $0x1;
	s6 =	sadd.s32 s21, s4  }
0xa3: {  	[timem:s8], [sflag:s22] =	dma.local [hbm:s6], s20  }
0xa4: {  	_ =	swait.ge [sflag:s22], s20  }
0xa5: {  	s5 =	ssub.s32 $0x0, s20;
	[sflag:s22] =	ssyncset.done $0x0  }
0xa6: {  	[sflag:s22] =	ssyncadd.s32 s5;
	_ =	sdelay $0x1  }
0xa7: {  	s23 =	simm.s32 $0x1B8B  }
0xa8: {  	_ =	swait.ge [sflag:s23], $0x1  }
0xa9: {  	[sflag:s23] =	ssyncset.done $0x0  }
0xaa: {  	s25 =	simm.s32 $0x1B8E;
	s24 =	sld [smem:$0x3FFE];
	[sflag:s23] =	ssyncadd.s32 $0xFFFFFFFF  }
0xab: {  	s26 =	simm.s32 $execute0_lowered;
	[smem:$0x3FD2] =	sst s25  }
0xac: {  	s6 =	sshll.u32 s26, $0x1;
	_ =	strace $0x80000046;
	[dreg:$0x1] =	wrdreg $0xFFFFFFFF  }
0xad: {  	s28 =	simm.s32 $_size_execute0_lowered;
	s4 =	sadd.s32 s4, s6;
	[dreg:$0x0] =	wrdreg $0x0  }
0xae: {  	s6 =	sshll.u32 s28, $0x1;
	[dreg:$0x2] =	wrdreg s4  }
0xaf: {  	[dreg:$0x3] =	wrdreg s6  }
0xb0: {  	[dreg:$0x4] =	wrdreg $0xC0  }
0xb1: {  	_ =	task [dreg:s8], $0x5FFFF  }
0xb2: {  	[dreg:$0x1] =	wrdreg $0xFFFFFFFF  }
0xb3: {  	[dreg:$0x0] =	wrdreg $0x60  }
0xb4: {  	[dreg:$0x2] =	wrdreg s17  }
0xb5: {  	[dreg:$0x3] =	wrdreg s16  }
0xb6: {  	[dreg:$0x4] =	wrdreg s24  }
0xb7: {  	[dreg:$0x5] =	wrdreg $0x9  }
0xb8: {  	_ =	task.clear_ibuf [dreg:s8], $0x6FFFF;
	_ =	strace $0x90000046  }
0xb9: {  	s29 =	simm.s32 $0x9;
	_ =	strace $0x80000048  }
0xba: {  	_ =	swait.ge [sflag:s29], $0x1  }
0xbb: {  	[sflag:s29] =	ssyncadd.s32 $0xFFFFFFFF  }
0xbc: {  	_ =	strace $0x90000048  }
0xbd: {  	_ =	sfence  }
0xbe: {  	s30 =	sld [smem:$0x0];
	_ =	sdelay $0x2  }
0xbf: {  	s31 =	sshll.u32 s1, $0xD;
	s1 =	sshrl.u32 s1, $0x2  }
0xc0: {  	s3 =	sand.u32 $0x4000, s31;
	s1 =	sadd.s32 s1, s30  }
0xc1: {  	s0 =	sor.u32 s3, s0;
	s1 =	sshll.u32 s1, $0x11  }
0xc2: {  	s0 =	sor.u32 s1, s0  }
0xc3: {  	s0 =	sadd.s32 $0x8F2B, s0  }
0xc4: {  	[sflag:s0] =	ssyncadd.remote.s32 $0x1  }
0xc5: {  	_ =	sfence.sel $0xFFFF  }
0xc6: {  	[dreg:$0x0] =	wrdreg $0xFFFFFFFF;
	(pc) =	sbr.abs _section_cstart, $3  }
0xc7: {  	[dreg:$0x1] =	wrdreg $0xFFFFFFFF  }
0xc8: {  	_ =	task.clear_ibuf [dreg:s8], $0x2FFFF;
	_ =	strace $0x9FFFFFFF  }
0xc9: {  	(tm) =	ssettm $0x7FFFFFFF  }
tec
execute0_lowered:
.L_overlay_start_1:
0x0: {  	(tag) =	ssettag $0x1  }
0x1: {  	s3 =	rddreg [dreg:$0x0]  }
0x2: {  	s4 =	rddreg [dreg:$0x1]  }
0x3: {  	s5 =	rddreg [dreg:$0x2]  }
0x4: {  	s2 =	srdreg.scid;
	s1 =	stileid.u32  }
0x5: {  	s0 =	rddreg [dreg:$0x3];
	v0 =	vlaneseq.u32;
	s10 =	simm.s32 $0x100;
	s11 =	simm.s32 $0x200  }
0x6: {  	s12 =	simm.s32 $0x300;
	s13 =	simm.s32 $0x0;
	s6 =	sand.u32 $0x1, s2;
	v0 =	vmul.u32 $0xFFFFFFFF, v0  }
0x7: {  	s30 =	sshll.u32 s1, $0x5;
	s7 =	sshll.u32 s1, $0x6;
	s2 =	simm.s32 $0x0  }
0x8: {  	v1 =	vimm.s32 $0x0;
	s8 =	sshll.u32 s6, $0x4;
	s9 =	sand.u32 $0x60, s30;
	s7 =	sand.u32 $0x300, s7;
	v33 =	vadd.s32 $0xFF, v0  }
0x9: {  	[smem:$0x7FF] =	sst s2;
	s6 =	ssub.s32 $0x2, s6;
	s8 =	sor.u32 s8, s9;
	v34 =	vadd.s32 $0xEF, v0;
	v48 =	vadd.s32 $0xDF, v0;
	v50 =	vadd.s32 $0xCF, v0  }
0xa: {  	_ =	strace $0x80000047;
	s31 =	sshrl.u32 s6, $0x1;
	v51 =	vadd.s32 $0xBF, v0;
	v53 =	vadd.s32 $0xAF, v0;
	v54 =	vadd.s32 $0x9F, v0;
	s9 =	simm.s32 $0x1  }
0xb: {  	v55 =	vadd.s32 $0x8F, v0;
	v19 =	vadd.s32 $0x7F, v0;
	v20 =	vadd.s32 $0x6F, v0;
	s7 =	sor.u32 s7, s8;
	s6 =	ssub.s32 s6, s31;
	s8 =	simm.s32 $0x400  }
0xc: {  	v21 =	vadd.s32 $0x5F, v0;
	v22 =	vadd.s32 $0x4F, v0;
	v23 =	vadd.s32 $0x3F, v0;
	s5 =	sadd.s32 s7, s5;
	s3 =	sadd.s32 s3, s7;
	s4 =	sadd.s32 s4, s7  }
0xd: {  	v24 =	vadd.s32 $0x2F, v0;
	v25 =	vadd.s32 $0x1F, v0;
	v26 =	vadd.s32 $0xF, v0;
	s6 =	smax.u32 s6, $0x1;
	s7 =	simm.s32 $0x80;
	s5 =	sadd.s32 $0xA00, s5  }
.LBB2_1:
0xe: {  	[tilespmem:s2], [sflag:$0x1] =	stream.strided.gather [hbm4b:s3+s7], $0x100, s8, s7, $0x38;
	[tilespmem:$0x400] =	vst v63  }
0xf: {  	_ =	swait.ge [sflag:s9], $0x100  }
0x10: {  	[sflag:s9] =	ssyncset.done $0x0  }
0x11: {  	[sflag:s9] =	ssyncadd.s32 $0xFFFFFF00  }
0x12: {  	[tilespmem:s10], [sflag:$0x1] =	stream.strided.gather [hbm4b:s3+s7], $0x100, s8, s7, $0x38;
	[tilespmem:$0x400] =	vst v63  }
0x13: {  	_ =	swait.ge [sflag:s9], $0x100  }
0x14: {  	[sflag:s9] =	ssyncset.done $0x0  }
0x15: {  	[sflag:s9] =	ssyncadd.s32 $0xFFFFFF00  }
0x16: {  	v0 =	vld [tilespmem:$0x0];
	_ =	sdelay $0x4  }
0x17: {  	[tilespmem:$0x1FF50] =	vst v0;
	v0 =	vld [tilespmem:$0x10];
	_ =	sdelay $0x4  }
0x18: {  	[tilespmem:$0x1FF60] =	vst v0;
	v0 =	vld [tilespmem:$0x20];
	_ =	sdelay $0x4  }
0x19: {  	[tilespmem:$0x1FF70] =	vst v0;
	v0 =	vld [tilespmem:$0x30];
	_ =	sdelay $0x4  }
0x1a: {  	[tilespmem:$0x1FF80] =	vst v0;
	v0 =	vld [tilespmem:$0x40];
	_ =	sdelay $0x4  }
0x1b: {  	[tilespmem:$0x1FF90] =	vst v0;
	v0 =	vld [tilespmem:$0x50];
	_ =	sdelay $0x4  }
0x1c: {  	[tilespmem:$0x1FFA0] =	vst v0;
	v0 =	vld [tilespmem:$0x60];
	_ =	sdelay $0x4  }
0x1d: {  	[tilespmem:$0x1FFB0] =	vst v0;
	v0 =	vld [tilespmem:$0x70];
	_ =	sdelay $0x4  }
0x1e: {  	[tilespmem:$0x1FFC0] =	vst v0;
	v0 =	vld [tilespmem:$0x80];
	_ =	sdelay $0x4  }
0x1f: {  	[tilespmem:$0x1FFD0] =	vst v0;
	v0 =	vld [tilespmem:$0x90];
	_ =	sdelay $0x4  }
0x20: {  	v6 =	vimm.s32 $0x0;
	[tilespmem:$0x1FFE0] =	vst v0;
	v0 =	vld [tilespmem:$0xA0]  }
0x21: {  	v7 =	vimm.s32 $0x0;
	v36 =	vimm.s32 $0x0;
	v35 =	vimm.s32 $0x0;
	v28 =	vld [tilespmem:$0xB0]  }
0x22: {  	v37 =	vimm.s32 $0x0;
	v38 =	vimm.s32 $0x0;
	v39 =	vimm.s32 $0x0;
	v29 =	vld [tilespmem:$0xC0]  }
0x23: {  	v40 =	vimm.s32 $0x0;
	v41 =	vimm.s32 $0x0;
	v42 =	vimm.s32 $0x0;
	v30 =	vld [tilespmem:$0xD0]  }
0x24: {  	v43 =	vimm.s32 $0x0;
	v44 =	vimm.s32 $0x0;
	v45 =	vimm.s32 $0x0;
	v31 =	vld [tilespmem:$0xE0]  }
0x25: {  	s14 =	simm.s32 $0x7;
	s15 =	simm.s32 $0x81;
	v46 =	vimm.s32 $0x0;
	v47 =	vimm.s32 $0x0;
	v32 =	vld [tilespmem:$0xF0];
	[tilespmem:$0x1FFF0] =	vst v0;
	v0 =	vimm.s32 $0x0  }
.LBB2_2:
0x26: {  	v2 =	vld [tilespmem:s15+$0xFFFFFF7F]  }
0x27: {  	v3 =	vld [tilespmem:s15+$0xFFFFFF8F]  }
0x28: {  	v13 =	vld [tilespmem:$0x1FF50]  }
0x29: {  	v14 =	vld [tilespmem:$0x1FF60]  }
0x2a: {  	s16 =	sadd.s32 $0xFFFFFFF9, s14  }
0x2b: {  	s25 =	sadd.s32 $0xFFFFFFFA, s14;
	v49 =	vmov s16  }
0x2c: {  	v15 =	vld [tilespmem:$0x1FF70];
	v57 =	vmov s25;
	vm3 =	vgt.u32 v49, v34  }
0x2d: {  	v16 =	vld [tilespmem:$0x1FF80];
	vm0 =	vgt.u32 v49, v33;
	vm8 =	vgt.u32 v49, v48;
	vm6 =	vmneg vm3  }
0x2e: {  	vm1 =	vge.f32 v2, v13;
	vm2 =	vgt.f32 v2, v13;
	vm4 =	vge.f32 v3, v14;
	v2 =	vld [tilespmem:s15+$0xFFFFFF9F]  }
0x2f: {  	vm5 =	vgt.f32 v3, v14;
	v3 =	vld [tilespmem:s15+$0xFFFFFFAF];
	vm1 =	vmand vm0, vm1;
	vm0 =	vmneg vm0  }
0x30: {  	vm15 =	vmand vm3, vm4;
	vm6 =	vmand vm6, vm5;
	vm0 =	vmand vm0, vm2  }
0x31: {  	vm13 =	vgt.u32 v49, v50;
	vm7 =	vmor vm15, vm6;
	vm0 =	vmor vm1, vm0  }
0x32: {  	vm11 =	vmneg vm8;
	v5 =	vsel vm7, $0x1, v1;
	v4 =	vsel vm0, $0x1, v1  }
0x33: {  	v17 =	vld [tilespmem:$0x1FF90];
	v46 =	vadd.s32 v5, v46;
	v47 =	vadd.s32 v4, v47;
	vm9 =	vge.f32 v2, v15  }
0x34: {  	vm10 =	vgt.f32 v2, v15;
	v2 =	vld [tilespmem:s15+$0xFFFFFFBF];
	vm14 =	vge.f32 v3, v16;
	vm15 =	vgt.f32 v3, v16  }
0x35: {  	v18 =	vld [tilespmem:$0x1FFA0];
	vm0 =	vmand vm8, vm9;
	vm12 =	vmand vm11, vm10;
	vm8 =	vmneg vm13  }
0x36: {  	v3 =	vld [tilespmem:s15+$0xFFFFFFCF];
	vm9 =	vmand vm13, vm14;
	vm0 =	vmor vm0, vm12;
	vm10 =	vmand vm8, vm15  }
0x37: {  	vm12 =	vgt.u32 v49, v51;
	vm8 =	vgt.u32 v49, v53;
	v4 =	vsel vm0, $0x1, v1  }
0x38: {  	v27 =	vld [tilespmem:$0x1FFB0];
	vm11 =	vmor vm9, vm10;
	vm15 =	vmneg vm12;
	vm1 =	vmneg vm8  }
0x39: {  	v5 =	vsel vm11, $0x1, v1;
	vm13 =	vge.f32 v2, v17;
	vm14 =	vgt.f32 v2, v17;
	v2 =	vld [tilespmem:s15+$0xFFFFFFDF]  }
0x3a: {  	v45 =	vadd.s32 v4, v45;
	vm11 =	vgt.u32 v49, v54;
	v44 =	vadd.s32 v5, v44  }
0x3b: {  	v58 =	vld [tilespmem:$0x1FFD0];
	s16 =	sand.u32 $0xF8, s16;
	vm9 =	vge.f32 v3, v18;
	vm10 =	vgt.f32 v3, v18;
	vm6 =	vmand vm12, vm13  }
0x3c: {  	v4 =	vld [tilespmem:s16+$0x80];
	vm7 =	vmand vm15, vm14;
	vm2 =	vmand vm8, vm9;
	vm1 =	vmand vm1, vm10  }
0x3d: {  	v56 =	vld [tilespmem:$0x1FFC0];
	vm9 =	vgt.u32 v49, v55;
	vm0 =	vmor vm6, vm7;
	vm7 =	vmneg vm11  }
0x3e: {  	v3 =	vsel vm0, $0x1, v1;
	vm12 =	vge.f32 v2, v27;
	vm13 =	vgt.f32 v2, v27;
	v2 =	vld [tilespmem:s15+$0xFFFFFFEF]  }
0x3f: {  	v43 =	vadd.s32 v3, v43;
	vm14 =	vmand vm11, vm12;
	vm15 =	vmand vm7, vm13  }
0x40: {  	v59 =	vld [tilespmem:$0x1FFE0];
	vm7 =	vmor vm2, vm1;
	vm12 =	vmneg vm9;
	vm8 =	vmor vm14, vm15  }
0x41: {  	v60 =	vld [tilespmem:$0x1FFF0];
	v3 =	vsel vm7, $0x1, v1;
	vm14 =	vgt.u32 v49, v19;
	vm15 =	vge.f32 v4, v58  }
0x42: {  	vm7 =	vgt.u32 v49, v21;
	v5 =	vsel vm8, $0x1, v1;
	v42 =	vadd.s32 v3, v42;
	v3 =	vld [tilespmem:s15+$0x1F]  }
0x43: {  	vm8 =	vgt.f32 v4, v58;
	vm10 =	vge.f32 v2, v56;
	vm11 =	vgt.f32 v2, v56;
	v2 =	vld [tilespmem:s15+$0xF]  }
0x44: {  	vm2 =	vmand vm14, vm15;
	vm1 =	vmneg vm7;
	v41 =	vadd.s32 v5, v41  }
0x45: {  	vm0 =	vmand vm9, vm10;
	vm13 =	vmand vm12, vm11;
	vm9 =	vmneg vm14  }
0x46: {  	vm12 =	vgt.u32 v49, v20;
	vm0 =	vmor vm0, vm13;
	vm10 =	vmand vm9, vm8  }
0x47: {  	vm15 =	vmneg vm12;
	v4 =	vsel vm0, $0x1, v1;
	vm11 =	vmor vm2, vm10  }
0x48: {  	vm8 =	vge.f32 v3, v60;
	vm13 =	vge.f32 v2, v59;
	vm14 =	vgt.f32 v2, v59;
	v2 =	vld [tilespmem:s15+$0x2F]  }
0x49: {  	vm9 =	vgt.f32 v3, v60;
	vm10 =	vgt.u32 v49, v22;
	v5 =	vsel vm11, $0x1, v1  }
0x4a: {  	v40 =	vadd.s32 v4, v40;
	vm2 =	vmand vm7, vm8;
	vm1 =	vmand vm1, vm9  }
0x4b: {  	v4 =	vld [tilespmem:s15+$0x4F];
	vm7 =	vgt.u32 v49, v23;
	vm5 =	vmand vm12, vm13;
	vm6 =	vmand vm15, vm14  }
0x4c: {  	v39 =	vadd.s32 v5, v39;
	vm0 =	vmor vm5, vm6;
	vm5 =	vmor vm2, vm1  }
0x4d: {  	v3 =	vsel vm0, $0x1, v1;
	vm11 =	vge.f32 v2, v28;
	vm12 =	vgt.f32 v2, v28;
	v2 =	vld [tilespmem:s15+$0x3F]  }
0x4e: {  	vm13 =	vmneg vm10;
	v9 =	vadd.s32 v3, v38;
	v3 =	vsel vm5, $0x1, v1  }
0x4f: {  	v37 =	vadd.s32 v3, v37;
	vm14 =	vmand vm10, vm11;
	vm15 =	vmand vm13, vm12  }
0x50: {  	v3 =	vld [tilespmem:s15+$0x6F];
	vm10 =	vmneg vm7;
	vm12 =	vgt.u32 v49, v24;
	vm13 =	vge.f32 v4, v30  }
0x51: {  	vm6 =	vmor vm14, vm15;
	vm14 =	vgt.f32 v4, v30;
	vm15 =	vmneg vm12  }
0x52: {  	v5 =	vsel vm6, $0x1, v1;
	vm6 =	vgt.u32 v49, v26;
	vm8 =	vge.f32 v2, v29  }
0x53: {  	v0 =	vadd.s32 v5, v0;
	vm9 =	vgt.f32 v2, v29;
	v2 =	vld [tilespmem:s15+$0x5F];
	vm0 =	vmand vm7, vm8  }
0x54: {  	vm11 =	vmand vm10, vm9;
	vm8 =	vmand vm12, vm13;
	vm9 =	vmand vm15, vm14  }
0x55: {  	v5 =	vld [tilespmem:s15+$0xFFFFFF80];
	vm7 =	vge.f32 v3, v32;
	vm0 =	vmor vm0, vm11;
	vm10 =	vmor vm8, vm9  }
0x56: {  	vm11 =	vgt.u32 v49, v25;
	vm8 =	vgt.f32 v3, v32;
	v4 =	vsel vm0, $0x1, v1  }
0x57: {  	vm9 =	vmneg vm6;
	v3 =	vld [tilespmem:s15+$0xFFFFFF90];
	vm14 =	vmneg vm11;
	v8 =	vadd.s32 v4, v35  }
0x58: {  	vm12 =	vge.f32 v2, v31;
	vm13 =	vgt.f32 v2, v31;
	v2 =	vsel vm10, $0x1, v1  }
0x59: {  	vm10 =	vmand vm9, vm8;
	vm15 =	vmand vm11, vm12;
	vm5 =	vmand vm14, vm13  }
0x5a: {  	v35 =	vadd.s32 v2, v36;
	vm11 =	vgt.u32 v57, v33;
	vm12 =	vge.f32 v5, v13  }
0x5b: {  	v4 =	vld [tilespmem:s15+$0xFFFFFFA0];
	vm13 =	vgt.f32 v5, v13;
	vm0 =	vmor vm15, vm5;
	vm14 =	vmneg vm11  }
0x5c: {  	vm15 =	vmand vm11, vm12;
	vm8 =	vgt.f32 v3, v14;
	vm11 =	vgt.u32 v57, v48  }
0x5d: {  	v2 =	vsel vm0, $0x1, v1;
	vm0 =	vmand vm6, vm7;
	vm4 =	vmand vm14, vm13  }
0x5e: {  	vm6 =	vgt.u32 v57, v34;
	vm7 =	vge.f32 v3, v14;
	vm14 =	vmneg vm11  }
0x5f: {  	vm0 =	vmor vm0, vm10;
	v7 =	vadd.s32 v2, v7;
	vm5 =	vmor vm15, vm4  }
0x60: {  	vm9 =	vmneg vm6;
	vm12 =	vge.f32 v4, v15;
	vm13 =	vgt.f32 v4, v15  }
0x61: {  	v3 =	vld [tilespmem:s15+$0xFFFFFFB0];
	v2 =	vsel vm0, $0x1, v1;
	vm0 =	vmand vm6, vm7;
	vm10 =	vmand vm9, vm8  }
0x62: {  	vm15 =	vmand vm11, vm12;
	vm4 =	vmand vm14, vm13;
	vm6 =	vgt.u32 v57, v50  }
0x63: {  	v4 =	vld [tilespmem:s15+$0xFFFFFFC0];
	vm11 =	vgt.u32 v57, v51;
	v5 =	vadd.s32 v2, v6;
	v2 =	vsel vm5, $0x1, v1  }
0x64: {  	vm0 =	vmor vm0, vm10;
	vm5 =	vmor vm15, vm4;
	vm9 =	vmneg vm6  }
0x65: {  	vm14 =	vmneg vm11;
	v52 =	vadd.s32 v2, v47;
	v2 =	vsel vm0, $0x1, v1  }
0x66: {  	v6 =	vadd.s32 v2, v46;
	vm7 =	vge.f32 v3, v16;
	vm8 =	vgt.f32 v3, v16  }
0x67: {  	v2 =	vsel vm5, $0x1, v1;
	v3 =	vld [tilespmem:s15+$0xFFFFFFD0];
	vm0 =	vmand vm6, vm7;
	vm10 =	vmand vm9, vm8  }
0x68: {  	vm12 =	vge.f32 v4, v17;
	vm13 =	vgt.f32 v4, v17;
	v10 =	vadd.s32 v2, v45  }
0x69: {  	v4 =	vld [tilespmem:s15+$0xFFFFFFE0];
	vm6 =	vgt.u32 v57, v53;
	vm0 =	vmor vm0, vm10;
	vm15 =	vmand vm11, vm12  }
0x6a: {  	vm4 =	vmand vm14, vm13;
	vm9 =	vmneg vm6;
	vm11 =	vgt.u32 v57, v54  }
0x6b: {  	v2 =	vsel vm0, $0x1, v1;
	vm5 =	vmor vm15, vm4;
	vm14 =	vmneg vm11  }
0x6c: {  	v36 =	vadd.s32 v2, v44;
	v2 =	vsel vm5, $0x1, v1;
	vm7 =	vge.f32 v3, v18  }
0x6d: {  	vm8 =	vgt.f32 v3, v18;
	v3 =	vld [tilespmem:s15+$0xFFFFFFF0];
	v44 =	vadd.s32 v2, v43;
	vm0 =	vmand vm6, vm7  }
0x6e: {  	vm10 =	vmand vm9, vm8;
	vm12 =	vge.f32 v4, v27;
	vm13 =	vgt.f32 v4, v27  }
0x6f: {  	v4 =	vld [tilespmem:s15+$0x0];
	vm6 =	vgt.u32 v57, v55;
	vm0 =	vmor vm0, vm10;
	vm15 =	vmand vm11, vm12  }
0x70: {  	vm4 =	vmand vm14, vm13;
	vm9 =	vmneg vm6;
	vm11 =	vgt.u32 v57, v19  }
0x71: {  	v2 =	vsel vm0, $0x1, v1;
	vm5 =	vmor vm15, vm4;
	vm14 =	vmneg vm11  }
0x72: {  	v38 =	vadd.s32 v2, v42;
	v2 =	vsel vm5, $0x1, v1;
	vm7 =	vge.f32 v3, v56  }
0x73: {  	vm8 =	vgt.f32 v3, v56;
	v3 =	vld [tilespmem:s15+$0x10];
	v11 =	vadd.s32 v2, v41;
	vm0 =	vmand vm6, vm7  }
0x74: {  	vm10 =	vmand vm9, vm8;
	vm12 =	vge.f32 v4, v58;
	vm13 =	vgt.f32 v4, v58  }
0x75: {  	v4 =	vld [tilespmem:s15+$0x20];
	vm6 =	vgt.u32 v57, v20;
	vm0 =	vmor vm0, vm10;
	vm15 =	vmand vm11, vm12  }
0x76: {  	vm4 =	vmand vm14, vm13;
	vm9 =	vmneg vm6;
	vm11 =	vgt.u32 v57, v21  }
0x77: {  	v2 =	vsel vm0, $0x1, v1;
	vm5 =	vmor vm15, vm4;
	vm14 =	vmneg vm11  }
0x78: {  	v40 =	vadd.s32 v2, v40;
	v2 =	vsel vm5, $0x1, v1;
	vm7 =	vge.f32 v3, v59  }
0x79: {  	vm8 =	vgt.f32 v3, v59;
	v3 =	vld [tilespmem:s15+$0x30];
	v12 =	vadd.s32 v2, v39;
	vm0 =	vmand vm6, vm7  }
0x7a: {  	vm10 =	vmand vm9, vm8;
	vm12 =	vge.f32 v4, v60;
	vm13 =	vgt.f32 v4, v60  }
0x7b: {  	v4 =	vld [tilespmem:s15+$0x40];
	vm6 =	vgt.u32 v57, v22;
	vm0 =	vmor vm0, vm10;
	vm15 =	vmand vm11, vm12  }
0x7c: {  	vm4 =	vmand vm14, vm13;
	vm9 =	vmneg vm6;
	vm11 =	vgt.u32 v57, v23  }
0x7d: {  	v2 =	vsel vm0, $0x1, v1;
	vm5 =	vmor vm15, vm4;
	vm14 =	vmneg vm11  }
0x7e: {  	v42 =	vadd.s32 v2, v9;
	v2 =	vsel vm5, $0x1, v1;
	vm7 =	vge.f32 v3, v28  }
0x7f: {  	vm8 =	vgt.f32 v3, v28;
	v3 =	vld [tilespmem:s15+$0x50];
	v61 =	vadd.s32 v2, v37;
	vm0 =	vmand vm6, vm7  }
0x80: {  	vm10 =	vmand vm9, vm8;
	vm12 =	vge.f32 v4, v29;
	vm13 =	vgt.f32 v4, v29  }
0x81: {  	v4 =	vld [tilespmem:s15+$0x60];
	vm6 =	vgt.u32 v57, v24;
	vm0 =	vmor vm0, vm10;
	vm15 =	vmand vm11, vm12  }
0x82: {  	vm4 =	vmand vm14, vm13;
	vm9 =	vmneg vm6;
	vm11 =	vgt.u32 v57, v25  }
0x83: {  	v2 =	vsel vm0, $0x1, v1;
	vm5 =	vmor vm15, vm4;
	vm14 =	vmneg vm11  }
0x84: {  	v62 =	vadd.s32 v2, v0;
	v0 =	vsel vm5, $0x1, v1;
	vm7 =	vge.f32 v3, v30  }
0x85: {  	v2 =	vld [tilespmem:s15+$0x70];
	vm8 =	vgt.f32 v3, v30;
	v63 =	vadd.s32 v0, v8;
	vm0 =	vmand vm6, vm7  }
0x86: {  	s26 =	sadd.s32 $0xFFFFFFFB, s14;
	vm10 =	vmand vm9, vm8;
	vm12 =	vge.f32 v4, v31;
	vm13 =	vgt.f32 v4, v31  }
0x87: {  	v3 =	vld [tilespmem:s15+$0xFFFFFF81];
	vm7 =	vgt.u32 v57, v26;
	v57 =	vmov s26;
	vm0 =	vmor vm0, vm10  }
0x88: {  	vm15 =	vmand vm11, vm12;
	vm5 =	vmand vm14, vm13;
	vm10 =	vmneg vm7  }
0x89: {  	vm12 =	vgt.u32 v57, v33;
	v0 =	vsel vm0, $0x1, v1;
	vm6 =	vmor vm15, vm5  }
0x8a: {  	vm15 =	vmneg vm12;
	v45 =	vadd.s32 v0, v35;
	vm8 =	vge.f32 v2, v32  }
0x8b: {  	v0 =	vsel vm6, $0x1, v1;
	vm9 =	vgt.f32 v2, v32;
	v2 =	vld [tilespmem:s15+$0xFFFFFF91];
	vm0 =	vmand vm7, vm8  }
0x8c: {  	vm11 =	vmand vm10, vm9;
	v46 =	vadd.s32 v0, v7;
	vm13 =	vge.f32 v3, v13  }
0x8d: {  	vm14 =	vgt.f32 v3, v13;
	v3 =	vld [tilespmem:s15+$0xFFFFFFA1];
	vm8 =	vgt.u32 v57, v34;
	vm0 =	vmor vm0, vm11  }
0x8e: {  	vm6 =	vmand vm12, vm13;
	vm7 =	vmand vm15, vm14;
	vm11 =	vmneg vm8  }
0x8f: {  	vm14 =	vgt.u32 v57, v48;
	v0 =	vsel vm0, $0x1, v1;
	vm0 =	vmor vm6, vm7  }
0x90: {  	v4 =	vld [tilespmem:s15+$0xFFFFFFB1];
	v0 =	vadd.s32 v0, v5;
	vm9 =	vge.f32 v2, v14;
	vm10 =	vgt.f32 v2, v14  }
0x91: {  	v2 =	vsel vm0, $0x1, v1;
	vm12 =	vmand vm8, vm9;
	vm13 =	vmand vm11, vm10  }
0x92: {  	s28 =	sadd.s32 $0xFFFFFFFC, s14;
	v39 =	vadd.s32 v2, v52;
	vm15 =	vge.f32 v3, v15;
	vm8 =	vgt.f32 v3, v15  }
0x93: {  	vm9 =	vmneg vm14;
	v52 =	vmov s28;
	vm0 =	vmor vm12, vm13  }
0x94: {  	v3 =	vld [tilespmem:s15+$0xFFFFFFC1];
	vm10 =	vmand vm14, vm15;
	vm11 =	vmand vm9, vm8;
	vm12 =	vgt.u32 v57, v50  }
0x95: {  	vm13 =	vge.f32 v4, v16;
	vm14 =	vgt.f32 v4, v16;
	vm8 =	vgt.u32 v57, v51  }
0x96: {  	v4 =	vld [tilespmem:s15+$0xFFFFFFD1];
	v2 =	vsel vm0, $0x1, v1;
	vm0 =	vmor vm10, vm11;
	vm15 =	vmneg vm12  }
0x97: {  	vm6 =	vmand vm12, vm13;
	vm11 =	vmneg vm8;
	v7 =	vadd.s32 v2, v6  }
0x98: {  	v2 =	vsel vm0, $0x1, v1;
	vm7 =	vmand vm15, vm14;
	vm14 =	vgt.u32 v57, v53  }
0x99: {  	v5 =	vadd.s32 v2, v10;
	vm0 =	vmor vm6, vm7;
	vm9 =	vge.f32 v3, v17  }
0x9a: {  	vm10 =	vgt.f32 v3, v17;
	v2 =	vsel vm0, $0x1, v1;
	vm12 =	vmand vm8, vm9  }
0x9b: {  	v3 =	vld [tilespmem:s15+$0xFFFFFFE1];
	vm13 =	vmand vm11, vm10;
	v43 =	vadd.s32 v2, v36;
	vm15 =	vge.f32 v4, v18  }
0x9c: {  	vm8 =	vgt.f32 v4, v18;
	vm9 =	vmneg vm14;
	vm0 =	vmor vm12, vm13  }
0x9d: {  	v4 =	vld [tilespmem:s15+$0xFFFFFFF1];
	vm10 =	vmand vm14, vm15;
	vm11 =	vmand vm9, vm8;
	vm12 =	vgt.u32 v57, v54  }
0x9e: {  	vm8 =	vgt.u32 v57, v55;
	v2 =	vsel vm0, $0x1, v1;
	vm0 =	vmor vm10, vm11  }
0x9f: {  	vm15 =	vmneg vm12;
	vm11 =	vmneg vm8;
	v6 =	vadd.s32 v2, v44  }
0xa0: {  	v2 =	vsel vm0, $0x1, v1;
	vm13 =	vge.f32 v3, v27;
	vm14 =	vgt.f32 v3, v27  }
0xa1: {  	v3 =	vld [tilespmem:s15+$0x1];
	v41 =	vadd.s32 v2, v38;
	vm6 =	vmand vm12, vm13;
	vm7 =	vmand vm15, vm14  }
0xa2: {  	vm9 =	vge.f32 v4, v56;
	vm10 =	vgt.f32 v4, v56;
	v4 =	vld [tilespmem:s15+$0x11];
	vm14 =	vgt.u32 v57, v19  }
0xa3: {  	vm0 =	vmor vm6, vm7;
	vm12 =	vmand vm8, vm9;
	vm13 =	vmand vm11, vm10  }
0xa4: {  	vm9 =	vmneg vm14;
	v2 =	vsel vm0, $0x1, v1;
	vm0 =	vmor vm12, vm13  }
0xa5: {  	vm12 =	vgt.u32 v57, v20;
	v49 =	vadd.s32 v2, v11;
	v2 =	vsel vm0, $0x1, v1  }
0xa6: {  	vm15 =	vge.f32 v3, v58;
	vm8 =	vgt.f32 v3, v58;
	v35 =	vadd.s32 v2, v40  }
0xa7: {  	v3 =	vld [tilespmem:s15+$0x21];
	vm10 =	vmand vm14, vm15;
	vm11 =	vmand vm9, vm8;
	vm13 =	vge.f32 v4, v59  }
0xa8: {  	vm14 =	vgt.f32 v4, v59;
	vm15 =	vmneg vm12;
	v4 =	vld [tilespmem:s15+$0x31];
	vm8 =	vgt.u32 v57, v21  }
0xa9: {  	vm0 =	vmor vm10, vm11;
	vm6 =	vmand vm12, vm13;
	vm7 =	vmand vm15, vm14  }
0xaa: {  	vm11 =	vmneg vm8;
	v2 =	vsel vm0, $0x1, v1;
	vm0 =	vmor vm6, vm7  }
0xab: {  	vm14 =	vgt.u32 v57, v22;
	v44 =	vadd.s32 v2, v12;
	v2 =	vsel vm0, $0x1, v1  }
0xac: {  	vm9 =	vge.f32 v3, v60;
	vm10 =	vgt.f32 v3, v60;
	v12 =	vadd.s32 v2, v42  }
0xad: {  	v3 =	vld [tilespmem:s15+$0x41];
	vm12 =	vmand vm8, vm9;
	vm13 =	vmand vm11, vm10;
	vm15 =	vge.f32 v4, v28  }
0xae: {  	vm8 =	vgt.f32 v4, v28;
	vm9 =	vmneg vm14;
	vm0 =	vmor vm12, vm13  }
0xaf: {  	v4 =	vld [tilespmem:s15+$0x51];
	vm10 =	vmand vm14, vm15;
	vm11 =	vmand vm9, vm8;
	vm12 =	vgt.u32 v57, v23  }
0xb0: {  	vm8 =	vgt.u32 v57, v24;
	v2 =	vsel vm0, $0x1, v1;
	vm0 =	vmor vm10, vm11  }
0xb1: {  	vm15 =	vmneg vm12;
	vm11 =	vmneg vm8;
	v61 =	vadd.s32 v2, v61  }
0xb2: {  	v2 =	vsel vm0, $0x1, v1;
	vm13 =	vge.f32 v3, v29;
	vm14 =	vgt.f32 v3, v29  }
0xb3: {  	v3 =	vld [tilespmem:s15+$0x61];
	v62 =	vadd.s32 v2, v62;
	vm6 =	vmand vm12, vm13;
	vm7 =	vmand vm15, vm14  }
0xb4: {  	vm9 =	vge.f32 v4, v30;
	vm10 =	vgt.f32 v4, v30;
	vm14 =	vgt.u32 v57, v25  }
0xb5: {  	v4 =	vld [tilespmem:s15+$0x71];
	vm0 =	vmor vm6, vm7;
	vm12 =	vmand vm8, vm9;
	vm13 =	vmand vm11, vm10  }
0xb6: {  	vm9 =	vmneg vm14;
	vm7 =	vgt.u32 v52, v33;
	v2 =	vsel vm0, $0x1, v1  }
0xb7: {  	vm0 =	vmor vm12, vm13;
	vm12 =	vgt.u32 v57, v26;
	v63 =	vadd.s32 v2, v63  }
0xb8: {  	v2 =	vsel vm0, $0x1, v1;
	vm15 =	vge.f32 v3, v31;
	vm8 =	vgt.f32 v3, v31;
	v3 =	vld [tilespmem:s15+$0xFFFFFF82]  }
0xb9: {  	vm1 =	vmneg vm7;
	v45 =	vadd.s32 v2, v45;
	v2 =	vld [tilespmem:s15+$0xFFFFFF92];
	vm10 =	vmand vm14, vm15  }
0xba: {  	vm11 =	vmand vm9, vm8;
	vm13 =	vge.f32 v4, v32;
	vm14 =	vgt.f32 v4, v32  }
0xbb: {  	vm15 =	vmneg vm12;
	vm0 =	vmor vm10, vm11;
	vm5 =	vmand vm12, vm13  }
0xbc: {  	vm6 =	vmand vm15, vm14;
	vm10 =	vgt.u32 v52, v34;
	v4 =	vsel vm0, $0x1, v1  }
0xbd: {  	vm0 =	vmor vm5, vm6;
	vm13 =	vmneg vm10;
	v38 =	vadd.s32 v4, v46  }
0xbe: {  	vm8 =	vge.f32 v3, v13;
	vm9 =	vgt.f32 v3, v13;
	vm11 =	vge.f32 v2, v14  }
0xbf: {  	v4 =	vld [tilespmem:s15+$0xFFFFFFB2];
	vm12 =	vgt.f32 v2, v14;
	v3 =	vsel vm0, $0x1, v1;
	vm2 =	vmand vm7, vm8  }
0xc0: {  	v2 =	vld [tilespmem:s15+$0xFFFFFFA2];
	vm1 =	vmand vm1, vm9;
	vm14 =	vmand vm10, vm11;
	vm15 =	vmand vm13, vm12  }
0xc1: {  	v10 =	vadd.s32 v3, v0;
	vm8 =	vgt.u32 v52, v48;
	vm13 =	vgt.u32 v52, v50  }
0xc2: {  	vm6 =	vmor vm2, vm1;
	vm7 =	vmor vm14, vm15;
	vm11 =	vmneg vm8  }
0xc3: {  	v0 =	vsel vm6, $0x1, v1;
	v3 =	vsel vm7, $0x1, v1;
	vm7 =	vgt.u32 v52, v53  }
0xc4: {  	v40 =	vadd.s32 v0, v39;
	v39 =	vadd.s32 v3, v7;
	vm14 =	vge.f32 v4, v16  }
0xc5: {  	v0 =	vld [tilespmem:s15+$0xFFFFFFC2];
	vm15 =	vgt.f32 v4, v16;
	vm9 =	vge.f32 v2, v15;
	vm10 =	vgt.f32 v2, v15  }
0xc6: {  	vm1 =	vmneg vm7;
	vm0 =	vmand vm8, vm9;
	vm12 =	vmand vm11, vm10  }
0xc7: {  	v2 =	vld [tilespmem:s15+$0xFFFFFFD2];
	vm8 =	vmneg vm13;
	vm9 =	vmand vm13, vm14;
	vm0 =	vmor vm0, vm12  }
0xc8: {  	vm10 =	vmand vm8, vm15;
	vm12 =	vgt.u32 v52, v51;
	v3 =	vsel vm0, $0x1, v1  }
0xc9: {  	vm11 =	vmor vm9, vm10;
	vm15 =	vmneg vm12;
	vm10 =	vgt.u32 v52, v54  }
0xca: {  	vm13 =	vge.f32 v0, v17;
	vm14 =	vgt.f32 v0, v17;
	v0 =	vld [tilespmem:s15+$0xFFFFFFE2];
	v4 =	vsel vm11, $0x1, v1  }
0xcb: {  	v46 =	vadd.s32 v3, v5;
	vm5 =	vmand vm12, vm13;
	vm6 =	vmand vm15, vm14  }
0xcc: {  	v43 =	vadd.s32 v4, v43;
	vm8 =	vge.f32 v2, v18;
	vm9 =	vgt.f32 v2, v18;
	v2 =	vld [tilespmem:s15+$0xFFFFFFF2]  }
0xcd: {  	vm13 =	vmneg vm10;
	vm2 =	vmand vm7, vm8;
	vm1 =	vmand vm1, vm9  }
0xce: {  	vm0 =	vmor vm5, vm6;
	vm8 =	vgt.u32 v52, v55;
	vm6 =	vmor vm2, vm1  }
0xcf: {  	v3 =	vld [tilespmem:s15+$0x2];
	vm11 =	vge.f32 v0, v27;
	vm12 =	vgt.f32 v0, v27;
	v0 =	vsel vm0, $0x1, v1  }
0xd0: {  	vm14 =	vmand vm10, vm11;
	vm15 =	vmand vm13, vm12;
	v57 =	vadd.s32 v0, v6  }
0xd1: {  	v0 =	vsel vm6, $0x1, v1;
	vm9 =	vge.f32 v2, v56;
	vm10 =	vgt.f32 v2, v56  }
0xd2: {  	vm11 =	vmneg vm8;
	vm13 =	vgt.u32 v52, v19;
	vm7 =	vmor vm14, vm15  }
0xd3: {  	v41 =	vadd.s32 v0, v41;
	vm0 =	vmand vm8, vm9;
	vm12 =	vmand vm11, vm10  }
0xd4: {  	v2 =	vld [tilespmem:s15+$0x12];
	vm14 =	vge.f32 v3, v58;
	vm15 =	vgt.f32 v3, v58;
	vm8 =	vmneg vm13  }
0xd5: {  	v4 =	vsel vm7, $0x1, v1;
	vm0 =	vmor vm0, vm12;
	vm9 =	vmand vm13, vm14  }
0xd6: {  	v3 =	vld [tilespmem:s15+$0x22];
	vm10 =	vmand vm8, vm15;
	vm12 =	vgt.u32 v52, v20;
	vm7 =	vgt.u32 v52, v21  }
0xd7: {  	v0 =	vadd.s32 v4, v49;
	v4 =	vsel vm0, $0x1, v1;
	vm11 =	vmor vm9, vm10  }
0xd8: {  	vm15 =	vmneg vm12;
	vm1 =	vmneg vm7;
	vm10 =	vgt.u32 v52, v22  }
0xd9: {  	v5 =	vsel vm11, $0x1, v1;
	vm13 =	vge.f32 v2, v59;
	vm14 =	vgt.f32 v2, v59;
	v2 =	vld [tilespmem:s15+$0x32]  }
0xda: {  	v8 =	vadd.s32 v4, v35;
	vm5 =	vmand vm12, vm13;
	vm6 =	vmand vm15, vm14  }
0xdb: {  	vm8 =	vge.f32 v3, v60;
	vm9 =	vgt.f32 v3, v60;
	vm0 =	vmor vm5, vm6  }
0xdc: {  	v4 =	vld [tilespmem:s15+$0x52];
	vm2 =	vmand vm7, vm8;
	vm1 =	vmand vm1, vm9;
	v3 =	vsel vm0, $0x1, v1  }
0xdd: {  	v6 =	vadd.s32 v5, v44;
	vm5 =	vmor vm2, vm1;
	v12 =	vadd.s32 v3, v12  }
0xde: {  	v3 =	vsel vm5, $0x1, v1;
	vm11 =	vge.f32 v2, v28;
	vm12 =	vgt.f32 v2, v28;
	v2 =	vld [tilespmem:s15+$0x42]  }
0xdf: {  	vm13 =	vmneg vm10;
	vm7 =	vgt.u32 v52, v23;
	v42 =	vadd.s32 v3, v61  }
0xe0: {  	v3 =	vld [tilespmem:s15+$0x72];
	vm14 =	vmand vm10, vm11;
	vm15 =	vmand vm13, vm12;
	vm10 =	vmneg vm7  }
0xe1: {  	vm12 =	vgt.u32 v52, v24;
	vm13 =	vge.f32 v4, v30;
	vm6 =	vmor vm14, vm15  }
0xe2: {  	vm14 =	vgt.f32 v4, v30;
	vm15 =	vmneg vm12;
	v5 =	vsel vm6, $0x1, v1  }
0xe3: {  	vm6 =	vgt.u32 v52, v26;
	vm8 =	vge.f32 v2, v29;
	vm9 =	vgt.f32 v2, v29  }
0xe4: {  	v7 =	vadd.s32 v5, v62;
	v2 =	vld [tilespmem:s15+$0x62];
	vm0 =	vmand vm7, vm8;
	vm11 =	vmand vm10, vm9  }
0xe5: {  	vm8 =	vmand vm12, vm13;
	vm9 =	vmand vm15, vm14;
	vm7 =	vge.f32 v3, v32  }
0xe6: {  	v5 =	vld [tilespmem:s15+$0xFFFFFF83];
	vm0 =	vmor vm0, vm11;
	vm10 =	vmor vm8, vm9;
	vm11 =	vgt.u32 v52, v25  }
0xe7: {  	s29 =	sadd.s32 $0xFFFFFFFD, s14;
	vm8 =	vgt.f32 v3, v32;
	vm9 =	vmneg vm6;
	v4 =	vsel vm0, $0x1, v1  }
0xe8: {  	v52 =	vmov s29;
	v3 =	vld [tilespmem:s15+$0xFFFFFF93];
	vm14 =	vmneg vm11;
	v49 =	vadd.s32 v4, v63  }
0xe9: {  	vm12 =	vge.f32 v2, v31;
	vm13 =	vgt.f32 v2, v31;
	v2 =	vsel vm10, $0x1, v1  }
0xea: {  	vm10 =	vmand vm9, vm8;
	vm15 =	vmand vm11, vm12;
	vm5 =	vmand vm14, vm13  }
0xeb: {  	v61 =	vadd.s32 v2, v45;
	vm11 =	vgt.u32 v52, v33;
	vm12 =	vge.f32 v5, v13  }
0xec: {  	v4 =	vld [tilespmem:s15+$0xFFFFFFA3];
	vm13 =	vgt.f32 v5, v13;
	vm0 =	vmor vm15, vm5;
	vm14 =	vmneg vm11  }
0xed: {  	vm15 =	vmand vm11, vm12;
	vm8 =	vgt.f32 v3, v14;
	vm11 =	vgt.u32 v52, v48  }
0xee: {  	v2 =	vsel vm0, $0x1, v1;
	vm0 =	vmand vm6, vm7;
	vm4 =	vmand vm14, vm13  }
0xef: {  	vm6 =	vgt.u32 v52, v34;
	vm7 =	vge.f32 v3, v14;
	vm14 =	vmneg vm11  }
0xf0: {  	vm0 =	vmor vm0, vm10;
	v62 =	vadd.s32 v2, v38;
	vm5 =	vmor vm15, vm4  }
0xf1: {  	vm9 =	vmneg vm6;
	vm12 =	vge.f32 v4, v15;
	vm13 =	vgt.f32 v4, v15  }
0xf2: {  	v3 =	vld [tilespmem:s15+$0xFFFFFFB3];
	v2 =	vsel vm0, $0x1, v1;
	vm0 =	vmand vm6, vm7;
	vm10 =	vmand vm9, vm8  }
0xf3: {  	v4 =	vld [tilespmem:s15+$0xFFFFFFC3];
	vm15 =	vmand vm11, vm12;
	vm4 =	vmand vm14, vm13;
	vm6 =	vgt.u32 v52, v50  }
0xf4: {  	vm11 =	vgt.u32 v52, v51;
	v63 =	vadd.s32 v2, v10;
	v2 =	vsel vm5, $0x1, v1  }
0xf5: {  	vm0 =	vmor vm0, vm10;
	vm5 =	vmor vm15, vm4;
	v2 =	vadd.s32 v2, v40  }
0xf6: {  	vm9 =	vmneg vm6;
	vm14 =	vmneg vm11;
	[tilespmem:$0x1FD40] =	vst v2;
	v2 =	vsel vm0, $0x1, v1  }
0xf7: {  	vm7 =	vge.f32 v3, v16;
	vm8 =	vgt.f32 v3, v16;
	v2 =	vadd.s32 v2, v39  }
0xf8: {  	v3 =	vld [tilespmem:s15+$0xFFFFFFD3];
	vm0 =	vmand vm6, vm7;
	vm10 =	vmand vm9, vm8;
	vm12 =	vge.f32 v4, v17  }
0xf9: {  	vm13 =	vgt.f32 v4, v17;
	vm6 =	vgt.u32 v52, v53;
	[tilespmem:$0x1FD60] =	vst v2;
	v2 =	vsel vm5, $0x1, v1  }
0xfa: {  	v4 =	vld [tilespmem:s15+$0xFFFFFFE3];
	vm0 =	vmor vm0, vm10;
	vm15 =	vmand vm11, vm12;
	vm4 =	vmand vm14, vm13  }
0xfb: {  	vm9 =	vmneg vm6;
	vm11 =	vgt.u32 v52, v54;
	v2 =	vadd.s32 v2, v46  }
0xfc: {  	vm5 =	vmor vm15, vm4;
	vm14 =	vmneg vm11;
	[tilespmem:$0x1FD80] =	vst v2;
	v2 =	vsel vm0, $0x1, v1  }
0xfd: {  	v2 =	vadd.s32 v2, v43;
	vm7 =	vge.f32 v3, v18;
	vm8 =	vgt.f32 v3, v18  }
0xfe: {  	v3 =	vld [tilespmem:s15+$0xFFFFFFF3];
	[tilespmem:$0x1FDA0] =	vst v2;
	v2 =	vsel vm5, $0x1, v1;
	vm0 =	vmand vm6, vm7;
	vm10 =	vmand vm9, vm8  }
0xff: {  	vm12 =	vge.f32 v4, v27;
	vm13 =	vgt.f32 v4, v27;
	vm6 =	vgt.u32 v52, v55  }
0x100: {  	v4 =	vld [tilespmem:s15+$0x3];
	vm0 =	vmor vm0, vm10;
	vm15 =	vmand vm11, vm12;
	vm4 =	vmand vm14, vm13  }
0x101: {  	v2 =	vadd.s32 v2, v57;
	vm9 =	vmneg vm6;
	vm11 =	vgt.u32 v52, v19  }
0x102: {  	[tilespmem:$0x1FDC0] =	vst v2;
	v2 =	vsel vm0, $0x1, v1;
	vm5 =	vmor vm15, vm4;
	vm14 =	vmneg vm11  }
0x103: {  	v2 =	vadd.s32 v2, v41;
	vm7 =	vge.f32 v3, v56;
	vm8 =	vgt.f32 v3, v56  }
0x104: {  	[tilespmem:$0x1FDE0] =	vst v2;
	v2 =	vsel vm5, $0x1, v1;
	v3 =	vld [tilespmem:s15+$0x13];
	vm0 =	vmand vm6, vm7;
	vm10 =	vmand vm9, vm8  }
0x105: {  	vm12 =	vge.f32 v4, v58;
	vm13 =	vgt.f32 v4, v58;
	v0 =	vadd.s32 v2, v0  }
0x106: {  	v4 =	vld [tilespmem:s15+$0x23];
	vm6 =	vgt.u32 v52, v20;
	vm0 =	vmor vm0, vm10;
	vm15 =	vmand vm11, vm12  }
0x107: {  	v2 =	vld [tilespmem:s15+$0x33];
	vm4 =	vmand vm14, vm13;
	vm9 =	vmneg vm6;
	vm11 =	vgt.u32 v52, v21  }
0x108: {  	[tilespmem:$0x1FE00] =	vst v0;
	v0 =	vsel vm0, $0x1, v1;
	vm5 =	vmor vm15, vm4;
	vm14 =	vmneg vm11  }
0x109: {  	v0 =	vadd.s32 v0, v8;
	vm7 =	vge.f32 v3, v59;
	vm8 =	vgt.f32 v3, v59  }
0x10a: {  	[tilespmem:$0x1FE20] =	vst v0;
	v0 =	vsel vm5, $0x1, v1;
	vm0 =	vmand vm6, vm7;
	vm10 =	vmand vm9, vm8  }
0x10b: {  	vm12 =	vge.f32 v4, v60;
	vm13 =	vgt.f32 v4, v60;
	v0 =	vadd.s32 v0, v6  }
0x10c: {  	v3 =	vld [tilespmem:s15+$0x43];
	vm7 =	vgt.u32 v52, v22;
	vm8 =	vge.f32 v2, v28;
	vm9 =	vgt.f32 v2, v28  }
0x10d: {  	v6 =	vmov s14;
	vm0 =	vmor vm0, vm10;
	vm15 =	vmand vm11, vm12  }
0x10e: {  	v2 =	vld [tilespmem:s15+$0x53];
	vm5 =	vmand vm14, vm13;
	vm10 =	vmneg vm7;
	vm12 =	vgt.u32 v52, v23  }
0x10f: {  	[tilespmem:$0x1FE40] =	vst v0;
	v0 =	vsel vm0, $0x1, v1;
	vm6 =	vmor vm15, vm5;
	vm0 =	vmand vm7, vm8  }
0x110: {  	vm11 =	vmand vm10, vm9;
	vm15 =	vmneg vm12;
	vm10 =	vgt.u32 v52, v24  }
0x111: {  	v0 =	vadd.s32 v0, v12;
	vm0 =	vmor vm0, vm11;
	vm13 =	vge.f32 v3, v29  }
0x112: {  	[tilespmem:$0x1FE60] =	vst v0;
	v0 =	vsel vm6, $0x1, v1;
	vm14 =	vgt.f32 v3, v29;
	v3 =	vld [tilespmem:s15+$0x63];
	vm7 =	vmand vm12, vm13  }
0x113: {  	vm8 =	vmand vm15, vm14;
	v0 =	vadd.s32 v0, v42;
	vm11 =	vge.f32 v2, v30  }
0x114: {  	vm12 =	vgt.f32 v2, v30;
	vm13 =	vmneg vm10;
	vm15 =	vgt.u32 v52, v25  }
0x115: {  	[tilespmem:$0x1FE80] =	vst v0;
	v0 =	vsel vm0, $0x1, v1;
	vm9 =	vmor vm7, vm8;
	vm0 =	vmand vm10, vm11  }
0x116: {  	v2 =	vld [tilespmem:s15+$0x73];
	vm14 =	vmand vm13, vm12;
	vm10 =	vmneg vm15;
	v0 =	vadd.s32 v0, v7  }
0x117: {  	[tilespmem:$0x1FEA0] =	vst v0;
	v0 =	vsel vm9, $0x1, v1;
	vm8 =	vge.f32 v3, v31;
	vm9 =	vgt.f32 v3, v31  }
0x118: {  	vm0 =	vmor vm0, vm14;
	v3 =	vld [tilespmem:s15+$0xFFFFFF84];
	vm11 =	vmand vm15, vm8;
	vm12 =	vmand vm10, vm9  }
0x119: {  	vm14 =	vgt.u32 v52, v26;
	v0 =	vadd.s32 v0, v49;
	vm13 =	vmor vm11, vm12  }
0x11a: {  	s30 =	sadd.s32 $0xFFFFFFFE, s14;
	v57 =	vsel vm0, $0x1, v1;
	vm7 =	vmneg vm14;
	[tilespmem:$0x1FEC0] =	vst v0;
	v0 =	vsel vm13, $0x1, v1  }
0x11b: {  	vm15 =	vge.f32 v2, v32;
	vm6 =	vgt.f32 v2, v32;
	v2 =	vmov s30;
	[tilespmem:$0x1FD20] =	vst v0;
	v0 =	vld [tilespmem:s15+$0xFFFFFF94]  }
0x11c: {  	vm0 =	vmand vm14, vm15;
	vm8 =	vmand vm7, vm6;
	vm9 =	vgt.u32 v2, v33  }
0x11d: {  	vm0 =	vmor vm0, vm8;
	vm10 =	vge.f32 v3, v13;
	vm11 =	vgt.f32 v3, v13;
	v3 =	vld [tilespmem:s15+$0xFFFFFFA4]  }
0x11e: {  	vm15 =	vgt.u32 v2, v34;
	vm12 =	vmneg vm9;
	v4 =	vsel vm0, $0x1, v1  }
0x11f: {  	vm13 =	vmand vm9, vm10;
	vm14 =	vmand vm12, vm11;
	vm10 =	vmneg vm15  }
0x120: {  	vm12 =	vgt.u32 v2, v48;
	vm0 =	vmor vm13, vm14;
	vm8 =	vge.f32 v0, v14  }
0x121: {  	[tilespmem:$0x1FD30] =	vst v4;
	v4 =	vsel vm0, $0x1, v1;
	vm9 =	vgt.f32 v0, v14;
	v0 =	vld [tilespmem:s15+$0xFFFFFFB4];
	vm1 =	vmand vm15, vm8  }
0x122: {  	vm11 =	vmand vm10, vm9;
	vm13 =	vge.f32 v3, v15;
	vm14 =	vgt.f32 v3, v15;
	v3 =	vld [tilespmem:s15+$0xFFFFFFC4]  }
0x123: {  	vm15 =	vmneg vm12;
	vm10 =	vgt.u32 v2, v50;
	vm1 =	vmor vm1, vm11  }
0x124: {  	vm8 =	vmand vm12, vm13;
	vm9 =	vmand vm15, vm14;
	vm13 =	vgt.u32 v2, v51  }
0x125: {  	[tilespmem:$0x1FD50] =	vst v4;
	v4 =	vsel vm1, $0x1, v1;
	vm0 =	vmor vm8, vm9;
	vm1 =	vmneg vm10  }
0x126: {  	vm9 =	vmneg vm13;
	vm11 =	vge.f32 v0, v16;
	vm12 =	vgt.f32 v0, v16;
	v0 =	vld [tilespmem:s15+$0xFFFFFFD4]  }
0x127: {  	[tilespmem:$0x1FD70] =	vst v4;
	v4 =	vsel vm0, $0x1, v1;
	vm2 =	vmand vm10, vm11;
	vm14 =	vge.f32 v3, v17  }
0x128: {  	vm15 =	vgt.f32 v3, v17;
	vm1 =	vmand vm1, vm12;
	v3 =	vld [tilespmem:s15+$0xFFFFFFE4];
	vm10 =	vmand vm13, vm14  }
0x129: {  	vm11 =	vmand vm9, vm15;
	vm12 =	vmor vm2, vm1;
	vm14 =	vgt.u32 v2, v53  }
0x12a: {  	[tilespmem:$0x1FD90] =	vst v4;
	vm9 =	vgt.u32 v2, v54;
	vm13 =	vmor vm10, vm11;
	v4 =	vsel vm12, $0x1, v1  }
0x12b: {  	vm7 =	vmneg vm14;
	vm15 =	vge.f32 v0, v18;
	vm6 =	vgt.f32 v0, v18;
	v0 =	vld [tilespmem:s15+$0xFFFFFFF4]  }
0x12c: {  	vm12 =	vmneg vm9;
	[tilespmem:$0x1FDB0] =	vst v4;
	v4 =	vsel vm13, $0x1, v1;
	vm0 =	vmand vm14, vm15  }
0x12d: {  	vm8 =	vmand vm7, vm6;
	vm10 =	vge.f32 v3, v27;
	vm11 =	vgt.f32 v3, v27;
	v3 =	vld [tilespmem:s15+$0x4]  }
0x12e: {  	vm15 =	vgt.u32 v2, v55;
	vm0 =	vmor vm0, vm8;
	vm13 =	vmand vm9, vm10  }
0x12f: {  	vm14 =	vmand vm12, vm11;
	vm10 =	vmneg vm15;
	vm12 =	vgt.u32 v2, v19  }
0x130: {  	[tilespmem:$0x1FDD0] =	vst v4;
	v4 =	vsel vm0, $0x1, v1;
	vm0 =	vmor vm13, vm14;
	vm8 =	vge.f32 v0, v56  }
0x131: {  	[tilespmem:$0x1FDF0] =	vst v4;
	v4 =	vsel vm0, $0x1, v1;
	vm9 =	vgt.f32 v0, v56;
	v0 =	vld [tilespmem:s15+$0x14];
	vm1 =	vmand vm15, vm8  }
0x132: {  	vm11 =	vmand vm10, vm9;
	vm13 =	vge.f32 v3, v58;
	vm14 =	vgt.f32 v3, v58;
	v3 =	vld [tilespmem:s15+$0x24]  }
0x133: {  	vm15 =	vmneg vm12;
	vm10 =	vgt.u32 v2, v20;
	vm1 =	vmor vm1, vm11  }
0x134: {  	vm8 =	vmand vm12, vm13;
	vm9 =	vmand vm15, vm14;
	vm13 =	vgt.u32 v2, v21  }
0x135: {  	[tilespmem:$0x1FE10] =	vst v4;
	v4 =	vsel vm1, $0x1, v1;
	vm0 =	vmor vm8, vm9;
	vm1 =	vmneg vm10  }
0x136: {  	vm9 =	vmneg vm13;
	vm11 =	vge.f32 v0, v59;
	vm12 =	vgt.f32 v0, v59;
	v0 =	vld [tilespmem:s15+$0x34]  }
0x137: {  	[tilespmem:$0x1FE30] =	vst v4;
	v4 =	vsel vm0, $0x1, v1;
	vm2 =	vmand vm10, vm11;
	vm14 =	vge.f32 v3, v60  }
0x138: {  	vm15 =	vgt.f32 v3, v60;
	vm1 =	vmand vm1, vm12;
	v3 =	vld [tilespmem:s15+$0x44];
	vm10 =	vmand vm13, vm14  }
0x139: {  	vm11 =	vmand vm9, vm15;
	vm12 =	vmor vm2, vm1;
	vm14 =	vgt.u32 v2, v22  }
0x13a: {  	[tilespmem:$0x1FE50] =	vst v4;
	vm9 =	vgt.u32 v2, v23;
	vm13 =	vmor vm10, vm11;
	v4 =	vsel vm12, $0x1, v1  }
0x13b: {  	vm7 =	vmneg vm14;
	vm15 =	vge.f32 v0, v28;
	vm6 =	vgt.f32 v0, v28;
	v0 =	vld [tilespmem:s15+$0x54]  }
0x13c: {  	vm12 =	vmneg vm9;
	[tilespmem:$0x1FE70] =	vst v4;
	v4 =	vsel vm13, $0x1, v1;
	vm0 =	vmand vm14, vm15  }
0x13d: {  	vm8 =	vmand vm7, vm6;
	vm10 =	vge.f32 v3, v29;
	vm11 =	vgt.f32 v3, v29;
	v3 =	vld [tilespmem:s15+$0x64]  }
0x13e: {  	vm15 =	vgt.u32 v2, v24;
	vm0 =	vmor vm0, vm8;
	vm13 =	vmand vm9, vm10  }
0x13f: {  	vm14 =	vmand vm12, vm11;
	vm10 =	vmneg vm15;
	vm12 =	vgt.u32 v2, v25  }
0x140: {  	[tilespmem:$0x1FE90] =	vst v4;
	v4 =	vsel vm0, $0x1, v1;
	vm0 =	vmor vm13, vm14;
	vm8 =	vge.f32 v0, v30  }
0x141: {  	[tilespmem:$0x1FEB0] =	vst v4;
	v4 =	vld [tilespmem:s15+$0x74];
	vm9 =	vgt.f32 v0, v30;
	v0 =	vsel vm0, $0x1, v1;
	vm1 =	vmand vm15, vm8  }
0x142: {  	vm11 =	vmand vm10, vm9;
	vm13 =	vge.f32 v3, v31;
	vm14 =	vgt.f32 v3, v31  }
0x143: {  	s31 =	sadd.s32 $0xFFFFFFFF, s14;
	vm15 =	vmneg vm12;
	v3 =	vld [tilespmem:s15+$0xFFFFFF85];
	vm1 =	vmor vm1, vm11;
	vm8 =	vmand vm12, vm13  }
0x144: {  	vm9 =	vmand vm15, vm14;
	vm11 =	vgt.u32 v2, v26;
	v2 =	vmov s31  }
0x145: {  	[tilespmem:$0x1FED0] =	vst v0;
	v0 =	vsel vm1, $0x1, v1;
	vm10 =	vmor vm8, vm9;
	vm14 =	vmneg vm11  }
0x146: {  	vm8 =	vgt.u32 v2, v33;
	vm12 =	vge.f32 v4, v32;
	vm13 =	vgt.f32 v4, v32;
	v4 =	vld [tilespmem:s15+$0xFFFFFF95]  }
0x147: {  	[tilespmem:$0x1FEE0] =	vst v0;
	v0 =	vsel vm10, $0x1, v1;
	vm0 =	vmand vm11, vm12;
	vm15 =	vmand vm14, vm13  }
0x148: {  	vm11 =	vmneg vm8;
	vm9 =	vge.f32 v3, v13;
	vm10 =	vgt.f32 v3, v13;
	v3 =	vld [tilespmem:s15+$0xFFFFFFA5]  }
0x149: {  	vm14 =	vgt.u32 v2, v34;
	vm0 =	vmor vm0, vm15;
	vm12 =	vmand vm8, vm9  }
0x14a: {  	[tilespmem:$0x1FEF0] =	vst v0;
	vm13 =	vmand vm11, vm10;
	v0 =	vsel vm0, $0x1, v1;
	vm9 =	vmneg vm14  }
0x14b: {  	vm11 =	vgt.u32 v2, v48;
	vm0 =	vmor vm12, vm13;
	vm15 =	vge.f32 v4, v14  }
0x14c: {  	[tilespmem:$0x1FF00] =	vst v0;
	vm8 =	vgt.f32 v4, v14;
	v4 =	vld [tilespmem:s15+$0xFFFFFFB5];
	v0 =	vsel vm0, $0x1, v1;
	vm1 =	vmand vm14, vm15  }
0x14d: {  	vm10 =	vmand vm9, vm8;
	vm12 =	vge.f32 v3, v15;
	vm13 =	vgt.f32 v3, v15;
	v3 =	vld [tilespmem:s15+$0xFFFFFFC5]  }
0x14e: {  	vm14 =	vmneg vm11;
	vm8 =	vgt.u32 v2, v50;
	vm1 =	vmor vm1, vm10  }
0x14f: {  	[tilespmem:$0x1FF10] =	vst v0;
	vm15 =	vmand vm11, vm12;
	vm7 =	vmand vm14, vm13;
	v0 =	vsel vm1, $0x1, v1  }
0x150: {  	vm1 =	vmneg vm8;
	vm11 =	vgt.u32 v2, v51;
	vm0 =	vmor vm15, vm7  }
0x151: {  	vm14 =	vmneg vm11;
	vm9 =	vge.f32 v4, v16;
	vm10 =	vgt.f32 v4, v16;
	v4 =	vld [tilespmem:s15+$0xFFFFFFD5]  }
0x152: {  	vm7 =	vgt.u32 v2, v20;
	vm12 =	vge.f32 v3, v17;
	vm13 =	vgt.f32 v3, v17;
	v3 =	vld [tilespmem:s15+$0xFFFFFFE5]  }
0x153: {  	[tilespmem:$0x1FF20] =	vst v0;
	v0 =	vsel vm0, $0x1, v1;
	vm2 =	vmand vm8, vm9;
	vm1 =	vmand vm1, vm10  }
0x154: {  	vm9 =	vmor vm2, vm1;
	vm15 =	vmand vm11, vm12;
	vm8 =	vmand vm14, vm13  }
0x155: {  	v39 =	vsel vm9, $0x1, v1;
	vm11 =	vgt.u32 v2, v53;
	vm10 =	vmor vm15, vm8  }
0x156: {  	vm14 =	vmneg vm11;
	vm12 =	vge.f32 v4, v18;
	vm13 =	vgt.f32 v4, v18;
	v4 =	vld [tilespmem:s15+$0xFFFFFFF5]  }
0x157: {  	v40 =	vsel vm10, $0x1, v1;
	vm9 =	vge.f32 v3, v27;
	vm10 =	vgt.f32 v3, v27;
	v3 =	vld [tilespmem:s15+$0x5]  }
0x158: {  	vm8 =	vgt.u32 v2, v54;
	vm0 =	vmand vm11, vm12;
	vm15 =	vmand vm14, vm13  }
0x159: {  	vm11 =	vmneg vm8;
	vm14 =	vgt.u32 v2, v55;
	vm0 =	vmor vm0, vm15  }
0x15a: {  	vm12 =	vmand vm8, vm9;
	vm13 =	vmand vm11, vm10;
	v41 =	vsel vm0, $0x1, v1  }
0x15b: {  	vm9 =	vmneg vm14;
	vm15 =	vge.f32 v4, v56;
	vm8 =	vgt.f32 v4, v56;
	v4 =	vld [tilespmem:s15+$0x15]  }
0x15c: {  	vm0 =	vmor vm12, vm13;
	vm12 =	vge.f32 v3, v58;
	vm13 =	vgt.f32 v3, v58;
	v3 =	vld [tilespmem:s15+$0x25]  }
0x15d: {  	vm11 =	vgt.u32 v2, v19;
	vm1 =	vmand vm14, vm15;
	vm10 =	vmand vm9, vm8  }
0x15e: {  	[tilespmem:$0x1FF30] =	vst v0;
	v0 =	vsel vm0, $0x1, v1;
	vm14 =	vmneg vm11;
	vm1 =	vmor vm1, vm10  }
0x15f: {  	vm10 =	vgt.u32 v2, v21;
	vm15 =	vmand vm11, vm12;
	vm6 =	vmand vm14, vm13  }
0x160: {  	v47 =	vsel vm1, $0x1, v1;
	vm8 =	vge.f32 v4, v59;
	vm9 =	vgt.f32 v4, v59;
	v4 =	vld [tilespmem:s15+$0x35]  }
0x161: {  	vm0 =	vmor vm15, vm6;
	vm11 =	vge.f32 v3, v60;
	vm12 =	vgt.f32 v3, v60;
	v3 =	vld [tilespmem:s15+$0x45]  }
0x162: {  	vm1 =	vmneg vm7;
	vm13 =	vmneg vm10;
	v46 =	vsel vm0, $0x1, v1  }
0x163: {  	vm2 =	vmand vm7, vm8;
	vm1 =	vmand vm1, vm9;
	vm7 =	vgt.u32 v2, v22  }
0x164: {  	vm5 =	vmor vm2, vm1;
	vm14 =	vmand vm10, vm11;
	vm15 =	vmand vm13, vm12  }
0x165: {  	vm12 =	vgt.u32 v2, v23;
	vm8 =	vge.f32 v4, v28;
	vm9 =	vgt.f32 v4, v28;
	v4 =	vld [tilespmem:s15+$0x55]  }
0x166: {  	vm6 =	vmor vm14, vm15;
	vm13 =	vge.f32 v3, v29;
	vm14 =	vgt.f32 v3, v29;
	v3 =	vld [tilespmem:s15+$0x65]  }
0x167: {  	vm10 =	vmneg vm7;
	vm15 =	vmneg vm12;
	v36 =	vsel vm6, $0x1, v1  }
0x168: {  	vm0 =	vmand vm7, vm8;
	vm11 =	vmand vm10, vm9;
	vm9 =	vgt.u32 v2, v24  }
0x169: {  	vm0 =	vmor vm0, vm11;
	vm7 =	vmand vm12, vm13;
	vm8 =	vmand vm15, vm14  }
0x16a: {  	v35 =	vsel vm0, $0x1, v1;
	vm12 =	vmneg vm9;
	vm10 =	vge.f32 v4, v30  }
0x16b: {  	vm1 =	vmand vm9, vm10;
	vm15 =	vge.f32 v3, v31;
	vm9 =	vgt.f32 v3, v31;
	v3 =	vld [tilespmem:s15+$0xFFFFFF86]  }
0x16c: {  	vm14 =	vgt.u32 v2, v25;
	vm0 =	vmor vm7, vm8;
	vm11 =	vgt.f32 v4, v30;
	v4 =	vld [tilespmem:s15+$0x75]  }
0x16d: {  	v52 =	vsel vm0, $0x1, v1;
	vm13 =	vmand vm12, vm11;
	vm10 =	vmneg vm14  }
0x16e: {  	vm1 =	vmor vm1, vm13;
	vm11 =	vmand vm14, vm15;
	vm12 =	vmand vm10, vm9  }
0x16f: {  	[tilespmem:$0x1FF40] =	vst v0;
	v0 =	vld [tilespmem:$0x1FD20];
	vm14 =	vgt.u32 v2, v26;
	vm9 =	vgt.u32 v6, v33;
	vm13 =	vmor vm11, vm12  }
0x170: {  	vm7 =	vmneg vm14;
	vm10 =	vge.f32 v3, v13;
	vm11 =	vgt.f32 v3, v13;
	v3 =	vld [tilespmem:s15+$0xFFFFFFA6]  }
0x171: {  	vm12 =	vmneg vm9;
	vm15 =	vge.f32 v4, v32;
	vm6 =	vgt.f32 v4, v32  }
0x172: {  	v2 =	vld [tilespmem:s15+$0xFFFFFF96];
	v44 =	vsel vm13, $0x1, v1;
	vm0 =	vmand vm14, vm15;
	vm8 =	vmand vm7, vm6  }
0x173: {  	vm0 =	vmor vm0, vm8;
	vm13 =	vmand vm9, vm10;
	vm14 =	vmand vm12, vm11  }
0x174: {  	v4 =	vld [tilespmem:s15+$0xFFFFFFB6];
	v43 =	vsel vm0, $0x1, v1;
	vm0 =	vmor vm13, vm14  }
0x175: {  	vm13 =	vge.f32 v3, v15;
	vm14 =	vgt.f32 v3, v15;
	v15 =	vadd.s32 v0, v62;
	v0 =	vld [tilespmem:$0x1FD30]  }
0x176: {  	v45 =	vsel vm1, $0x1, v1;
	vm15 =	vgt.u32 v6, v34  }
0x177: {  	v7 =	vld [tilespmem:s15+$0xFFFFFFD6];
	vm8 =	vge.f32 v2, v14;
	vm9 =	vgt.f32 v2, v14;
	vm10 =	vmneg vm15  }
0x178: {  	vm12 =	vgt.u32 v6, v48;
	v2 =	vld [tilespmem:$0x1FD50];
	vm1 =	vmand vm15, vm8;
	vm11 =	vmand vm10, vm9  }
0x179: {  	vm15 =	vmneg vm12;
	vm1 =	vmor vm1, vm11;
	vm11 =	vge.f32 v4, v16;
	v3 =	vld [tilespmem:s15+$0xFFFFFFC6]  }
0x17a: {  	vm8 =	vmand vm12, vm13;
	vm12 =	vgt.f32 v4, v16;
	v16 =	vadd.s32 v0, v63;
	v0 =	vld [tilespmem:$0x1FD40];
	_ =	sdelay $0x1  }
0x17b: {  	vm6 =	vgt.f32 v7, v18;
	vm10 =	vgt.u32 v6, v50  }
0x17c: {  	v8 =	vld [tilespmem:s15+$0xFFFFFFE6];
	v42 =	vsel vm0, $0x1, v1;
	v37 =	vsel vm1, $0x1, v1;
	vm2 =	vmand vm10, vm11  }
0x17d: {  	vm9 =	vmand vm15, vm14;
	vm14 =	vge.f32 v3, v17;
	vm15 =	vgt.f32 v3, v17;
	v17 =	vld [tilespmem:$0x1FD70]  }
0x17e: {  	vm1 =	vmneg vm10;
	vm13 =	vgt.u32 v6, v51;
	v0 =	vadd.s32 v2, v0;
	v2 =	vld [tilespmem:$0x1FD60]  }
0x17f: {  	vm0 =	vmor vm8, vm9;
	vm9 =	vmneg vm13;
	vm1 =	vmand vm1, vm12  }
0x180: {  	vm12 =	vmor vm2, vm1;
	vm11 =	vmand vm9, vm15;
	vm15 =	vge.f32 v7, v18;
	v7 =	vld [tilespmem:s15+$0xFFFFFFF6]  }
0x181: {  	v4 =	vsel vm12, $0x1, v1;
	vm10 =	vmand vm13, vm14;
	vm14 =	vgt.u32 v6, v53;
	v18 =	vld [tilespmem:$0x1FD90]  }
0x182: {  	vm13 =	vmor vm10, vm11;
	vm10 =	vge.f32 v8, v27;
	vm11 =	vgt.f32 v8, v27;
	v8 =	vld [tilespmem:s15+$0x6]  }
0x183: {  	v3 =	vsel vm0, $0x1, v1;
	vm7 =	vmneg vm14;
	v17 =	vadd.s32 v17, v2;
	v2 =	vld [tilespmem:$0x1FD80]  }
0x184: {  	vm9 =	vgt.u32 v6, v54;
	vm0 =	vmand vm14, vm15;
	vm8 =	vmand vm7, vm6  }
0x185: {  	vm12 =	vmneg vm9;
	v5 =	vsel vm13, $0x1, v1;
	vm0 =	vmor vm0, vm8  }
0x186: {  	vm13 =	vmand vm9, vm10;
	vm14 =	vmand vm12, vm11;
	v9 =	vsel vm0, $0x1, v1  }
0x187: {  	vm0 =	vmor vm13, vm14;
	vm8 =	vge.f32 v7, v56;
	vm9 =	vgt.f32 v7, v56;
	v7 =	vld [tilespmem:s15+$0x16]  }
0x188: {  	vm13 =	vge.f32 v8, v58;
	vm14 =	vgt.f32 v8, v58;
	v58 =	vadd.s32 v18, v2;
	v2 =	vld [tilespmem:$0x1FDA0]  }
0x189: {  	v18 =	vld [tilespmem:$0x1FDB0];
	_ =	sdelay $0x1  }
0x18a: {  	vm15 =	vgt.u32 v6, v55;
	vm12 =	vgt.u32 v6, v19  }
0x18b: {  	vm10 =	vmneg vm15;
	vm1 =	vmand vm15, vm8;
	vm15 =	vmneg vm12  }
0x18c: {  	v56 =	vld [tilespmem:s15+$0x26];
	vm11 =	vmand vm10, vm9;
	vm9 =	vmand vm12, vm13;
	vm10 =	vmand vm15, vm14  }
0x18d: {  	vm13 =	vge.f32 v7, v59;
	vm14 =	vgt.f32 v7, v59;
	v59 =	vadd.s32 v18, v2;
	v2 =	vld [tilespmem:$0x1FDC0]  }
0x18e: {  	v18 =	vld [tilespmem:$0x1FDD0];
	_ =	sdelay $0x3  }
0x18f: {  	vm1 =	vmor vm1, vm11;
	vm11 =	vmor vm9, vm10  }
0x190: {  	vm10 =	vge.f32 v56, v60;
	vm9 =	vgt.f32 v56, v60;
	v60 =	vadd.s32 v18, v2;
	v2 =	vld [tilespmem:$0x1FDE0]  }
0x191: {  	v18 =	vld [tilespmem:$0x1FDF0];
	_ =	sdelay $0x4  }
0x192: {  	v14 =	vadd.s32 v57, v61;
	v61 =	vadd.s32 v18, v2;
	v2 =	vld [tilespmem:$0x1FE00]  }
0x193: {  	v18 =	vld [tilespmem:$0x1FE10];
	_ =	sdelay $0x4  }
0x194: {  	v62 =	vadd.s32 v18, v2;
	v2 =	vld [tilespmem:$0x1FE20]  }
0x195: {  	v18 =	vld [tilespmem:$0x1FE30];
	_ =	sdelay $0x1  }
0x196: {  	v8 =	vld [tilespmem:s15+$0x36];
	_ =	sdelay $0x1  }
0x197: {  	v49 =	vsel vm5, $0x1, v1;
	v27 =	vld [tilespmem:$0x1FE50];
	vm7 =	vgt.u32 v6, v26  }
0x198: {  	v11 =	vsel vm0, $0x1, v1;
	vm12 =	vgt.u32 v6, v20;
	v63 =	vadd.s32 v18, v2;
	v18 =	vld [tilespmem:$0x1FE40]  }
0x199: {  	vm15 =	vmneg vm12;
	v13 =	vsel vm11, $0x1, v1;
	v7 =	vld [tilespmem:s15+$0x46];
	vm11 =	vmand vm12, vm13  }
0x19a: {  	vm12 =	vmand vm15, vm14;
	vm13 =	vgt.u32 v6, v21;
	vm14 =	vge.f32 v8, v28  }
0x19b: {  	vm15 =	vgt.f32 v8, v28;
	vm0 =	vmor vm11, vm12;
	vm2 =	vmneg vm13  }
0x19c: {  	v56 =	vld [tilespmem:$0x1FE70];
	vm10 =	vmand vm13, vm10;
	vm12 =	vgt.u32 v6, v22;
	vm2 =	vmand vm2, vm9  }
0x19d: {  	vm13 =	vmneg vm12;
	vm11 =	vmor vm10, vm2;
	v2 =	vmovc v33;
	v33 =	vadd.s32 v27, v18;
	v18 =	vld [tilespmem:$0x1FE60]  }
0x19e: {  	vm5 =	vge.f32 v7, v29;
	vm6 =	vgt.f32 v7, v29;
	v7 =	vsel vm0, $0x1, v1  }
0x19f: {  	vm0 =	vmand vm12, vm14;
	vm14 =	vmand vm13, vm15;
	vm15 =	vgt.u32 v6, v23  }
0x1a0: {  	v38 =	vld [tilespmem:s15+$0x56];
	v10 =	vsel vm11, $0x1, v1;
	vm11 =	vgt.u32 v6, v24;
	vm12 =	vgt.u32 v6, v25;
	v27 =	vmovc v26;
	v26 =	vmovc v25  }
0x1a1: {  	v57 =	vld [tilespmem:$0x1FE90];
	v25 =	vmovc v24;
	v24 =	vmovc v23;
	v23 =	vmov v22;
	v22 =	vmov v21;
	v21 =	vmov v20  }
0x1a2: {  	v20 =	vmovc v19;
	v19 =	vmovc v55;
	v55 =	vmov v51;
	v51 =	vmov v34;
	v34 =	vadd.s32 v56, v18;
	v18 =	vld [tilespmem:$0x1FE80];
	_ =	sdelay $0x3  }
0x1a3: {  	v12 =	vsel vm1, $0x1, v1;
	vm1 =	vge.f32 v38, v30;
	vm2 =	vgt.f32 v38, v30;
	v38 =	vld [tilespmem:$0x1FEB0]  }
0x1a4: {  	v56 =	vmovc v53;
	v53 =	vmovc v48;
	v48 =	vadd.s32 v57, v18;
	v18 =	vmov v54;
	v54 =	vmov v50;
	v50 =	vld [tilespmem:$0x1FEA0];
	_ =	sdelay $0x3  }
0x1a5: {  	v57 =	vld [tilespmem:$0x1FEC0]  }
0x1a6: {  	v50 =	vadd.s32 v38, v50;
	v38 =	vld [tilespmem:$0x1FED0];
	_ =	sdelay $0x4  }
0x1a7: {  	v57 =	vadd.s32 v38, v57;
	v38 =	vld [tilespmem:$0x1FEE0];
	_ =	sdelay $0x4  }
0x1a8: {  	v14 =	vadd.s32 v38, v14;
	v38 =	vld [tilespmem:$0x1FEF0];
	_ =	sdelay $0x4  }
0x1a9: {  	v15 =	vadd.s32 v38, v15;
	v38 =	vld [tilespmem:$0x1FF00]  }
0x1aa: {  	v8 =	vld [tilespmem:s15+$0x66];
	_ =	sdelay $0x3  }
0x1ab: {  	v16 =	vadd.s32 v38, v16;
	v38 =	vld [tilespmem:$0x1FF10]  }
0x1ac: {  	vm8 =	vge.f32 v8, v31;
	vm9 =	vgt.f32 v8, v31;
	v8 =	vld [tilespmem:s15+$0x76];
	vm0 =	vmor vm0, vm14  }
0x1ad: {  	vm10 =	vmand vm15, vm5;
	vm4 =	vmneg vm15;
	vm14 =	vmand vm11, vm1  }
0x1ae: {  	vm15 =	vmneg vm11;
	vm4 =	vmand vm4, vm6;
	v6 =	vsel vm0, $0x1, v1  }
0x1af: {  	vm1 =	vmand vm15, vm2;
	vm13 =	vmor vm10, vm4;
	vm10 =	vmneg vm12  }
0x1b0: {  	vm11 =	vmand vm12, vm8;
	vm5 =	vmand vm10, vm9;
	v0 =	vadd.s32 v38, v0;
	v38 =	vld [tilespmem:$0x1FF20]  }
0x1b1: {  	vm0 =	vmor vm14, vm1;
	vm12 =	vmor vm11, vm5;
	vm3 =	vge.f32 v8, v32  }
0x1b2: {  	vm4 =	vgt.f32 v8, v32;
	v8 =	vsel vm13, $0x1, v1;
	vm13 =	vmneg vm7  }
0x1b3: {  	v39 =	vadd.s32 v39, v59;
	vm14 =	vmand vm7, vm3;
	vm15 =	vmand vm13, vm4  }
0x1b4: {  	vm2 =	vmor vm14, vm15;
	v40 =	vadd.s32 v40, v60;
	v41 =	vadd.s32 v41, v61;
	v61 =	vld [tilespmem:$0x1FF40]  }
0x1b5: {  	v33 =	vadd.s32 v46, v33;
	v34 =	vadd.s32 v49, v34;
	v17 =	vadd.s32 v38, v17;
	v38 =	vld [tilespmem:$0x1FF30]  }
0x1b6: {  	v36 =	vadd.s32 v36, v48;
	v35 =	vadd.s32 v35, v50;
	v14 =	vadd.s32 v45, v14  }
0x1b7: {  	v15 =	vadd.s32 v44, v15;
	v44 =	vadd.s32 v4, v39;
	v39 =	vadd.s32 v13, v33  }
0x1b8: {  	v33 =	vmovc v2;
	v2 =	vsel vm0, $0x1, v1;
	v4 =	vsel vm2, $0x1, v1;
	v16 =	vadd.s32 v43, v16  }
0x1b9: {  	v43 =	vadd.s32 v5, v40;
	v46 =	vadd.s32 v37, v17;
	v37 =	vadd.s32 v10, v36  }
0x1ba: {  	v48 =	vmovc v53;
	v36 =	vadd.s32 v2, v14;
	v38 =	vadd.s32 v38, v58;
	v58 =	vadd.s32 v61, v62  }
0x1bb: {  	p0 =	sne.s32 s14, $0xFF;
	v53 =	vmovc v56;
	v62 =	vadd.s32 v47, v63;
	v63 =	vadd.s32 v52, v57;
	v47 =	vadd.s32 v42, v0  }
.Ltmp0:
0x1bc: {  	v50 =	vmovc v54;
	v42 =	vadd.s32 v9, v41;
	v0 =	vadd.s32 v6, v35;
	v6 =	vadd.s32 v4, v16;
	(pc) =	sbr.rel @p0 .LBB2_2-.Ltmp0, $4  }
0x1bd: {  	v54 =	vmovc v18;
	v45 =	vadd.s32 v3, v38;
	v41 =	vadd.s32 v11, v58;
	v40 =	vadd.s32 v12, v62  }
0x1be: {  	v38 =	vadd.s32 v7, v34;
	v34 =	vmovc v51;
	v51 =	vmovc v55;
	v55 =	vmov v19;
	v19 =	vmov v20  }
0x1bf: {  	v20 =	vmovc v21;
	v21 =	vmovc v22;
	v22 =	vmov v23;
	v23 =	vmov v24;
	v3 =	vsel vm12, $0x1, v1  }
0x1c0: {  	s14 =	sadd.s32 $0x8, s14;
	s15 =	sadd.s32 $0x8, s15;
	v24 =	vmovc v25;
	v25 =	vmovc v26;
	v26 =	vmov v27;
	v35 =	vadd.s32 v8, v63;
	v7 =	vadd.s32 v3, v15  }
0x1c1: {  	v2 =	vld [tilespmem:$0x0];
	_ =	sdelay $0x4  }
0x1c2: {  	v2 =	vsub.f32 $0.0e+00, v2;
	_ =	sdelay $0x1  }
0x1c3: {  	v2 =	vmul.f32 $1.442695020e+00, v2;
	_ =	sdelay $0x1  }
0x1c4: {  	(erf) = vpow2.f32 v2;
	_ =	sdelay $0x3  }
0x1c5: {  	v2 =	vld [tilespmem:$0x10];
	_ =	sdelay $0x4  }
0x1c6: {  	v2 =	vsub.f32 $0.0e+00, v2;
	v3 =	vpop (erf)  }
0x1c7: {  	v3 =	vadd.f32 $1.000000000e+00, v3  }
0x1c8: {  	v2 =	vmul.f32 $1.442695020e+00, v2  }
0x1c9: {  	(erf) = vrcp.f32 v3  }
0x1ca: {  	(erf) = vpow2.f32 v2;
	_ =	sdelay $0x3  }
0x1cb: {  	v2 =	vld [tilespmem:$0x20];
	_ =	sdelay $0x3  }
0x1cc: {  	v3 =	vpop (erf)  }
0x1cd: {  	v2 =	vsub.f32 $0.0e+00, v2;
	v4 =	vpop (erf)  }
0x1ce: {  	v4 =	vadd.f32 $1.000000000e+00, v4  }
0x1cf: {  	v2 =	vmul.f32 $1.442695020e+00, v2  }
0x1d0: {  	(erf) = vrcp.f32 v4  }
0x1d1: {  	(erf) = vpow2.f32 v2;
	_ =	sdelay $0x3  }
0x1d2: {  	v2 =	vld [tilespmem:$0x30];
	_ =	sdelay $0x3  }
0x1d3: {  	v4 =	vpop (erf)  }
0x1d4: {  	v2 =	vsub.f32 $0.0e+00, v2;
	v5 =	vpop (erf)  }
0x1d5: {  	v5 =	vadd.f32 $1.000000000e+00, v5  }
0x1d6: {  	v2 =	vmul.f32 $1.442695020e+00, v2  }
0x1d7: {  	(erf) = vrcp.f32 v5  }
0x1d8: {  	(erf) = vpow2.f32 v2;
	_ =	sdelay $0x3  }
0x1d9: {  	v2 =	vld [tilespmem:$0x40];
	_ =	sdelay $0x3  }
0x1da: {  	v5 =	vpop (erf)  }
0x1db: {  	v2 =	vsub.f32 $0.0e+00, v2;
	v8 =	vpop (erf)  }
0x1dc: {  	v8 =	vadd.f32 $1.000000000e+00, v8  }
0x1dd: {  	v2 =	vmul.f32 $1.442695020e+00, v2  }
0x1de: {  	(erf) = vrcp.f32 v8  }
0x1df: {  	(erf) = vpow2.f32 v2;
	_ =	sdelay $0x3  }
0x1e0: {  	v2 =	vld [tilespmem:$0x50];
	_ =	sdelay $0x3  }
0x1e1: {  	v8 =	vpop (erf)  }
0x1e2: {  	v2 =	vsub.f32 $0.0e+00, v2;
	v9 =	vpop (erf)  }
0x1e3: {  	v9 =	vadd.f32 $1.000000000e+00, v9  }
0x1e4: {  	v2 =	vmul.f32 $1.442695020e+00, v2  }
0x1e5: {  	(erf) = vrcp.f32 v9  }
0x1e6: {  	(erf) = vpow2.f32 v2;
	_ =	sdelay $0x3  }
0x1e7: {  	v2 =	vld [tilespmem:$0x60];
	_ =	sdelay $0x3  }
0x1e8: {  	v9 =	vpop (erf)  }
0x1e9: {  	v2 =	vsub.f32 $0.0e+00, v2;
	v10 =	vpop (erf)  }
0x1ea: {  	v10 =	vadd.f32 $1.000000000e+00, v10  }
0x1eb: {  	v2 =	vmul.f32 $1.442695020e+00, v2  }
0x1ec: {  	(erf) = vrcp.f32 v10  }
0x1ed: {  	(erf) = vpow2.f32 v2;
	_ =	sdelay $0x3  }
0x1ee: {  	v2 =	vld [tilespmem:$0x70];
	_ =	sdelay $0x3  }
0x1ef: {  	v10 =	vpop (erf)  }
0x1f0: {  	v2 =	vsub.f32 $0.0e+00, v2;
	v11 =	vpop (erf)  }
0x1f1: {  	v11 =	vadd.f32 $1.000000000e+00, v11  }
0x1f2: {  	v2 =	vmul.f32 $1.442695020e+00, v2  }
0x1f3: {  	(erf) = vrcp.f32 v11  }
0x1f4: {  	(erf) = vpow2.f32 v2;
	_ =	sdelay $0x3  }
0x1f5: {  	v2 =	vld [tilespmem:$0x80];
	_ =	sdelay $0x3  }
0x1f6: {  	v11 =	vpop (erf)  }
0x1f7: {  	v2 =	vsub.f32 $0.0e+00, v2;
	v12 =	vpop (erf)  }
0x1f8: {  	v12 =	vadd.f32 $1.000000000e+00, v12  }
0x1f9: {  	v2 =	vmul.f32 $1.442695020e+00, v2  }
0x1fa: {  	(erf) = vrcp.f32 v12  }
0x1fb: {  	(erf) = vpow2.f32 v2;
	_ =	sdelay $0x3  }
0x1fc: {  	v2 =	vld [tilespmem:$0x90];
	_ =	sdelay $0x3  }
0x1fd: {  	v12 =	vpop (erf)  }
0x1fe: {  	v2 =	vsub.f32 $0.0e+00, v2;
	v13 =	vpop (erf)  }
0x1ff: {  	v13 =	vadd.f32 $1.000000000e+00, v13  }
0x200: {  	v2 =	vmul.f32 $1.442695020e+00, v2  }
0x201: {  	(erf) = vrcp.f32 v13  }
0x202: {  	(erf) = vpow2.f32 v2;
	_ =	sdelay $0x3  }
0x203: {  	v2 =	vld [tilespmem:$0xA0];
	_ =	sdelay $0x3  }
0x204: {  	v13 =	vpop (erf)  }
0x205: {  	v2 =	vsub.f32 $0.0e+00, v2;
	v14 =	vpop (erf)  }
0x206: {  	v14 =	vadd.f32 $1.000000000e+00, v14  }
0x207: {  	v2 =	vmul.f32 $1.442695020e+00, v2  }
0x208: {  	(erf) = vrcp.f32 v14  }
0x209: {  	(erf) = vpow2.f32 v2;
	_ =	sdelay $0x3  }
0x20a: {  	v2 =	vld [tilespmem:$0xB0];
	_ =	sdelay $0x3  }
0x20b: {  	v14 =	vpop (erf)  }
0x20c: {  	v2 =	vsub.f32 $0.0e+00, v2;
	v15 =	vpop (erf)  }
0x20d: {  	v15 =	vadd.f32 $1.000000000e+00, v15  }
0x20e: {  	v2 =	vmul.f32 $1.442695020e+00, v2  }
0x20f: {  	(erf) = vrcp.f32 v15  }
0x210: {  	(erf) = vpow2.f32 v2;
	_ =	sdelay $0x3  }
0x211: {  	v2 =	vld [tilespmem:$0xC0];
	_ =	sdelay $0x3  }
0x212: {  	v15 =	vpop (erf)  }
0x213: {  	v2 =	vsub.f32 $0.0e+00, v2;
	v16 =	vpop (erf)  }
0x214: {  	v16 =	vadd.f32 $1.000000000e+00, v16  }
0x215: {  	v2 =	vmul.f32 $1.442695020e+00, v2  }
0x216: {  	(erf) = vrcp.f32 v16  }
0x217: {  	(erf) = vpow2.f32 v2;
	_ =	sdelay $0x3  }
0x218: {  	v2 =	vld [tilespmem:$0xD0];
	_ =	sdelay $0x3  }
0x219: {  	v16 =	vpop (erf)  }
0x21a: {  	v2 =	vsub.f32 $0.0e+00, v2;
	v17 =	vpop (erf)  }
0x21b: {  	v17 =	vadd.f32 $1.000000000e+00, v17  }
0x21c: {  	v2 =	vmul.f32 $1.442695020e+00, v2  }
0x21d: {  	(erf) = vrcp.f32 v17  }
0x21e: {  	(erf) = vpow2.f32 v2;
	_ =	sdelay $0x3  }
0x21f: {  	v2 =	vld [tilespmem:$0xE0];
	_ =	sdelay $0x3  }
0x220: {  	v17 =	vpop (erf)  }
0x221: {  	v2 =	vsub.f32 $0.0e+00, v2;
	v18 =	vpop (erf)  }
0x222: {  	v18 =	vadd.f32 $1.000000000e+00, v18  }
0x223: {  	v2 =	vmul.f32 $1.442695020e+00, v2  }
0x224: {  	(erf) = vrcp.f32 v18  }
0x225: {  	(erf) = vpow2.f32 v2;
	_ =	sdelay $0x3  }
0x226: {  	[tilespmem:$0x200] =	vst v47;
	v2 =	vld [tilespmem:$0xF0]  }
0x227: {  	[tilespmem:$0x210] =	vst v46  }
0x228: {  	[tilespmem:$0x220] =	vst v45  }
0x229: {  	[tilespmem:$0x230] =	vst v44  }
0x22a: {  	[tilespmem:$0x300] =	vst v3;
	v3 =	vpop (erf)  }
0x22b: {  	[tilespmem:$0x240] =	vst v43;
	v2 =	vsub.f32 $0.0e+00, v2;
	v62 =	vpop (erf)  }
0x22c: {  	[tilespmem:$0x310] =	vst v4;
	v4 =	vadd.f32 $1.000000000e+00, v62  }
0x22d: {  	[tilespmem:$0x250] =	vst v42;
	v2 =	vmul.f32 $1.442695020e+00, v2  }
0x22e: {  	[tilespmem:$0x260] =	vst v41;
	(erf) = vrcp.f32 v4  }
0x22f: {  	[tilespmem:$0x270] =	vst v40;
	(erf) = vpow2.f32 v2  }
0x230: {  	[tilespmem:$0x280] =	vst v39  }
0x231: {  	[tilespmem:$0x290] =	vst v38  }
0x232: {  	[tilespmem:$0x2A0] =	vst v37  }
0x233: {  	[tilespmem:$0x2B0] =	vst v0  }
0x234: {  	[tilespmem:$0x2C0] =	vst v35  }
0x235: {  	[tilespmem:$0x2D0] =	vst v36  }
0x236: {  	[tilespmem:$0x2E0] =	vst v7  }
0x237: {  	[tilespmem:$0x2F0] =	vst v6;
	v2 =	vpop (erf)  }
0x238: {  	[tilespmem:$0x320] =	vst v5;
	v63 =	vpop (erf)  }
0x239: {  	[tilespmem:$0x330] =	vst v8;
	v4 =	vadd.f32 $1.000000000e+00, v63  }
0x23a: {  	[tilespmem:$0x340] =	vst v9  }
0x23b: {  	[tilespmem:$0x350] =	vst v10;
	(erf) = vrcp.f32 v4  }
0x23c: {  	[tilespmem:$0x360] =	vst v11  }
0x23d: {  	[tilespmem:$0x370] =	vst v12  }
0x23e: {  	[tilespmem:$0x380] =	vst v13  }
0x23f: {  	[tilespmem:$0x390] =	vst v14  }
0x240: {  	[tilespmem:$0x3A0] =	vst v15  }
0x241: {  	[tilespmem:$0x3B0] =	vst v16  }
0x242: {  	[tilespmem:$0x3C0] =	vst v17  }
0x243: {  	[tilespmem:$0x3D0] =	vst v3  }
0x244: {  	[tilespmem:$0x3E0] =	vst v2;
	v0 =	vpop (erf)  }
0x245: {  	[tilespmem:$0x3F0] =	vst v0  }
0x246: {  	[hbm4b:s4+s7] =	stream.strided.scatter [tilespmem:s11], [sflag:$0x1], $0x100, s8, s7, $0x38;
	[tilespmem:$0x400] =	vst v63  }
0x247: {  	s13 =	sadd.s32 $0x1, s13;
	_ =	swait.ge [sflag:s9], $0x100  }
0x248: {  	p0 =	sne.s32 s13, s6;
	[sflag:s9] =	ssyncset.done $0x0  }
.Ltmp1:
0x249: {  	[sflag:s9] =	ssyncadd.s32 $0xFFFFFF00;
	(pc) =	sbr.rel @p0 .LBB2_1-.Ltmp1, $4  }
0x24a: {  	[hbm4b:s5+s7] =	stream.strided.scatter [tilespmem:s12], [sflag:$0x1], $0x100, s8, s7, $0x38;
	[tilespmem:$0x400] =	vst v63  }
0x24b: {  	_ =	swait.ge [sflag:s9], $0x100  }
0x24c: {  	[sflag:s9] =	ssyncset.done $0x0  }
0x24d: {  	[sflag:s9] =	ssyncadd.s32 $0xFFFFFF00  }
0x24e: {  	_ =	sfence.sel $0x180000  }
0x24f: {  	[bflag:$0x0] =	sbarrier.arrive $0xFFFF  }
0x250: {  	p0 =	sne.s32 s1, $0x0;
	_ =	strace $0x90000047  }
0x251: {  	s0 =	sadd.s32 @!p0 $0x100000, s0;
	[bflag:$0x2] =	sbarrier.arrive $0xFFFF  }
0x252: {  	[sflag:s0] =	ssyncadd.tile.s32 @!p0 $0x1;
	_ =	shalt  }
.Lfunc_end2:
_tile_overlayer_lowered:
.L_overlay_start_2:
0x253: {  	(tag) =	ssettag $0x2  }
0x254: {  	s0 =	rddreg [dreg:$0x0];
	s2 =	stileid.u32  }
0x255: {  	s1 =	rddreg [dreg:$0x1];
	p0 =	sne.s32 s2, $0x0  }
0x256: {  	s3 =	rddreg [dreg:$0x2];
	[bflag:$0x3] =	sbarrier.arrive $0xFFFF;
	s2 =	simm.s32 @!p0 $0x1C01  }
0x257: {  	[timem:s3], [sflag:s2] =	dma.local @!p0 [hbm:s0], s1  }
0x258: {  	s0 =	simm.s32 @!p0 $0x1  }
0x259: {  	_ =	swait.ge @!p0 [sflag:s0], s1  }
0x25a: {  	s1 =	ssub.s32 @!p0 $0x0, s1;
	[sflag:s0] =	ssyncset.done @!p0 $0x0  }
0x25b: {  	[sflag:s0] =	ssyncadd.s32 @!p0 s1  }
0x25c: {  	[bflag:$0x3] =	sbarrier.arrive $0xFFFF  }
0x25d: {  	_ =	shalt  }

</sc_bundles>
